<compile_context>
chip_gen: v7x
topology: tpu7x:2x2x1
jax: 0.10.2.dev20260603
libtpu: 0.0.44.dev20260713+nightly
codegen_flags: <defaults>
</compile_context>

<pallas_src>
import functools

import jax
import jax.numpy as jnp
from jax import lax
from jax.experimental import pallas as pl
from jax.experimental.pallas import tpu as pltpu
from jax.experimental.pallas import tpu_sc as plsc

N_NODES = 10000
NUM_EDGES = 320000
NC = 2
NS = 16
CH = 128
TOTAL_CH = 2560
E_PAD = TOTAL_CH * CH
N_PAD = 10240
ZR = N_PAD // NS
ROWS_BLK = 1000
GRID = N_NODES // ROWS_BLK

_MESH = plsc.VectorSubcoreMesh(core_axis_name="c", subcore_axis_name="s")
_SC_PARAMS = pltpu.CompilerParams(use_tc_tiling_on_sc=False)


def _zero_buf(buf, rows, cols):
    @pl.loop(0, rows)
    def _(r):
        @pl.loop(0, cols // 16)
        def _(cc):
            buf[r, pl.ds(cc * 16, 16)] = jnp.zeros((16,), jnp.float32)


def _fill_ones(buf, rows, cols):
    @pl.loop(0, rows)
    def _(r):
        @pl.loop(0, cols // 16)
        def _(cc):
            buf[r, pl.ds(cc * 16, 16)] = jnp.ones((16,), jnp.float32)


def _tile_span(cid, sid, c0, c1):
    return jnp.where(cid == 0, sid * c0, NS * c0 + sid * c1)


def _zero_acc(buf, acc, sid):
    @pl.loop(0, ZR // CH)
    def _(r):
        pltpu.sync_copy(buf, acc.at[pl.ds(sid * ZR + r * CH, CH)])


def _copy_out(acc, out_hbm, cid, sid):
    oc = out_hbm.at[cid]

    @pl.loop(0, ZR // CH)
    def _(r):
        base = sid * ZR + r * CH
        pltpu.sync_copy(acc.at[pl.ds(base, CH)], oc.at[pl.ds(base, CH)])


def _sc_degree(dstc, c0, c1):
    nmax = max(c0, c1)

    @functools.partial(
        pl.kernel,
        out_type=jax.ShapeDtypeStruct((NC, N_PAD, 16), jnp.float32),
        mesh=_MESH,
        scratch_types=[
            pltpu.VMEM((nmax, CH), jnp.int32),
            pltpu.VMEM((CH, 16), jnp.float32),
            pltpu.VMEM_SHARED((N_PAD, 16), jnp.float32),
        ],
        compiler_params=_SC_PARAMS,
    )
    def k(dst_hbm, out_hbm, didx, buf, acc):
        cid = lax.axis_index("c")
        sid = lax.axis_index("s")
        start = _tile_span(cid, sid, c0, c1)
        lbase = jnp.minimum(start, TOTAL_CH - nmax)
        off = start - lbase
        pltpu.sync_copy(dst_hbm.at[pl.ds(lbase, nmax)], didx)
        _zero_buf(buf, CH, 16)
        _zero_acc(buf, acc, sid)
        _fill_ones(buf, CH, 16)
        plsc.subcore_barrier()

        def run(cnt):
            @pl.loop(0, cnt)
            def _(j):
                pltpu.sync_copy(buf, acc.at[didx.at[off + j]], add=True)

        @pl.when(cid == 0)
        def _():
            run(c0)

        @pl.when(cid == 1)
        def _():
            run(c1)

        plsc.subcore_barrier()
        _copy_out(acc, out_hbm, cid, sid)

    return k(dstc)


def _sc_agg(y, srcc, dstc, feat, c0, c1, NBUF):
    nmax = max(c0, c1)
    npart = 1 if c1 == 0 else NC
    assert c0 % NBUF == 0 and c1 % NBUF == 0
    assert 16 * (2 * nmax * CH + NBUF * CH * feat) + N_PAD * feat <= 2097151

    @functools.partial(
        pl.kernel,
        out_type=jax.ShapeDtypeStruct((npart, N_PAD, feat), jnp.float32),
        mesh=_MESH,
        scratch_types=(
            [pltpu.VMEM((nmax, CH), jnp.int32), pltpu.VMEM((nmax, CH), jnp.int32)]
            + [pltpu.VMEM((CH, feat), jnp.float32) for _ in range(NBUF)]
            + [pltpu.VMEM_SHARED((N_PAD, feat), jnp.float32)]
            + [pltpu.SemaphoreType.DMA for _ in range(NBUF)]
        ),
        compiler_params=_SC_PARAMS,
    )
    def k(y_hbm, src_hbm, dst_hbm, out_hbm, sidx, didx, *rest):
        bufs = rest[:NBUF]
        acc = rest[NBUF]
        sems = rest[NBUF + 1:]
        cid = lax.axis_index("c")
        sid = lax.axis_index("s")
        start = _tile_span(cid, sid, c0, c1)
        lbase = jnp.minimum(start, TOTAL_CH - nmax)
        off = start - lbase

        def setup():
            pltpu.sync_copy(src_hbm.at[pl.ds(lbase, nmax)], sidx)
            pltpu.sync_copy(dst_hbm.at[pl.ds(lbase, nmax)], didx)
            _zero_buf(bufs[0], CH, feat)
            _zero_acc(bufs[0], acc, sid)
            plsc.subcore_barrier()

        def run(cnt):
            for b in range(NBUF):
                pltpu.make_async_copy(y_hbm.at[sidx.at[off + b]], bufs[b], sems[b]).start()

            @pl.loop(0, cnt // NBUF)
            def _(g):
                base = off + g * NBUF
                for b in range(NBUF):
                    j = base + b
                    pltpu.make_async_copy(y_hbm.at[sidx.at[j]], bufs[b], sems[b]).wait()
                    pltpu.sync_copy(bufs[b], acc.at[didx.at[j]], add=True)

                    @pl.when(j + NBUF < off + cnt)
                    def _():
                        pltpu.make_async_copy(
                            y_hbm.at[sidx.at[j + NBUF]], bufs[b], sems[b]
                        ).start()

        def finish():
            plsc.subcore_barrier()
            _copy_out(acc, out_hbm, cid, sid)

        if npart == 1:
            @pl.when(cid == 0)
            def _():
                setup()
                run(c0)
                finish()
        else:
            setup()

            @pl.when(cid == 0)
            def _():
                run(c0)

            @pl.when(cid == 1)
            def _():
                run(c1)

            finish()

    return k(y, srcc, dstc)


def _dinv_from(dg_ref):
    deg = dg_ref[0, :, 0] + dg_ref[1, :, 0] + 1.0
    return lax.rsqrt(deg)


def _tc_first(x, W1, dg):
    def body(x_ref, w_ref, dg_ref, y_ref):
        dinv = _dinv_from(dg_ref)
        y_ref[...] = (
            jnp.dot(x_ref[...], w_ref[...], preferred_element_type=jnp.float32)
            * dinv[:, None]
        )

    return pl.pallas_call(
        body,
        grid=(GRID,),
        in_specs=[
            pl.BlockSpec((ROWS_BLK, 128), lambda i: (i, 0)),
            pl.BlockSpec((128, 64), lambda i: (0, 0)),
            pl.BlockSpec((NC, ROWS_BLK, 16), lambda i: (0, i, 0)),
        ],
        out_specs=pl.BlockSpec((ROWS_BLK, 64), lambda i: (i, 0)),
        out_shape=jax.ShapeDtypeStruct((N_NODES, 64), jnp.float32),
    )(x, W1, dg)


def _psum(p_ref):
    s = p_ref[0]
    for q in range(1, p_ref.shape[0]):
        s = s + p_ref[q]
    return s


def _tc_mid(p, y_prev, dg, b, W, f_in, f_out):
    def body(p_ref, y_ref, dg_ref, b_ref, w_ref, o_ref):
        dinv = _dinv_from(dg_ref)
        h = dinv[:, None] * (_psum(p_ref) + y_ref[...]) + b_ref[...]
        h = jnp.maximum(h, 0.0)
        o_ref[...] = (
            jnp.dot(h, w_ref[...], preferred_element_type=jnp.float32)
            * dinv[:, None]
        )

    return pl.pallas_call(
        body,
        grid=(GRID,),
        in_specs=[
            pl.BlockSpec((p.shape[0], ROWS_BLK, f_in), lambda i: (0, i, 0)),
            pl.BlockSpec((ROWS_BLK, f_in), lambda i: (i, 0)),
            pl.BlockSpec((NC, ROWS_BLK, 16), lambda i: (0, i, 0)),
            pl.BlockSpec((1, f_in), lambda i: (0, 0)),
            pl.BlockSpec((f_in, f_out), lambda i: (0, 0)),
        ],
        out_specs=pl.BlockSpec((ROWS_BLK, f_out), lambda i: (i, 0)),
        out_shape=jax.ShapeDtypeStruct((N_NODES, f_out), jnp.float32),
    )(p, y_prev, dg, b, W)


def _tc_final(p, y3, dg, b3):
    def body(p_ref, y_ref, dg_ref, b_ref, o_ref):
        dinv = _dinv_from(dg_ref)
        o3 = (dinv[:, None] * (_psum(p_ref) + y_ref[...]))[:, :2] + b_ref[...]
        o_ref[...] = jax.nn.log_softmax(o3, axis=1)

    return pl.pallas_call(
        body,
        grid=(GRID,),
        in_specs=[
            pl.BlockSpec((p.shape[0], ROWS_BLK, 16), lambda i: (0, i, 0)),
            pl.BlockSpec((ROWS_BLK, 16), lambda i: (i, 0)),
            pl.BlockSpec((NC, ROWS_BLK, 16), lambda i: (0, i, 0)),
            pl.BlockSpec((1, 2), lambda i: (0, 0)),
        ],
        out_specs=pl.BlockSpec((ROWS_BLK, 2), lambda i: (i, 0)),
        out_shape=jax.ShapeDtypeStruct((N_NODES, 2), jnp.float32),
    )(p, y3, dg, b3)


SPLIT_DEG = (80, 80)
SPLIT_L1 = (136, 24)
SPLIT_L2 = (136, 24)
SPLIT_L3 = (128, 32)


def kernel(x, edge_index, W1, b1, W2, b2, W3, b3):
    pad = E_PAD - NUM_EDGES
    src = jnp.concatenate([edge_index[0], jnp.zeros((pad,), jnp.int32)])
    trash = N_NODES + (jnp.arange(pad, dtype=jnp.int32) % (N_PAD - N_NODES))
    dst = jnp.concatenate([edge_index[1], trash])
    srcc = src.reshape(TOTAL_CH, CH)
    dstc = dst.reshape(TOTAL_CH, CH)

    dg = _sc_degree(dstc, *SPLIT_DEG)
    y1 = _tc_first(x, W1, dg)
    p1 = _sc_agg(y1, srcc, dstc, 64, *SPLIT_L1, NBUF=4)
    y2 = _tc_mid(p1, y1, dg, b1.reshape(1, 64), W2, 64, 32)
    p2 = _sc_agg(y2, srcc, dstc, 32, *SPLIT_L2, NBUF=8)
    W3p = jnp.zeros((32, 16), jnp.float32).at[:, :2].set(W3)
    y3 = _tc_mid(p2, y2, dg, b2.reshape(1, 32), W3p, 32, 16)
    p3 = _sc_agg(y3, srcc, dstc, 16, *SPLIT_L3, NBUF=8)
    return _tc_final(p3, y3, dg, b3.reshape(1, 2))

# --- scband reference (transcript-rebuilt; emitter-appended) ---
"""Pipeline reference for scband-gnnpolicy-fraud-detector-3418793967835 (READ-ONLY COPY).

The authoritative reference and input builder live on the scoring server;
editing this copy changes nothing except your own understanding.
"""

import jax, jax.numpy as jnp
import numpy as np

N = 10000
E = 320000
F_IN = 128


def setup_inputs(seed: int = 0) -> dict:
    key = jax.random.key(seed)
    ks = jax.random.split(key, 8)
    x = jax.random.normal(ks[0], (N, F_IN), dtype=jnp.float32)
    edge_index = jax.random.randint(ks[1], (2, E), 0, N, dtype=jnp.int32)
    # GCNConv weights (glorot-style) and biases, per init_kwargs: 128 -> 64 -> 32 -> 2
    W1 = jax.random.normal(ks[2], (F_IN, 64), dtype=jnp.float32) * (1.0 / np.sqrt(F_IN))
    b1 = jnp.zeros((64,), dtype=jnp.float32)
    W2 = jax.random.normal(ks[3], (64, 32), dtype=jnp.float32) * (1.0 / np.sqrt(64))
    b2 = jnp.zeros((32,), dtype=jnp.float32)
    W3 = jax.random.normal(ks[4], (32, 2), dtype=jnp.float32) * (1.0 / np.sqrt(32))
    b3 = jnp.zeros((2,), dtype=jnp.float32)
    return {"x": x, "edge_index": edge_index, "W1": W1, "b1": b1, "W2": W2, "b2": b2, "W3": W3, "b3": b3}


def gcn_conv(x, edge_index, W, b):
    # Faithful PyG GCNConv: add self-loops, symmetric D^{-1/2}(A+I)D^{-1/2} normalization,
    # linear transform, scatter-add aggregation, bias.
    n = x.shape[0]
    loop = jnp.arange(n, dtype=edge_index.dtype)
    src = jnp.concatenate([edge_index[0], loop])
    dst = jnp.concatenate([edge_index[1], loop])
    ones = jnp.ones(src.shape[0], dtype=x.dtype)
    deg = jax.ops.segment_sum(ones, dst, num_segments=n)
    deg_inv_sqrt = jnp.where(deg > 0, jax.lax.rsqrt(jnp.maximum(deg, 1e-12)), 0.0)
    norm = deg_inv_sqrt[src] * deg_inv_sqrt[dst]
    xw = x @ W
    msg = xw[src] * norm[:, None]
    out = jax.ops.segment_sum(msg, dst, num_segments=n)
    return out + b


def reference(x, edge_index, W1, b1, W2, b2, W3, b3):
    h = jax.nn.relu(gcn_conv(x, edge_index, W1, b1))
    # F.dropout(p=0.5, training=self.training): identity in eval/inference mode
    h = jax.nn.relu(gcn_conv(h, edge_index, W2, b2))
    h = gcn_conv(h, edge_index, W3, b3)
    return jax.nn.log_softmax(h, axis=1)

if __name__ == "__main__":
    import jax
    _d = setup_inputs()
    print(jax.jit(kernel)(*tuple(_d.values())))

</pallas_src>

<mosaic_0001>
#map = affine_map<(d0, d1) -> (0, 0)>
#map1 = affine_map<(d0, d1) -> (0, 0, 0)>
module attributes {stable_mosaic.version = 14 : i64} {
  func.func @k(%arg0: i32, %arg1: i32, %arg2: memref<10000x64xf32, #tpu.memory_space<hbm>>, %arg3: memref<2560x128xi32, #tpu.memory_space<hbm>>, %arg4: memref<2560x128xi32, #tpu.memory_space<hbm>>, %arg5: memref<2x10240x64xf32, #tpu.memory_space<hbm>>, %arg6: memref<136x128xi32, #tpu.memory_space<vmem>>, %arg7: memref<136x128xi32, #tpu.memory_space<vmem>>, %arg8: memref<128x64xf32, #tpu.memory_space<vmem>>, %arg9: memref<128x64xf32, #tpu.memory_space<vmem>>, %arg10: memref<128x64xf32, #tpu.memory_space<vmem>>, %arg11: memref<128x64xf32, #tpu.memory_space<vmem>>, %arg12: memref<10240x64xf32, #tpu.memory_space<vmem_shared>>, %arg13: memref<!tpu.dma_semaphore, #tpu.memory_space<semaphore_mem>>, %arg14: memref<!tpu.dma_semaphore, #tpu.memory_space<semaphore_mem>>, %arg15: memref<!tpu.dma_semaphore, #tpu.memory_space<semaphore_mem>>, %arg16: memref<!tpu.dma_semaphore, #tpu.memory_space<semaphore_mem>>) attributes {dimension_semantics = [#tpu.dimension_semantics<core_parallel>, #tpu.dimension_semantics<subcore_parallel>], iteration_bounds = array<i64: 2, 16>, scalar_prefetch = 0 : i64, scratch_operands = 11 : i64, tpu.core_type = #tpu.core_type<sc_vector_subcore>, window_params = [{transform_indices = #map}, {transform_indices = #map}, {transform_indices = #map}, {transform_indices = #map1}]} {
    %eq3A = arith.constant 0 : i32
    %eq3A_0 = arith.cmpi eq, %arg0, %eq3A : i32
    %mul3A = arith.constant 136 : i32
    %mul3A_1 = arith.muli %arg1, %mul3A : i32
    %mul3A_2 = arith.constant 24 : i32
    %mul3A_3 = arith.muli %arg1, %mul3A_2 : i32
    %add3A = arith.constant 2176 : i32
    %add3A_4 = arith.addi %add3A, %mul3A_3 : i32
    %select_n3A = arith.select %eq3A_0, %mul3A_1, %add3A_4 : i32
    %min3A = arith.constant 2424 : i32
    %min3A_5 = arith.minsi %select_n3A, %min3A : i32
    %sub3A = arith.subi %select_n3A, %min3A_5 : i32
    "tpu.region"() ({
      %run_scoped3A = tpu.sem_alloc : memref<!tpu.dma_semaphore, #tpu.memory_space<semaphore_mem>>
      %dma_start3A = arith.constant 0 : i32
      %dma_start3A_29 = tpu.memref_slice %arg3[%min3A_5, %dma_start3A] : memref<2560x128xi32, #tpu.memory_space<hbm>> -> memref<136x128xi32, #tpu.memory_space<hbm>>
      %dma_start3A_30 = arith.constant 0 : i32
      %dma_start3A_31 = tpu.memref_slice %arg3[%min3A_5, %dma_start3A_30] : memref<2560x128xi32, #tpu.memory_space<hbm>> -> memref<136x128xi32, #tpu.memory_space<hbm>>
      tpu.enqueue_dma source(%dma_start3A_31 : memref<136x128xi32, #tpu.memory_space<hbm>>) target(%arg6 : memref<136x128xi32, #tpu.memory_space<vmem>>) target_semaphore(%run_scoped3A : memref<!tpu.dma_semaphore, #tpu.memory_space<semaphore_mem>>)
      %dma_wait3A = arith.constant 0 : i32
      %dma_wait3A_32 = tpu.memref_slice %arg3[%min3A_5, %dma_wait3A] : memref<2560x128xi32, #tpu.memory_space<hbm>> -> memref<136x128xi32, #tpu.memory_space<hbm>>
      %dma_wait3A_33 = arith.constant 0 : i32
      %dma_wait3A_34 = tpu.memref_slice %arg3[%min3A_5, %dma_wait3A_33] : memref<2560x128xi32, #tpu.memory_space<hbm>> -> memref<136x128xi32, #tpu.memory_space<hbm>>
      tpu.wait_dma2 semaphore(%run_scoped3A : memref<!tpu.dma_semaphore, #tpu.memory_space<semaphore_mem>>) src(%dma_wait3A_34 : memref<136x128xi32, #tpu.memory_space<hbm>>) dst(%arg6 : memref<136x128xi32, #tpu.memory_space<vmem>>)
      tpu.yield
    }) : () -> ()
    "tpu.region"() ({
      %run_scoped3A = tpu.sem_alloc : memref<!tpu.dma_semaphore, #tpu.memory_space<semaphore_mem>>
      %dma_start3A = arith.constant 0 : i32
      %dma_start3A_29 = tpu.memref_slice %arg4[%min3A_5, %dma_start3A] : memref<2560x128xi32, #tpu.memory_space<hbm>> -> memref<136x128xi32, #tpu.memory_space<hbm>>
      %dma_start3A_30 = arith.constant 0 : i32
      %dma_start3A_31 = tpu.memref_slice %arg4[%min3A_5, %dma_start3A_30] : memref<2560x128xi32, #tpu.memory_space<hbm>> -> memref<136x128xi32, #tpu.memory_space<hbm>>
      tpu.enqueue_dma source(%dma_start3A_31 : memref<136x128xi32, #tpu.memory_space<hbm>>) target(%arg7 : memref<136x128xi32, #tpu.memory_space<vmem>>) target_semaphore(%run_scoped3A : memref<!tpu.dma_semaphore, #tpu.memory_space<semaphore_mem>>)
      %dma_wait3A = arith.constant 0 : i32
      %dma_wait3A_32 = tpu.memref_slice %arg4[%min3A_5, %dma_wait3A] : memref<2560x128xi32, #tpu.memory_space<hbm>> -> memref<136x128xi32, #tpu.memory_space<hbm>>
      %dma_wait3A_33 = arith.constant 0 : i32
      %dma_wait3A_34 = tpu.memref_slice %arg4[%min3A_5, %dma_wait3A_33] : memref<2560x128xi32, #tpu.memory_space<hbm>> -> memref<136x128xi32, #tpu.memory_space<hbm>>
      tpu.wait_dma2 semaphore(%run_scoped3A : memref<!tpu.dma_semaphore, #tpu.memory_space<semaphore_mem>>) src(%dma_wait3A_34 : memref<136x128xi32, #tpu.memory_space<hbm>>) dst(%arg7 : memref<136x128xi32, #tpu.memory_space<vmem>>)
      tpu.yield
    }) : () -> ()
    %scan3A = arith.constant 0 : i32
    %scan3A_6 = arith.constant 128 : i32
    %scan3A_7 = arith.addi %scan3A, %scan3A_6 : i32
    %scan3A_8 = arith.constant 1 : i32
    scf.for %scan3A_29 = %scan3A to %scan3A_7 step %scan3A_8  : i32 {
      %mul3A_30 = arith.constant 1 : i32
      %mul3A_31 = arith.muli %scan3A_29, %mul3A_30 : i32
      %add3A_32 = arith.constant 0 : i32
      %add3A_33 = arith.addi %add3A_32, %mul3A_31 : i32
      %scan3A_34 = arith.constant 0 : i32
      %scan3A_35 = arith.constant 4 : i32
      %scan3A_36 = arith.addi %scan3A_34, %scan3A_35 : i32
      %scan3A_37 = arith.constant 1 : i32
      scf.for %scan3A_39 = %scan3A_34 to %scan3A_36 step %scan3A_37  : i32 {
        %mul3A_40 = arith.constant 1 : i32
        %mul3A_41 = arith.muli %scan3A_39, %mul3A_40 : i32
        %add3A_42 = arith.constant 0 : i32
        %add3A_43 = arith.addi %add3A_42, %mul3A_41 : i32
        %broadcast_in_dim3A = arith.constant 0.000000e+00 : f32
        %broadcast_in_dim3A_44 = vector.broadcast %broadcast_in_dim3A : f32 to vector<16xf32>
        %mul3A_45 = arith.constant 16 : i32
        %mul3A_46 = arith.muli %add3A_43, %mul3A_45 : i32
        %swap3A = arith.index_cast %add3A_33 : i32 to index
        %swap3A_47 = arith.index_cast %mul3A_46 : i32 to index
        %swap3A_48 = tpu.vector_load %arg8[%swap3A, %swap3A_47] {strides = array<i32>} : memref<128x64xf32, #tpu.memory_space<vmem>>, vector<1x16xf32>,
        %swap3A_49 = vector.shape_cast %swap3A_48 : vector<1x16xf32> to vector<16xf32>
        %swap3A_50 = vector.shape_cast %broadcast_in_dim3A_44 : vector<16xf32> to vector<1x16xf32>
        tpu.vector_store %arg8[%swap3A, %swap3A_47], %swap3A_50 {strides = array<i32>} : memref<128x64xf32, #tpu.memory_space<vmem>>, vector<1x16xf32>,
      }
      %scan3A_38 = arith.constant 4 : i32
    }
    %scan3A_9 = arith.constant 128 : i32
    %scan3A_10 = arith.constant 0 : i32
    %scan3A_11 = arith.constant 5 : i32
    %scan3A_12 = arith.addi %scan3A_10, %scan3A_11 : i32
    %scan3A_13 = arith.constant 1 : i32
    scf.for %scan3A_29 = %scan3A_10 to %scan3A_12 step %scan3A_13  : i32 {
      %mul3A_30 = arith.constant 1 : i32
      %mul3A_31 = arith.muli %scan3A_29, %mul3A_30 : i32
      %add3A_32 = arith.constant 0 : i32
      %add3A_33 = arith.addi %add3A_32, %mul3A_31 : i32
      %mul3A_34 = arith.constant 640 : i32
      %mul3A_35 = arith.muli %arg1, %mul3A_34 : i32
      %mul3A_36 = arith.constant 128 : i32
      %mul3A_37 = arith.muli %add3A_33, %mul3A_36 : i32
      %add3A_38 = arith.addi %mul3A_35, %mul3A_37 : i32
      "tpu.region"() ({
        %run_scoped3A = tpu.sem_alloc : memref<!tpu.dma_semaphore, #tpu.memory_space<semaphore_mem>>
        %dma_start3A = arith.constant 0 : i32
        %dma_start3A_39 = tpu.memref_slice %arg12[%add3A_38, %dma_start3A] : memref<10240x64xf32, #tpu.memory_space<vmem_shared>> -> memref<128x64xf32, #tpu.memory_space<vmem_shared>>
        %dma_start3A_40 = arith.constant 0 : i32
        %dma_start3A_41 = tpu.memref_slice %arg12[%add3A_38, %dma_start3A_40] : memref<10240x64xf32, #tpu.memory_space<vmem_shared>> -> memref<128x64xf32, #tpu.memory_space<vmem_shared>>
        tpu.enqueue_dma source(%arg8 : memref<128x64xf32, #tpu.memory_space<vmem>>) target(%dma_start3A_41 : memref<128x64xf32, #tpu.memory_space<vmem_shared>>) target_semaphore(%run_scoped3A : memref<!tpu.dma_semaphore, #tpu.memory_space<semaphore_mem>>)
        %dma_wait3A = arith.constant 0 : i32
        %dma_wait3A_42 = tpu.memref_slice %arg12[%add3A_38, %dma_wait3A] : memref<10240x64xf32, #tpu.memory_space<vmem_shared>> -> memref<128x64xf32, #tpu.memory_space<vmem_shared>>
        %dma_wait3A_43 = arith.constant 0 : i32
        %dma_wait3A_44 = tpu.memref_slice %arg12[%add3A_38, %dma_wait3A_43] : memref<10240x64xf32, #tpu.memory_space<vmem_shared>> -> memref<128x64xf32, #tpu.memory_space<vmem_shared>>
        tpu.wait_dma2 semaphore(%run_scoped3A : memref<!tpu.dma_semaphore, #tpu.memory_space<semaphore_mem>>) src(%arg8 : memref<128x64xf32, #tpu.memory_space<vmem>>) dst(%dma_wait3A_44 : memref<128x64xf32, #tpu.memory_space<vmem_shared>>)
        tpu.yield
      }) : () -> ()
    }
    %scan3A_14 = arith.constant 5 : i32
    %barrier3A = arith.constant 0 : index
    tpu.barrier barrier_id(%barrier3A)
    %eq3A_15 = arith.constant 0 : i32
    %eq3A_16 = arith.cmpi eq, %arg0, %eq3A_15 : i32
    %convert_element_type3A = arith.extui %eq3A_16 : i1 to i32
    %cond3A = arith.constant 0 : i32
    %cond3A_17 = arith.cmpi ne, %convert_element_type3A, %cond3A : i32
    scf.if %cond3A_17 {
      %add3A_29 = arith.constant 0 : i32
      %add3A_30 = arith.addi %sub3A, %add3A_29 : i32
      %dma_start3A = arith.constant 0 : i32
      %dma_start3A_31 = tpu.memref_slice %arg6[%add3A_30, %dma_start3A] : memref<136x128xi32, #tpu.memory_space<vmem>> -> memref<1x128xi32, #tpu.memory_space<vmem>>
      %dma_start3A_32 = tpu.memref_squeeze %dma_start3A_31 : memref<1x128xi32, #tpu.memory_space<vmem>> -> memref<128xi32, #tpu.memory_space<vmem>>
      %dma_start3A_33 = arith.constant 0 : i32
      %dma_start3A_34 = arith.constant 0 : i32
      %dma_start3A_35 = tpu.memref_slice %arg2[%dma_start3A_33, %dma_start3A_34] : memref<10000x64xf32, #tpu.memory_space<hbm>> -> memref<10000x64xf32, #tpu.memory_space<hbm>>
      tpu.enqueue_indirect_dma source(%dma_start3A_35 : memref<10000x64xf32, #tpu.memory_space<hbm>>) target(%arg8 : memref<128x64xf32, #tpu.memory_space<vmem>>) offsets(%dma_start3A_32 : memref<128xi32, #tpu.memory_space<vmem>>) semaphore(%arg13 : memref<!tpu.dma_semaphore, #tpu.memory_space<semaphore_mem>>)
      %add3A_36 = arith.constant 1 : i32
      %add3A_37 = arith.addi %sub3A, %add3A_36 : i32
      %dma_start3A_38 = arith.constant 0 : i32
      %dma_start3A_39 = tpu.memref_slice %arg6[%add3A_37, %dma_start3A_38] : memref<136x128xi32, #tpu.memory_space<vmem>> -> memref<1x128xi32, #tpu.memory_space<vmem>>
      %dma_start3A_40 = tpu.memref_squeeze %dma_start3A_39 : memref<1x128xi32, #tpu.memory_space<vmem>> -> memref<128xi32, #tpu.memory_space<vmem>>
      %dma_start3A_41 = arith.constant 0 : i32
      %dma_start3A_42 = arith.constant 0 : i32
      %dma_start3A_43 = tpu.memref_slice %arg2[%dma_start3A_41, %dma_start3A_42] : memref<10000x64xf32, #tpu.memory_space<hbm>> -> memref<10000x64xf32, #tpu.memory_space<hbm>>
      tpu.enqueue_indirect_dma source(%dma_start3A_43 : memref<10000x64xf32, #tpu.memory_space<hbm>>) target(%arg9 : memref<128x64xf32, #tpu.memory_space<vmem>>) offsets(%dma_start3A_40 : memref<128xi32, #tpu.memory_space<vmem>>) semaphore(%arg14 : memref<!tpu.dma_semaphore, #tpu.memory_space<semaphore_mem>>)
      %add3A_44 = arith.constant 2 : i32
      %add3A_45 = arith.addi %sub3A, %add3A_44 : i32
      %dma_start3A_46 = arith.constant 0 : i32
      %dma_start3A_47 = tpu.memref_slice %arg6[%add3A_45, %dma_start3A_46] : memref<136x128xi32, #tpu.memory_space<vmem>> -> memref<1x128xi32, #tpu.memory_space<vmem>>
      %dma_start3A_48 = tpu.memref_squeeze %dma_start3A_47 : memref<1x128xi32, #tpu.memory_space<vmem>> -> memref<128xi32, #tpu.memory_space<vmem>>
      %dma_start3A_49 = arith.constant 0 : i32
      %dma_start3A_50 = arith.constant 0 : i32
      %dma_start3A_51 = tpu.memref_slice %arg2[%dma_start3A_49, %dma_start3A_50] : memref<10000x64xf32, #tpu.memory_space<hbm>> -> memref<10000x64xf32, #tpu.memory_space<hbm>>
      tpu.enqueue_indirect_dma source(%dma_start3A_51 : memref<10000x64xf32, #tpu.memory_space<hbm>>) target(%arg10 : memref<128x64xf32, #tpu.memory_space<vmem>>) offsets(%dma_start3A_48 : memref<128xi32, #tpu.memory_space<vmem>>) semaphore(%arg15 : memref<!tpu.dma_semaphore, #tpu.memory_space<semaphore_mem>>)
      %add3A_52 = arith.constant 3 : i32
      %add3A_53 = arith.addi %sub3A, %add3A_52 : i32
      %dma_start3A_54 = arith.constant 0 : i32
      %dma_start3A_55 = tpu.memref_slice %arg6[%add3A_53, %dma_start3A_54] : memref<136x128xi32, #tpu.memory_space<vmem>> -> memref<1x128xi32, #tpu.memory_space<vmem>>
      %dma_start3A_56 = tpu.memref_squeeze %dma_start3A_55 : memref<1x128xi32, #tpu.memory_space<vmem>> -> memref<128xi32, #tpu.memory_space<vmem>>
      %dma_start3A_57 = arith.constant 0 : i32
      %dma_start3A_58 = arith.constant 0 : i32
      %dma_start3A_59 = tpu.memref_slice %arg2[%dma_start3A_57, %dma_start3A_58] : memref<10000x64xf32, #tpu.memory_space<hbm>> -> memref<10000x64xf32, #tpu.memory_space<hbm>>
      tpu.enqueue_indirect_dma source(%dma_start3A_59 : memref<10000x64xf32, #tpu.memory_space<hbm>>) target(%arg11 : memref<128x64xf32, #tpu.memory_space<vmem>>) offsets(%dma_start3A_56 : memref<128xi32, #tpu.memory_space<vmem>>) semaphore(%arg16 : memref<!tpu.dma_semaphore, #tpu.memory_space<semaphore_mem>>)
      %scan3A_60 = arith.constant 0 : i32
      %scan3A_61 = arith.constant 34 : i32
      %scan3A_62 = arith.addi %scan3A_60, %scan3A_61 : i32
      %scan3A_63 = arith.constant 1 : i32
      scf.for %scan3A_65 = %scan3A_60 to %scan3A_62 step %scan3A_63  : i32 {
        %mul3A_66 = arith.constant 1 : i32
        %mul3A_67 = arith.muli %scan3A_65, %mul3A_66 : i32
        %add3A_68 = arith.constant 0 : i32
        %add3A_69 = arith.addi %add3A_68, %mul3A_67 : i32
        %mul3A_70 = arith.constant 4 : i32
        %mul3A_71 = arith.muli %add3A_69, %mul3A_70 : i32
        %add3A_72 = arith.addi %sub3A, %mul3A_71 : i32
        %add3A_73 = arith.constant 0 : i32
        %add3A_74 = arith.addi %add3A_72, %add3A_73 : i32
        %dma_wait3A = arith.constant 0 : i32
        %dma_wait3A_75 = tpu.memref_slice %arg6[%add3A_74, %dma_wait3A] : memref<136x128xi32, #tpu.memory_space<vmem>> -> memref<1x128xi32, #tpu.memory_space<vmem>>
        %dma_wait3A_76 = tpu.memref_squeeze %dma_wait3A_75 : memref<1x128xi32, #tpu.memory_space<vmem>> -> memref<128xi32, #tpu.memory_space<vmem>>
        %dma_wait3A_77 = arith.constant 0 : i32
        %dma_wait3A_78 = arith.constant 0 : i32
        %dma_wait3A_79 = tpu.memref_slice %arg2[%dma_wait3A_77, %dma_wait3A_78] : memref<10000x64xf32, #tpu.memory_space<hbm>> -> memref<10000x64xf32, #tpu.memory_space<hbm>>
        tpu.wait_indirect_dma semaphore(%arg13 : memref<!tpu.dma_semaphore, #tpu.memory_space<semaphore_mem>>) src(%dma_wait3A_79 : memref<10000x64xf32, #tpu.memory_space<hbm>>) dst(%arg8 : memref<128x64xf32, #tpu.memory_space<vmem>>)
        "tpu.region"() ({
          %run_scoped3A = tpu.sem_alloc : memref<!tpu.dma_semaphore, #tpu.memory_space<semaphore_mem>>
          %dma_start3A_135 = arith.constant 0 : i32
          %dma_start3A_136 = tpu.memref_slice %arg7[%add3A_74, %dma_start3A_135] : memref<136x128xi32, #tpu.memory_space<vmem>> -> memref<1x128xi32, #tpu.memory_space<vmem>>
          %dma_start3A_137 = tpu.memref_squeeze %dma_start3A_136 : memref<1x128xi32, #tpu.memory_space<vmem>> -> memref<128xi32, #tpu.memory_space<vmem>>
          %dma_start3A_138 = arith.constant 0 : i32
          %dma_start3A_139 = arith.constant 0 : i32
          %dma_start3A_140 = tpu.memref_slice %arg12[%dma_start3A_138, %dma_start3A_139] : memref<10240x64xf32, #tpu.memory_space<vmem_shared>> -> memref<10240x64xf32, #tpu.memory_space<vmem_shared>>
          tpu.enqueue_indirect_dma source(%arg8 : memref<128x64xf32, #tpu.memory_space<vmem>>) target(%dma_start3A_140 : memref<10240x64xf32, #tpu.memory_space<vmem_shared>>) offsets(%dma_start3A_137 : memref<128xi32, #tpu.memory_space<vmem>>) semaphore(%run_scoped3A : memref<!tpu.dma_semaphore, #tpu.memory_space<semaphore_mem>>) {add = true}
          %dma_wait3A_141 = arith.constant 0 : i32
          %dma_wait3A_142 = tpu.memref_slice %arg7[%add3A_74, %dma_wait3A_141] : memref<136x128xi32, #tpu.memory_space<vmem>> -> memref<1x128xi32, #tpu.memory_space<vmem>>
          %dma_wait3A_143 = tpu.memref_squeeze %dma_wait3A_142 : memref<1x128xi32, #tpu.memory_space<vmem>> -> memref<128xi32, #tpu.memory_space<vmem>>
          %dma_wait3A_144 = arith.constant 0 : i32
          %dma_wait3A_145 = arith.constant 0 : i32
          %dma_wait3A_146 = tpu.memref_slice %arg12[%dma_wait3A_144, %dma_wait3A_145] : memref<10240x64xf32, #tpu.memory_space<vmem_shared>> -> memref<10240x64xf32, #tpu.memory_space<vmem_shared>>
          tpu.wait_indirect_dma semaphore(%run_scoped3A : memref<!tpu.dma_semaphore, #tpu.memory_space<semaphore_mem>>) src(%arg8 : memref<128x64xf32, #tpu.memory_space<vmem>>) dst(%dma_wait3A_146 : memref<10240x64xf32, #tpu.memory_space<vmem_shared>>)
          tpu.yield
        }) : () -> ()
        %add3A_80 = arith.constant 4 : i32
        %add3A_81 = arith.addi %add3A_74, %add3A_80 : i32
        %add3A_82 = arith.constant 136 : i32
        %add3A_83 = arith.addi %sub3A, %add3A_82 : i32
        %lt3A = arith.cmpi slt, %add3A_81, %add3A_83 : i32
        %convert_element_type3A_84 = arith.extui %lt3A : i1 to i32
        %cond3A_85 = arith.constant 0 : i32
        %cond3A_86 = arith.cmpi ne, %convert_element_type3A_84, %cond3A_85 : i32
        scf.if %cond3A_86 {
          %add3A_135 = arith.constant 4 : i32
          %add3A_136 = arith.addi %add3A_74, %add3A_135 : i32
          %dma_start3A_137 = arith.constant 0 : i32
          %dma_start3A_138 = tpu.memref_slice %arg6[%add3A_136, %dma_start3A_137] : memref<136x128xi32, #tpu.memory_space<vmem>> -> memref<1x128xi32, #tpu.memory_space<vmem>>
          %dma_start3A_139 = tpu.memref_squeeze %dma_start3A_138 : memref<1x128xi32, #tpu.memory_space<vmem>> -> memref<128xi32, #tpu.memory_space<vmem>>
          %dma_start3A_140 = arith.constant 0 : i32
          %dma_start3A_141 = arith.constant 0 : i32
          %dma_start3A_142 = tpu.memref_slice %arg2[%dma_start3A_140, %dma_start3A_141] : memref<10000x64xf32, #tpu.memory_space<hbm>> -> memref<10000x64xf32, #tpu.memory_space<hbm>>
          tpu.enqueue_indirect_dma source(%dma_start3A_142 : memref<10000x64xf32, #tpu.memory_space<hbm>>) target(%arg8 : memref<128x64xf32, #tpu.memory_space<vmem>>) offsets(%dma_start3A_139 : memref<128xi32, #tpu.memory_space<vmem>>) semaphore(%arg13 : memref<!tpu.dma_semaphore, #tpu.memory_space<semaphore_mem>>)
        } else {
        }
        %add3A_87 = arith.constant 1 : i32
        %add3A_88 = arith.addi %add3A_72, %add3A_87 : i32
        %dma_wait3A_89 = arith.constant 0 : i32
        %dma_wait3A_90 = tpu.memref_slice %arg6[%add3A_88, %dma_wait3A_89] : memref<136x128xi32, #tpu.memory_space<vmem>> -> memref<1x128xi32, #tpu.memory_space<vmem>>
        %dma_wait3A_91 = tpu.memref_squeeze %dma_wait3A_90 : memref<1x128xi32, #tpu.memory_space<vmem>> -> memref<128xi32, #tpu.memory_space<vmem>>
        %dma_wait3A_92 = arith.constant 0 : i32
        %dma_wait3A_93 = arith.constant 0 : i32
        %dma_wait3A_94 = tpu.memref_slice %arg2[%dma_wait3A_92, %dma_wait3A_93] : memref<10000x64xf32, #tpu.memory_space<hbm>> -> memref<10000x64xf32, #tpu.memory_space<hbm>>
        tpu.wait_indirect_dma semaphore(%arg14 : memref<!tpu.dma_semaphore, #tpu.memory_space<semaphore_mem>>) src(%dma_wait3A_94 : memref<10000x64xf32, #tpu.memory_space<hbm>>) dst(%arg9 : memref<128x64xf32, #tpu.memory_space<vmem>>)
        "tpu.region"() ({
          %run_scoped3A = tpu.sem_alloc : memref<!tpu.dma_semaphore, #tpu.memory_space<semaphore_mem>>
          %dma_start3A_135 = arith.constant 0 : i32
          %dma_start3A_136 = tpu.memref_slice %arg7[%add3A_88, %dma_start3A_135] : memref<136x128xi32, #tpu.memory_space<vmem>> -> memref<1x128xi32, #tpu.memory_space<vmem>>
          %dma_start3A_137 = tpu.memref_squeeze %dma_start3A_136 : memref<1x128xi32, #tpu.memory_space<vmem>> -> memref<128xi32, #tpu.memory_space<vmem>>
          %dma_start3A_138 = arith.constant 0 : i32
          %dma_start3A_139 = arith.constant 0 : i32
          %dma_start3A_140 = tpu.memref_slice %arg12[%dma_start3A_138, %dma_start3A_139] : memref<10240x64xf32, #tpu.memory_space<vmem_shared>> -> memref<10240x64xf32, #tpu.memory_space<vmem_shared>>
          tpu.enqueue_indirect_dma source(%arg9 : memref<128x64xf32, #tpu.memory_space<vmem>>) target(%dma_start3A_140 : memref<10240x64xf32, #tpu.memory_space<vmem_shared>>) offsets(%dma_start3A_137 : memref<128xi32, #tpu.memory_space<vmem>>) semaphore(%run_scoped3A : memref<!tpu.dma_semaphore, #tpu.memory_space<semaphore_mem>>) {add = true}
          %dma_wait3A_141 = arith.constant 0 : i32
          %dma_wait3A_142 = tpu.memref_slice %arg7[%add3A_88, %dma_wait3A_141] : memref<136x128xi32, #tpu.memory_space<vmem>> -> memref<1x128xi32, #tpu.memory_space<vmem>>
          %dma_wait3A_143 = tpu.memref_squeeze %dma_wait3A_142 : memref<1x128xi32, #tpu.memory_space<vmem>> -> memref<128xi32, #tpu.memory_space<vmem>>
          %dma_wait3A_144 = arith.constant 0 : i32
          %dma_wait3A_145 = arith.constant 0 : i32
          %dma_wait3A_146 = tpu.memref_slice %arg12[%dma_wait3A_144, %dma_wait3A_145] : memref<10240x64xf32, #tpu.memory_space<vmem_shared>> -> memref<10240x64xf32, #tpu.memory_space<vmem_shared>>
          tpu.wait_indirect_dma semaphore(%run_scoped3A : memref<!tpu.dma_semaphore, #tpu.memory_space<semaphore_mem>>) src(%arg9 : memref<128x64xf32, #tpu.memory_space<vmem>>) dst(%dma_wait3A_146 : memref<10240x64xf32, #tpu.memory_space<vmem_shared>>)
          tpu.yield
        }) : () -> ()
        %add3A_95 = arith.constant 4 : i32
        %add3A_96 = arith.addi %add3A_88, %add3A_95 : i32
        %add3A_97 = arith.constant 136 : i32
        %add3A_98 = arith.addi %sub3A, %add3A_97 : i32
        %lt3A_99 = arith.cmpi slt, %add3A_96, %add3A_98 : i32
        %convert_element_type3A_100 = arith.extui %lt3A_99 : i1 to i32
        %cond3A_101 = arith.constant 0 : i32
        %cond3A_102 = arith.cmpi ne, %convert_element_type3A_100, %cond3A_101 : i32
        scf.if %cond3A_102 {
          %add3A_135 = arith.constant 4 : i32
          %add3A_136 = arith.addi %add3A_88, %add3A_135 : i32
          %dma_start3A_137 = arith.constant 0 : i32
          %dma_start3A_138 = tpu.memref_slice %arg6[%add3A_136, %dma_start3A_137] : memref<136x128xi32, #tpu.memory_space<vmem>> -> memref<1x128xi32, #tpu.memory_space<vmem>>
          %dma_start3A_139 = tpu.memref_squeeze %dma_start3A_138 : memref<1x128xi32, #tpu.memory_space<vmem>> -> memref<128xi32, #tpu.memory_space<vmem>>
          %dma_start3A_140 = arith.constant 0 : i32
          %dma_start3A_141 = arith.constant 0 : i32
          %dma_start3A_142 = tpu.memref_slice %arg2[%dma_start3A_140, %dma_start3A_141] : memref<10000x64xf32, #tpu.memory_space<hbm>> -> memref<10000x64xf32, #tpu.memory_space<hbm>>
          tpu.enqueue_indirect_dma source(%dma_start3A_142 : memref<10000x64xf32, #tpu.memory_space<hbm>>) target(%arg9 : memref<128x64xf32, #tpu.memory_space<vmem>>) offsets(%dma_start3A_139 : memref<128xi32, #tpu.memory_space<vmem>>) semaphore(%arg14 : memref<!tpu.dma_semaphore, #tpu.memory_space<semaphore_mem>>)
        } else {
        }
        %add3A_103 = arith.constant 2 : i32
        %add3A_104 = arith.addi %add3A_72, %add3A_103 : i32
        %dma_wait3A_105 = arith.constant 0 : i32
        %dma_wait3A_106 = tpu.memref_slice %arg6[%add3A_104, %dma_wait3A_105] : memref<136x128xi32, #tpu.memory_space<vmem>> -> memref<1x128xi32, #tpu.memory_space<vmem>>
        %dma_wait3A_107 = tpu.memref_squeeze %dma_wait3A_106 : memref<1x128xi32, #tpu.memory_space<vmem>> -> memref<128xi32, #tpu.memory_space<vmem>>
        %dma_wait3A_108 = arith.constant 0 : i32
        %dma_wait3A_109 = arith.constant 0 : i32
        %dma_wait3A_110 = tpu.memref_slice %arg2[%dma_wait3A_108, %dma_wait3A_109] : memref<10000x64xf32, #tpu.memory_space<hbm>> -> memref<10000x64xf32, #tpu.memory_space<hbm>>
        tpu.wait_indirect_dma semaphore(%arg15 : memref<!tpu.dma_semaphore, #tpu.memory_space<semaphore_mem>>) src(%dma_wait3A_110 : memref<10000x64xf32, #tpu.memory_space<hbm>>) dst(%arg10 : memref<128x64xf32, #tpu.memory_space<vmem>>)
        "tpu.region"() ({
          %run_scoped3A = tpu.sem_alloc : memref<!tpu.dma_semaphore, #tpu.memory_space<semaphore_mem>>
          %dma_start3A_135 = arith.constant 0 : i32
          %dma_start3A_136 = tpu.memref_slice %arg7[%add3A_104, %dma_start3A_135] : memref<136x128xi32, #tpu.memory_space<vmem>> -> memref<1x128xi32, #tpu.memory_space<vmem>>
          %dma_start3A_137 = tpu.memref_squeeze %dma_start3A_136 : memref<1x128xi32, #tpu.memory_space<vmem>> -> memref<128xi32, #tpu.memory_space<vmem>>
          %dma_start3A_138 = arith.constant 0 : i32
          %dma_start3A_139 = arith.constant 0 : i32
          %dma_start3A_140 = tpu.memref_slice %arg12[%dma_start3A_138, %dma_start3A_139] : memref<10240x64xf32, #tpu.memory_space<vmem_shared>> -> memref<10240x64xf32, #tpu.memory_space<vmem_shared>>
          tpu.enqueue_indirect_dma source(%arg10 : memref<128x64xf32, #tpu.memory_space<vmem>>) target(%dma_start3A_140 : memref<10240x64xf32, #tpu.memory_space<vmem_shared>>) offsets(%dma_start3A_137 : memref<128xi32, #tpu.memory_space<vmem>>) semaphore(%run_scoped3A : memref<!tpu.dma_semaphore, #tpu.memory_space<semaphore_mem>>) {add = true}
          %dma_wait3A_141 = arith.constant 0 : i32
          %dma_wait3A_142 = tpu.memref_slice %arg7[%add3A_104, %dma_wait3A_141] : memref<136x128xi32, #tpu.memory_space<vmem>> -> memref<1x128xi32, #tpu.memory_space<vmem>>
          %dma_wait3A_143 = tpu.memref_squeeze %dma_wait3A_142 : memref<1x128xi32, #tpu.memory_space<vmem>> -> memref<128xi32, #tpu.memory_space<vmem>>
          %dma_wait3A_144 = arith.constant 0 : i32
          %dma_wait3A_145 = arith.constant 0 : i32
          %dma_wait3A_146 = tpu.memref_slice %arg12[%dma_wait3A_144, %dma_wait3A_145] : memref<10240x64xf32, #tpu.memory_space<vmem_shared>> -> memref<10240x64xf32, #tpu.memory_space<vmem_shared>>
          tpu.wait_indirect_dma semaphore(%run_scoped3A : memref<!tpu.dma_semaphore, #tpu.memory_space<semaphore_mem>>) src(%arg10 : memref<128x64xf32, #tpu.memory_space<vmem>>) dst(%dma_wait3A_146 : memref<10240x64xf32, #tpu.memory_space<vmem_shared>>)
          tpu.yield
        }) : () -> ()
        %add3A_111 = arith.constant 4 : i32
        %add3A_112 = arith.addi %add3A_104, %add3A_111 : i32
        %add3A_113 = arith.constant 136 : i32
        %add3A_114 = arith.addi %sub3A, %add3A_113 : i32
        %lt3A_115 = arith.cmpi slt, %add3A_112, %add3A_114 : i32
        %convert_element_type3A_116 = arith.extui %lt3A_115 : i1 to i32
        %cond3A_117 = arith.constant 0 : i32
        %cond3A_118 = arith.cmpi ne, %convert_element_type3A_116, %cond3A_117 : i32
        scf.if %cond3A_118 {
          %add3A_135 = arith.constant 4 : i32
          %add3A_136 = arith.addi %add3A_104, %add3A_135 : i32
          %dma_start3A_137 = arith.constant 0 : i32
          %dma_start3A_138 = tpu.memref_slice %arg6[%add3A_136, %dma_start3A_137] : memref<136x128xi32, #tpu.memory_space<vmem>> -> memref<1x128xi32, #tpu.memory_space<vmem>>
          %dma_start3A_139 = tpu.memref_squeeze %dma_start3A_138 : memref<1x128xi32, #tpu.memory_space<vmem>> -> memref<128xi32, #tpu.memory_space<vmem>>
          %dma_start3A_140 = arith.constant 0 : i32
          %dma_start3A_141 = arith.constant 0 : i32
          %dma_start3A_142 = tpu.memref_slice %arg2[%dma_start3A_140, %dma_start3A_141] : memref<10000x64xf32, #tpu.memory_space<hbm>> -> memref<10000x64xf32, #tpu.memory_space<hbm>>
          tpu.enqueue_indirect_dma source(%dma_start3A_142 : memref<10000x64xf32, #tpu.memory_space<hbm>>) target(%arg10 : memref<128x64xf32, #tpu.memory_space<vmem>>) offsets(%dma_start3A_139 : memref<128xi32, #tpu.memory_space<vmem>>) semaphore(%arg15 : memref<!tpu.dma_semaphore, #tpu.memory_space<semaphore_mem>>)
        } else {
        }
        %add3A_119 = arith.constant 3 : i32
        %add3A_120 = arith.addi %add3A_72, %add3A_119 : i32
        %dma_wait3A_121 = arith.constant 0 : i32
        %dma_wait3A_122 = tpu.memref_slice %arg6[%add3A_120, %dma_wait3A_121] : memref<136x128xi32, #tpu.memory_space<vmem>> -> memref<1x128xi32, #tpu.memory_space<vmem>>
        %dma_wait3A_123 = tpu.memref_squeeze %dma_wait3A_122 : memref<1x128xi32, #tpu.memory_space<vmem>> -> memref<128xi32, #tpu.memory_space<vmem>>
        %dma_wait3A_124 = arith.constant 0 : i32
        %dma_wait3A_125 = arith.constant 0 : i32
        %dma_wait3A_126 = tpu.memref_slice %arg2[%dma_wait3A_124, %dma_wait3A_125] : memref<10000x64xf32, #tpu.memory_space<hbm>> -> memref<10000x64xf32, #tpu.memory_space<hbm>>
        tpu.wait_indirect_dma semaphore(%arg16 : memref<!tpu.dma_semaphore, #tpu.memory_space<semaphore_mem>>) src(%dma_wait3A_126 : memref<10000x64xf32, #tpu.memory_space<hbm>>) dst(%arg11 : memref<128x64xf32, #tpu.memory_space<vmem>>)
        "tpu.region"() ({
          %run_scoped3A = tpu.sem_alloc : memref<!tpu.dma_semaphore, #tpu.memory_space<semaphore_mem>>
          %dma_start3A_135 = arith.constant 0 : i32
          %dma_start3A_136 = tpu.memref_slice %arg7[%add3A_120, %dma_start3A_135] : memref<136x128xi32, #tpu.memory_space<vmem>> -> memref<1x128xi32, #tpu.memory_space<vmem>>
          %dma_start3A_137 = tpu.memref_squeeze %dma_start3A_136 : memref<1x128xi32, #tpu.memory_space<vmem>> -> memref<128xi32, #tpu.memory_space<vmem>>
          %dma_start3A_138 = arith.constant 0 : i32
          %dma_start3A_139 = arith.constant 0 : i32
          %dma_start3A_140 = tpu.memref_slice %arg12[%dma_start3A_138, %dma_start3A_139] : memref<10240x64xf32, #tpu.memory_space<vmem_shared>> -> memref<10240x64xf32, #tpu.memory_space<vmem_shared>>
          tpu.enqueue_indirect_dma source(%arg11 : memref<128x64xf32, #tpu.memory_space<vmem>>) target(%dma_start3A_140 : memref<10240x64xf32, #tpu.memory_space<vmem_shared>>) offsets(%dma_start3A_137 : memref<128xi32, #tpu.memory_space<vmem>>) semaphore(%run_scoped3A : memref<!tpu.dma_semaphore, #tpu.memory_space<semaphore_mem>>) {add = true}
          %dma_wait3A_141 = arith.constant 0 : i32
          %dma_wait3A_142 = tpu.memref_slice %arg7[%add3A_120, %dma_wait3A_141] : memref<136x128xi32, #tpu.memory_space<vmem>> -> memref<1x128xi32, #tpu.memory_space<vmem>>
          %dma_wait3A_143 = tpu.memref_squeeze %dma_wait3A_142 : memref<1x128xi32, #tpu.memory_space<vmem>> -> memref<128xi32, #tpu.memory_space<vmem>>
          %dma_wait3A_144 = arith.constant 0 : i32
          %dma_wait3A_145 = arith.constant 0 : i32
          %dma_wait3A_146 = tpu.memref_slice %arg12[%dma_wait3A_144, %dma_wait3A_145] : memref<10240x64xf32, #tpu.memory_space<vmem_shared>> -> memref<10240x64xf32, #tpu.memory_space<vmem_shared>>
          tpu.wait_indirect_dma semaphore(%run_scoped3A : memref<!tpu.dma_semaphore, #tpu.memory_space<semaphore_mem>>) src(%arg11 : memref<128x64xf32, #tpu.memory_space<vmem>>) dst(%dma_wait3A_146 : memref<10240x64xf32, #tpu.memory_space<vmem_shared>>)
          tpu.yield
        }) : () -> ()
        %add3A_127 = arith.constant 4 : i32
        %add3A_128 = arith.addi %add3A_120, %add3A_127 : i32
        %add3A_129 = arith.constant 136 : i32
        %add3A_130 = arith.addi %sub3A, %add3A_129 : i32
        %lt3A_131 = arith.cmpi slt, %add3A_128, %add3A_130 : i32
        %convert_element_type3A_132 = arith.extui %lt3A_131 : i1 to i32
        %cond3A_133 = arith.constant 0 : i32
        %cond3A_134 = arith.cmpi ne, %convert_element_type3A_132, %cond3A_133 : i32
        scf.if %cond3A_134 {
          %add3A_135 = arith.constant 4 : i32
          %add3A_136 = arith.addi %add3A_120, %add3A_135 : i32
          %dma_start3A_137 = arith.constant 0 : i32
          %dma_start3A_138 = tpu.memref_slice %arg6[%add3A_136, %dma_start3A_137] : memref<136x128xi32, #tpu.memory_space<vmem>> -> memref<1x128xi32, #tpu.memory_space<vmem>>
          %dma_start3A_139 = tpu.memref_squeeze %dma_start3A_138 : memref<1x128xi32, #tpu.memory_space<vmem>> -> memref<128xi32, #tpu.memory_space<vmem>>
          %dma_start3A_140 = arith.constant 0 : i32
          %dma_start3A_141 = arith.constant 0 : i32
          %dma_start3A_142 = tpu.memref_slice %arg2[%dma_start3A_140, %dma_start3A_141] : memref<10000x64xf32, #tpu.memory_space<hbm>> -> memref<10000x64xf32, #tpu.memory_space<hbm>>
          tpu.enqueue_indirect_dma source(%dma_start3A_142 : memref<10000x64xf32, #tpu.memory_space<hbm>>) target(%arg11 : memref<128x64xf32, #tpu.memory_space<vmem>>) offsets(%dma_start3A_139 : memref<128xi32, #tpu.memory_space<vmem>>) semaphore(%arg16 : memref<!tpu.dma_semaphore, #tpu.memory_space<semaphore_mem>>)
        } else {
        }
      }
      %scan3A_64 = arith.constant 34 : i32
    } else {
    }
    %eq3A_18 = arith.constant 1 : i32
    %eq3A_19 = arith.cmpi eq, %arg0, %eq3A_18 : i32
    %convert_element_type3A_20 = arith.extui %eq3A_19 : i1 to i32
    %cond3A_21 = arith.constant 0 : i32
    %cond3A_22 = arith.cmpi ne, %convert_element_type3A_20, %cond3A_21 : i32
    scf.if %cond3A_22 {
      %add3A_29 = arith.constant 0 : i32
      %add3A_30 = arith.addi %sub3A, %add3A_29 : i32
      %dma_start3A = arith.constant 0 : i32
      %dma_start3A_31 = tpu.memref_slice %arg6[%add3A_30, %dma_start3A] : memref<136x128xi32, #tpu.memory_space<vmem>> -> memref<1x128xi32, #tpu.memory_space<vmem>>
      %dma_start3A_32 = tpu.memref_squeeze %dma_start3A_31 : memref<1x128xi32, #tpu.memory_space<vmem>> -> memref<128xi32, #tpu.memory_space<vmem>>
      %dma_start3A_33 = arith.constant 0 : i32
      %dma_start3A_34 = arith.constant 0 : i32
      %dma_start3A_35 = tpu.memref_slice %arg2[%dma_start3A_33, %dma_start3A_34] : memref<10000x64xf32, #tpu.memory_space<hbm>> -> memref<10000x64xf32, #tpu.memory_space<hbm>>
      tpu.enqueue_indirect_dma source(%dma_start3A_35 : memref<10000x64xf32, #tpu.memory_space<hbm>>) target(%arg8 : memref<128x64xf32, #tpu.memory_space<vmem>>) offsets(%dma_start3A_32 : memref<128xi32, #tpu.memory_space<vmem>>) semaphore(%arg13 : memref<!tpu.dma_semaphore, #tpu.memory_space<semaphore_mem>>)
      %add3A_36 = arith.constant 1 : i32
      %add3A_37 = arith.addi %sub3A, %add3A_36 : i32
      %dma_start3A_38 = arith.constant 0 : i32
      %dma_start3A_39 = tpu.memref_slice %arg6[%add3A_37, %dma_start3A_38] : memref<136x128xi32, #tpu.memory_space<vmem>> -> memref<1x128xi32, #tpu.memory_space<vmem>>
      %dma_start3A_40 = tpu.memref_squeeze %dma_start3A_39 : memref<1x128xi32, #tpu.memory_space<vmem>> -> memref<128xi32, #tpu.memory_space<vmem>>
      %dma_start3A_41 = arith.constant 0 : i32
      %dma_start3A_42 = arith.constant 0 : i32
      %dma_start3A_43 = tpu.memref_slice %arg2[%dma_start3A_41, %dma_start3A_42] : memref<10000x64xf32, #tpu.memory_space<hbm>> -> memref<10000x64xf32, #tpu.memory_space<hbm>>
      tpu.enqueue_indirect_dma source(%dma_start3A_43 : memref<10000x64xf32, #tpu.memory_space<hbm>>) target(%arg9 : memref<128x64xf32, #tpu.memory_space<vmem>>) offsets(%dma_start3A_40 : memref<128xi32, #tpu.memory_space<vmem>>) semaphore(%arg14 : memref<!tpu.dma_semaphore, #tpu.memory_space<semaphore_mem>>)
      %add3A_44 = arith.constant 2 : i32
      %add3A_45 = arith.addi %sub3A, %add3A_44 : i32
      %dma_start3A_46 = arith.constant 0 : i32
      %dma_start3A_47 = tpu.memref_slice %arg6[%add3A_45, %dma_start3A_46] : memref<136x128xi32, #tpu.memory_space<vmem>> -> memref<1x128xi32, #tpu.memory_space<vmem>>
      %dma_start3A_48 = tpu.memref_squeeze %dma_start3A_47 : memref<1x128xi32, #tpu.memory_space<vmem>> -> memref<128xi32, #tpu.memory_space<vmem>>
      %dma_start3A_49 = arith.constant 0 : i32
      %dma_start3A_50 = arith.constant 0 : i32
      %dma_start3A_51 = tpu.memref_slice %arg2[%dma_start3A_49, %dma_start3A_50] : memref<10000x64xf32, #tpu.memory_space<hbm>> -> memref<10000x64xf32, #tpu.memory_space<hbm>>
      tpu.enqueue_indirect_dma source(%dma_start3A_51 : memref<10000x64xf32, #tpu.memory_space<hbm>>) target(%arg10 : memref<128x64xf32, #tpu.memory_space<vmem>>) offsets(%dma_start3A_48 : memref<128xi32, #tpu.memory_space<vmem>>) semaphore(%arg15 : memref<!tpu.dma_semaphore, #tpu.memory_space<semaphore_mem>>)
      %add3A_52 = arith.constant 3 : i32
      %add3A_53 = arith.addi %sub3A, %add3A_52 : i32
      %dma_start3A_54 = arith.constant 0 : i32
      %dma_start3A_55 = tpu.memref_slice %arg6[%add3A_53, %dma_start3A_54] : memref<136x128xi32, #tpu.memory_space<vmem>> -> memref<1x128xi32, #tpu.memory_space<vmem>>
      %dma_start3A_56 = tpu.memref_squeeze %dma_start3A_55 : memref<1x128xi32, #tpu.memory_space<vmem>> -> memref<128xi32, #tpu.memory_space<vmem>>
      %dma_start3A_57 = arith.constant 0 : i32
      %dma_start3A_58 = arith.constant 0 : i32
      %dma_start3A_59 = tpu.memref_slice %arg2[%dma_start3A_57, %dma_start3A_58] : memref<10000x64xf32, #tpu.memory_space<hbm>> -> memref<10000x64xf32, #tpu.memory_space<hbm>>
      tpu.enqueue_indirect_dma source(%dma_start3A_59 : memref<10000x64xf32, #tpu.memory_space<hbm>>) target(%arg11 : memref<128x64xf32, #tpu.memory_space<vmem>>) offsets(%dma_start3A_56 : memref<128xi32, #tpu.memory_space<vmem>>) semaphore(%arg16 : memref<!tpu.dma_semaphore, #tpu.memory_space<semaphore_mem>>)
      %scan3A_60 = arith.constant 0 : i32
      %scan3A_61 = arith.constant 6 : i32
      %scan3A_62 = arith.addi %scan3A_60, %scan3A_61 : i32
      %scan3A_63 = arith.constant 1 : i32
      scf.for %scan3A_65 = %scan3A_60 to %scan3A_62 step %scan3A_63  : i32 {
        %mul3A_66 = arith.constant 1 : i32
        %mul3A_67 = arith.muli %scan3A_65, %mul3A_66 : i32
        %add3A_68 = arith.constant 0 : i32
        %add3A_69 = arith.addi %add3A_68, %mul3A_67 : i32
        %mul3A_70 = arith.constant 4 : i32
        %mul3A_71 = arith.muli %add3A_69, %mul3A_70 : i32
        %add3A_72 = arith.addi %sub3A, %mul3A_71 : i32
        %add3A_73 = arith.constant 0 : i32
        %add3A_74 = arith.addi %add3A_72, %add3A_73 : i32
        %dma_wait3A = arith.constant 0 : i32
        %dma_wait3A_75 = tpu.memref_slice %arg6[%add3A_74, %dma_wait3A] : memref<136x128xi32, #tpu.memory_space<vmem>> -> memref<1x128xi32, #tpu.memory_space<vmem>>
        %dma_wait3A_76 = tpu.memref_squeeze %dma_wait3A_75 : memref<1x128xi32, #tpu.memory_space<vmem>> -> memref<128xi32, #tpu.memory_space<vmem>>
        %dma_wait3A_77 = arith.constant 0 : i32
        %dma_wait3A_78 = arith.constant 0 : i32
        %dma_wait3A_79 = tpu.memref_slice %arg2[%dma_wait3A_77, %dma_wait3A_78] : memref<10000x64xf32, #tpu.memory_space<hbm>> -> memref<10000x64xf32, #tpu.memory_space<hbm>>
        tpu.wait_indirect_dma semaphore(%arg13 : memref<!tpu.dma_semaphore, #tpu.memory_space<semaphore_mem>>) src(%dma_wait3A_79 : memref<10000x64xf32, #tpu.memory_space<hbm>>) dst(%arg8 : memref<128x64xf32, #tpu.memory_space<vmem>>)
        "tpu.region"() ({
          %run_scoped3A = tpu.sem_alloc : memref<!tpu.dma_semaphore, #tpu.memory_space<semaphore_mem>>
          %dma_start3A_135 = arith.constant 0 : i32
          %dma_start3A_136 = tpu.memref_slice %arg7[%add3A_74, %dma_start3A_135] : memref<136x128xi32, #tpu.memory_space<vmem>> -> memref<1x128xi32, #tpu.memory_space<vmem>>
          %dma_start3A_137 = tpu.memref_squeeze %dma_start3A_136 : memref<1x128xi32, #tpu.memory_space<vmem>> -> memref<128xi32, #tpu.memory_space<vmem>>
          %dma_start3A_138 = arith.constant 0 : i32
          %dma_start3A_139 = arith.constant 0 : i32
          %dma_start3A_140 = tpu.memref_slice %arg12[%dma_start3A_138, %dma_start3A_139] : memref<10240x64xf32, #tpu.memory_space<vmem_shared>> -> memref<10240x64xf32, #tpu.memory_space<vmem_shared>>
          tpu.enqueue_indirect_dma source(%arg8 : memref<128x64xf32, #tpu.memory_space<vmem>>) target(%dma_start3A_140 : memref<10240x64xf32, #tpu.memory_space<vmem_shared>>) offsets(%dma_start3A_137 : memref<128xi32, #tpu.memory_space<vmem>>) semaphore(%run_scoped3A : memref<!tpu.dma_semaphore, #tpu.memory_space<semaphore_mem>>) {add = true}
          %dma_wait3A_141 = arith.constant 0 : i32
          %dma_wait3A_142 = tpu.memref_slice %arg7[%add3A_74, %dma_wait3A_141] : memref<136x128xi32, #tpu.memory_space<vmem>> -> memref<1x128xi32, #tpu.memory_space<vmem>>
          %dma_wait3A_143 = tpu.memref_squeeze %dma_wait3A_142 : memref<1x128xi32, #tpu.memory_space<vmem>> -> memref<128xi32, #tpu.memory_space<vmem>>
          %dma_wait3A_144 = arith.constant 0 : i32
          %dma_wait3A_145 = arith.constant 0 : i32
          %dma_wait3A_146 = tpu.memref_slice %arg12[%dma_wait3A_144, %dma_wait3A_145] : memref<10240x64xf32, #tpu.memory_space<vmem_shared>> -> memref<10240x64xf32, #tpu.memory_space<vmem_shared>>
          tpu.wait_indirect_dma semaphore(%run_scoped3A : memref<!tpu.dma_semaphore, #tpu.memory_space<semaphore_mem>>) src(%arg8 : memref<128x64xf32, #tpu.memory_space<vmem>>) dst(%dma_wait3A_146 : memref<10240x64xf32, #tpu.memory_space<vmem_shared>>)
          tpu.yield
        }) : () -> ()
        %add3A_80 = arith.constant 4 : i32
        %add3A_81 = arith.addi %add3A_74, %add3A_80 : i32
        %add3A_82 = arith.constant 24 : i32
        %add3A_83 = arith.addi %sub3A, %add3A_82 : i32
        %lt3A = arith.cmpi slt, %add3A_81, %add3A_83 : i32
        %convert_element_type3A_84 = arith.extui %lt3A : i1 to i32
        %cond3A_85 = arith.constant 0 : i32
        %cond3A_86 = arith.cmpi ne, %convert_element_type3A_84, %cond3A_85 : i32
        scf.if %cond3A_86 {
          %add3A_135 = arith.constant 4 : i32
          %add3A_136 = arith.addi %add3A_74, %add3A_135 : i32
          %dma_start3A_137 = arith.constant 0 : i32
          %dma_start3A_138 = tpu.memref_slice %arg6[%add3A_136, %dma_start3A_137] : memref<136x128xi32, #tpu.memory_space<vmem>> -> memref<1x128xi32, #tpu.memory_space<vmem>>
          %dma_start3A_139 = tpu.memref_squeeze %dma_start3A_138 : memref<1x128xi32, #tpu.memory_space<vmem>> -> memref<128xi32, #tpu.memory_space<vmem>>
          %dma_start3A_140 = arith.constant 0 : i32
          %dma_start3A_141 = arith.constant 0 : i32
          %dma_start3A_142 = tpu.memref_slice %arg2[%dma_start3A_140, %dma_start3A_141] : memref<10000x64xf32, #tpu.memory_space<hbm>> -> memref<10000x64xf32, #tpu.memory_space<hbm>>
          tpu.enqueue_indirect_dma source(%dma_start3A_142 : memref<10000x64xf32, #tpu.memory_space<hbm>>) target(%arg8 : memref<128x64xf32, #tpu.memory_space<vmem>>) offsets(%dma_start3A_139 : memref<128xi32, #tpu.memory_space<vmem>>) semaphore(%arg13 : memref<!tpu.dma_semaphore, #tpu.memory_space<semaphore_mem>>)
        } else {
        }
        %add3A_87 = arith.constant 1 : i32
        %add3A_88 = arith.addi %add3A_72, %add3A_87 : i32
        %dma_wait3A_89 = arith.constant 0 : i32
        %dma_wait3A_90 = tpu.memref_slice %arg6[%add3A_88, %dma_wait3A_89] : memref<136x128xi32, #tpu.memory_space<vmem>> -> memref<1x128xi32, #tpu.memory_space<vmem>>
        %dma_wait3A_91 = tpu.memref_squeeze %dma_wait3A_90 : memref<1x128xi32, #tpu.memory_space<vmem>> -> memref<128xi32, #tpu.memory_space<vmem>>
        %dma_wait3A_92 = arith.constant 0 : i32
        %dma_wait3A_93 = arith.constant 0 : i32
        %dma_wait3A_94 = tpu.memref_slice %arg2[%dma_wait3A_92, %dma_wait3A_93] : memref<10000x64xf32, #tpu.memory_space<hbm>> -> memref<10000x64xf32, #tpu.memory_space<hbm>>
        tpu.wait_indirect_dma semaphore(%arg14 : memref<!tpu.dma_semaphore, #tpu.memory_space<semaphore_mem>>) src(%dma_wait3A_94 : memref<10000x64xf32, #tpu.memory_space<hbm>>) dst(%arg9 : memref<128x64xf32, #tpu.memory_space<vmem>>)
        "tpu.region"() ({
          %run_scoped3A = tpu.sem_alloc : memref<!tpu.dma_semaphore, #tpu.memory_space<semaphore_mem>>
          %dma_start3A_135 = arith.constant 0 : i32
          %dma_start3A_136 = tpu.memref_slice %arg7[%add3A_88, %dma_start3A_135] : memref<136x128xi32, #tpu.memory_space<vmem>> -> memref<1x128xi32, #tpu.memory_space<vmem>>
          %dma_start3A_137 = tpu.memref_squeeze %dma_start3A_136 : memref<1x128xi32, #tpu.memory_space<vmem>> -> memref<128xi32, #tpu.memory_space<vmem>>
          %dma_start3A_138 = arith.constant 0 : i32
          %dma_start3A_139 = arith.constant 0 : i32
          %dma_start3A_140 = tpu.memref_slice %arg12[%dma_start3A_138, %dma_start3A_139] : memref<10240x64xf32, #tpu.memory_space<vmem_shared>> -> memref<10240x64xf32, #tpu.memory_space<vmem_shared>>
          tpu.enqueue_indirect_dma source(%arg9 : memref<128x64xf32, #tpu.memory_space<vmem>>) target(%dma_start3A_140 : memref<10240x64xf32, #tpu.memory_space<vmem_shared>>) offsets(%dma_start3A_137 : memref<128xi32, #tpu.memory_space<vmem>>) semaphore(%run_scoped3A : memref<!tpu.dma_semaphore, #tpu.memory_space<semaphore_mem>>) {add = true}
          %dma_wait3A_141 = arith.constant 0 : i32
          %dma_wait3A_142 = tpu.memref_slice %arg7[%add3A_88, %dma_wait3A_141] : memref<136x128xi32, #tpu.memory_space<vmem>> -> memref<1x128xi32, #tpu.memory_space<vmem>>
          %dma_wait3A_143 = tpu.memref_squeeze %dma_wait3A_142 : memref<1x128xi32, #tpu.memory_space<vmem>> -> memref<128xi32, #tpu.memory_space<vmem>>
          %dma_wait3A_144 = arith.constant 0 : i32
          %dma_wait3A_145 = arith.constant 0 : i32
          %dma_wait3A_146 = tpu.memref_slice %arg12[%dma_wait3A_144, %dma_wait3A_145] : memref<10240x64xf32, #tpu.memory_space<vmem_shared>> -> memref<10240x64xf32, #tpu.memory_space<vmem_shared>>
          tpu.wait_indirect_dma semaphore(%run_scoped3A : memref<!tpu.dma_semaphore, #tpu.memory_space<semaphore_mem>>) src(%arg9 : memref<128x64xf32, #tpu.memory_space<vmem>>) dst(%dma_wait3A_146 : memref<10240x64xf32, #tpu.memory_space<vmem_shared>>)
          tpu.yield
        }) : () -> ()
        %add3A_95 = arith.constant 4 : i32
        %add3A_96 = arith.addi %add3A_88, %add3A_95 : i32
        %add3A_97 = arith.constant 24 : i32
        %add3A_98 = arith.addi %sub3A, %add3A_97 : i32
        %lt3A_99 = arith.cmpi slt, %add3A_96, %add3A_98 : i32
        %convert_element_type3A_100 = arith.extui %lt3A_99 : i1 to i32
        %cond3A_101 = arith.constant 0 : i32
        %cond3A_102 = arith.cmpi ne, %convert_element_type3A_100, %cond3A_101 : i32
        scf.if %cond3A_102 {
          %add3A_135 = arith.constant 4 : i32
          %add3A_136 = arith.addi %add3A_88, %add3A_135 : i32
          %dma_start3A_137 = arith.constant 0 : i32
          %dma_start3A_138 = tpu.memref_slice %arg6[%add3A_136, %dma_start3A_137] : memref<136x128xi32, #tpu.memory_space<vmem>> -> memref<1x128xi32, #tpu.memory_space<vmem>>
          %dma_start3A_139 = tpu.memref_squeeze %dma_start3A_138 : memref<1x128xi32, #tpu.memory_space<vmem>> -> memref<128xi32, #tpu.memory_space<vmem>>
          %dma_start3A_140 = arith.constant 0 : i32
          %dma_start3A_141 = arith.constant 0 : i32
          %dma_start3A_142 = tpu.memref_slice %arg2[%dma_start3A_140, %dma_start3A_141] : memref<10000x64xf32, #tpu.memory_space<hbm>> -> memref<10000x64xf32, #tpu.memory_space<hbm>>
          tpu.enqueue_indirect_dma source(%dma_start3A_142 : memref<10000x64xf32, #tpu.memory_space<hbm>>) target(%arg9 : memref<128x64xf32, #tpu.memory_space<vmem>>) offsets(%dma_start3A_139 : memref<128xi32, #tpu.memory_space<vmem>>) semaphore(%arg14 : memref<!tpu.dma_semaphore, #tpu.memory_space<semaphore_mem>>)
        } else {
        }
        %add3A_103 = arith.constant 2 : i32
        %add3A_104 = arith.addi %add3A_72, %add3A_103 : i32
        %dma_wait3A_105 = arith.constant 0 : i32
        %dma_wait3A_106 = tpu.memref_slice %arg6[%add3A_104, %dma_wait3A_105] : memref<136x128xi32, #tpu.memory_space<vmem>> -> memref<1x128xi32, #tpu.memory_space<vmem>>
        %dma_wait3A_107 = tpu.memref_squeeze %dma_wait3A_106 : memref<1x128xi32, #tpu.memory_space<vmem>> -> memref<128xi32, #tpu.memory_space<vmem>>
        %dma_wait3A_108 = arith.constant 0 : i32
        %dma_wait3A_109 = arith.constant 0 : i32
        %dma_wait3A_110 = tpu.memref_slice %arg2[%dma_wait3A_108, %dma_wait3A_109] : memref<10000x64xf32, #tpu.memory_space<hbm>> -> memref<10000x64xf32, #tpu.memory_space<hbm>>
        tpu.wait_indirect_dma semaphore(%arg15 : memref<!tpu.dma_semaphore, #tpu.memory_space<semaphore_mem>>) src(%dma_wait3A_110 : memref<10000x64xf32, #tpu.memory_space<hbm>>) dst(%arg10 : memref<128x64xf32, #tpu.memory_space<vmem>>)
        "tpu.region"() ({
          %run_scoped3A = tpu.sem_alloc : memref<!tpu.dma_semaphore, #tpu.memory_space<semaphore_mem>>
          %dma_start3A_135 = arith.constant 0 : i32
          %dma_start3A_136 = tpu.memref_slice %arg7[%add3A_104, %dma_start3A_135] : memref<136x128xi32, #tpu.memory_space<vmem>> -> memref<1x128xi32, #tpu.memory_space<vmem>>
          %dma_start3A_137 = tpu.memref_squeeze %dma_start3A_136 : memref<1x128xi32, #tpu.memory_space<vmem>> -> memref<128xi32, #tpu.memory_space<vmem>>
          %dma_start3A_138 = arith.constant 0 : i32
          %dma_start3A_139 = arith.constant 0 : i32
          %dma_start3A_140 = tpu.memref_slice %arg12[%dma_start3A_138, %dma_start3A_139] : memref<10240x64xf32, #tpu.memory_space<vmem_shared>> -> memref<10240x64xf32, #tpu.memory_space<vmem_shared>>
          tpu.enqueue_indirect_dma source(%arg10 : memref<128x64xf32, #tpu.memory_space<vmem>>) target(%dma_start3A_140 : memref<10240x64xf32, #tpu.memory_space<vmem_shared>>) offsets(%dma_start3A_137 : memref<128xi32, #tpu.memory_space<vmem>>) semaphore(%run_scoped3A : memref<!tpu.dma_semaphore, #tpu.memory_space<semaphore_mem>>) {add = true}
          %dma_wait3A_141 = arith.constant 0 : i32
          %dma_wait3A_142 = tpu.memref_slice %arg7[%add3A_104, %dma_wait3A_141] : memref<136x128xi32, #tpu.memory_space<vmem>> -> memref<1x128xi32, #tpu.memory_space<vmem>>
          %dma_wait3A_143 = tpu.memref_squeeze %dma_wait3A_142 : memref<1x128xi32, #tpu.memory_space<vmem>> -> memref<128xi32, #tpu.memory_space<vmem>>
          %dma_wait3A_144 = arith.constant 0 : i32
          %dma_wait3A_145 = arith.constant 0 : i32
          %dma_wait3A_146 = tpu.memref_slice %arg12[%dma_wait3A_144, %dma_wait3A_145] : memref<10240x64xf32, #tpu.memory_space<vmem_shared>> -> memref<10240x64xf32, #tpu.memory_space<vmem_shared>>
          tpu.wait_indirect_dma semaphore(%run_scoped3A : memref<!tpu.dma_semaphore, #tpu.memory_space<semaphore_mem>>) src(%arg10 : memref<128x64xf32, #tpu.memory_space<vmem>>) dst(%dma_wait3A_146 : memref<10240x64xf32, #tpu.memory_space<vmem_shared>>)
          tpu.yield
        }) : () -> ()
        %add3A_111 = arith.constant 4 : i32
        %add3A_112 = arith.addi %add3A_104, %add3A_111 : i32
        %add3A_113 = arith.constant 24 : i32
        %add3A_114 = arith.addi %sub3A, %add3A_113 : i32
        %lt3A_115 = arith.cmpi slt, %add3A_112, %add3A_114 : i32
        %convert_element_type3A_116 = arith.extui %lt3A_115 : i1 to i32
        %cond3A_117 = arith.constant 0 : i32
        %cond3A_118 = arith.cmpi ne, %convert_element_type3A_116, %cond3A_117 : i32
        scf.if %cond3A_118 {
          %add3A_135 = arith.constant 4 : i32
          %add3A_136 = arith.addi %add3A_104, %add3A_135 : i32
          %dma_start3A_137 = arith.constant 0 : i32
          %dma_start3A_138 = tpu.memref_slice %arg6[%add3A_136, %dma_start3A_137] : memref<136x128xi32, #tpu.memory_space<vmem>> -> memref<1x128xi32, #tpu.memory_space<vmem>>
          %dma_start3A_139 = tpu.memref_squeeze %dma_start3A_138 : memref<1x128xi32, #tpu.memory_space<vmem>> -> memref<128xi32, #tpu.memory_space<vmem>>
          %dma_start3A_140 = arith.constant 0 : i32
          %dma_start3A_141 = arith.constant 0 : i32
          %dma_start3A_142 = tpu.memref_slice %arg2[%dma_start3A_140, %dma_start3A_141] : memref<10000x64xf32, #tpu.memory_space<hbm>> -> memref<10000x64xf32, #tpu.memory_space<hbm>>
          tpu.enqueue_indirect_dma source(%dma_start3A_142 : memref<10000x64xf32, #tpu.memory_space<hbm>>) target(%arg10 : memref<128x64xf32, #tpu.memory_space<vmem>>) offsets(%dma_start3A_139 : memref<128xi32, #tpu.memory_space<vmem>>) semaphore(%arg15 : memref<!tpu.dma_semaphore, #tpu.memory_space<semaphore_mem>>)
        } else {
        }
        %add3A_119 = arith.constant 3 : i32
        %add3A_120 = arith.addi %add3A_72, %add3A_119 : i32
        %dma_wait3A_121 = arith.constant 0 : i32
        %dma_wait3A_122 = tpu.memref_slice %arg6[%add3A_120, %dma_wait3A_121] : memref<136x128xi32, #tpu.memory_space<vmem>> -> memref<1x128xi32, #tpu.memory_space<vmem>>
        %dma_wait3A_123 = tpu.memref_squeeze %dma_wait3A_122 : memref<1x128xi32, #tpu.memory_space<vmem>> -> memref<128xi32, #tpu.memory_space<vmem>>
        %dma_wait3A_124 = arith.constant 0 : i32
        %dma_wait3A_125 = arith.constant 0 : i32
        %dma_wait3A_126 = tpu.memref_slice %arg2[%dma_wait3A_124, %dma_wait3A_125] : memref<10000x64xf32, #tpu.memory_space<hbm>> -> memref<10000x64xf32, #tpu.memory_space<hbm>>
        tpu.wait_indirect_dma semaphore(%arg16 : memref<!tpu.dma_semaphore, #tpu.memory_space<semaphore_mem>>) src(%dma_wait3A_126 : memref<10000x64xf32, #tpu.memory_space<hbm>>) dst(%arg11 : memref<128x64xf32, #tpu.memory_space<vmem>>)
        "tpu.region"() ({
          %run_scoped3A = tpu.sem_alloc : memref<!tpu.dma_semaphore, #tpu.memory_space<semaphore_mem>>
          %dma_start3A_135 = arith.constant 0 : i32
          %dma_start3A_136 = tpu.memref_slice %arg7[%add3A_120, %dma_start3A_135] : memref<136x128xi32, #tpu.memory_space<vmem>> -> memref<1x128xi32, #tpu.memory_space<vmem>>
          %dma_start3A_137 = tpu.memref_squeeze %dma_start3A_136 : memref<1x128xi32, #tpu.memory_space<vmem>> -> memref<128xi32, #tpu.memory_space<vmem>>
          %dma_start3A_138 = arith.constant 0 : i32
          %dma_start3A_139 = arith.constant 0 : i32
          %dma_start3A_140 = tpu.memref_slice %arg12[%dma_start3A_138, %dma_start3A_139] : memref<10240x64xf32, #tpu.memory_space<vmem_shared>> -> memref<10240x64xf32, #tpu.memory_space<vmem_shared>>
          tpu.enqueue_indirect_dma source(%arg11 : memref<128x64xf32, #tpu.memory_space<vmem>>) target(%dma_start3A_140 : memref<10240x64xf32, #tpu.memory_space<vmem_shared>>) offsets(%dma_start3A_137 : memref<128xi32, #tpu.memory_space<vmem>>) semaphore(%run_scoped3A : memref<!tpu.dma_semaphore, #tpu.memory_space<semaphore_mem>>) {add = true}
          %dma_wait3A_141 = arith.constant 0 : i32
          %dma_wait3A_142 = tpu.memref_slice %arg7[%add3A_120, %dma_wait3A_141] : memref<136x128xi32, #tpu.memory_space<vmem>> -> memref<1x128xi32, #tpu.memory_space<vmem>>
          %dma_wait3A_143 = tpu.memref_squeeze %dma_wait3A_142 : memref<1x128xi32, #tpu.memory_space<vmem>> -> memref<128xi32, #tpu.memory_space<vmem>>
          %dma_wait3A_144 = arith.constant 0 : i32
          %dma_wait3A_145 = arith.constant 0 : i32
          %dma_wait3A_146 = tpu.memref_slice %arg12[%dma_wait3A_144, %dma_wait3A_145] : memref<10240x64xf32, #tpu.memory_space<vmem_shared>> -> memref<10240x64xf32, #tpu.memory_space<vmem_shared>>
          tpu.wait_indirect_dma semaphore(%run_scoped3A : memref<!tpu.dma_semaphore, #tpu.memory_space<semaphore_mem>>) src(%arg11 : memref<128x64xf32, #tpu.memory_space<vmem>>) dst(%dma_wait3A_146 : memref<10240x64xf32, #tpu.memory_space<vmem_shared>>)
          tpu.yield
        }) : () -> ()
        %add3A_127 = arith.constant 4 : i32
        %add3A_128 = arith.addi %add3A_120, %add3A_127 : i32
        %add3A_129 = arith.constant 24 : i32
        %add3A_130 = arith.addi %sub3A, %add3A_129 : i32
        %lt3A_131 = arith.cmpi slt, %add3A_128, %add3A_130 : i32
        %convert_element_type3A_132 = arith.extui %lt3A_131 : i1 to i32
        %cond3A_133 = arith.constant 0 : i32
        %cond3A_134 = arith.cmpi ne, %convert_element_type3A_132, %cond3A_133 : i32
        scf.if %cond3A_134 {
          %add3A_135 = arith.constant 4 : i32
          %add3A_136 = arith.addi %add3A_120, %add3A_135 : i32
          %dma_start3A_137 = arith.constant 0 : i32
          %dma_start3A_138 = tpu.memref_slice %arg6[%add3A_136, %dma_start3A_137] : memref<136x128xi32, #tpu.memory_space<vmem>> -> memref<1x128xi32, #tpu.memory_space<vmem>>
          %dma_start3A_139 = tpu.memref_squeeze %dma_start3A_138 : memref<1x128xi32, #tpu.memory_space<vmem>> -> memref<128xi32, #tpu.memory_space<vmem>>
          %dma_start3A_140 = arith.constant 0 : i32
          %dma_start3A_141 = arith.constant 0 : i32
          %dma_start3A_142 = tpu.memref_slice %arg2[%dma_start3A_140, %dma_start3A_141] : memref<10000x64xf32, #tpu.memory_space<hbm>> -> memref<10000x64xf32, #tpu.memory_space<hbm>>
          tpu.enqueue_indirect_dma source(%dma_start3A_142 : memref<10000x64xf32, #tpu.memory_space<hbm>>) target(%arg11 : memref<128x64xf32, #tpu.memory_space<vmem>>) offsets(%dma_start3A_139 : memref<128xi32, #tpu.memory_space<vmem>>) semaphore(%arg16 : memref<!tpu.dma_semaphore, #tpu.memory_space<semaphore_mem>>)
        } else {
        }
      }
      %scan3A_64 = arith.constant 6 : i32
    } else {
    }
    %barrier3A_23 = arith.constant 0 : index
    tpu.barrier barrier_id(%barrier3A_23)
    %scan3A_24 = arith.constant 0 : i32
    %scan3A_25 = arith.constant 5 : i32
    %scan3A_26 = arith.addi %scan3A_24, %scan3A_25 : i32
    %scan3A_27 = arith.constant 1 : i32
    scf.for %scan3A_29 = %scan3A_24 to %scan3A_26 step %scan3A_27  : i32 {
      %mul3A_30 = arith.constant 1 : i32
      %mul3A_31 = arith.muli %scan3A_29, %mul3A_30 : i32
      %add3A_32 = arith.constant 0 : i32
      %add3A_33 = arith.addi %add3A_32, %mul3A_31 : i32
      %mul3A_34 = arith.constant 640 : i32
      %mul3A_35 = arith.muli %arg1, %mul3A_34 : i32
      %mul3A_36 = arith.constant 128 : i32
      %mul3A_37 = arith.muli %add3A_33, %mul3A_36 : i32
      %add3A_38 = arith.addi %mul3A_35, %mul3A_37 : i32
      "tpu.region"() ({
        %run_scoped3A = tpu.sem_alloc : memref<!tpu.dma_semaphore, #tpu.memory_space<semaphore_mem>>
        %dma_start3A = arith.constant 0 : i32
        %dma_start3A_39 = arith.constant 0 : i32
        %dma_start3A_40 = tpu.memref_slice %arg5[%arg0, %dma_start3A, %dma_start3A_39] : memref<2x10240x64xf32, #tpu.memory_space<hbm>> -> memref<1x10240x64xf32, #tpu.memory_space<hbm>>
        %dma_start3A_41 = tpu.memref_squeeze %dma_start3A_40 : memref<1x10240x64xf32, #tpu.memory_space<hbm>> -> memref<10240x64xf32, #tpu.memory_space<hbm>>
        %dma_start3A_42 = arith.constant 0 : i32
        %dma_start3A_43 = tpu.memref_slice %dma_start3A_41[%add3A_38, %dma_start3A_42] : memref<10240x64xf32, #tpu.memory_space<hbm>> -> memref<128x64xf32, #tpu.memory_space<hbm>>
        %dma_start3A_44 = arith.constant 0 : i32
        %dma_start3A_45 = tpu.memref_slice %arg12[%add3A_38, %dma_start3A_44] : memref<10240x64xf32, #tpu.memory_space<vmem_shared>> -> memref<128x64xf32, #tpu.memory_space<vmem_shared>>
        tpu.enqueue_dma source(%dma_start3A_45 : memref<128x64xf32, #tpu.memory_space<vmem_shared>>) target(%dma_start3A_43 : memref<128x64xf32, #tpu.memory_space<hbm>>) target_semaphore(%run_scoped3A : memref<!tpu.dma_semaphore, #tpu.memory_space<semaphore_mem>>)
        %dma_wait3A = arith.constant 0 : i32
        %dma_wait3A_46 = arith.constant 0 : i32
        %dma_wait3A_47 = tpu.memref_slice %arg5[%arg0, %dma_wait3A, %dma_wait3A_46] : memref<2x10240x64xf32, #tpu.memory_space<hbm>> -> memref<1x10240x64xf32, #tpu.memory_space<hbm>>
        %dma_wait3A_48 = tpu.memref_squeeze %dma_wait3A_47 : memref<1x10240x64xf32, #tpu.memory_space<hbm>> -> memref<10240x64xf32, #tpu.memory_space<hbm>>
        %dma_wait3A_49 = arith.constant 0 : i32
        %dma_wait3A_50 = tpu.memref_slice %dma_wait3A_48[%add3A_38, %dma_wait3A_49] : memref<10240x64xf32, #tpu.memory_space<hbm>> -> memref<128x64xf32, #tpu.memory_space<hbm>>
        %dma_wait3A_51 = arith.constant 0 : i32
        %dma_wait3A_52 = tpu.memref_slice %arg12[%add3A_38, %dma_wait3A_51] : memref<10240x64xf32, #tpu.memory_space<vmem_shared>> -> memref<128x64xf32, #tpu.memory_space<vmem_shared>>
        tpu.wait_dma2 semaphore(%run_scoped3A : memref<!tpu.dma_semaphore, #tpu.memory_space<semaphore_mem>>) src(%dma_wait3A_52 : memref<128x64xf32, #tpu.memory_space<vmem_shared>>) dst(%dma_wait3A_50 : memref<128x64xf32, #tpu.memory_space<hbm>>)
        tpu.yield
      }) : () -> ()
    }
    %scan3A_28 = arith.constant 5 : i32
    return
  }
}

#map = affine_map<(d0, d1) -> (0, 0)>
#map1 = affine_map<(d0, d1) -> (0, 0, 0)>
module attributes {stable_mosaic.version = 14 : i64} {
  func.func @k(%arg0: i32, %arg1: i32, %arg2: memref<10000x32xf32, #tpu.memory_space<hbm>>, %arg3: memref<2560x128xi32, #tpu.memory_space<hbm>>, %arg4: memref<2560x128xi32, #tpu.memory_space<hbm>>, %arg5: memref<2x10240x32xf32, #tpu.memory_space<hbm>>, %arg6: memref<136x128xi32, #tpu.memory_space<vmem>>, %arg7: memref<136x128xi32, #tpu.memory_space<vmem>>, %arg8: memref<128x32xf32, #tpu.memory_space<vmem>>, %arg9: memref<128x32xf32, #tpu.memory_space<vmem>>, %arg10: memref<128x32xf32, #tpu.memory_space<vmem>>, %arg11: memref<128x32xf32, #tpu.memory_space<vmem>>, %arg12: memref<128x32xf32, #tpu.memory_space<vmem>>, %arg13: memref<128x32xf32, #tpu.memory_space<vmem>>, %arg14: memref<128x32xf32, #tpu.memory_space<vmem>>, %arg15: memref<128x32xf32, #tpu.memory_space<vmem>>, %arg16: memref<10240x32xf32, #tpu.memory_space<vmem_shared>>, %arg17: memref<!tpu.dma_semaphore, #tpu.memory_space<semaphore_mem>>, %arg18: memref<!tpu.dma_semaphore, #tpu.memory_space<semaphore_mem>>, %arg19: memref<!tpu.dma_semaphore, #tpu.memory_space<semaphore_mem>>, %arg20: memref<!tpu.dma_semaphore, #tpu.memory_space<semaphore_mem>>, %arg21: memref<!tpu.dma_semaphore, #tpu.memory_space<semaphore_mem>>, %arg22: memref<!tpu.dma_semaphore, #tpu.memory_space<semaphore_mem>>, %arg23: memref<!tpu.dma_semaphore, #tpu.memory_space<semaphore_mem>>, %arg24: memref<!tpu.dma_semaphore, #tpu.memory_space<semaphore_mem>>) attributes {dimension_semantics = [#tpu.dimension_semantics<core_parallel>, #tpu.dimension_semantics<subcore_parallel>], iteration_bounds = array<i64: 2, 16>, scalar_prefetch = 0 : i64, scratch_operands = 19 : i64, tpu.core_type = #tpu.core_type<sc_vector_subcore>, window_params = [{transform_indices = #map}, {transform_indices = #map}, {transform_indices = #map}, {transform_indices = #map1}]} {
    %eq3A = arith.constant 0 : i32
    %eq3A_0 = arith.cmpi eq, %arg0, %eq3A : i32
    %mul3A = arith.constant 136 : i32
    %mul3A_1 = arith.muli %arg1, %mul3A : i32
    %mul3A_2 = arith.constant 24 : i32
    %mul3A_3 = arith.muli %arg1, %mul3A_2 : i32
    %add3A = arith.constant 2176 : i32
    %add3A_4 = arith.addi %add3A, %mul3A_3 : i32
    %select_n3A = arith.select %eq3A_0, %mul3A_1, %add3A_4 : i32
    %min3A = arith.constant 2424 : i32
    %min3A_5 = arith.minsi %select_n3A, %min3A : i32
    %sub3A = arith.subi %select_n3A, %min3A_5 : i32
    "tpu.region"() ({
      %run_scoped3A = tpu.sem_alloc : memref<!tpu.dma_semaphore, #tpu.memory_space<semaphore_mem>>
      %dma_start3A = arith.constant 0 : i32
      %dma_start3A_29 = tpu.memref_slice %arg3[%min3A_5, %dma_start3A] : memref<2560x128xi32, #tpu.memory_space<hbm>> -> memref<136x128xi32, #tpu.memory_space<hbm>>
      %dma_start3A_30 = arith.constant 0 : i32
      %dma_start3A_31 = tpu.memref_slice %arg3[%min3A_5, %dma_start3A_30] : memref<2560x128xi32, #tpu.memory_space<hbm>> -> memref<136x128xi32, #tpu.memory_space<hbm>>
      tpu.enqueue_dma source(%dma_start3A_31 : memref<136x128xi32, #tpu.memory_space<hbm>>) target(%arg6 : memref<136x128xi32, #tpu.memory_space<vmem>>) target_semaphore(%run_scoped3A : memref<!tpu.dma_semaphore, #tpu.memory_space<semaphore_mem>>)
      %dma_wait3A = arith.constant 0 : i32
      %dma_wait3A_32 = tpu.memref_slice %arg3[%min3A_5, %dma_wait3A] : memref<2560x128xi32, #tpu.memory_space<hbm>> -> memref<136x128xi32, #tpu.memory_space<hbm>>
      %dma_wait3A_33 = arith.constant 0 : i32
      %dma_wait3A_34 = tpu.memref_slice %arg3[%min3A_5, %dma_wait3A_33] : memref<2560x128xi32, #tpu.memory_space<hbm>> -> memref<136x128xi32, #tpu.memory_space<hbm>>
      tpu.wait_dma2 semaphore(%run_scoped3A : memref<!tpu.dma_semaphore, #tpu.memory_space<semaphore_mem>>) src(%dma_wait3A_34 : memref<136x128xi32, #tpu.memory_space<hbm>>) dst(%arg6 : memref<136x128xi32, #tpu.memory_space<vmem>>)
      tpu.yield
    }) : () -> ()
    "tpu.region"() ({
      %run_scoped3A = tpu.sem_alloc : memref<!tpu.dma_semaphore, #tpu.memory_space<semaphore_mem>>
      %dma_start3A = arith.constant 0 : i32
      %dma_start3A_29 = tpu.memref_slice %arg4[%min3A_5, %dma_start3A] : memref<2560x128xi32, #tpu.memory_space<hbm>> -> memref<136x128xi32, #tpu.memory_space<hbm>>
      %dma_start3A_30 = arith.constant 0 : i32
      %dma_start3A_31 = tpu.memref_slice %arg4[%min3A_5, %dma_start3A_30] : memref<2560x128xi32, #tpu.memory_space<hbm>> -> memref<136x128xi32, #tpu.memory_space<hbm>>
      tpu.enqueue_dma source(%dma_start3A_31 : memref<136x128xi32, #tpu.memory_space<hbm>>) target(%arg7 : memref<136x128xi32, #tpu.memory_space<vmem>>) target_semaphore(%run_scoped3A : memref<!tpu.dma_semaphore, #tpu.memory_space<semaphore_mem>>)
      %dma_wait3A = arith.constant 0 : i32
      %dma_wait3A_32 = tpu.memref_slice %arg4[%min3A_5, %dma_wait3A] : memref<2560x128xi32, #tpu.memory_space<hbm>> -> memref<136x128xi32, #tpu.memory_space<hbm>>
      %dma_wait3A_33 = arith.constant 0 : i32
      %dma_wait3A_34 = tpu.memref_slice %arg4[%min3A_5, %dma_wait3A_33] : memref<2560x128xi32, #tpu.memory_space<hbm>> -> memref<136x128xi32, #tpu.memory_space<hbm>>
      tpu.wait_dma2 semaphore(%run_scoped3A : memref<!tpu.dma_semaphore, #tpu.memory_space<semaphore_mem>>) src(%dma_wait3A_34 : memref<136x128xi32, #tpu.memory_space<hbm>>) dst(%arg7 : memref<136x128xi32, #tpu.memory_space<vmem>>)
      tpu.yield
    }) : () -> ()
    %scan3A = arith.constant 0 : i32
    %scan3A_6 = arith.constant 128 : i32
    %scan3A_7 = arith.addi %scan3A, %scan3A_6 : i32
    %scan3A_8 = arith.constant 1 : i32
    scf.for %scan3A_29 = %scan3A to %scan3A_7 step %scan3A_8  : i32 {
      %mul3A_30 = arith.constant 1 : i32
      %mul3A_31 = arith.muli %scan3A_29, %mul3A_30 : i32
      %add3A_32 = arith.constant 0 : i32
      %add3A_33 = arith.addi %add3A_32, %mul3A_31 : i32
      %scan3A_34 = arith.constant 0 : i32
      %scan3A_35 = arith.constant 2 : i32
      %scan3A_36 = arith.addi %scan3A_34, %scan3A_35 : i32
      %scan3A_37 = arith.constant 1 : i32
      scf.for %scan3A_39 = %scan3A_34 to %scan3A_36 step %scan3A_37  : i32 {
        %mul3A_40 = arith.constant 1 : i32
        %mul3A_41 = arith.muli %scan3A_39, %mul3A_40 : i32
        %add3A_42 = arith.constant 0 : i32
        %add3A_43 = arith.addi %add3A_42, %mul3A_41 : i32
        %broadcast_in_dim3A = arith.constant 0.000000e+00 : f32
        %broadcast_in_dim3A_44 = vector.broadcast %broadcast_in_dim3A : f32 to vector<16xf32>
        %mul3A_45 = arith.constant 16 : i32
        %mul3A_46 = arith.muli %add3A_43, %mul3A_45 : i32
        %swap3A = arith.index_cast %add3A_33 : i32 to index
        %swap3A_47 = arith.index_cast %mul3A_46 : i32 to index
        %swap3A_48 = tpu.vector_load %arg8[%swap3A, %swap3A_47] {strides = array<i32>} : memref<128x32xf32, #tpu.memory_space<vmem>>, vector<1x16xf32>,
        %swap3A_49 = vector.shape_cast %swap3A_48 : vector<1x16xf32> to vector<16xf32>
        %swap3A_50 = vector.shape_cast %broadcast_in_dim3A_44 : vector<16xf32> to vector<1x16xf32>
        tpu.vector_store %arg8[%swap3A, %swap3A_47], %swap3A_50 {strides = array<i32>} : memref<128x32xf32, #tpu.memory_space<vmem>>, vector<1x16xf32>,
      }
      %scan3A_38 = arith.constant 2 : i32
    }
    %scan3A_9 = arith.constant 128 : i32
    %scan3A_10 = arith.constant 0 : i32
    %scan3A_11 = arith.constant 5 : i32
    %scan3A_12 = arith.addi %scan3A_10, %scan3A_11 : i32
    %scan3A_13 = arith.constant 1 : i32
    scf.for %scan3A_29 = %scan3A_10 to %scan3A_12 step %scan3A_13  : i32 {
      %mul3A_30 = arith.constant 1 : i32
      %mul3A_31 = arith.muli %scan3A_29, %mul3A_30 : i32
      %add3A_32 = arith.constant 0 : i32
      %add3A_33 = arith.addi %add3A_32, %mul3A_31 : i32
      %mul3A_34 = arith.constant 640 : i32
      %mul3A_35 = arith.muli %arg1, %mul3A_34 : i32
      %mul3A_36 = arith.constant 128 : i32
      %mul3A_37 = arith.muli %add3A_33, %mul3A_36 : i32
      %add3A_38 = arith.addi %mul3A_35, %mul3A_37 : i32
      "tpu.region"() ({
        %run_scoped3A = tpu.sem_alloc : memref<!tpu.dma_semaphore, #tpu.memory_space<semaphore_mem>>
        %dma_start3A = arith.constant 0 : i32
        %dma_start3A_39 = tpu.memref_slice %arg16[%add3A_38, %dma_start3A] : memref<10240x32xf32, #tpu.memory_space<vmem_shared>> -> memref<128x32xf32, #tpu.memory_space<vmem_shared>>
        %dma_start3A_40 = arith.constant 0 : i32
        %dma_start3A_41 = tpu.memref_slice %arg16[%add3A_38, %dma_start3A_40] : memref<10240x32xf32, #tpu.memory_space<vmem_shared>> -> memref<128x32xf32, #tpu.memory_space<vmem_shared>>
        tpu.enqueue_dma source(%arg8 : memref<128x32xf32, #tpu.memory_space<vmem>>) target(%dma_start3A_41 : memref<128x32xf32, #tpu.memory_space<vmem_shared>>) target_semaphore(%run_scoped3A : memref<!tpu.dma_semaphore, #tpu.memory_space<semaphore_mem>>)
        %dma_wait3A = arith.constant 0 : i32
        %dma_wait3A_42 = tpu.memref_slice %arg16[%add3A_38, %dma_wait3A] : memref<10240x32xf32, #tpu.memory_space<vmem_shared>> -> memref<128x32xf32, #tpu.memory_space<vmem_shared>>
        %dma_wait3A_43 = arith.constant 0 : i32
        %dma_wait3A_44 = tpu.memref_slice %arg16[%add3A_38, %dma_wait3A_43] : memref<10240x32xf32, #tpu.memory_space<vmem_shared>> -> memref<128x32xf32, #tpu.memory_space<vmem_shared>>
        tpu.wait_dma2 semaphore(%run_scoped3A : memref<!tpu.dma_semaphore, #tpu.memory_space<semaphore_mem>>) src(%arg8 : memref<128x32xf32, #tpu.memory_space<vmem>>) dst(%dma_wait3A_44 : memref<128x32xf32, #tpu.memory_space<vmem_shared>>)
        tpu.yield
      }) : () -> ()
    }
    %scan3A_14 = arith.constant 5 : i32
    %barrier3A = arith.constant 0 : index
    tpu.barrier barrier_id(%barrier3A)
    %eq3A_15 = arith.constant 0 : i32
    %eq3A_16 = arith.cmpi eq, %arg0, %eq3A_15 : i32
    %convert_element_type3A = arith.extui %eq3A_16 : i1 to i32
    %cond3A = arith.constant 0 : i32
    %cond3A_17 = arith.cmpi ne, %convert_element_type3A, %cond3A : i32
    scf.if %cond3A_17 {
      %add3A_29 = arith.constant 0 : i32
      %add3A_30 = arith.addi %sub3A, %add3A_29 : i32
      %dma_start3A = arith.constant 0 : i32
      %dma_start3A_31 = tpu.memref_slice %arg6[%add3A_30, %dma_start3A] : memref<136x128xi32, #tpu.memory_space<vmem>> -> memref<1x128xi32, #tpu.memory_space<vmem>>
      %dma_start3A_32 = tpu.memref_squeeze %dma_start3A_31 : memref<1x128xi32, #tpu.memory_space<vmem>> -> memref<128xi32, #tpu.memory_space<vmem>>
      %dma_start3A_33 = arith.constant 0 : i32
      %dma_start3A_34 = arith.constant 0 : i32
      %dma_start3A_35 = tpu.memref_slice %arg2[%dma_start3A_33, %dma_start3A_34] : memref<10000x32xf32, #tpu.memory_space<hbm>> -> memref<10000x32xf32, #tpu.memory_space<hbm>>
      tpu.enqueue_indirect_dma source(%dma_start3A_35 : memref<10000x32xf32, #tpu.memory_space<hbm>>) target(%arg8 : memref<128x32xf32, #tpu.memory_space<vmem>>) offsets(%dma_start3A_32 : memref<128xi32, #tpu.memory_space<vmem>>) semaphore(%arg17 : memref<!tpu.dma_semaphore, #tpu.memory_space<semaphore_mem>>)
      %add3A_36 = arith.constant 1 : i32
      %add3A_37 = arith.addi %sub3A, %add3A_36 : i32
      %dma_start3A_38 = arith.constant 0 : i32
      %dma_start3A_39 = tpu.memref_slice %arg6[%add3A_37, %dma_start3A_38] : memref<136x128xi32, #tpu.memory_space<vmem>> -> memref<1x128xi32, #tpu.memory_space<vmem>>
      %dma_start3A_40 = tpu.memref_squeeze %dma_start3A_39 : memref<1x128xi32, #tpu.memory_space<vmem>> -> memref<128xi32, #tpu.memory_space<vmem>>
      %dma_start3A_41 = arith.constant 0 : i32
      %dma_start3A_42 = arith.constant 0 : i32
      %dma_start3A_43 = tpu.memref_slice %arg2[%dma_start3A_41, %dma_start3A_42] : memref<10000x32xf32, #tpu.memory_space<hbm>> -> memref<10000x32xf32, #tpu.memory_space<hbm>>
      tpu.enqueue_indirect_dma source(%dma_start3A_43 : memref<10000x32xf32, #tpu.memory_space<hbm>>) target(%arg9 : memref<128x32xf32, #tpu.memory_space<vmem>>) offsets(%dma_start3A_40 : memref<128xi32, #tpu.memory_space<vmem>>) semaphore(%arg18 : memref<!tpu.dma_semaphore, #tpu.memory_space<semaphore_mem>>)
      %add3A_44 = arith.constant 2 : i32
      %add3A_45 = arith.addi %sub3A, %add3A_44 : i32
      %dma_start3A_46 = arith.constant 0 : i32
      %dma_start3A_47 = tpu.memref_slice %arg6[%add3A_45, %dma_start3A_46] : memref<136x128xi32, #tpu.memory_space<vmem>> -> memref<1x128xi32, #tpu.memory_space<vmem>>
      %dma_start3A_48 = tpu.memref_squeeze %dma_start3A_47 : memref<1x128xi32, #tpu.memory_space<vmem>> -> memref<128xi32, #tpu.memory_space<vmem>>
      %dma_start3A_49 = arith.constant 0 : i32
      %dma_start3A_50 = arith.constant 0 : i32
      %dma_start3A_51 = tpu.memref_slice %arg2[%dma_start3A_49, %dma_start3A_50] : memref<10000x32xf32, #tpu.memory_space<hbm>> -> memref<10000x32xf32, #tpu.memory_space<hbm>>
      tpu.enqueue_indirect_dma source(%dma_start3A_51 : memref<10000x32xf32, #tpu.memory_space<hbm>>) target(%arg10 : memref<128x32xf32, #tpu.memory_space<vmem>>) offsets(%dma_start3A_48 : memref<128xi32, #tpu.memory_space<vmem>>) semaphore(%arg19 : memref<!tpu.dma_semaphore, #tpu.memory_space<semaphore_mem>>)
      %add3A_52 = arith.constant 3 : i32
      %add3A_53 = arith.addi %sub3A, %add3A_52 : i32
      %dma_start3A_54 = arith.constant 0 : i32
      %dma_start3A_55 = tpu.memref_slice %arg6[%add3A_53, %dma_start3A_54] : memref<136x128xi32, #tpu.memory_space<vmem>> -> memref<1x128xi32, #tpu.memory_space<vmem>>
      %dma_start3A_56 = tpu.memref_squeeze %dma_start3A_55 : memref<1x128xi32, #tpu.memory_space<vmem>> -> memref<128xi32, #tpu.memory_space<vmem>>
      %dma_start3A_57 = arith.constant 0 : i32
      %dma_start3A_58 = arith.constant 0 : i32
      %dma_start3A_59 = tpu.memref_slice %arg2[%dma_start3A_57, %dma_start3A_58] : memref<10000x32xf32, #tpu.memory_space<hbm>> -> memref<10000x32xf32, #tpu.memory_space<hbm>>
      tpu.enqueue_indirect_dma source(%dma_start3A_59 : memref<10000x32xf32, #tpu.memory_space<hbm>>) target(%arg11 : memref<128x32xf32, #tpu.memory_space<vmem>>) offsets(%dma_start3A_56 : memref<128xi32, #tpu.memory_space<vmem>>) semaphore(%arg20 : memref<!tpu.dma_semaphore, #tpu.memory_space<semaphore_mem>>)
      %add3A_60 = arith.constant 4 : i32
      %add3A_61 = arith.addi %sub3A, %add3A_60 : i32
      %dma_start3A_62 = arith.constant 0 : i32
      %dma_start3A_63 = tpu.memref_slice %arg6[%add3A_61, %dma_start3A_62] : memref<136x128xi32, #tpu.memory_space<vmem>> -> memref<1x128xi32, #tpu.memory_space<vmem>>
      %dma_start3A_64 = tpu.memref_squeeze %dma_start3A_63 : memref<1x128xi32, #tpu.memory_space<vmem>> -> memref<128xi32, #tpu.memory_space<vmem>>
      %dma_start3A_65 = arith.constant 0 : i32
      %dma_start3A_66 = arith.constant 0 : i32
      %dma_start3A_67 = tpu.memref_slice %arg2[%dma_start3A_65, %dma_start3A_66] : memref<10000x32xf32, #tpu.memory_space<hbm>> -> memref<10000x32xf32, #tpu.memory_space<hbm>>
      tpu.enqueue_indirect_dma source(%dma_start3A_67 : memref<10000x32xf32, #tpu.memory_space<hbm>>) target(%arg12 : memref<128x32xf32, #tpu.memory_space<vmem>>) offsets(%dma_start3A_64 : memref<128xi32, #tpu.memory_space<vmem>>) semaphore(%arg21 : memref<!tpu.dma_semaphore, #tpu.memory_space<semaphore_mem>>)
      %add3A_68 = arith.constant 5 : i32
      %add3A_69 = arith.addi %sub3A, %add3A_68 : i32
      %dma_start3A_70 = arith.constant 0 : i32
      %dma_start3A_71 = tpu.memref_slice %arg6[%add3A_69, %dma_start3A_70] : memref<136x128xi32, #tpu.memory_space<vmem>> -> memref<1x128xi32, #tpu.memory_space<vmem>>
      %dma_start3A_72 = tpu.memref_squeeze %dma_start3A_71 : memref<1x128xi32, #tpu.memory_space<vmem>> -> memref<128xi32, #tpu.memory_space<vmem>>
      %dma_start3A_73 = arith.constant 0 : i32
      %dma_start3A_74 = arith.constant 0 : i32
      %dma_start3A_75 = tpu.memref_slice %arg2[%dma_start3A_73, %dma_start3A_74] : memref<10000x32xf32, #tpu.memory_space<hbm>> -> memref<10000x32xf32, #tpu.memory_space<hbm>>
      tpu.enqueue_indirect_dma source(%dma_start3A_75 : memref<10000x32xf32, #tpu.memory_space<hbm>>) target(%arg13 : memref<128x32xf32, #tpu.memory_space<vmem>>) offsets(%dma_start3A_72 : memref<128xi32, #tpu.memory_space<vmem>>) semaphore(%arg22 : memref<!tpu.dma_semaphore, #tpu.memory_space<semaphore_mem>>)
      %add3A_76 = arith.constant 6 : i32
      %add3A_77 = arith.addi %sub3A, %add3A_76 : i32
      %dma_start3A_78 = arith.constant 0 : i32
      %dma_start3A_79 = tpu.memref_slice %arg6[%add3A_77, %dma_start3A_78] : memref<136x128xi32, #tpu.memory_space<vmem>> -> memref<1x128xi32, #tpu.memory_space<vmem>>
      %dma_start3A_80 = tpu.memref_squeeze %dma_start3A_79 : memref<1x128xi32, #tpu.memory_space<vmem>> -> memref<128xi32, #tpu.memory_space<vmem>>
      %dma_start3A_81 = arith.constant 0 : i32
      %dma_start3A_82 = arith.constant 0 : i32
      %dma_start3A_83 = tpu.memref_slice %arg2[%dma_start3A_81, %dma_start3A_82] : memref<10000x32xf32, #tpu.memory_space<hbm>> -> memref<10000x32xf32, #tpu.memory_space<hbm>>
      tpu.enqueue_indirect_dma source(%dma_start3A_83 : memref<10000x32xf32, #tpu.memory_space<hbm>>) target(%arg14 : memref<128x32xf32, #tpu.memory_space<vmem>>) offsets(%dma_start3A_80 : memref<128xi32, #tpu.memory_space<vmem>>) semaphore(%arg23 : memref<!tpu.dma_semaphore, #tpu.memory_space<semaphore_mem>>)
      %add3A_84 = arith.constant 7 : i32
      %add3A_85 = arith.addi %sub3A, %add3A_84 : i32
      %dma_start3A_86 = arith.constant 0 : i32
      %dma_start3A_87 = tpu.memref_slice %arg6[%add3A_85, %dma_start3A_86] : memref<136x128xi32, #tpu.memory_space<vmem>> -> memref<1x128xi32, #tpu.memory_space<vmem>>
      %dma_start3A_88 = tpu.memref_squeeze %dma_start3A_87 : memref<1x128xi32, #tpu.memory_space<vmem>> -> memref<128xi32, #tpu.memory_space<vmem>>
      %dma_start3A_89 = arith.constant 0 : i32
      %dma_start3A_90 = arith.constant 0 : i32
      %dma_start3A_91 = tpu.memref_slice %arg2[%dma_start3A_89, %dma_start3A_90] : memref<10000x32xf32, #tpu.memory_space<hbm>> -> memref<10000x32xf32, #tpu.memory_space<hbm>>
      tpu.enqueue_indirect_dma source(%dma_start3A_91 : memref<10000x32xf32, #tpu.memory_space<hbm>>) target(%arg15 : memref<128x32xf32, #tpu.memory_space<vmem>>) offsets(%dma_start3A_88 : memref<128xi32, #tpu.memory_space<vmem>>) semaphore(%arg24 : memref<!tpu.dma_semaphore, #tpu.memory_space<semaphore_mem>>)
      %scan3A_92 = arith.constant 0 : i32
      %scan3A_93 = arith.constant 17 : i32
      %scan3A_94 = arith.addi %scan3A_92, %scan3A_93 : i32
      %scan3A_95 = arith.constant 1 : i32
      scf.for %scan3A_97 = %scan3A_92 to %scan3A_94 step %scan3A_95  : i32 {
        %mul3A_98 = arith.constant 1 : i32
        %mul3A_99 = arith.muli %scan3A_97, %mul3A_98 : i32
        %add3A_100 = arith.constant 0 : i32
        %add3A_101 = arith.addi %add3A_100, %mul3A_99 : i32
        %mul3A_102 = arith.constant 8 : i32
        %mul3A_103 = arith.muli %add3A_101, %mul3A_102 : i32
        %add3A_104 = arith.addi %sub3A, %mul3A_103 : i32
        %add3A_105 = arith.constant 0 : i32
        %add3A_106 = arith.addi %add3A_104, %add3A_105 : i32
        %dma_wait3A = arith.constant 0 : i32
        %dma_wait3A_107 = tpu.memref_slice %arg6[%add3A_106, %dma_wait3A] : memref<136x128xi32, #tpu.memory_space<vmem>> -> memref<1x128xi32, #tpu.memory_space<vmem>>
        %dma_wait3A_108 = tpu.memref_squeeze %dma_wait3A_107 : memref<1x128xi32, #tpu.memory_space<vmem>> -> memref<128xi32, #tpu.memory_space<vmem>>
        %dma_wait3A_109 = arith.constant 0 : i32
        %dma_wait3A_110 = arith.constant 0 : i32
        %dma_wait3A_111 = tpu.memref_slice %arg2[%dma_wait3A_109, %dma_wait3A_110] : memref<10000x32xf32, #tpu.memory_space<hbm>> -> memref<10000x32xf32, #tpu.memory_space<hbm>>
        tpu.wait_indirect_dma semaphore(%arg17 : memref<!tpu.dma_semaphore, #tpu.memory_space<semaphore_mem>>) src(%dma_wait3A_111 : memref<10000x32xf32, #tpu.memory_space<hbm>>) dst(%arg8 : memref<128x32xf32, #tpu.memory_space<vmem>>)
        "tpu.region"() ({
          %run_scoped3A = tpu.sem_alloc : memref<!tpu.dma_semaphore, #tpu.memory_space<semaphore_mem>>
          %dma_start3A_231 = arith.constant 0 : i32
          %dma_start3A_232 = tpu.memref_slice %arg7[%add3A_106, %dma_start3A_231] : memref<136x128xi32, #tpu.memory_space<vmem>> -> memref<1x128xi32, #tpu.memory_space<vmem>>
          %dma_start3A_233 = tpu.memref_squeeze %dma_start3A_232 : memref<1x128xi32, #tpu.memory_space<vmem>> -> memref<128xi32, #tpu.memory_space<vmem>>
          %dma_start3A_234 = arith.constant 0 : i32
          %dma_start3A_235 = arith.constant 0 : i32
          %dma_start3A_236 = tpu.memref_slice %arg16[%dma_start3A_234, %dma_start3A_235] : memref<10240x32xf32, #tpu.memory_space<vmem_shared>> -> memref<10240x32xf32, #tpu.memory_space<vmem_shared>>
          tpu.enqueue_indirect_dma source(%arg8 : memref<128x32xf32, #tpu.memory_space<vmem>>) target(%dma_start3A_236 : memref<10240x32xf32, #tpu.memory_space<vmem_shared>>) offsets(%dma_start3A_233 : memref<128xi32, #tpu.memory_space<vmem>>) semaphore(%run_scoped3A : memref<!tpu.dma_semaphore, #tpu.memory_space<semaphore_mem>>) {add = true}
          %dma_wait3A_237 = arith.constant 0 : i32
          %dma_wait3A_238 = tpu.memref_slice %arg7[%add3A_106, %dma_wait3A_237] : memref<136x128xi32, #tpu.memory_space<vmem>> -> memref<1x128xi32, #tpu.memory_space<vmem>>
          %dma_wait3A_239 = tpu.memref_squeeze %dma_wait3A_238 : memref<1x128xi32, #tpu.memory_space<vmem>> -> memref<128xi32, #tpu.memory_space<vmem>>
          %dma_wait3A_240 = arith.constant 0 : i32
          %dma_wait3A_241 = arith.constant 0 : i32
          %dma_wait3A_242 = tpu.memref_slice %arg16[%dma_wait3A_240, %dma_wait3A_241] : memref<10240x32xf32, #tpu.memory_space<vmem_shared>> -> memref<10240x32xf32, #tpu.memory_space<vmem_shared>>
          tpu.wait_indirect_dma semaphore(%run_scoped3A : memref<!tpu.dma_semaphore, #tpu.memory_space<semaphore_mem>>) src(%arg8 : memref<128x32xf32, #tpu.memory_space<vmem>>) dst(%dma_wait3A_242 : memref<10240x32xf32, #tpu.memory_space<vmem_shared>>)
          tpu.yield
        }) : () -> ()
        %add3A_112 = arith.constant 8 : i32
        %add3A_113 = arith.addi %add3A_106, %add3A_112 : i32
        %add3A_114 = arith.constant 136 : i32
        %add3A_115 = arith.addi %sub3A, %add3A_114 : i32
        %lt3A = arith.cmpi slt, %add3A_113, %add3A_115 : i32
        %convert_element_type3A_116 = arith.extui %lt3A : i1 to i32
        %cond3A_117 = arith.constant 0 : i32
        %cond3A_118 = arith.cmpi ne, %convert_element_type3A_116, %cond3A_117 : i32
        scf.if %cond3A_118 {
          %add3A_231 = arith.constant 8 : i32
          %add3A_232 = arith.addi %add3A_106, %add3A_231 : i32
          %dma_start3A_233 = arith.constant 0 : i32
          %dma_start3A_234 = tpu.memref_slice %arg6[%add3A_232, %dma_start3A_233] : memref<136x128xi32, #tpu.memory_space<vmem>> -> memref<1x128xi32, #tpu.memory_space<vmem>>
          %dma_start3A_235 = tpu.memref_squeeze %dma_start3A_234 : memref<1x128xi32, #tpu.memory_space<vmem>> -> memref<128xi32, #tpu.memory_space<vmem>>
          %dma_start3A_236 = arith.constant 0 : i32
          %dma_start3A_237 = arith.constant 0 : i32
          %dma_start3A_238 = tpu.memref_slice %arg2[%dma_start3A_236, %dma_start3A_237] : memref<10000x32xf32, #tpu.memory_space<hbm>> -> memref<10000x32xf32, #tpu.memory_space<hbm>>
          tpu.enqueue_indirect_dma source(%dma_start3A_238 : memref<10000x32xf32, #tpu.memory_space<hbm>>) target(%arg8 : memref<128x32xf32, #tpu.memory_space<vmem>>) offsets(%dma_start3A_235 : memref<128xi32, #tpu.memory_space<vmem>>) semaphore(%arg17 : memref<!tpu.dma_semaphore, #tpu.memory_space<semaphore_mem>>)
        } else {
        }
        %add3A_119 = arith.constant 1 : i32
        %add3A_120 = arith.addi %add3A_104, %add3A_119 : i32
        %dma_wait3A_121 = arith.constant 0 : i32
        %dma_wait3A_122 = tpu.memref_slice %arg6[%add3A_120, %dma_wait3A_121] : memref<136x128xi32, #tpu.memory_space<vmem>> -> memref<1x128xi32, #tpu.memory_space<vmem>>
        %dma_wait3A_123 = tpu.memref_squeeze %dma_wait3A_122 : memref<1x128xi32, #tpu.memory_space<vmem>> -> memref<128xi32, #tpu.memory_space<vmem>>
        %dma_wait3A_124 = arith.constant 0 : i32
        %dma_wait3A_125 = arith.constant 0 : i32
        %dma_wait3A_126 = tpu.memref_slice %arg2[%dma_wait3A_124, %dma_wait3A_125] : memref<10000x32xf32, #tpu.memory_space<hbm>> -> memref<10000x32xf32, #tpu.memory_space<hbm>>
        tpu.wait_indirect_dma semaphore(%arg18 : memref<!tpu.dma_semaphore, #tpu.memory_space<semaphore_mem>>) src(%dma_wait3A_126 : memref<10000x32xf32, #tpu.memory_space<hbm>>) dst(%arg9 : memref<128x32xf32, #tpu.memory_space<vmem>>)
        "tpu.region"() ({
          %run_scoped3A = tpu.sem_alloc : memref<!tpu.dma_semaphore, #tpu.memory_space<semaphore_mem>>
          %dma_start3A_231 = arith.constant 0 : i32
          %dma_start3A_232 = tpu.memref_slice %arg7[%add3A_120, %dma_start3A_231] : memref<136x128xi32, #tpu.memory_space<vmem>> -> memref<1x128xi32, #tpu.memory_space<vmem>>
          %dma_start3A_233 = tpu.memref_squeeze %dma_start3A_232 : memref<1x128xi32, #tpu.memory_space<vmem>> -> memref<128xi32, #tpu.memory_space<vmem>>
          %dma_start3A_234 = arith.constant 0 : i32
          %dma_start3A_235 = arith.constant 0 : i32
          %dma_start3A_236 = tpu.memref_slice %arg16[%dma_start3A_234, %dma_start3A_235] : memref<10240x32xf32, #tpu.memory_space<vmem_shared>> -> memref<10240x32xf32, #tpu.memory_space<vmem_shared>>
          tpu.enqueue_indirect_dma source(%arg9 : memref<128x32xf32, #tpu.memory_space<vmem>>) target(%dma_start3A_236 : memref<10240x32xf32, #tpu.memory_space<vmem_shared>>) offsets(%dma_start3A_233 : memref<128xi32, #tpu.memory_space<vmem>>) semaphore(%run_scoped3A : memref<!tpu.dma_semaphore, #tpu.memory_space<semaphore_mem>>) {add = true}
          %dma_wait3A_237 = arith.constant 0 : i32
          %dma_wait3A_238 = tpu.memref_slice %arg7[%add3A_120, %dma_wait3A_237] : memref<136x128xi32, #tpu.memory_space<vmem>> -> memref<1x128xi32, #tpu.memory_space<vmem>>
          %dma_wait3A_239 = tpu.memref_squeeze %dma_wait3A_238 : memref<1x128xi32, #tpu.memory_space<vmem>> -> memref<128xi32, #tpu.memory_space<vmem>>
          %dma_wait3A_240 = arith.constant 0 : i32
          %dma_wait3A_241 = arith.constant 0 : i32
          %dma_wait3A_242 = tpu.memref_slice %arg16[%dma_wait3A_240, %dma_wait3A_241] : memref<10240x32xf32, #tpu.memory_space<vmem_shared>> -> memref<10240x32xf32, #tpu.memory_space<vmem_shared>>
          tpu.wait_indirect_dma semaphore(%run_scoped3A : memref<!tpu.dma_semaphore, #tpu.memory_space<semaphore_mem>>) src(%arg9 : memref<128x32xf32, #tpu.memory_space<vmem>>) dst(%dma_wait3A_242 : memref<10240x32xf32, #tpu.memory_space<vmem_shared>>)
          tpu.yield
        }) : () -> ()
        %add3A_127 = arith.constant 8 : i32
        %add3A_128 = arith.addi %add3A_120, %add3A_127 : i32
        %add3A_129 = arith.constant 136 : i32
        %add3A_130 = arith.addi %sub3A, %add3A_129 : i32
        %lt3A_131 = arith.cmpi slt, %add3A_128, %add3A_130 : i32
        %convert_element_type3A_132 = arith.extui %lt3A_131 : i1 to i32
        %cond3A_133 = arith.constant 0 : i32
        %cond3A_134 = arith.cmpi ne, %convert_element_type3A_132, %cond3A_133 : i32
        scf.if %cond3A_134 {
          %add3A_231 = arith.constant 8 : i32
          %add3A_232 = arith.addi %add3A_120, %add3A_231 : i32
          %dma_start3A_233 = arith.constant 0 : i32
          %dma_start3A_234 = tpu.memref_slice %arg6[%add3A_232, %dma_start3A_233] : memref<136x128xi32, #tpu.memory_space<vmem>> -> memref<1x128xi32, #tpu.memory_space<vmem>>
          %dma_start3A_235 = tpu.memref_squeeze %dma_start3A_234 : memref<1x128xi32, #tpu.memory_space<vmem>> -> memref<128xi32, #tpu.memory_space<vmem>>
          %dma_start3A_236 = arith.constant 0 : i32
          %dma_start3A_237 = arith.constant 0 : i32
          %dma_start3A_238 = tpu.memref_slice %arg2[%dma_start3A_236, %dma_start3A_237] : memref<10000x32xf32, #tpu.memory_space<hbm>> -> memref<10000x32xf32, #tpu.memory_space<hbm>>
          tpu.enqueue_indirect_dma source(%dma_start3A_238 : memref<10000x32xf32, #tpu.memory_space<hbm>>) target(%arg9 : memref<128x32xf32, #tpu.memory_space<vmem>>) offsets(%dma_start3A_235 : memref<128xi32, #tpu.memory_space<vmem>>) semaphore(%arg18 : memref<!tpu.dma_semaphore, #tpu.memory_space<semaphore_mem>>)
        } else {
        }
        %add3A_135 = arith.constant 2 : i32
        %add3A_136 = arith.addi %add3A_104, %add3A_135 : i32
        %dma_wait3A_137 = arith.constant 0 : i32
        %dma_wait3A_138 = tpu.memref_slice %arg6[%add3A_136, %dma_wait3A_137] : memref<136x128xi32, #tpu.memory_space<vmem>> -> memref<1x128xi32, #tpu.memory_space<vmem>>
        %dma_wait3A_139 = tpu.memref_squeeze %dma_wait3A_138 : memref<1x128xi32, #tpu.memory_space<vmem>> -> memref<128xi32, #tpu.memory_space<vmem>>
        %dma_wait3A_140 = arith.constant 0 : i32
        %dma_wait3A_141 = arith.constant 0 : i32
        %dma_wait3A_142 = tpu.memref_slice %arg2[%dma_wait3A_140, %dma_wait3A_141] : memref<10000x32xf32, #tpu.memory_space<hbm>> -> memref<10000x32xf32, #tpu.memory_space<hbm>>
        tpu.wait_indirect_dma semaphore(%arg19 : memref<!tpu.dma_semaphore, #tpu.memory_space<semaphore_mem>>) src(%dma_wait3A_142 : memref<10000x32xf32, #tpu.memory_space<hbm>>) dst(%arg10 : memref<128x32xf32, #tpu.memory_space<vmem>>)
        "tpu.region"() ({
          %run_scoped3A = tpu.sem_alloc : memref<!tpu.dma_semaphore, #tpu.memory_space<semaphore_mem>>
          %dma_start3A_231 = arith.constant 0 : i32
          %dma_start3A_232 = tpu.memref_slice %arg7[%add3A_136, %dma_start3A_231] : memref<136x128xi32, #tpu.memory_space<vmem>> -> memref<1x128xi32, #tpu.memory_space<vmem>>
          %dma_start3A_233 = tpu.memref_squeeze %dma_start3A_232 : memref<1x128xi32, #tpu.memory_space<vmem>> -> memref<128xi32, #tpu.memory_space<vmem>>
          %dma_start3A_234 = arith.constant 0 : i32
          %dma_start3A_235 = arith.constant 0 : i32
          %dma_start3A_236 = tpu.memref_slice %arg16[%dma_start3A_234, %dma_start3A_235] : memref<10240x32xf32, #tpu.memory_space<vmem_shared>> -> memref<10240x32xf32, #tpu.memory_space<vmem_shared>>
          tpu.enqueue_indirect_dma source(%arg10 : memref<128x32xf32, #tpu.memory_space<vmem>>) target(%dma_start3A_236 : memref<10240x32xf32, #tpu.memory_space<vmem_shared>>) offsets(%dma_start3A_233 : memref<128xi32, #tpu.memory_space<vmem>>) semaphore(%run_scoped3A : memref<!tpu.dma_semaphore, #tpu.memory_space<semaphore_mem>>) {add = true}
          %dma_wait3A_237 = arith.constant 0 : i32
          %dma_wait3A_238 = tpu.memref_slice %arg7[%add3A_136, %dma_wait3A_237] : memref<136x128xi32, #tpu.memory_space<vmem>> -> memref<1x128xi32, #tpu.memory_space<vmem>>
          %dma_wait3A_239 = tpu.memref_squeeze %dma_wait3A_238 : memref<1x128xi32, #tpu.memory_space<vmem>> -> memref<128xi32, #tpu.memory_space<vmem>>
          %dma_wait3A_240 = arith.constant 0 : i32
          %dma_wait3A_241 = arith.constant 0 : i32
          %dma_wait3A_242 = tpu.memref_slice %arg16[%dma_wait3A_240, %dma_wait3A_241] : memref<10240x32xf32, #tpu.memory_space<vmem_shared>> -> memref<10240x32xf32, #tpu.memory_space<vmem_shared>>
          tpu.wait_indirect_dma semaphore(%run_scoped3A : memref<!tpu.dma_semaphore, #tpu.memory_space<semaphore_mem>>) src(%arg10 : memref<128x32xf32, #tpu.memory_space<vmem>>) dst(%dma_wait3A_242 : memref<10240x32xf32, #tpu.memory_space<vmem_shared>>)
          tpu.yield
        }) : () -> ()
        %add3A_143 = arith.constant 8 : i32
        %add3A_144 = arith.addi %add3A_136, %add3A_143 : i32
        %add3A_145 = arith.constant 136 : i32
        %add3A_146 = arith.addi %sub3A, %add3A_145 : i32
        %lt3A_147 = arith.cmpi slt, %add3A_144, %add3A_146 : i32
        %convert_element_type3A_148 = arith.extui %lt3A_147 : i1 to i32
        %cond3A_149 = arith.constant 0 : i32
        %cond3A_150 = arith.cmpi ne, %convert_element_type3A_148, %cond3A_149 : i32
        scf.if %cond3A_150 {
          %add3A_231 = arith.constant 8 : i32
          %add3A_232 = arith.addi %add3A_136, %add3A_231 : i32
          %dma_start3A_233 = arith.constant 0 : i32
          %dma_start3A_234 = tpu.memref_slice %arg6[%add3A_232, %dma_start3A_233] : memref<136x128xi32, #tpu.memory_space<vmem>> -> memref<1x128xi32, #tpu.memory_space<vmem>>
          %dma_start3A_235 = tpu.memref_squeeze %dma_start3A_234 : memref<1x128xi32, #tpu.memory_space<vmem>> -> memref<128xi32, #tpu.memory_space<vmem>>
          %dma_start3A_236 = arith.constant 0 : i32
          %dma_start3A_237 = arith.constant 0 : i32
          %dma_start3A_238 = tpu.memref_slice %arg2[%dma_start3A_236, %dma_start3A_237] : memref<10000x32xf32, #tpu.memory_space<hbm>> -> memref<10000x32xf32, #tpu.memory_space<hbm>>
          tpu.enqueue_indirect_dma source(%dma_start3A_238 : memref<10000x32xf32, #tpu.memory_space<hbm>>) target(%arg10 : memref<128x32xf32, #tpu.memory_space<vmem>>) offsets(%dma_start3A_235 : memref<128xi32, #tpu.memory_space<vmem>>) semaphore(%arg19 : memref<!tpu.dma_semaphore, #tpu.memory_space<semaphore_mem>>)
        } else {
        }
        %add3A_151 = arith.constant 3 : i32
        %add3A_152 = arith.addi %add3A_104, %add3A_151 : i32
        %dma_wait3A_153 = arith.constant 0 : i32
        %dma_wait3A_154 = tpu.memref_slice %arg6[%add3A_152, %dma_wait3A_153] : memref<136x128xi32, #tpu.memory_space<vmem>> -> memref<1x128xi32, #tpu.memory_space<vmem>>
        %dma_wait3A_155 = tpu.memref_squeeze %dma_wait3A_154 : memref<1x128xi32, #tpu.memory_space<vmem>> -> memref<128xi32, #tpu.memory_space<vmem>>
        %dma_wait3A_156 = arith.constant 0 : i32
        %dma_wait3A_157 = arith.constant 0 : i32
        %dma_wait3A_158 = tpu.memref_slice %arg2[%dma_wait3A_156, %dma_wait3A_157] : memref<10000x32xf32, #tpu.memory_space<hbm>> -> memref<10000x32xf32, #tpu.memory_space<hbm>>
        tpu.wait_indirect_dma semaphore(%arg20 : memref<!tpu.dma_semaphore, #tpu.memory_space<semaphore_mem>>) src(%dma_wait3A_158 : memref<10000x32xf32, #tpu.memory_space<hbm>>) dst(%arg11 : memref<128x32xf32, #tpu.memory_space<vmem>>)
        "tpu.region"() ({
          %run_scoped3A = tpu.sem_alloc : memref<!tpu.dma_semaphore, #tpu.memory_space<semaphore_mem>>
          %dma_start3A_231 = arith.constant 0 : i32
          %dma_start3A_232 = tpu.memref_slice %arg7[%add3A_152, %dma_start3A_231] : memref<136x128xi32, #tpu.memory_space<vmem>> -> memref<1x128xi32, #tpu.memory_space<vmem>>
          %dma_start3A_233 = tpu.memref_squeeze %dma_start3A_232 : memref<1x128xi32, #tpu.memory_space<vmem>> -> memref<128xi32, #tpu.memory_space<vmem>>
          %dma_start3A_234 = arith.constant 0 : i32
          %dma_start3A_235 = arith.constant 0 : i32
          %dma_start3A_236 = tpu.memref_slice %arg16[%dma_start3A_234, %dma_start3A_235] : memref<10240x32xf32, #tpu.memory_space<vmem_shared>> -> memref<10240x32xf32, #tpu.memory_space<vmem_shared>>
          tpu.enqueue_indirect_dma source(%arg11 : memref<128x32xf32, #tpu.memory_space<vmem>>) target(%dma_start3A_236 : memref<10240x32xf32, #tpu.memory_space<vmem_shared>>) offsets(%dma_start3A_233 : memref<128xi32, #tpu.memory_space<vmem>>) semaphore(%run_scoped3A : memref<!tpu.dma_semaphore, #tpu.memory_space<semaphore_mem>>) {add = true}
          %dma_wait3A_237 = arith.constant 0 : i32
          %dma_wait3A_238 = tpu.memref_slice %arg7[%add3A_152, %dma_wait3A_237] : memref<136x128xi32, #tpu.memory_space<vmem>> -> memref<1x128xi32, #tpu.memory_space<vmem>>
          %dma_wait3A_239 = tpu.memref_squeeze %dma_wait3A_238 : memref<1x128xi32, #tpu.memory_space<vmem>> -> memref<128xi32, #tpu.memory_space<vmem>>
          %dma_wait3A_240 = arith.constant 0 : i32
          %dma_wait3A_241 = arith.constant 0 : i32
          %dma_wait3A_242 = tpu.memref_slice %arg16[%dma_wait3A_240, %dma_wait3A_241] : memref<10240x32xf32, #tpu.memory_space<vmem_shared>> -> memref<10240x32xf32, #tpu.memory_space<vmem_shared>>
          tpu.wait_indirect_dma semaphore(%run_scoped3A : memref<!tpu.dma_semaphore, #tpu.memory_space<semaphore_mem>>) src(%arg11 : memref<128x32xf32, #tpu.memory_space<vmem>>) dst(%dma_wait3A_242 : memref<10240x32xf32, #tpu.memory_space<vmem_shared>>)
          tpu.yield
        }) : () -> ()
        %add3A_159 = arith.constant 8 : i32
        %add3A_160 = arith.addi %add3A_152, %add3A_159 : i32
        %add3A_161 = arith.constant 136 : i32
        %add3A_162 = arith.addi %sub3A, %add3A_161 : i32
        %lt3A_163 = arith.cmpi slt, %add3A_160, %add3A_162 : i32
        %convert_element_type3A_164 = arith.extui %lt3A_163 : i1 to i32
        %cond3A_165 = arith.constant 0 : i32
        %cond3A_166 = arith.cmpi ne, %convert_element_type3A_164, %cond3A_165 : i32
        scf.if %cond3A_166 {
          %add3A_231 = arith.constant 8 : i32
          %add3A_232 = arith.addi %add3A_152, %add3A_231 : i32
          %dma_start3A_233 = arith.constant 0 : i32
          %dma_start3A_234 = tpu.memref_slice %arg6[%add3A_232, %dma_start3A_233] : memref<136x128xi32, #tpu.memory_space<vmem>> -> memref<1x128xi32, #tpu.memory_space<vmem>>
          %dma_start3A_235 = tpu.memref_squeeze %dma_start3A_234 : memref<1x128xi32, #tpu.memory_space<vmem>> -> memref<128xi32, #tpu.memory_space<vmem>>
          %dma_start3A_236 = arith.constant 0 : i32
          %dma_start3A_237 = arith.constant 0 : i32
          %dma_start3A_238 = tpu.memref_slice %arg2[%dma_start3A_236, %dma_start3A_237] : memref<10000x32xf32, #tpu.memory_space<hbm>> -> memref<10000x32xf32, #tpu.memory_space<hbm>>
          tpu.enqueue_indirect_dma source(%dma_start3A_238 : memref<10000x32xf32, #tpu.memory_space<hbm>>) target(%arg11 : memref<128x32xf32, #tpu.memory_space<vmem>>) offsets(%dma_start3A_235 : memref<128xi32, #tpu.memory_space<vmem>>) semaphore(%arg20 : memref<!tpu.dma_semaphore, #tpu.memory_space<semaphore_mem>>)
        } else {
        }
        %add3A_167 = arith.constant 4 : i32
        %add3A_168 = arith.addi %add3A_104, %add3A_167 : i32
        %dma_wait3A_169 = arith.constant 0 : i32
        %dma_wait3A_170 = tpu.memref_slice %arg6[%add3A_168, %dma_wait3A_169] : memref<136x128xi32, #tpu.memory_space<vmem>> -> memref<1x128xi32, #tpu.memory_space<vmem>>
        %dma_wait3A_171 = tpu.memref_squeeze %dma_wait3A_170 : memref<1x128xi32, #tpu.memory_space<vmem>> -> memref<128xi32, #tpu.memory_space<vmem>>
        %dma_wait3A_172 = arith.constant 0 : i32
        %dma_wait3A_173 = arith.constant 0 : i32
        %dma_wait3A_174 = tpu.memref_slice %arg2[%dma_wait3A_172, %dma_wait3A_173] : memref<10000x32xf32, #tpu.memory_space<hbm>> -> memref<10000x32xf32, #tpu.memory_space<hbm>>
        tpu.wait_indirect_dma semaphore(%arg21 : memref<!tpu.dma_semaphore, #tpu.memory_space<semaphore_mem>>) src(%dma_wait3A_174 : memref<10000x32xf32, #tpu.memory_space<hbm>>) dst(%arg12 : memref<128x32xf32, #tpu.memory_space<vmem>>)
        "tpu.region"() ({
          %run_scoped3A = tpu.sem_alloc : memref<!tpu.dma_semaphore, #tpu.memory_space<semaphore_mem>>
          %dma_start3A_231 = arith.constant 0 : i32
          %dma_start3A_232 = tpu.memref_slice %arg7[%add3A_168, %dma_start3A_231] : memref<136x128xi32, #tpu.memory_space<vmem>> -> memref<1x128xi32, #tpu.memory_space<vmem>>
          %dma_start3A_233 = tpu.memref_squeeze %dma_start3A_232 : memref<1x128xi32, #tpu.memory_space<vmem>> -> memref<128xi32, #tpu.memory_space<vmem>>
          %dma_start3A_234 = arith.constant 0 : i32
          %dma_start3A_235 = arith.constant 0 : i32
          %dma_start3A_236 = tpu.memref_slice %arg16[%dma_start3A_234, %dma_start3A_235] : memref<10240x32xf32, #tpu.memory_space<vmem_shared>> -> memref<10240x32xf32, #tpu.memory_space<vmem_shared>>
          tpu.enqueue_indirect_dma source(%arg12 : memref<128x32xf32, #tpu.memory_space<vmem>>) target(%dma_start3A_236 : memref<10240x32xf32, #tpu.memory_space<vmem_shared>>) offsets(%dma_start3A_233 : memref<128xi32, #tpu.memory_space<vmem>>) semaphore(%run_scoped3A : memref<!tpu.dma_semaphore, #tpu.memory_space<semaphore_mem>>) {add = true}
          %dma_wait3A_237 = arith.constant 0 : i32
          %dma_wait3A_238 = tpu.memref_slice %arg7[%add3A_168, %dma_wait3A_237] : memref<136x128xi32, #tpu.memory_space<vmem>> -> memref<1x128xi32, #tpu.memory_space<vmem>>
          %dma_wait3A_239 = tpu.memref_squeeze %dma_wait3A_238 : memref<1x128xi32, #tpu.memory_space<vmem>> -> memref<128xi32, #tpu.memory_space<vmem>>
          %dma_wait3A_240 = arith.constant 0 : i32
          %dma_wait3A_241 = arith.constant 0 : i32
          %dma_wait3A_242 = tpu.memref_slice %arg16[%dma_wait3A_240, %dma_wait3A_241] : memref<10240x32xf32, #tpu.memory_space<vmem_shared>> -> memref<10240x32xf32, #tpu.memory_space<vmem_shared>>
          tpu.wait_indirect_dma semaphore(%run_scoped3A : memref<!tpu.dma_semaphore, #tpu.memory_space<semaphore_mem>>) src(%arg12 : memref<128x32xf32, #tpu.memory_space<vmem>>) dst(%dma_wait3A_242 : memref<10240x32xf32, #tpu.memory_space<vmem_shared>>)
          tpu.yield
        }) : () -> ()
        %add3A_175 = arith.constant 8 : i32
        %add3A_176 = arith.addi %add3A_168, %add3A_175 : i32
        %add3A_177 = arith.constant 136 : i32
        %add3A_178 = arith.addi %sub3A, %add3A_177 : i32
        %lt3A_179 = arith.cmpi slt, %add3A_176, %add3A_178 : i32
        %convert_element_type3A_180 = arith.extui %lt3A_179 : i1 to i32
        %cond3A_181 = arith.constant 0 : i32
        %cond3A_182 = arith.cmpi ne, %convert_element_type3A_180, %cond3A_181 : i32
        scf.if %cond3A_182 {
          %add3A_231 = arith.constant 8 : i32
          %add3A_232 = arith.addi %add3A_168, %add3A_231 : i32
          %dma_start3A_233 = arith.constant 0 : i32
          %dma_start3A_234 = tpu.memref_slice %arg6[%add3A_232, %dma_start3A_233] : memref<136x128xi32, #tpu.memory_space<vmem>> -> memref<1x128xi32, #tpu.memory_space<vmem>>
          %dma_start3A_235 = tpu.memref_squeeze %dma_start3A_234 : memref<1x128xi32, #tpu.memory_space<vmem>> -> memref<128xi32, #tpu.memory_space<vmem>>
          %dma_start3A_236 = arith.constant 0 : i32
          %dma_start3A_237 = arith.constant 0 : i32
          %dma_start3A_238 = tpu.memref_slice %arg2[%dma_start3A_236, %dma_start3A_237] : memref<10000x32xf32, #tpu.memory_space<hbm>> -> memref<10000x32xf32, #tpu.memory_space<hbm>>
          tpu.enqueue_indirect_dma source(%dma_start3A_238 : memref<10000x32xf32, #tpu.memory_space<hbm>>) target(%arg12 : memref<128x32xf32, #tpu.memory_space<vmem>>) offsets(%dma_start3A_235 : memref<128xi32, #tpu.memory_space<vmem>>) semaphore(%arg21 : memref<!tpu.dma_semaphore, #tpu.memory_space<semaphore_mem>>)
        } else {
        }
        %add3A_183 = arith.constant 5 : i32
        %add3A_184 = arith.addi %add3A_104, %add3A_183 : i32
        %dma_wait3A_185 = arith.constant 0 : i32
        %dma_wait3A_186 = tpu.memref_slice %arg6[%add3A_184, %dma_wait3A_185] : memref<136x128xi32, #tpu.memory_space<vmem>> -> memref<1x128xi32, #tpu.memory_space<vmem>>
        %dma_wait3A_187 = tpu.memref_squeeze %dma_wait3A_186 : memref<1x128xi32, #tpu.memory_space<vmem>> -> memref<128xi32, #tpu.memory_space<vmem>>
        %dma_wait3A_188 = arith.constant 0 : i32
        %dma_wait3A_189 = arith.constant 0 : i32
        %dma_wait3A_190 = tpu.memref_slice %arg2[%dma_wait3A_188, %dma_wait3A_189] : memref<10000x32xf32, #tpu.memory_space<hbm>> -> memref<10000x32xf32, #tpu.memory_space<hbm>>
        tpu.wait_indirect_dma semaphore(%arg22 : memref<!tpu.dma_semaphore, #tpu.memory_space<semaphore_mem>>) src(%dma_wait3A_190 : memref<10000x32xf32, #tpu.memory_space<hbm>>) dst(%arg13 : memref<128x32xf32, #tpu.memory_space<vmem>>)
        "tpu.region"() ({
          %run_scoped3A = tpu.sem_alloc : memref<!tpu.dma_semaphore, #tpu.memory_space<semaphore_mem>>
          %dma_start3A_231 = arith.constant 0 : i32
          %dma_start3A_232 = tpu.memref_slice %arg7[%add3A_184, %dma_start3A_231] : memref<136x128xi32, #tpu.memory_space<vmem>> -> memref<1x128xi32, #tpu.memory_space<vmem>>
          %dma_start3A_233 = tpu.memref_squeeze %dma_start3A_232 : memref<1x128xi32, #tpu.memory_space<vmem>> -> memref<128xi32, #tpu.memory_space<vmem>>
          %dma_start3A_234 = arith.constant 0 : i32
          %dma_start3A_235 = arith.constant 0 : i32
          %dma_start3A_236 = tpu.memref_slice %arg16[%dma_start3A_234, %dma_start3A_235] : memref<10240x32xf32, #tpu.memory_space<vmem_shared>> -> memref<10240x32xf32, #tpu.memory_space<vmem_shared>>
          tpu.enqueue_indirect_dma source(%arg13 : memref<128x32xf32, #tpu.memory_space<vmem>>) target(%dma_start3A_236 : memref<10240x32xf32, #tpu.memory_space<vmem_shared>>) offsets(%dma_start3A_233 : memref<128xi32, #tpu.memory_space<vmem>>) semaphore(%run_scoped3A : memref<!tpu.dma_semaphore, #tpu.memory_space<semaphore_mem>>) {add = true}
          %dma_wait3A_237 = arith.constant 0 : i32
          %dma_wait3A_238 = tpu.memref_slice %arg7[%add3A_184, %dma_wait3A_237] : memref<136x128xi32, #tpu.memory_space<vmem>> -> memref<1x128xi32, #tpu.memory_space<vmem>>
          %dma_wait3A_239 = tpu.memref_squeeze %dma_wait3A_238 : memref<1x128xi32, #tpu.memory_space<vmem>> -> memref<128xi32, #tpu.memory_space<vmem>>
          %dma_wait3A_240 = arith.constant 0 : i32
          %dma_wait3A_241 = arith.constant 0 : i32
          %dma_wait3A_242 = tpu.memref_slice %arg16[%dma_wait3A_240, %dma_wait3A_241] : memref<10240x32xf32, #tpu.memory_space<vmem_shared>> -> memref<10240x32xf32, #tpu.memory_space<vmem_shared>>
          tpu.wait_indirect_dma semaphore(%run_scoped3A : memref<!tpu.dma_semaphore, #tpu.memory_space<semaphore_mem>>) src(%arg13 : memref<128x32xf32, #tpu.memory_space<vmem>>) dst(%dma_wait3A_242 : memref<10240x32xf32, #tpu.memory_space<vmem_shared>>)
          tpu.yield
        }) : () -> ()
        %add3A_191 = arith.constant 8 : i32
        %add3A_192 = arith.addi %add3A_184, %add3A_191 : i32
        %add3A_193 = arith.constant 136 : i32
        %add3A_194 = arith.addi %sub3A, %add3A_193 : i32
        %lt3A_195 = arith.cmpi slt, %add3A_192, %add3A_194 : i32
        %convert_element_type3A_196 = arith.extui %lt3A_195 : i1 to i32
        %cond3A_197 = arith.constant 0 : i32
        %cond3A_198 = arith.cmpi ne, %convert_element_type3A_196, %cond3A_197 : i32
        scf.if %cond3A_198 {
          %add3A_231 = arith.constant 8 : i32
          %add3A_232 = arith.addi %add3A_184, %add3A_231 : i32
          %dma_start3A_233 = arith.constant 0 : i32
          %dma_start3A_234 = tpu.memref_slice %arg6[%add3A_232, %dma_start3A_233] : memref<136x128xi32, #tpu.memory_space<vmem>> -> memref<1x128xi32, #tpu.memory_space<vmem>>
          %dma_start3A_235 = tpu.memref_squeeze %dma_start3A_234 : memref<1x128xi32, #tpu.memory_space<vmem>> -> memref<128xi32, #tpu.memory_space<vmem>>
          %dma_start3A_236 = arith.constant 0 : i32
          %dma_start3A_237 = arith.constant 0 : i32
          %dma_start3A_238 = tpu.memref_slice %arg2[%dma_start3A_236, %dma_start3A_237] : memref<10000x32xf32, #tpu.memory_space<hbm>> -> memref<10000x32xf32, #tpu.memory_space<hbm>>
          tpu.enqueue_indirect_dma source(%dma_start3A_238 : memref<10000x32xf32, #tpu.memory_space<hbm>>) target(%arg13 : memref<128x32xf32, #tpu.memory_space<vmem>>) offsets(%dma_start3A_235 : memref<128xi32, #tpu.memory_space<vmem>>) semaphore(%arg22 : memref<!tpu.dma_semaphore, #tpu.memory_space<semaphore_mem>>)
        } else {
        }
        %add3A_199 = arith.constant 6 : i32
        %add3A_200 = arith.addi %add3A_104, %add3A_199 : i32
        %dma_wait3A_201 = arith.constant 0 : i32
        %dma_wait3A_202 = tpu.memref_slice %arg6[%add3A_200, %dma_wait3A_201] : memref<136x128xi32, #tpu.memory_space<vmem>> -> memref<1x128xi32, #tpu.memory_space<vmem>>
        %dma_wait3A_203 = tpu.memref_squeeze %dma_wait3A_202 : memref<1x128xi32, #tpu.memory_space<vmem>> -> memref<128xi32, #tpu.memory_space<vmem>>
        %dma_wait3A_204 = arith.constant 0 : i32
        %dma_wait3A_205 = arith.constant 0 : i32
        %dma_wait3A_206 = tpu.memref_slice %arg2[%dma_wait3A_204, %dma_wait3A_205] : memref<10000x32xf32, #tpu.memory_space<hbm>> -> memref<10000x32xf32, #tpu.memory_space<hbm>>
        tpu.wait_indirect_dma semaphore(%arg23 : memref<!tpu.dma_semaphore, #tpu.memory_space<semaphore_mem>>) src(%dma_wait3A_206 : memref<10000x32xf32, #tpu.memory_space<hbm>>) dst(%arg14 : memref<128x32xf32, #tpu.memory_space<vmem>>)
        "tpu.region"() ({
          %run_scoped3A = tpu.sem_alloc : memref<!tpu.dma_semaphore, #tpu.memory_space<semaphore_mem>>
          %dma_start3A_231 = arith.constant 0 : i32
          %dma_start3A_232 = tpu.memref_slice %arg7[%add3A_200, %dma_start3A_231] : memref<136x128xi32, #tpu.memory_space<vmem>> -> memref<1x128xi32, #tpu.memory_space<vmem>>
          %dma_start3A_233 = tpu.memref_squeeze %dma_start3A_232 : memref<1x128xi32, #tpu.memory_space<vmem>> -> memref<128xi32, #tpu.memory_space<vmem>>
          %dma_start3A_234 = arith.constant 0 : i32
          %dma_start3A_235 = arith.constant 0 : i32
          %dma_start3A_236 = tpu.memref_slice %arg16[%dma_start3A_234, %dma_start3A_235] : memref<10240x32xf32, #tpu.memory_space<vmem_shared>> -> memref<10240x32xf32, #tpu.memory_space<vmem_shared>>
          tpu.enqueue_indirect_dma source(%arg14 : memref<128x32xf32, #tpu.memory_space<vmem>>) target(%dma_start3A_236 : memref<10240x32xf32, #tpu.memory_space<vmem_shared>>) offsets(%dma_start3A_233 : memref<128xi32, #tpu.memory_space<vmem>>) semaphore(%run_scoped3A : memref<!tpu.dma_semaphore, #tpu.memory_space<semaphore_mem>>) {add = true}
          %dma_wait3A_237 = arith.constant 0 : i32
          %dma_wait3A_238 = tpu.memref_slice %arg7[%add3A_200, %dma_wait3A_237] : memref<136x128xi32, #tpu.memory_space<vmem>> -> memref<1x128xi32, #tpu.memory_space<vmem>>
          %dma_wait3A_239 = tpu.memref_squeeze %dma_wait3A_238 : memref<1x128xi32, #tpu.memory_space<vmem>> -> memref<128xi32, #tpu.memory_space<vmem>>
          %dma_wait3A_240 = arith.constant 0 : i32
          %dma_wait3A_241 = arith.constant 0 : i32
          %dma_wait3A_242 = tpu.memref_slice %arg16[%dma_wait3A_240, %dma_wait3A_241] : memref<10240x32xf32, #tpu.memory_space<vmem_shared>> -> memref<10240x32xf32, #tpu.memory_space<vmem_shared>>
          tpu.wait_indirect_dma semaphore(%run_scoped3A : memref<!tpu.dma_semaphore, #tpu.memory_space<semaphore_mem>>) src(%arg14 : memref<128x32xf32, #tpu.memory_space<vmem>>) dst(%dma_wait3A_242 : memref<10240x32xf32, #tpu.memory_space<vmem_shared>>)
          tpu.yield
        }) : () -> ()
        %add3A_207 = arith.constant 8 : i32
        %add3A_208 = arith.addi %add3A_200, %add3A_207 : i32
        %add3A_209 = arith.constant 136 : i32
        %add3A_210 = arith.addi %sub3A, %add3A_209 : i32
        %lt3A_211 = arith.cmpi slt, %add3A_208, %add3A_210 : i32
        %convert_element_type3A_212 = arith.extui %lt3A_211 : i1 to i32
        %cond3A_213 = arith.constant 0 : i32
        %cond3A_214 = arith.cmpi ne, %convert_element_type3A_212, %cond3A_213 : i32
        scf.if %cond3A_214 {
          %add3A_231 = arith.constant 8 : i32
          %add3A_232 = arith.addi %add3A_200, %add3A_231 : i32
          %dma_start3A_233 = arith.constant 0 : i32
          %dma_start3A_234 = tpu.memref_slice %arg6[%add3A_232, %dma_start3A_233] : memref<136x128xi32, #tpu.memory_space<vmem>> -> memref<1x128xi32, #tpu.memory_space<vmem>>
          %dma_start3A_235 = tpu.memref_squeeze %dma_start3A_234 : memref<1x128xi32, #tpu.memory_space<vmem>> -> memref<128xi32, #tpu.memory_space<vmem>>
          %dma_start3A_236 = arith.constant 0 : i32
          %dma_start3A_237 = arith.constant 0 : i32
          %dma_start3A_238 = tpu.memref_slice %arg2[%dma_start3A_236, %dma_start3A_237] : memref<10000x32xf32, #tpu.memory_space<hbm>> -> memref<10000x32xf32, #tpu.memory_space<hbm>>
          tpu.enqueue_indirect_dma source(%dma_start3A_238 : memref<10000x32xf32, #tpu.memory_space<hbm>>) target(%arg14 : memref<128x32xf32, #tpu.memory_space<vmem>>) offsets(%dma_start3A_235 : memref<128xi32, #tpu.memory_space<vmem>>) semaphore(%arg23 : memref<!tpu.dma_semaphore, #tpu.memory_space<semaphore_mem>>)
        } else {
        }
        %add3A_215 = arith.constant 7 : i32
        %add3A_216 = arith.addi %add3A_104, %add3A_215 : i32
        %dma_wait3A_217 = arith.constant 0 : i32
        %dma_wait3A_218 = tpu.memref_slice %arg6[%add3A_216, %dma_wait3A_217] : memref<136x128xi32, #tpu.memory_space<vmem>> -> memref<1x128xi32, #tpu.memory_space<vmem>>
        %dma_wait3A_219 = tpu.memref_squeeze %dma_wait3A_218 : memref<1x128xi32, #tpu.memory_space<vmem>> -> memref<128xi32, #tpu.memory_space<vmem>>
        %dma_wait3A_220 = arith.constant 0 : i32
        %dma_wait3A_221 = arith.constant 0 : i32
        %dma_wait3A_222 = tpu.memref_slice %arg2[%dma_wait3A_220, %dma_wait3A_221] : memref<10000x32xf32, #tpu.memory_space<hbm>> -> memref<10000x32xf32, #tpu.memory_space<hbm>>
        tpu.wait_indirect_dma semaphore(%arg24 : memref<!tpu.dma_semaphore, #tpu.memory_space<semaphore_mem>>) src(%dma_wait3A_222 : memref<10000x32xf32, #tpu.memory_space<hbm>>) dst(%arg15 : memref<128x32xf32, #tpu.memory_space<vmem>>)
        "tpu.region"() ({
          %run_scoped3A = tpu.sem_alloc : memref<!tpu.dma_semaphore, #tpu.memory_space<semaphore_mem>>
          %dma_start3A_231 = arith.constant 0 : i32
          %dma_start3A_232 = tpu.memref_slice %arg7[%add3A_216, %dma_start3A_231] : memref<136x128xi32, #tpu.memory_space<vmem>> -> memref<1x128xi32, #tpu.memory_space<vmem>>
          %dma_start3A_233 = tpu.memref_squeeze %dma_start3A_232 : memref<1x128xi32, #tpu.memory_space<vmem>> -> memref<128xi32, #tpu.memory_space<vmem>>
          %dma_start3A_234 = arith.constant 0 : i32
          %dma_start3A_235 = arith.constant 0 : i32
          %dma_start3A_236 = tpu.memref_slice %arg16[%dma_start3A_234, %dma_start3A_235] : memref<10240x32xf32, #tpu.memory_space<vmem_shared>> -> memref<10240x32xf32, #tpu.memory_space<vmem_shared>>
          tpu.enqueue_indirect_dma source(%arg15 : memref<128x32xf32, #tpu.memory_space<vmem>>) target(%dma_start3A_236 : memref<10240x32xf32, #tpu.memory_space<vmem_shared>>) offsets(%dma_start3A_233 : memref<128xi32, #tpu.memory_space<vmem>>) semaphore(%run_scoped3A : memref<!tpu.dma_semaphore, #tpu.memory_space<semaphore_mem>>) {add = true}
          %dma_wait3A_237 = arith.constant 0 : i32
          %dma_wait3A_238 = tpu.memref_slice %arg7[%add3A_216, %dma_wait3A_237] : memref<136x128xi32, #tpu.memory_space<vmem>> -> memref<1x128xi32, #tpu.memory_space<vmem>>
          %dma_wait3A_239 = tpu.memref_squeeze %dma_wait3A_238 : memref<1x128xi32, #tpu.memory_space<vmem>> -> memref<128xi32, #tpu.memory_space<vmem>>
          %dma_wait3A_240 = arith.constant 0 : i32
          %dma_wait3A_241 = arith.constant 0 : i32
          %dma_wait3A_242 = tpu.memref_slice %arg16[%dma_wait3A_240, %dma_wait3A_241] : memref<10240x32xf32, #tpu.memory_space<vmem_shared>> -> memref<10240x32xf32, #tpu.memory_space<vmem_shared>>
          tpu.wait_indirect_dma semaphore(%run_scoped3A : memref<!tpu.dma_semaphore, #tpu.memory_space<semaphore_mem>>) src(%arg15 : memref<128x32xf32, #tpu.memory_space<vmem>>) dst(%dma_wait3A_242 : memref<10240x32xf32, #tpu.memory_space<vmem_shared>>)
          tpu.yield
        }) : () -> ()
        %add3A_223 = arith.constant 8 : i32
        %add3A_224 = arith.addi %add3A_216, %add3A_223 : i32
        %add3A_225 = arith.constant 136 : i32
        %add3A_226 = arith.addi %sub3A, %add3A_225 : i32
        %lt3A_227 = arith.cmpi slt, %add3A_224, %add3A_226 : i32
        %convert_element_type3A_228 = arith.extui %lt3A_227 : i1 to i32
        %cond3A_229 = arith.constant 0 : i32
        %cond3A_230 = arith.cmpi ne, %convert_element_type3A_228, %cond3A_229 : i32
        scf.if %cond3A_230 {
          %add3A_231 = arith.constant 8 : i32
          %add3A_232 = arith.addi %add3A_216, %add3A_231 : i32
          %dma_start3A_233 = arith.constant 0 : i32
          %dma_start3A_234 = tpu.memref_slice %arg6[%add3A_232, %dma_start3A_233] : memref<136x128xi32, #tpu.memory_space<vmem>> -> memref<1x128xi32, #tpu.memory_space<vmem>>
          %dma_start3A_235 = tpu.memref_squeeze %dma_start3A_234 : memref<1x128xi32, #tpu.memory_space<vmem>> -> memref<128xi32, #tpu.memory_space<vmem>>
          %dma_start3A_236 = arith.constant 0 : i32
          %dma_start3A_237 = arith.constant 0 : i32
          %dma_start3A_238 = tpu.memref_slice %arg2[%dma_start3A_236, %dma_start3A_237] : memref<10000x32xf32, #tpu.memory_space<hbm>> -> memref<10000x32xf32, #tpu.memory_space<hbm>>
          tpu.enqueue_indirect_dma source(%dma_start3A_238 : memref<10000x32xf32, #tpu.memory_space<hbm>>) target(%arg15 : memref<128x32xf32, #tpu.memory_space<vmem>>) offsets(%dma_start3A_235 : memref<128xi32, #tpu.memory_space<vmem>>) semaphore(%arg24 : memref<!tpu.dma_semaphore, #tpu.memory_space<semaphore_mem>>)
        } else {
        }
      }
      %scan3A_96 = arith.constant 17 : i32
    } else {
    }
    %eq3A_18 = arith.constant 1 : i32
    %eq3A_19 = arith.cmpi eq, %arg0, %eq3A_18 : i32
    %convert_element_type3A_20 = arith.extui %eq3A_19 : i1 to i32
    %cond3A_21 = arith.constant 0 : i32
    %cond3A_22 = arith.cmpi ne, %convert_element_type3A_20, %cond3A_21 : i32
    scf.if %cond3A_22 {
      %add3A_29 = arith.constant 0 : i32
      %add3A_30 = arith.addi %sub3A, %add3A_29 : i32
      %dma_start3A = arith.constant 0 : i32
      %dma_start3A_31 = tpu.memref_slice %arg6[%add3A_30, %dma_start3A] : memref<136x128xi32, #tpu.memory_space<vmem>> -> memref<1x128xi32, #tpu.memory_space<vmem>>
      %dma_start3A_32 = tpu.memref_squeeze %dma_start3A_31 : memref<1x128xi32, #tpu.memory_space<vmem>> -> memref<128xi32, #tpu.memory_space<vmem>>
      %dma_start3A_33 = arith.constant 0 : i32
      %dma_start3A_34 = arith.constant 0 : i32
      %dma_start3A_35 = tpu.memref_slice %arg2[%dma_start3A_33, %dma_start3A_34] : memref<10000x32xf32, #tpu.memory_space<hbm>> -> memref<10000x32xf32, #tpu.memory_space<hbm>>
      tpu.enqueue_indirect_dma source(%dma_start3A_35 : memref<10000x32xf32, #tpu.memory_space<hbm>>) target(%arg8 : memref<128x32xf32, #tpu.memory_space<vmem>>) offsets(%dma_start3A_32 : memref<128xi32, #tpu.memory_space<vmem>>) semaphore(%arg17 : memref<!tpu.dma_semaphore, #tpu.memory_space<semaphore_mem>>)
      %add3A_36 = arith.constant 1 : i32
      %add3A_37 = arith.addi %sub3A, %add3A_36 : i32
      %dma_start3A_38 = arith.constant 0 : i32
      %dma_start3A_39 = tpu.memref_slice %arg6[%add3A_37, %dma_start3A_38] : memref<136x128xi32, #tpu.memory_space<vmem>> -> memref<1x128xi32, #tpu.memory_space<vmem>>
      %dma_start3A_40 = tpu.memref_squeeze %dma_start3A_39 : memref<1x128xi32, #tpu.memory_space<vmem>> -> memref<128xi32, #tpu.memory_space<vmem>>
      %dma_start3A_41 = arith.constant 0 : i32
      %dma_start3A_42 = arith.constant 0 : i32
      %dma_start3A_43 = tpu.memref_slice %arg2[%dma_start3A_41, %dma_start3A_42] : memref<10000x32xf32, #tpu.memory_space<hbm>> -> memref<10000x32xf32, #tpu.memory_space<hbm>>
      tpu.enqueue_indirect_dma source(%dma_start3A_43 : memref<10000x32xf32, #tpu.memory_space<hbm>>) target(%arg9 : memref<128x32xf32, #tpu.memory_space<vmem>>) offsets(%dma_start3A_40 : memref<128xi32, #tpu.memory_space<vmem>>) semaphore(%arg18 : memref<!tpu.dma_semaphore, #tpu.memory_space<semaphore_mem>>)
      %add3A_44 = arith.constant 2 : i32
      %add3A_45 = arith.addi %sub3A, %add3A_44 : i32
      %dma_start3A_46 = arith.constant 0 : i32
      %dma_start3A_47 = tpu.memref_slice %arg6[%add3A_45, %dma_start3A_46] : memref<136x128xi32, #tpu.memory_space<vmem>> -> memref<1x128xi32, #tpu.memory_space<vmem>>
      %dma_start3A_48 = tpu.memref_squeeze %dma_start3A_47 : memref<1x128xi32, #tpu.memory_space<vmem>> -> memref<128xi32, #tpu.memory_space<vmem>>
      %dma_start3A_49 = arith.constant 0 : i32
      %dma_start3A_50 = arith.constant 0 : i32
      %dma_start3A_51 = tpu.memref_slice %arg2[%dma_start3A_49, %dma_start3A_50] : memref<10000x32xf32, #tpu.memory_space<hbm>> -> memref<10000x32xf32, #tpu.memory_space<hbm>>
      tpu.enqueue_indirect_dma source(%dma_start3A_51 : memref<10000x32xf32, #tpu.memory_space<hbm>>) target(%arg10 : memref<128x32xf32, #tpu.memory_space<vmem>>) offsets(%dma_start3A_48 : memref<128xi32, #tpu.memory_space<vmem>>) semaphore(%arg19 : memref<!tpu.dma_semaphore, #tpu.memory_space<semaphore_mem>>)
      %add3A_52 = arith.constant 3 : i32
      %add3A_53 = arith.addi %sub3A, %add3A_52 : i32
      %dma_start3A_54 = arith.constant 0 : i32
      %dma_start3A_55 = tpu.memref_slice %arg6[%add3A_53, %dma_start3A_54] : memref<136x128xi32, #tpu.memory_space<vmem>> -> memref<1x128xi32, #tpu.memory_space<vmem>>
      %dma_start3A_56 = tpu.memref_squeeze %dma_start3A_55 : memref<1x128xi32, #tpu.memory_space<vmem>> -> memref<128xi32, #tpu.memory_space<vmem>>
      %dma_start3A_57 = arith.constant 0 : i32
      %dma_start3A_58 = arith.constant 0 : i32
      %dma_start3A_59 = tpu.memref_slice %arg2[%dma_start3A_57, %dma_start3A_58] : memref<10000x32xf32, #tpu.memory_space<hbm>> -> memref<10000x32xf32, #tpu.memory_space<hbm>>
      tpu.enqueue_indirect_dma source(%dma_start3A_59 : memref<10000x32xf32, #tpu.memory_space<hbm>>) target(%arg11 : memref<128x32xf32, #tpu.memory_space<vmem>>) offsets(%dma_start3A_56 : memref<128xi32, #tpu.memory_space<vmem>>) semaphore(%arg20 : memref<!tpu.dma_semaphore, #tpu.memory_space<semaphore_mem>>)
      %add3A_60 = arith.constant 4 : i32
      %add3A_61 = arith.addi %sub3A, %add3A_60 : i32
      %dma_start3A_62 = arith.constant 0 : i32
      %dma_start3A_63 = tpu.memref_slice %arg6[%add3A_61, %dma_start3A_62] : memref<136x128xi32, #tpu.memory_space<vmem>> -> memref<1x128xi32, #tpu.memory_space<vmem>>
      %dma_start3A_64 = tpu.memref_squeeze %dma_start3A_63 : memref<1x128xi32, #tpu.memory_space<vmem>> -> memref<128xi32, #tpu.memory_space<vmem>>
      %dma_start3A_65 = arith.constant 0 : i32
      %dma_start3A_66 = arith.constant 0 : i32
      %dma_start3A_67 = tpu.memref_slice %arg2[%dma_start3A_65, %dma_start3A_66] : memref<10000x32xf32, #tpu.memory_space<hbm>> -> memref<10000x32xf32, #tpu.memory_space<hbm>>
      tpu.enqueue_indirect_dma source(%dma_start3A_67 : memref<10000x32xf32, #tpu.memory_space<hbm>>) target(%arg12 : memref<128x32xf32, #tpu.memory_space<vmem>>) offsets(%dma_start3A_64 : memref<128xi32, #tpu.memory_space<vmem>>) semaphore(%arg21 : memref<!tpu.dma_semaphore, #tpu.memory_space<semaphore_mem>>)
      %add3A_68 = arith.constant 5 : i32
      %add3A_69 = arith.addi %sub3A, %add3A_68 : i32
      %dma_start3A_70 = arith.constant 0 : i32
      %dma_start3A_71 = tpu.memref_slice %arg6[%add3A_69, %dma_start3A_70] : memref<136x128xi32, #tpu.memory_space<vmem>> -> memref<1x128xi32, #tpu.memory_space<vmem>>
      %dma_start3A_72 = tpu.memref_squeeze %dma_start3A_71 : memref<1x128xi32, #tpu.memory_space<vmem>> -> memref<128xi32, #tpu.memory_space<vmem>>
      %dma_start3A_73 = arith.constant 0 : i32
      %dma_start3A_74 = arith.constant 0 : i32
      %dma_start3A_75 = tpu.memref_slice %arg2[%dma_start3A_73, %dma_start3A_74] : memref<10000x32xf32, #tpu.memory_space<hbm>> -> memref<10000x32xf32, #tpu.memory_space<hbm>>
      tpu.enqueue_indirect_dma source(%dma_start3A_75 : memref<10000x32xf32, #tpu.memory_space<hbm>>) target(%arg13 : memref<128x32xf32, #tpu.memory_space<vmem>>) offsets(%dma_start3A_72 : memref<128xi32, #tpu.memory_space<vmem>>) semaphore(%arg22 : memref<!tpu.dma_semaphore, #tpu.memory_space<semaphore_mem>>)
      %add3A_76 = arith.constant 6 : i32
      %add3A_77 = arith.addi %sub3A, %add3A_76 : i32
      %dma_start3A_78 = arith.constant 0 : i32
      %dma_start3A_79 = tpu.memref_slice %arg6[%add3A_77, %dma_start3A_78] : memref<136x128xi32, #tpu.memory_space<vmem>> -> memref<1x128xi32, #tpu.memory_space<vmem>>
      %dma_start3A_80 = tpu.memref_squeeze %dma_start3A_79 : memref<1x128xi32, #tpu.memory_space<vmem>> -> memref<128xi32, #tpu.memory_space<vmem>>
      %dma_start3A_81 = arith.constant 0 : i32
      %dma_start3A_82 = arith.constant 0 : i32
      %dma_start3A_83 = tpu.memref_slice %arg2[%dma_start3A_81, %dma_start3A_82] : memref<10000x32xf32, #tpu.memory_space<hbm>> -> memref<10000x32xf32, #tpu.memory_space<hbm>>
      tpu.enqueue_indirect_dma source(%dma_start3A_83 : memref<10000x32xf32, #tpu.memory_space<hbm>>) target(%arg14 : memref<128x32xf32, #tpu.memory_space<vmem>>) offsets(%dma_start3A_80 : memref<128xi32, #tpu.memory_space<vmem>>) semaphore(%arg23 : memref<!tpu.dma_semaphore, #tpu.memory_space<semaphore_mem>>)
      %add3A_84 = arith.constant 7 : i32
      %add3A_85 = arith.addi %sub3A, %add3A_84 : i32
      %dma_start3A_86 = arith.constant 0 : i32
      %dma_start3A_87 = tpu.memref_slice %arg6[%add3A_85, %dma_start3A_86] : memref<136x128xi32, #tpu.memory_space<vmem>> -> memref<1x128xi32, #tpu.memory_space<vmem>>
      %dma_start3A_88 = tpu.memref_squeeze %dma_start3A_87 : memref<1x128xi32, #tpu.memory_space<vmem>> -> memref<128xi32, #tpu.memory_space<vmem>>
      %dma_start3A_89 = arith.constant 0 : i32
      %dma_start3A_90 = arith.constant 0 : i32
      %dma_start3A_91 = tpu.memref_slice %arg2[%dma_start3A_89, %dma_start3A_90] : memref<10000x32xf32, #tpu.memory_space<hbm>> -> memref<10000x32xf32, #tpu.memory_space<hbm>>
      tpu.enqueue_indirect_dma source(%dma_start3A_91 : memref<10000x32xf32, #tpu.memory_space<hbm>>) target(%arg15 : memref<128x32xf32, #tpu.memory_space<vmem>>) offsets(%dma_start3A_88 : memref<128xi32, #tpu.memory_space<vmem>>) semaphore(%arg24 : memref<!tpu.dma_semaphore, #tpu.memory_space<semaphore_mem>>)
      %scan3A_92 = arith.constant 0 : i32
      %scan3A_93 = arith.constant 3 : i32
      %scan3A_94 = arith.addi %scan3A_92, %scan3A_93 : i32
      %scan3A_95 = arith.constant 1 : i32
      scf.for %scan3A_97 = %scan3A_92 to %scan3A_94 step %scan3A_95  : i32 {
        %mul3A_98 = arith.constant 1 : i32
        %mul3A_99 = arith.muli %scan3A_97, %mul3A_98 : i32
        %add3A_100 = arith.constant 0 : i32
        %add3A_101 = arith.addi %add3A_100, %mul3A_99 : i32
        %mul3A_102 = arith.constant 8 : i32
        %mul3A_103 = arith.muli %add3A_101, %mul3A_102 : i32
        %add3A_104 = arith.addi %sub3A, %mul3A_103 : i32
        %add3A_105 = arith.constant 0 : i32
        %add3A_106 = arith.addi %add3A_104, %add3A_105 : i32
        %dma_wait3A = arith.constant 0 : i32
        %dma_wait3A_107 = tpu.memref_slice %arg6[%add3A_106, %dma_wait3A] : memref<136x128xi32, #tpu.memory_space<vmem>> -> memref<1x128xi32, #tpu.memory_space<vmem>>
        %dma_wait3A_108 = tpu.memref_squeeze %dma_wait3A_107 : memref<1x128xi32, #tpu.memory_space<vmem>> -> memref<128xi32, #tpu.memory_space<vmem>>
        %dma_wait3A_109 = arith.constant 0 : i32
        %dma_wait3A_110 = arith.constant 0 : i32
        %dma_wait3A_111 = tpu.memref_slice %arg2[%dma_wait3A_109, %dma_wait3A_110] : memref<10000x32xf32, #tpu.memory_space<hbm>> -> memref<10000x32xf32, #tpu.memory_space<hbm>>
        tpu.wait_indirect_dma semaphore(%arg17 : memref<!tpu.dma_semaphore, #tpu.memory_space<semaphore_mem>>) src(%dma_wait3A_111 : memref<10000x32xf32, #tpu.memory_space<hbm>>) dst(%arg8 : memref<128x32xf32, #tpu.memory_space<vmem>>)
        "tpu.region"() ({
          %run_scoped3A = tpu.sem_alloc : memref<!tpu.dma_semaphore, #tpu.memory_space<semaphore_mem>>
          %dma_start3A_231 = arith.constant 0 : i32
          %dma_start3A_232 = tpu.memref_slice %arg7[%add3A_106, %dma_start3A_231] : memref<136x128xi32, #tpu.memory_space<vmem>> -> memref<1x128xi32, #tpu.memory_space<vmem>>
          %dma_start3A_233 = tpu.memref_squeeze %dma_start3A_232 : memref<1x128xi32, #tpu.memory_space<vmem>> -> memref<128xi32, #tpu.memory_space<vmem>>
          %dma_start3A_234 = arith.constant 0 : i32
          %dma_start3A_235 = arith.constant 0 : i32
          %dma_start3A_236 = tpu.memref_slice %arg16[%dma_start3A_234, %dma_start3A_235] : memref<10240x32xf32, #tpu.memory_space<vmem_shared>> -> memref<10240x32xf32, #tpu.memory_space<vmem_shared>>
          tpu.enqueue_indirect_dma source(%arg8 : memref<128x32xf32, #tpu.memory_space<vmem>>) target(%dma_start3A_236 : memref<10240x32xf32, #tpu.memory_space<vmem_shared>>) offsets(%dma_start3A_233 : memref<128xi32, #tpu.memory_space<vmem>>) semaphore(%run_scoped3A : memref<!tpu.dma_semaphore, #tpu.memory_space<semaphore_mem>>) {add = true}
          %dma_wait3A_237 = arith.constant 0 : i32
          %dma_wait3A_238 = tpu.memref_slice %arg7[%add3A_106, %dma_wait3A_237] : memref<136x128xi32, #tpu.memory_space<vmem>> -> memref<1x128xi32, #tpu.memory_space<vmem>>
          %dma_wait3A_239 = tpu.memref_squeeze %dma_wait3A_238 : memref<1x128xi32, #tpu.memory_space<vmem>> -> memref<128xi32, #tpu.memory_space<vmem>>
          %dma_wait3A_240 = arith.constant 0 : i32
          %dma_wait3A_241 = arith.constant 0 : i32
          %dma_wait3A_242 = tpu.memref_slice %arg16[%dma_wait3A_240, %dma_wait3A_241] : memref<10240x32xf32, #tpu.memory_space<vmem_shared>> -> memref<10240x32xf32, #tpu.memory_space<vmem_shared>>
          tpu.wait_indirect_dma semaphore(%run_scoped3A : memref<!tpu.dma_semaphore, #tpu.memory_space<semaphore_mem>>) src(%arg8 : memref<128x32xf32, #tpu.memory_space<vmem>>) dst(%dma_wait3A_242 : memref<10240x32xf32, #tpu.memory_space<vmem_shared>>)
          tpu.yield
        }) : () -> ()
        %add3A_112 = arith.constant 8 : i32
        %add3A_113 = arith.addi %add3A_106, %add3A_112 : i32
        %add3A_114 = arith.constant 24 : i32
        %add3A_115 = arith.addi %sub3A, %add3A_114 : i32
        %lt3A = arith.cmpi slt, %add3A_113, %add3A_115 : i32
        %convert_element_type3A_116 = arith.extui %lt3A : i1 to i32
        %cond3A_117 = arith.constant 0 : i32
        %cond3A_118 = arith.cmpi ne, %convert_element_type3A_116, %cond3A_117 : i32
        scf.if %cond3A_118 {
          %add3A_231 = arith.constant 8 : i32
          %add3A_232 = arith.addi %add3A_106, %add3A_231 : i32
          %dma_start3A_233 = arith.constant 0 : i32
          %dma_start3A_234 = tpu.memref_slice %arg6[%add3A_232, %dma_start3A_233] : memref<136x128xi32, #tpu.memory_space<vmem>> -> memref<1x128xi32, #tpu.memory_space<vmem>>
          %dma_start3A_235 = tpu.memref_squeeze %dma_start3A_234 : memref<1x128xi32, #tpu.memory_space<vmem>> -> memref<128xi32, #tpu.memory_space<vmem>>
          %dma_start3A_236 = arith.constant 0 : i32
          %dma_start3A_237 = arith.constant 0 : i32
          %dma_start3A_238 = tpu.memref_slice %arg2[%dma_start3A_236, %dma_start3A_237] : memref<10000x32xf32, #tpu.memory_space<hbm>> -> memref<10000x32xf32, #tpu.memory_space<hbm>>
          tpu.enqueue_indirect_dma source(%dma_start3A_238 : memref<10000x32xf32, #tpu.memory_space<hbm>>) target(%arg8 : memref<128x32xf32, #tpu.memory_space<vmem>>) offsets(%dma_start3A_235 : memref<128xi32, #tpu.memory_space<vmem>>) semaphore(%arg17 : memref<!tpu.dma_semaphore, #tpu.memory_space<semaphore_mem>>)
        } else {
        }
        %add3A_119 = arith.constant 1 : i32
        %add3A_120 = arith.addi %add3A_104, %add3A_119 : i32
        %dma_wait3A_121 = arith.constant 0 : i32
        %dma_wait3A_122 = tpu.memref_slice %arg6[%add3A_120, %dma_wait3A_121] : memref<136x128xi32, #tpu.memory_space<vmem>> -> memref<1x128xi32, #tpu.memory_space<vmem>>
        %dma_wait3A_123 = tpu.memref_squeeze %dma_wait3A_122 : memref<1x128xi32, #tpu.memory_space<vmem>> -> memref<128xi32, #tpu.memory_space<vmem>>
        %dma_wait3A_124 = arith.constant 0 : i32
        %dma_wait3A_125 = arith.constant 0 : i32
        %dma_wait3A_126 = tpu.memref_slice %arg2[%dma_wait3A_124, %dma_wait3A_125] : memref<10000x32xf32, #tpu.memory_space<hbm>> -> memref<10000x32xf32, #tpu.memory_space<hbm>>
        tpu.wait_indirect_dma semaphore(%arg18 : memref<!tpu.dma_semaphore, #tpu.memory_space<semaphore_mem>>) src(%dma_wait3A_126 : memref<10000x32xf32, #tpu.memory_space<hbm>>) dst(%arg9 : memref<128x32xf32, #tpu.memory_space<vmem>>)
        "tpu.region"() ({
          %run_scoped3A = tpu.sem_alloc : memref<!tpu.dma_semaphore, #tpu.memory_space<semaphore_mem>>
          %dma_start3A_231 = arith.constant 0 : i32
          %dma_start3A_232 = tpu.memref_slice %arg7[%add3A_120, %dma_start3A_231] : memref<136x128xi32, #tpu.memory_space<vmem>> -> memref<1x128xi32, #tpu.memory_space<vmem>>
          %dma_start3A_233 = tpu.memref_squeeze %dma_start3A_232 : memref<1x128xi32, #tpu.memory_space<vmem>> -> memref<128xi32, #tpu.memory_space<vmem>>
          %dma_start3A_234 = arith.constant 0 : i32
          %dma_start3A_235 = arith.constant 0 : i32
          %dma_start3A_236 = tpu.memref_slice %arg16[%dma_start3A_234, %dma_start3A_235] : memref<10240x32xf32, #tpu.memory_space<vmem_shared>> -> memref<10240x32xf32, #tpu.memory_space<vmem_shared>>
          tpu.enqueue_indirect_dma source(%arg9 : memref<128x32xf32, #tpu.memory_space<vmem>>) target(%dma_start3A_236 : memref<10240x32xf32, #tpu.memory_space<vmem_shared>>) offsets(%dma_start3A_233 : memref<128xi32, #tpu.memory_space<vmem>>) semaphore(%run_scoped3A : memref<!tpu.dma_semaphore, #tpu.memory_space<semaphore_mem>>) {add = true}
          %dma_wait3A_237 = arith.constant 0 : i32
          %dma_wait3A_238 = tpu.memref_slice %arg7[%add3A_120, %dma_wait3A_237] : memref<136x128xi32, #tpu.memory_space<vmem>> -> memref<1x128xi32, #tpu.memory_space<vmem>>
          %dma_wait3A_239 = tpu.memref_squeeze %dma_wait3A_238 : memref<1x128xi32, #tpu.memory_space<vmem>> -> memref<128xi32, #tpu.memory_space<vmem>>
          %dma_wait3A_240 = arith.constant 0 : i32
          %dma_wait3A_241 = arith.constant 0 : i32
          %dma_wait3A_242 = tpu.memref_slice %arg16[%dma_wait3A_240, %dma_wait3A_241] : memref<10240x32xf32, #tpu.memory_space<vmem_shared>> -> memref<10240x32xf32, #tpu.memory_space<vmem_shared>>
          tpu.wait_indirect_dma semaphore(%run_scoped3A : memref<!tpu.dma_semaphore, #tpu.memory_space<semaphore_mem>>) src(%arg9 : memref<128x32xf32, #tpu.memory_space<vmem>>) dst(%dma_wait3A_242 : memref<10240x32xf32, #tpu.memory_space<vmem_shared>>)
          tpu.yield
        }) : () -> ()
        %add3A_127 = arith.constant 8 : i32
        %add3A_128 = arith.addi %add3A_120, %add3A_127 : i32
        %add3A_129 = arith.constant 24 : i32
        %add3A_130 = arith.addi %sub3A, %add3A_129 : i32
        %lt3A_131 = arith.cmpi slt, %add3A_128, %add3A_130 : i32
        %convert_element_type3A_132 = arith.extui %lt3A_131 : i1 to i32
        %cond3A_133 = arith.constant 0 : i32
        %cond3A_134 = arith.cmpi ne, %convert_element_type3A_132, %cond3A_133 : i32
        scf.if %cond3A_134 {
          %add3A_231 = arith.constant 8 : i32
          %add3A_232 = arith.addi %add3A_120, %add3A_231 : i32
          %dma_start3A_233 = arith.constant 0 : i32
          %dma_start3A_234 = tpu.memref_slice %arg6[%add3A_232, %dma_start3A_233] : memref<136x128xi32, #tpu.memory_space<vmem>> -> memref<1x128xi32, #tpu.memory_space<vmem>>
          %dma_start3A_235 = tpu.memref_squeeze %dma_start3A_234 : memref<1x128xi32, #tpu.memory_space<vmem>> -> memref<128xi32, #tpu.memory_space<vmem>>
          %dma_start3A_236 = arith.constant 0 : i32
          %dma_start3A_237 = arith.constant 0 : i32
          %dma_start3A_238 = tpu.memref_slice %arg2[%dma_start3A_236, %dma_start3A_237] : memref<10000x32xf32, #tpu.memory_space<hbm>> -> memref<10000x32xf32, #tpu.memory_space<hbm>>
          tpu.enqueue_indirect_dma source(%dma_start3A_238 : memref<10000x32xf32, #tpu.memory_space<hbm>>) target(%arg9 : memref<128x32xf32, #tpu.memory_space<vmem>>) offsets(%dma_start3A_235 : memref<128xi32, #tpu.memory_space<vmem>>) semaphore(%arg18 : memref<!tpu.dma_semaphore, #tpu.memory_space<semaphore_mem>>)
        } else {
        }
        %add3A_135 = arith.constant 2 : i32
        %add3A_136 = arith.addi %add3A_104, %add3A_135 : i32
        %dma_wait3A_137 = arith.constant 0 : i32
        %dma_wait3A_138 = tpu.memref_slice %arg6[%add3A_136, %dma_wait3A_137] : memref<136x128xi32, #tpu.memory_space<vmem>> -> memref<1x128xi32, #tpu.memory_space<vmem>>
        %dma_wait3A_139 = tpu.memref_squeeze %dma_wait3A_138 : memref<1x128xi32, #tpu.memory_space<vmem>> -> memref<128xi32, #tpu.memory_space<vmem>>
        %dma_wait3A_140 = arith.constant 0 : i32
        %dma_wait3A_141 = arith.constant 0 : i32
        %dma_wait3A_142 = tpu.memref_slice %arg2[%dma_wait3A_140, %dma_wait3A_141] : memref<10000x32xf32, #tpu.memory_space<hbm>> -> memref<10000x32xf32, #tpu.memory_space<hbm>>
        tpu.wait_indirect_dma semaphore(%arg19 : memref<!tpu.dma_semaphore, #tpu.memory_space<semaphore_mem>>) src(%dma_wait3A_142 : memref<10000x32xf32, #tpu.memory_space<hbm>>) dst(%arg10 : memref<128x32xf32, #tpu.memory_space<vmem>>)
        "tpu.region"() ({
          %run_scoped3A = tpu.sem_alloc : memref<!tpu.dma_semaphore, #tpu.memory_space<semaphore_mem>>
          %dma_start3A_231 = arith.constant 0 : i32
          %dma_start3A_232 = tpu.memref_slice %arg7[%add3A_136, %dma_start3A_231] : memref<136x128xi32, #tpu.memory_space<vmem>> -> memref<1x128xi32, #tpu.memory_space<vmem>>
          %dma_start3A_233 = tpu.memref_squeeze %dma_start3A_232 : memref<1x128xi32, #tpu.memory_space<vmem>> -> memref<128xi32, #tpu.memory_space<vmem>>
          %dma_start3A_234 = arith.constant 0 : i32
          %dma_start3A_235 = arith.constant 0 : i32
          %dma_start3A_236 = tpu.memref_slice %arg16[%dma_start3A_234, %dma_start3A_235] : memref<10240x32xf32, #tpu.memory_space<vmem_shared>> -> memref<10240x32xf32, #tpu.memory_space<vmem_shared>>
          tpu.enqueue_indirect_dma source(%arg10 : memref<128x32xf32, #tpu.memory_space<vmem>>) target(%dma_start3A_236 : memref<10240x32xf32, #tpu.memory_space<vmem_shared>>) offsets(%dma_start3A_233 : memref<128xi32, #tpu.memory_space<vmem>>) semaphore(%run_scoped3A : memref<!tpu.dma_semaphore, #tpu.memory_space<semaphore_mem>>) {add = true}
          %dma_wait3A_237 = arith.constant 0 : i32
          %dma_wait3A_238 = tpu.memref_slice %arg7[%add3A_136, %dma_wait3A_237] : memref<136x128xi32, #tpu.memory_space<vmem>> -> memref<1x128xi32, #tpu.memory_space<vmem>>
          %dma_wait3A_239 = tpu.memref_squeeze %dma_wait3A_238 : memref<1x128xi32, #tpu.memory_space<vmem>> -> memref<128xi32, #tpu.memory_space<vmem>>
          %dma_wait3A_240 = arith.constant 0 : i32
          %dma_wait3A_241 = arith.constant 0 : i32
          %dma_wait3A_242 = tpu.memref_slice %arg16[%dma_wait3A_240, %dma_wait3A_241] : memref<10240x32xf32, #tpu.memory_space<vmem_shared>> -> memref<10240x32xf32, #tpu.memory_space<vmem_shared>>
          tpu.wait_indirect_dma semaphore(%run_scoped3A : memref<!tpu.dma_semaphore, #tpu.memory_space<semaphore_mem>>) src(%arg10 : memref<128x32xf32, #tpu.memory_space<vmem>>) dst(%dma_wait3A_242 : memref<10240x32xf32, #tpu.memory_space<vmem_shared>>)
          tpu.yield
        }) : () -> ()
        %add3A_143 = arith.constant 8 : i32
        %add3A_144 = arith.addi %add3A_136, %add3A_143 : i32
        %add3A_145 = arith.constant 24 : i32
        %add3A_146 = arith.addi %sub3A, %add3A_145 : i32
        %lt3A_147 = arith.cmpi slt, %add3A_144, %add3A_146 : i32
        %convert_element_type3A_148 = arith.extui %lt3A_147 : i1 to i32
        %cond3A_149 = arith.constant 0 : i32
        %cond3A_150 = arith.cmpi ne, %convert_element_type3A_148, %cond3A_149 : i32
        scf.if %cond3A_150 {
          %add3A_231 = arith.constant 8 : i32
          %add3A_232 = arith.addi %add3A_136, %add3A_231 : i32
          %dma_start3A_233 = arith.constant 0 : i32
          %dma_start3A_234 = tpu.memref_slice %arg6[%add3A_232, %dma_start3A_233] : memref<136x128xi32, #tpu.memory_space<vmem>> -> memref<1x128xi32, #tpu.memory_space<vmem>>
          %dma_start3A_235 = tpu.memref_squeeze %dma_start3A_234 : memref<1x128xi32, #tpu.memory_space<vmem>> -> memref<128xi32, #tpu.memory_space<vmem>>
          %dma_start3A_236 = arith.constant 0 : i32
          %dma_start3A_237 = arith.constant 0 : i32
          %dma_start3A_238 = tpu.memref_slice %arg2[%dma_start3A_236, %dma_start3A_237] : memref<10000x32xf32, #tpu.memory_space<hbm>> -> memref<10000x32xf32, #tpu.memory_space<hbm>>
          tpu.enqueue_indirect_dma source(%dma_start3A_238 : memref<10000x32xf32, #tpu.memory_space<hbm>>) target(%arg10 : memref<128x32xf32, #tpu.memory_space<vmem>>) offsets(%dma_start3A_235 : memref<128xi32, #tpu.memory_space<vmem>>) semaphore(%arg19 : memref<!tpu.dma_semaphore, #tpu.memory_space<semaphore_mem>>)
        } else {
        }
        %add3A_151 = arith.constant 3 : i32
        %add3A_152 = arith.addi %add3A_104, %add3A_151 : i32
        %dma_wait3A_153 = arith.constant 0 : i32
        %dma_wait3A_154 = tpu.memref_slice %arg6[%add3A_152, %dma_wait3A_153] : memref<136x128xi32, #tpu.memory_space<vmem>> -> memref<1x128xi32, #tpu.memory_space<vmem>>
        %dma_wait3A_155 = tpu.memref_squeeze %dma_wait3A_154 : memref<1x128xi32, #tpu.memory_space<vmem>> -> memref<128xi32, #tpu.memory_space<vmem>>
        %dma_wait3A_156 = arith.constant 0 : i32
        %dma_wait3A_157 = arith.constant 0 : i32
        %dma_wait3A_158 = tpu.memref_slice %arg2[%dma_wait3A_156, %dma_wait3A_157] : memref<10000x32xf32, #tpu.memory_space<hbm>> -> memref<10000x32xf32, #tpu.memory_space<hbm>>
        tpu.wait_indirect_dma semaphore(%arg20 : memref<!tpu.dma_semaphore, #tpu.memory_space<semaphore_mem>>) src(%dma_wait3A_158 : memref<10000x32xf32, #tpu.memory_space<hbm>>) dst(%arg11 : memref<128x32xf32, #tpu.memory_space<vmem>>)
        "tpu.region"() ({
          %run_scoped3A = tpu.sem_alloc : memref<!tpu.dma_semaphore, #tpu.memory_space<semaphore_mem>>
          %dma_start3A_231 = arith.constant 0 : i32
          %dma_start3A_232 = tpu.memref_slice %arg7[%add3A_152, %dma_start3A_231] : memref<136x128xi32, #tpu.memory_space<vmem>> -> memref<1x128xi32, #tpu.memory_space<vmem>>
          %dma_start3A_233 = tpu.memref_squeeze %dma_start3A_232 : memref<1x128xi32, #tpu.memory_space<vmem>> -> memref<128xi32, #tpu.memory_space<vmem>>
          %dma_start3A_234 = arith.constant 0 : i32
          %dma_start3A_235 = arith.constant 0 : i32
          %dma_start3A_236 = tpu.memref_slice %arg16[%dma_start3A_234, %dma_start3A_235] : memref<10240x32xf32, #tpu.memory_space<vmem_shared>> -> memref<10240x32xf32, #tpu.memory_space<vmem_shared>>
          tpu.enqueue_indirect_dma source(%arg11 : memref<128x32xf32, #tpu.memory_space<vmem>>) target(%dma_start3A_236 : memref<10240x32xf32, #tpu.memory_space<vmem_shared>>) offsets(%dma_start3A_233 : memref<128xi32, #tpu.memory_space<vmem>>) semaphore(%run_scoped3A : memref<!tpu.dma_semaphore, #tpu.memory_space<semaphore_mem>>) {add = true}
          %dma_wait3A_237 = arith.constant 0 : i32
          %dma_wait3A_238 = tpu.memref_slice %arg7[%add3A_152, %dma_wait3A_237] : memref<136x128xi32, #tpu.memory_space<vmem>> -> memref<1x128xi32, #tpu.memory_space<vmem>>
          %dma_wait3A_239 = tpu.memref_squeeze %dma_wait3A_238 : memref<1x128xi32, #tpu.memory_space<vmem>> -> memref<128xi32, #tpu.memory_space<vmem>>
          %dma_wait3A_240 = arith.constant 0 : i32
          %dma_wait3A_241 = arith.constant 0 : i32
          %dma_wait3A_242 = tpu.memref_slice %arg16[%dma_wait3A_240, %dma_wait3A_241] : memref<10240x32xf32, #tpu.memory_space<vmem_shared>> -> memref<10240x32xf32, #tpu.memory_space<vmem_shared>>
          tpu.wait_indirect_dma semaphore(%run_scoped3A : memref<!tpu.dma_semaphore, #tpu.memory_space<semaphore_mem>>) src(%arg11 : memref<128x32xf32, #tpu.memory_space<vmem>>) dst(%dma_wait3A_242 : memref<10240x32xf32, #tpu.memory_space<vmem_shared>>)
          tpu.yield
        }) : () -> ()
        %add3A_159 = arith.constant 8 : i32
        %add3A_160 = arith.addi %add3A_152, %add3A_159 : i32
        %add3A_161 = arith.constant 24 : i32
        %add3A_162 = arith.addi %sub3A, %add3A_161 : i32
        %lt3A_163 = arith.cmpi slt, %add3A_160, %add3A_162 : i32
        %convert_element_type3A_164 = arith.extui %lt3A_163 : i1 to i32
        %cond3A_165 = arith.constant 0 : i32
        %cond3A_166 = arith.cmpi ne, %convert_element_type3A_164, %cond3A_165 : i32
        scf.if %cond3A_166 {
          %add3A_231 = arith.constant 8 : i32
          %add3A_232 = arith.addi %add3A_152, %add3A_231 : i32
          %dma_start3A_233 = arith.constant 0 : i32
          %dma_start3A_234 = tpu.memref_slice %arg6[%add3A_232, %dma_start3A_233] : memref<136x128xi32, #tpu.memory_space<vmem>> -> memref<1x128xi32, #tpu.memory_space<vmem>>
          %dma_start3A_235 = tpu.memref_squeeze %dma_start3A_234 : memref<1x128xi32, #tpu.memory_space<vmem>> -> memref<128xi32, #tpu.memory_space<vmem>>
          %dma_start3A_236 = arith.constant 0 : i32
          %dma_start3A_237 = arith.constant 0 : i32
          %dma_start3A_238 = tpu.memref_slice %arg2[%dma_start3A_236, %dma_start3A_237] : memref<10000x32xf32, #tpu.memory_space<hbm>> -> memref<10000x32xf32, #tpu.memory_space<hbm>>
          tpu.enqueue_indirect_dma source(%dma_start3A_238 : memref<10000x32xf32, #tpu.memory_space<hbm>>) target(%arg11 : memref<128x32xf32, #tpu.memory_space<vmem>>) offsets(%dma_start3A_235 : memref<128xi32, #tpu.memory_space<vmem>>) semaphore(%arg20 : memref<!tpu.dma_semaphore, #tpu.memory_space<semaphore_mem>>)
        } else {
        }
        %add3A_167 = arith.constant 4 : i32
        %add3A_168 = arith.addi %add3A_104, %add3A_167 : i32
        %dma_wait3A_169 = arith.constant 0 : i32
        %dma_wait3A_170 = tpu.memref_slice %arg6[%add3A_168, %dma_wait3A_169] : memref<136x128xi32, #tpu.memory_space<vmem>> -> memref<1x128xi32, #tpu.memory_space<vmem>>
        %dma_wait3A_171 = tpu.memref_squeeze %dma_wait3A_170 : memref<1x128xi32, #tpu.memory_space<vmem>> -> memref<128xi32, #tpu.memory_space<vmem>>
        %dma_wait3A_172 = arith.constant 0 : i32
        %dma_wait3A_173 = arith.constant 0 : i32
        %dma_wait3A_174 = tpu.memref_slice %arg2[%dma_wait3A_172, %dma_wait3A_173] : memref<10000x32xf32, #tpu.memory_space<hbm>> -> memref<10000x32xf32, #tpu.memory_space<hbm>>
        tpu.wait_indirect_dma semaphore(%arg21 : memref<!tpu.dma_semaphore, #tpu.memory_space<semaphore_mem>>) src(%dma_wait3A_174 : memref<10000x32xf32, #tpu.memory_space<hbm>>) dst(%arg12 : memref<128x32xf32, #tpu.memory_space<vmem>>)
        "tpu.region"() ({
          %run_scoped3A = tpu.sem_alloc : memref<!tpu.dma_semaphore, #tpu.memory_space<semaphore_mem>>
          %dma_start3A_231 = arith.constant 0 : i32
          %dma_start3A_232 = tpu.memref_slice %arg7[%add3A_168, %dma_start3A_231] : memref<136x128xi32, #tpu.memory_space<vmem>> -> memref<1x128xi32, #tpu.memory_space<vmem>>
          %dma_start3A_233 = tpu.memref_squeeze %dma_start3A_232 : memref<1x128xi32, #tpu.memory_space<vmem>> -> memref<128xi32, #tpu.memory_space<vmem>>
          %dma_start3A_234 = arith.constant 0 : i32
          %dma_start3A_235 = arith.constant 0 : i32
          %dma_start3A_236 = tpu.memref_slice %arg16[%dma_start3A_234, %dma_start3A_235] : memref<10240x32xf32, #tpu.memory_space<vmem_shared>> -> memref<10240x32xf32, #tpu.memory_space<vmem_shared>>
          tpu.enqueue_indirect_dma source(%arg12 : memref<128x32xf32, #tpu.memory_space<vmem>>) target(%dma_start3A_236 : memref<10240x32xf32, #tpu.memory_space<vmem_shared>>) offsets(%dma_start3A_233 : memref<128xi32, #tpu.memory_space<vmem>>) semaphore(%run_scoped3A : memref<!tpu.dma_semaphore, #tpu.memory_space<semaphore_mem>>) {add = true}
          %dma_wait3A_237 = arith.constant 0 : i32
          %dma_wait3A_238 = tpu.memref_slice %arg7[%add3A_168, %dma_wait3A_237] : memref<136x128xi32, #tpu.memory_space<vmem>> -> memref<1x128xi32, #tpu.memory_space<vmem>>
          %dma_wait3A_239 = tpu.memref_squeeze %dma_wait3A_238 : memref<1x128xi32, #tpu.memory_space<vmem>> -> memref<128xi32, #tpu.memory_space<vmem>>
          %dma_wait3A_240 = arith.constant 0 : i32
          %dma_wait3A_241 = arith.constant 0 : i32
          %dma_wait3A_242 = tpu.memref_slice %arg16[%dma_wait3A_240, %dma_wait3A_241] : memref<10240x32xf32, #tpu.memory_space<vmem_shared>> -> memref<10240x32xf32, #tpu.memory_space<vmem_shared>>
          tpu.wait_indirect_dma semaphore(%run_scoped3A : memref<!tpu.dma_semaphore, #tpu.memory_space<semaphore_mem>>) src(%arg12 : memref<128x32xf32, #tpu.memory_space<vmem>>) dst(%dma_wait3A_242 : memref<10240x32xf32, #tpu.memory_space<vmem_shared>>)
          tpu.yield
        }) : () -> ()
        %add3A_175 = arith.constant 8 : i32
        %add3A_176 = arith.addi %add3A_168, %add3A_175 : i32
        %add3A_177 = arith.constant 24 : i32
        %add3A_178 = arith.addi %sub3A, %add3A_177 : i32
        %lt3A_179 = arith.cmpi slt, %add3A_176, %add3A_178 : i32
        %convert_element_type3A_180 = arith.extui %lt3A_179 : i1 to i32
        %cond3A_181 = arith.constant 0 : i32
        %cond3A_182 = arith.cmpi ne, %convert_element_type3A_180, %cond3A_181 : i32
        scf.if %cond3A_182 {
          %add3A_231 = arith.constant 8 : i32
          %add3A_232 = arith.addi %add3A_168, %add3A_231 : i32
          %dma_start3A_233 = arith.constant 0 : i32
          %dma_start3A_234 = tpu.memref_slice %arg6[%add3A_232, %dma_start3A_233] : memref<136x128xi32, #tpu.memory_space<vmem>> -> memref<1x128xi32, #tpu.memory_space<vmem>>
          %dma_start3A_235 = tpu.memref_squeeze %dma_start3A_234 : memref<1x128xi32, #tpu.memory_space<vmem>> -> memref<128xi32, #tpu.memory_space<vmem>>
          %dma_start3A_236 = arith.constant 0 : i32
          %dma_start3A_237 = arith.constant 0 : i32
          %dma_start3A_238 = tpu.memref_slice %arg2[%dma_start3A_236, %dma_start3A_237] : memref<10000x32xf32, #tpu.memory_space<hbm>> -> memref<10000x32xf32, #tpu.memory_space<hbm>>
          tpu.enqueue_indirect_dma source(%dma_start3A_238 : memref<10000x32xf32, #tpu.memory_space<hbm>>) target(%arg12 : memref<128x32xf32, #tpu.memory_space<vmem>>) offsets(%dma_start3A_235 : memref<128xi32, #tpu.memory_space<vmem>>) semaphore(%arg21 : memref<!tpu.dma_semaphore, #tpu.memory_space<semaphore_mem>>)
        } else {
        }
        %add3A_183 = arith.constant 5 : i32
        %add3A_184 = arith.addi %add3A_104, %add3A_183 : i32
        %dma_wait3A_185 = arith.constant 0 : i32
        %dma_wait3A_186 = tpu.memref_slice %arg6[%add3A_184, %dma_wait3A_185] : memref<136x128xi32, #tpu.memory_space<vmem>> -> memref<1x128xi32, #tpu.memory_space<vmem>>
        %dma_wait3A_187 = tpu.memref_squeeze %dma_wait3A_186 : memref<1x128xi32, #tpu.memory_space<vmem>> -> memref<128xi32, #tpu.memory_space<vmem>>
        %dma_wait3A_188 = arith.constant 0 : i32
        %dma_wait3A_189 = arith.constant 0 : i32
        %dma_wait3A_190 = tpu.memref_slice %arg2[%dma_wait3A_188, %dma_wait3A_189] : memref<10000x32xf32, #tpu.memory_space<hbm>> -> memref<10000x32xf32, #tpu.memory_space<hbm>>
        tpu.wait_indirect_dma semaphore(%arg22 : memref<!tpu.dma_semaphore, #tpu.memory_space<semaphore_mem>>) src(%dma_wait3A_190 : memref<10000x32xf32, #tpu.memory_space<hbm>>) dst(%arg13 : memref<128x32xf32, #tpu.memory_space<vmem>>)
        "tpu.region"() ({
          %run_scoped3A = tpu.sem_alloc : memref<!tpu.dma_semaphore, #tpu.memory_space<semaphore_mem>>
          %dma_start3A_231 = arith.constant 0 : i32
          %dma_start3A_232 = tpu.memref_slice %arg7[%add3A_184, %dma_start3A_231] : memref<136x128xi32, #tpu.memory_space<vmem>> -> memref<1x128xi32, #tpu.memory_space<vmem>>
          %dma_start3A_233 = tpu.memref_squeeze %dma_start3A_232 : memref<1x128xi32, #tpu.memory_space<vmem>> -> memref<128xi32, #tpu.memory_space<vmem>>
          %dma_start3A_234 = arith.constant 0 : i32
          %dma_start3A_235 = arith.constant 0 : i32
          %dma_start3A_236 = tpu.memref_slice %arg16[%dma_start3A_234, %dma_start3A_235] : memref<10240x32xf32, #tpu.memory_space<vmem_shared>> -> memref<10240x32xf32, #tpu.memory_space<vmem_shared>>
          tpu.enqueue_indirect_dma source(%arg13 : memref<128x32xf32, #tpu.memory_space<vmem>>) target(%dma_start3A_236 : memref<10240x32xf32, #tpu.memory_space<vmem_shared>>) offsets(%dma_start3A_233 : memref<128xi32, #tpu.memory_space<vmem>>) semaphore(%run_scoped3A : memref<!tpu.dma_semaphore, #tpu.memory_space<semaphore_mem>>) {add = true}
          %dma_wait3A_237 = arith.constant 0 : i32
          %dma_wait3A_238 = tpu.memref_slice %arg7[%add3A_184, %dma_wait3A_237] : memref<136x128xi32, #tpu.memory_space<vmem>> -> memref<1x128xi32, #tpu.memory_space<vmem>>
          %dma_wait3A_239 = tpu.memref_squeeze %dma_wait3A_238 : memref<1x128xi32, #tpu.memory_space<vmem>> -> memref<128xi32, #tpu.memory_space<vmem>>
          %dma_wait3A_240 = arith.constant 0 : i32
          %dma_wait3A_241 = arith.constant 0 : i32
          %dma_wait3A_242 = tpu.memref_slice %arg16[%dma_wait3A_240, %dma_wait3A_241] : memref<10240x32xf32, #tpu.memory_space<vmem_shared>> -> memref<10240x32xf32, #tpu.memory_space<vmem_shared>>
          tpu.wait_indirect_dma semaphore(%run_scoped3A : memref<!tpu.dma_semaphore, #tpu.memory_space<semaphore_mem>>) src(%arg13 : memref<128x32xf32, #tpu.memory_space<vmem>>) dst(%dma_wait3A_242 : memref<10240x32xf32, #tpu.memory_space<vmem_shared>>)
          tpu.yield
        }) : () -> ()
        %add3A_191 = arith.constant 8 : i32
        %add3A_192 = arith.addi %add3A_184, %add3A_191 : i32
        %add3A_193 = arith.constant 24 : i32
        %add3A_194 = arith.addi %sub3A, %add3A_193 : i32
        %lt3A_195 = arith.cmpi slt, %add3A_192, %add3A_194 : i32
        %convert_element_type3A_196 = arith.extui %lt3A_195 : i1 to i32
        %cond3A_197 = arith.constant 0 : i32
        %cond3A_198 = arith.cmpi ne, %convert_element_type3A_196, %cond3A_197 : i32
        scf.if %cond3A_198 {
          %add3A_231 = arith.constant 8 : i32
          %add3A_232 = arith.addi %add3A_184, %add3A_231 : i32
          %dma_start3A_233 = arith.constant 0 : i32
          %dma_start3A_234 = tpu.memref_slice %arg6[%add3A_232, %dma_start3A_233] : memref<136x128xi32, #tpu.memory_space<vmem>> -> memref<1x128xi32, #tpu.memory_space<vmem>>
          %dma_start3A_235 = tpu.memref_squeeze %dma_start3A_234 : memref<1x128xi32, #tpu.memory_space<vmem>> -> memref<128xi32, #tpu.memory_space<vmem>>
          %dma_start3A_236 = arith.constant 0 : i32
          %dma_start3A_237 = arith.constant 0 : i32
          %dma_start3A_238 = tpu.memref_slice %arg2[%dma_start3A_236, %dma_start3A_237] : memref<10000x32xf32, #tpu.memory_space<hbm>> -> memref<10000x32xf32, #tpu.memory_space<hbm>>
          tpu.enqueue_indirect_dma source(%dma_start3A_238 : memref<10000x32xf32, #tpu.memory_space<hbm>>) target(%arg13 : memref<128x32xf32, #tpu.memory_space<vmem>>) offsets(%dma_start3A_235 : memref<128xi32, #tpu.memory_space<vmem>>) semaphore(%arg22 : memref<!tpu.dma_semaphore, #tpu.memory_space<semaphore_mem>>)
        } else {
        }
        %add3A_199 = arith.constant 6 : i32
        %add3A_200 = arith.addi %add3A_104, %add3A_199 : i32
        %dma_wait3A_201 = arith.constant 0 : i32
        %dma_wait3A_202 = tpu.memref_slice %arg6[%add3A_200, %dma_wait3A_201] : memref<136x128xi32, #tpu.memory_space<vmem>> -> memref<1x128xi32, #tpu.memory_space<vmem>>
        %dma_wait3A_203 = tpu.memref_squeeze %dma_wait3A_202 : memref<1x128xi32, #tpu.memory_space<vmem>> -> memref<128xi32, #tpu.memory_space<vmem>>
        %dma_wait3A_204 = arith.constant 0 : i32
        %dma_wait3A_205 = arith.constant 0 : i32
        %dma_wait3A_206 = tpu.memref_slice %arg2[%dma_wait3A_204, %dma_wait3A_205] : memref<10000x32xf32, #tpu.memory_space<hbm>> -> memref<10000x32xf32, #tpu.memory_space<hbm>>
        tpu.wait_indirect_dma semaphore(%arg23 : memref<!tpu.dma_semaphore, #tpu.memory_space<semaphore_mem>>) src(%dma_wait3A_206 : memref<10000x32xf32, #tpu.memory_space<hbm>>) dst(%arg14 : memref<128x32xf32, #tpu.memory_space<vmem>>)
        "tpu.region"() ({
          %run_scoped3A = tpu.sem_alloc : memref<!tpu.dma_semaphore, #tpu.memory_space<semaphore_mem>>
          %dma_start3A_231 = arith.constant 0 : i32
          %dma_start3A_232 = tpu.memref_slice %arg7[%add3A_200, %dma_start3A_231] : memref<136x128xi32, #tpu.memory_space<vmem>> -> memref<1x128xi32, #tpu.memory_space<vmem>>
          %dma_start3A_233 = tpu.memref_squeeze %dma_start3A_232 : memref<1x128xi32, #tpu.memory_space<vmem>> -> memref<128xi32, #tpu.memory_space<vmem>>
          %dma_start3A_234 = arith.constant 0 : i32
          %dma_start3A_235 = arith.constant 0 : i32
          %dma_start3A_236 = tpu.memref_slice %arg16[%dma_start3A_234, %dma_start3A_235] : memref<10240x32xf32, #tpu.memory_space<vmem_shared>> -> memref<10240x32xf32, #tpu.memory_space<vmem_shared>>
          tpu.enqueue_indirect_dma source(%arg14 : memref<128x32xf32, #tpu.memory_space<vmem>>) target(%dma_start3A_236 : memref<10240x32xf32, #tpu.memory_space<vmem_shared>>) offsets(%dma_start3A_233 : memref<128xi32, #tpu.memory_space<vmem>>) semaphore(%run_scoped3A : memref<!tpu.dma_semaphore, #tpu.memory_space<semaphore_mem>>) {add = true}
          %dma_wait3A_237 = arith.constant 0 : i32
          %dma_wait3A_238 = tpu.memref_slice %arg7[%add3A_200, %dma_wait3A_237] : memref<136x128xi32, #tpu.memory_space<vmem>> -> memref<1x128xi32, #tpu.memory_space<vmem>>
          %dma_wait3A_239 = tpu.memref_squeeze %dma_wait3A_238 : memref<1x128xi32, #tpu.memory_space<vmem>> -> memref<128xi32, #tpu.memory_space<vmem>>
          %dma_wait3A_240 = arith.constant 0 : i32
          %dma_wait3A_241 = arith.constant 0 : i32
          %dma_wait3A_242 = tpu.memref_slice %arg16[%dma_wait3A_240, %dma_wait3A_241] : memref<10240x32xf32, #tpu.memory_space<vmem_shared>> -> memref<10240x32xf32, #tpu.memory_space<vmem_shared>>
          tpu.wait_indirect_dma semaphore(%run_scoped3A : memref<!tpu.dma_semaphore, #tpu.memory_space<semaphore_mem>>) src(%arg14 : memref<128x32xf32, #tpu.memory_space<vmem>>) dst(%dma_wait3A_242 : memref<10240x32xf32, #tpu.memory_space<vmem_shared>>)
          tpu.yield
        }) : () -> ()
        %add3A_207 = arith.constant 8 : i32
        %add3A_208 = arith.addi %add3A_200, %add3A_207 : i32
        %add3A_209 = arith.constant 24 : i32
        %add3A_210 = arith.addi %sub3A, %add3A_209 : i32
        %lt3A_211 = arith.cmpi slt, %add3A_208, %add3A_210 : i32
        %convert_element_type3A_212 = arith.extui %lt3A_211 : i1 to i32
        %cond3A_213 = arith.constant 0 : i32
        %cond3A_214 = arith.cmpi ne, %convert_element_type3A_212, %cond3A_213 : i32
        scf.if %cond3A_214 {
          %add3A_231 = arith.constant 8 : i32
          %add3A_232 = arith.addi %add3A_200, %add3A_231 : i32
          %dma_start3A_233 = arith.constant 0 : i32
          %dma_start3A_234 = tpu.memref_slice %arg6[%add3A_232, %dma_start3A_233] : memref<136x128xi32, #tpu.memory_space<vmem>> -> memref<1x128xi32, #tpu.memory_space<vmem>>
          %dma_start3A_235 = tpu.memref_squeeze %dma_start3A_234 : memref<1x128xi32, #tpu.memory_space<vmem>> -> memref<128xi32, #tpu.memory_space<vmem>>
          %dma_start3A_236 = arith.constant 0 : i32
          %dma_start3A_237 = arith.constant 0 : i32
          %dma_start3A_238 = tpu.memref_slice %arg2[%dma_start3A_236, %dma_start3A_237] : memref<10000x32xf32, #tpu.memory_space<hbm>> -> memref<10000x32xf32, #tpu.memory_space<hbm>>
          tpu.enqueue_indirect_dma source(%dma_start3A_238 : memref<10000x32xf32, #tpu.memory_space<hbm>>) target(%arg14 : memref<128x32xf32, #tpu.memory_space<vmem>>) offsets(%dma_start3A_235 : memref<128xi32, #tpu.memory_space<vmem>>) semaphore(%arg23 : memref<!tpu.dma_semaphore, #tpu.memory_space<semaphore_mem>>)
        } else {
        }
        %add3A_215 = arith.constant 7 : i32
        %add3A_216 = arith.addi %add3A_104, %add3A_215 : i32
        %dma_wait3A_217 = arith.constant 0 : i32
        %dma_wait3A_218 = tpu.memref_slice %arg6[%add3A_216, %dma_wait3A_217] : memref<136x128xi32, #tpu.memory_space<vmem>> -> memref<1x128xi32, #tpu.memory_space<vmem>>
        %dma_wait3A_219 = tpu.memref_squeeze %dma_wait3A_218 : memref<1x128xi32, #tpu.memory_space<vmem>> -> memref<128xi32, #tpu.memory_space<vmem>>
        %dma_wait3A_220 = arith.constant 0 : i32
        %dma_wait3A_221 = arith.constant 0 : i32
        %dma_wait3A_222 = tpu.memref_slice %arg2[%dma_wait3A_220, %dma_wait3A_221] : memref<10000x32xf32, #tpu.memory_space<hbm>> -> memref<10000x32xf32, #tpu.memory_space<hbm>>
        tpu.wait_indirect_dma semaphore(%arg24 : memref<!tpu.dma_semaphore, #tpu.memory_space<semaphore_mem>>) src(%dma_wait3A_222 : memref<10000x32xf32, #tpu.memory_space<hbm>>) dst(%arg15 : memref<128x32xf32, #tpu.memory_space<vmem>>)
        "tpu.region"() ({
          %run_scoped3A = tpu.sem_alloc : memref<!tpu.dma_semaphore, #tpu.memory_space<semaphore_mem>>
          %dma_start3A_231 = arith.constant 0 : i32
          %dma_start3A_232 = tpu.memref_slice %arg7[%add3A_216, %dma_start3A_231] : memref<136x128xi32, #tpu.memory_space<vmem>> -> memref<1x128xi32, #tpu.memory_space<vmem>>
          %dma_start3A_233 = tpu.memref_squeeze %dma_start3A_232 : memref<1x128xi32, #tpu.memory_space<vmem>> -> memref<128xi32, #tpu.memory_space<vmem>>
          %dma_start3A_234 = arith.constant 0 : i32
          %dma_start3A_235 = arith.constant 0 : i32
          %dma_start3A_236 = tpu.memref_slice %arg16[%dma_start3A_234, %dma_start3A_235] : memref<10240x32xf32, #tpu.memory_space<vmem_shared>> -> memref<10240x32xf32, #tpu.memory_space<vmem_shared>>
          tpu.enqueue_indirect_dma source(%arg15 : memref<128x32xf32, #tpu.memory_space<vmem>>) target(%dma_start3A_236 : memref<10240x32xf32, #tpu.memory_space<vmem_shared>>) offsets(%dma_start3A_233 : memref<128xi32, #tpu.memory_space<vmem>>) semaphore(%run_scoped3A : memref<!tpu.dma_semaphore, #tpu.memory_space<semaphore_mem>>) {add = true}
          %dma_wait3A_237 = arith.constant 0 : i32
          %dma_wait3A_238 = tpu.memref_slice %arg7[%add3A_216, %dma_wait3A_237] : memref<136x128xi32, #tpu.memory_space<vmem>> -> memref<1x128xi32, #tpu.memory_space<vmem>>
          %dma_wait3A_239 = tpu.memref_squeeze %dma_wait3A_238 : memref<1x128xi32, #tpu.memory_space<vmem>> -> memref<128xi32, #tpu.memory_space<vmem>>
          %dma_wait3A_240 = arith.constant 0 : i32
          %dma_wait3A_241 = arith.constant 0 : i32
          %dma_wait3A_242 = tpu.memref_slice %arg16[%dma_wait3A_240, %dma_wait3A_241] : memref<10240x32xf32, #tpu.memory_space<vmem_shared>> -> memref<10240x32xf32, #tpu.memory_space<vmem_shared>>
          tpu.wait_indirect_dma semaphore(%run_scoped3A : memref<!tpu.dma_semaphore, #tpu.memory_space<semaphore_mem>>) src(%arg15 : memref<128x32xf32, #tpu.memory_space<vmem>>) dst(%dma_wait3A_242 : memref<10240x32xf32, #tpu.memory_space<vmem_shared>>)
          tpu.yield
        }) : () -> ()
        %add3A_223 = arith.constant 8 : i32
        %add3A_224 = arith.addi %add3A_216, %add3A_223 : i32
        %add3A_225 = arith.constant 24 : i32
        %add3A_226 = arith.addi %sub3A, %add3A_225 : i32
        %lt3A_227 = arith.cmpi slt, %add3A_224, %add3A_226 : i32
        %convert_element_type3A_228 = arith.extui %lt3A_227 : i1 to i32
        %cond3A_229 = arith.constant 0 : i32
        %cond3A_230 = arith.cmpi ne, %convert_element_type3A_228, %cond3A_229 : i32
        scf.if %cond3A_230 {
          %add3A_231 = arith.constant 8 : i32
          %add3A_232 = arith.addi %add3A_216, %add3A_231 : i32
          %dma_start3A_233 = arith.constant 0 : i32
          %dma_start3A_234 = tpu.memref_slice %arg6[%add3A_232, %dma_start3A_233] : memref<136x128xi32, #tpu.memory_space<vmem>> -> memref<1x128xi32, #tpu.memory_space<vmem>>
          %dma_start3A_235 = tpu.memref_squeeze %dma_start3A_234 : memref<1x128xi32, #tpu.memory_space<vmem>> -> memref<128xi32, #tpu.memory_space<vmem>>
          %dma_start3A_236 = arith.constant 0 : i32
          %dma_start3A_237 = arith.constant 0 : i32
          %dma_start3A_238 = tpu.memref_slice %arg2[%dma_start3A_236, %dma_start3A_237] : memref<10000x32xf32, #tpu.memory_space<hbm>> -> memref<10000x32xf32, #tpu.memory_space<hbm>>
          tpu.enqueue_indirect_dma source(%dma_start3A_238 : memref<10000x32xf32, #tpu.memory_space<hbm>>) target(%arg15 : memref<128x32xf32, #tpu.memory_space<vmem>>) offsets(%dma_start3A_235 : memref<128xi32, #tpu.memory_space<vmem>>) semaphore(%arg24 : memref<!tpu.dma_semaphore, #tpu.memory_space<semaphore_mem>>)
        } else {
        }
      }
      %scan3A_96 = arith.constant 3 : i32
    } else {
    }
    %barrier3A_23 = arith.constant 0 : index
    tpu.barrier barrier_id(%barrier3A_23)
    %scan3A_24 = arith.constant 0 : i32
    %scan3A_25 = arith.constant 5 : i32
    %scan3A_26 = arith.addi %scan3A_24, %scan3A_25 : i32
    %scan3A_27 = arith.constant 1 : i32
    scf.for %scan3A_29 = %scan3A_24 to %scan3A_26 step %scan3A_27  : i32 {
      %mul3A_30 = arith.constant 1 : i32
      %mul3A_31 = arith.muli %scan3A_29, %mul3A_30 : i32
      %add3A_32 = arith.constant 0 : i32
      %add3A_33 = arith.addi %add3A_32, %mul3A_31 : i32
      %mul3A_34 = arith.constant 640 : i32
      %mul3A_35 = arith.muli %arg1, %mul3A_34 : i32
      %mul3A_36 = arith.constant 128 : i32
      %mul3A_37 = arith.muli %add3A_33, %mul3A_36 : i32
      %add3A_38 = arith.addi %mul3A_35, %mul3A_37 : i32
      "tpu.region"() ({
        %run_scoped3A = tpu.sem_alloc : memref<!tpu.dma_semaphore, #tpu.memory_space<semaphore_mem>>
        %dma_start3A = arith.constant 0 : i32
        %dma_start3A_39 = arith.constant 0 : i32
        %dma_start3A_40 = tpu.memref_slice %arg5[%arg0, %dma_start3A, %dma_start3A_39] : memref<2x10240x32xf32, #tpu.memory_space<hbm>> -> memref<1x10240x32xf32, #tpu.memory_space<hbm>>
        %dma_start3A_41 = tpu.memref_squeeze %dma_start3A_40 : memref<1x10240x32xf32, #tpu.memory_space<hbm>> -> memref<10240x32xf32, #tpu.memory_space<hbm>>
        %dma_start3A_42 = arith.constant 0 : i32
        %dma_start3A_43 = tpu.memref_slice %dma_start3A_41[%add3A_38, %dma_start3A_42] : memref<10240x32xf32, #tpu.memory_space<hbm>> -> memref<128x32xf32, #tpu.memory_space<hbm>>
        %dma_start3A_44 = arith.constant 0 : i32
        %dma_start3A_45 = tpu.memref_slice %arg16[%add3A_38, %dma_start3A_44] : memref<10240x32xf32, #tpu.memory_space<vmem_shared>> -> memref<128x32xf32, #tpu.memory_space<vmem_shared>>
        tpu.enqueue_dma source(%dma_start3A_45 : memref<128x32xf32, #tpu.memory_space<vmem_shared>>) target(%dma_start3A_43 : memref<128x32xf32, #tpu.memory_space<hbm>>) target_semaphore(%run_scoped3A : memref<!tpu.dma_semaphore, #tpu.memory_space<semaphore_mem>>)
        %dma_wait3A = arith.constant 0 : i32
        %dma_wait3A_46 = arith.constant 0 : i32
        %dma_wait3A_47 = tpu.memref_slice %arg5[%arg0, %dma_wait3A, %dma_wait3A_46] : memref<2x10240x32xf32, #tpu.memory_space<hbm>> -> memref<1x10240x32xf32, #tpu.memory_space<hbm>>
        %dma_wait3A_48 = tpu.memref_squeeze %dma_wait3A_47 : memref<1x10240x32xf32, #tpu.memory_space<hbm>> -> memref<10240x32xf32, #tpu.memory_space<hbm>>
        %dma_wait3A_49 = arith.constant 0 : i32
        %dma_wait3A_50 = tpu.memref_slice %dma_wait3A_48[%add3A_38, %dma_wait3A_49] : memref<10240x32xf32, #tpu.memory_space<hbm>> -> memref<128x32xf32, #tpu.memory_space<hbm>>
        %dma_wait3A_51 = arith.constant 0 : i32
        %dma_wait3A_52 = tpu.memref_slice %arg16[%add3A_38, %dma_wait3A_51] : memref<10240x32xf32, #tpu.memory_space<vmem_shared>> -> memref<128x32xf32, #tpu.memory_space<vmem_shared>>
        tpu.wait_dma2 semaphore(%run_scoped3A : memref<!tpu.dma_semaphore, #tpu.memory_space<semaphore_mem>>) src(%dma_wait3A_52 : memref<128x32xf32, #tpu.memory_space<vmem_shared>>) dst(%dma_wait3A_50 : memref<128x32xf32, #tpu.memory_space<hbm>>)
        tpu.yield
      }) : () -> ()
    }
    %scan3A_28 = arith.constant 5 : i32
    return
  }
}

#map = affine_map<(d0, d1) -> (0, 0)>
#map1 = affine_map<(d0, d1) -> (0, 0, 0)>
module attributes {stable_mosaic.version = 14 : i64} {
  func.func @k(%arg0: i32, %arg1: i32, %arg2: memref<2560x128xi32, #tpu.memory_space<hbm>>, %arg3: memref<2x10240x16xf32, #tpu.memory_space<hbm>>, %arg4: memref<80x128xi32, #tpu.memory_space<vmem>>, %arg5: memref<128x16xf32, #tpu.memory_space<vmem>>, %arg6: memref<10240x16xf32, #tpu.memory_space<vmem_shared>>) attributes {dimension_semantics = [#tpu.dimension_semantics<core_parallel>, #tpu.dimension_semantics<subcore_parallel>], iteration_bounds = array<i64: 2, 16>, scalar_prefetch = 0 : i64, scratch_operands = 3 : i64, tpu.core_type = #tpu.core_type<sc_vector_subcore>, window_params = [{transform_indices = #map}, {transform_indices = #map1}]} {
    %eq3A = arith.constant 0 : i32
    %eq3A_0 = arith.cmpi eq, %arg0, %eq3A : i32
    %mul3A = arith.constant 80 : i32
    %mul3A_1 = arith.muli %arg1, %mul3A : i32
    %mul3A_2 = arith.constant 80 : i32
    %mul3A_3 = arith.muli %arg1, %mul3A_2 : i32
    %add3A = arith.constant 1280 : i32
    %add3A_4 = arith.addi %add3A, %mul3A_3 : i32
    %select_n3A = arith.select %eq3A_0, %mul3A_1, %add3A_4 : i32
    %min3A = arith.constant 2480 : i32
    %min3A_5 = arith.minsi %select_n3A, %min3A : i32
    %sub3A = arith.subi %select_n3A, %min3A_5 : i32
    "tpu.region"() ({
      %run_scoped3A = tpu.sem_alloc : memref<!tpu.dma_semaphore, #tpu.memory_space<semaphore_mem>>
      %dma_start3A = arith.constant 0 : i32
      %dma_start3A_34 = tpu.memref_slice %arg2[%min3A_5, %dma_start3A] : memref<2560x128xi32, #tpu.memory_space<hbm>> -> memref<80x128xi32, #tpu.memory_space<hbm>>
      %dma_start3A_35 = arith.constant 0 : i32
      %dma_start3A_36 = tpu.memref_slice %arg2[%min3A_5, %dma_start3A_35] : memref<2560x128xi32, #tpu.memory_space<hbm>> -> memref<80x128xi32, #tpu.memory_space<hbm>>
      tpu.enqueue_dma source(%dma_start3A_36 : memref<80x128xi32, #tpu.memory_space<hbm>>) target(%arg4 : memref<80x128xi32, #tpu.memory_space<vmem>>) target_semaphore(%run_scoped3A : memref<!tpu.dma_semaphore, #tpu.memory_space<semaphore_mem>>)
      %dma_wait3A = arith.constant 0 : i32
      %dma_wait3A_37 = tpu.memref_slice %arg2[%min3A_5, %dma_wait3A] : memref<2560x128xi32, #tpu.memory_space<hbm>> -> memref<80x128xi32, #tpu.memory_space<hbm>>
      %dma_wait3A_38 = arith.constant 0 : i32
      %dma_wait3A_39 = tpu.memref_slice %arg2[%min3A_5, %dma_wait3A_38] : memref<2560x128xi32, #tpu.memory_space<hbm>> -> memref<80x128xi32, #tpu.memory_space<hbm>>
      tpu.wait_dma2 semaphore(%run_scoped3A : memref<!tpu.dma_semaphore, #tpu.memory_space<semaphore_mem>>) src(%dma_wait3A_39 : memref<80x128xi32, #tpu.memory_space<hbm>>) dst(%arg4 : memref<80x128xi32, #tpu.memory_space<vmem>>)
      tpu.yield
    }) : () -> ()
    %scan3A = arith.constant 0 : i32
    %scan3A_6 = arith.constant 128 : i32
    %scan3A_7 = arith.addi %scan3A, %scan3A_6 : i32
    %scan3A_8 = arith.constant 1 : i32
    scf.for %scan3A_34 = %scan3A to %scan3A_7 step %scan3A_8  : i32 {
      %mul3A_35 = arith.constant 1 : i32
      %mul3A_36 = arith.muli %scan3A_34, %mul3A_35 : i32
      %add3A_37 = arith.constant 0 : i32
      %add3A_38 = arith.addi %add3A_37, %mul3A_36 : i32
      %scan3A_39 = arith.constant 0 : i32
      %mul3A_40 = arith.constant 1 : i32
      %mul3A_41 = arith.muli %scan3A_39, %mul3A_40 : i32
      %add3A_42 = arith.constant 0 : i32
      %add3A_43 = arith.addi %add3A_42, %mul3A_41 : i32
      %broadcast_in_dim3A = arith.constant 0.000000e+00 : f32
      %broadcast_in_dim3A_44 = vector.broadcast %broadcast_in_dim3A : f32 to vector<16xf32>
      %mul3A_45 = arith.constant 16 : i32
      %mul3A_46 = arith.muli %add3A_43, %mul3A_45 : i32
      %swap3A = arith.index_cast %add3A_38 : i32 to index
      %swap3A_47 = arith.index_cast %mul3A_46 : i32 to index
      %swap3A_48 = tpu.vector_load %arg5[%swap3A, %swap3A_47] {strides = array<i32>} : memref<128x16xf32, #tpu.memory_space<vmem>>, vector<1x16xf32>,
      %swap3A_49 = vector.shape_cast %swap3A_48 : vector<1x16xf32> to vector<16xf32>
      %swap3A_50 = vector.shape_cast %broadcast_in_dim3A_44 : vector<16xf32> to vector<1x16xf32>
      tpu.vector_store %arg5[%swap3A, %swap3A_47], %swap3A_50 {strides = array<i32>} : memref<128x16xf32, #tpu.memory_space<vmem>>, vector<1x16xf32>,
      %scan3A_51 = arith.constant 1 : i32
    }
    %scan3A_9 = arith.constant 128 : i32
    %scan3A_10 = arith.constant 0 : i32
    %scan3A_11 = arith.constant 5 : i32
    %scan3A_12 = arith.addi %scan3A_10, %scan3A_11 : i32
    %scan3A_13 = arith.constant 1 : i32
    scf.for %scan3A_34 = %scan3A_10 to %scan3A_12 step %scan3A_13  : i32 {
      %mul3A_35 = arith.constant 1 : i32
      %mul3A_36 = arith.muli %scan3A_34, %mul3A_35 : i32
      %add3A_37 = arith.constant 0 : i32
      %add3A_38 = arith.addi %add3A_37, %mul3A_36 : i32
      %mul3A_39 = arith.constant 640 : i32
      %mul3A_40 = arith.muli %arg1, %mul3A_39 : i32
      %mul3A_41 = arith.constant 128 : i32
      %mul3A_42 = arith.muli %add3A_38, %mul3A_41 : i32
      %add3A_43 = arith.addi %mul3A_40, %mul3A_42 : i32
      "tpu.region"() ({
        %run_scoped3A = tpu.sem_alloc : memref<!tpu.dma_semaphore, #tpu.memory_space<semaphore_mem>>
        %dma_start3A = arith.constant 0 : i32
        %dma_start3A_44 = tpu.memref_slice %arg6[%add3A_43, %dma_start3A] : memref<10240x16xf32, #tpu.memory_space<vmem_shared>> -> memref<128x16xf32, #tpu.memory_space<vmem_shared>>
        %dma_start3A_45 = arith.constant 0 : i32
        %dma_start3A_46 = tpu.memref_slice %arg6[%add3A_43, %dma_start3A_45] : memref<10240x16xf32, #tpu.memory_space<vmem_shared>> -> memref<128x16xf32, #tpu.memory_space<vmem_shared>>
        tpu.enqueue_dma source(%arg5 : memref<128x16xf32, #tpu.memory_space<vmem>>) target(%dma_start3A_46 : memref<128x16xf32, #tpu.memory_space<vmem_shared>>) target_semaphore(%run_scoped3A : memref<!tpu.dma_semaphore, #tpu.memory_space<semaphore_mem>>)
        %dma_wait3A = arith.constant 0 : i32
        %dma_wait3A_47 = tpu.memref_slice %arg6[%add3A_43, %dma_wait3A] : memref<10240x16xf32, #tpu.memory_space<vmem_shared>> -> memref<128x16xf32, #tpu.memory_space<vmem_shared>>
        %dma_wait3A_48 = arith.constant 0 : i32
        %dma_wait3A_49 = tpu.memref_slice %arg6[%add3A_43, %dma_wait3A_48] : memref<10240x16xf32, #tpu.memory_space<vmem_shared>> -> memref<128x16xf32, #tpu.memory_space<vmem_shared>>
        tpu.wait_dma2 semaphore(%run_scoped3A : memref<!tpu.dma_semaphore, #tpu.memory_space<semaphore_mem>>) src(%arg5 : memref<128x16xf32, #tpu.memory_space<vmem>>) dst(%dma_wait3A_49 : memref<128x16xf32, #tpu.memory_space<vmem_shared>>)
        tpu.yield
      }) : () -> ()
    }
    %scan3A_14 = arith.constant 5 : i32
    %scan3A_15 = arith.constant 0 : i32
    %scan3A_16 = arith.constant 128 : i32
    %scan3A_17 = arith.addi %scan3A_15, %scan3A_16 : i32
    %scan3A_18 = arith.constant 1 : i32
    scf.for %scan3A_34 = %scan3A_15 to %scan3A_17 step %scan3A_18  : i32 {
      %mul3A_35 = arith.constant 1 : i32
      %mul3A_36 = arith.muli %scan3A_34, %mul3A_35 : i32
      %add3A_37 = arith.constant 0 : i32
      %add3A_38 = arith.addi %add3A_37, %mul3A_36 : i32
      %scan3A_39 = arith.constant 0 : i32
      %mul3A_40 = arith.constant 1 : i32
      %mul3A_41 = arith.muli %scan3A_39, %mul3A_40 : i32
      %add3A_42 = arith.constant 0 : i32
      %add3A_43 = arith.addi %add3A_42, %mul3A_41 : i32
      %broadcast_in_dim3A = arith.constant 1.000000e+00 : f32
      %broadcast_in_dim3A_44 = vector.broadcast %broadcast_in_dim3A : f32 to vector<16xf32>
      %mul3A_45 = arith.constant 16 : i32
      %mul3A_46 = arith.muli %add3A_43, %mul3A_45 : i32
      %swap3A = arith.index_cast %add3A_38 : i32 to index
      %swap3A_47 = arith.index_cast %mul3A_46 : i32 to index
      %swap3A_48 = tpu.vector_load %arg5[%swap3A, %swap3A_47] {strides = array<i32>} : memref<128x16xf32, #tpu.memory_space<vmem>>, vector<1x16xf32>,
      %swap3A_49 = vector.shape_cast %swap3A_48 : vector<1x16xf32> to vector<16xf32>
      %swap3A_50 = vector.shape_cast %broadcast_in_dim3A_44 : vector<16xf32> to vector<1x16xf32>
      tpu.vector_store %arg5[%swap3A, %swap3A_47], %swap3A_50 {strides = array<i32>} : memref<128x16xf32, #tpu.memory_space<vmem>>, vector<1x16xf32>,
      %scan3A_51 = arith.constant 1 : i32
    }
    %scan3A_19 = arith.constant 128 : i32
    %barrier3A = arith.constant 0 : index
    tpu.barrier barrier_id(%barrier3A)
    %eq3A_20 = arith.constant 0 : i32
    %eq3A_21 = arith.cmpi eq, %arg0, %eq3A_20 : i32
    %convert_element_type3A = arith.extui %eq3A_21 : i1 to i32
    %cond3A = arith.constant 0 : i32
    %cond3A_22 = arith.cmpi ne, %convert_element_type3A, %cond3A : i32
    scf.if %cond3A_22 {
      %scan3A_34 = arith.constant 0 : i32
      %scan3A_35 = arith.constant 80 : i32
      %scan3A_36 = arith.addi %scan3A_34, %scan3A_35 : i32
      %scan3A_37 = arith.constant 1 : i32
      scf.for %scan3A_39 = %scan3A_34 to %scan3A_36 step %scan3A_37  : i32 {
        %mul3A_40 = arith.constant 1 : i32
        %mul3A_41 = arith.muli %scan3A_39, %mul3A_40 : i32
        %add3A_42 = arith.constant 0 : i32
        %add3A_43 = arith.addi %add3A_42, %mul3A_41 : i32
        %add3A_44 = arith.addi %sub3A, %add3A_43 : i32
        "tpu.region"() ({
          %run_scoped3A = tpu.sem_alloc : memref<!tpu.dma_semaphore, #tpu.memory_space<semaphore_mem>>
          %dma_start3A = arith.constant 0 : i32
          %dma_start3A_45 = tpu.memref_slice %arg4[%add3A_44, %dma_start3A] : memref<80x128xi32, #tpu.memory_space<vmem>> -> memref<1x128xi32, #tpu.memory_space<vmem>>
          %dma_start3A_46 = tpu.memref_squeeze %dma_start3A_45 : memref<1x128xi32, #tpu.memory_space<vmem>> -> memref<128xi32, #tpu.memory_space<vmem>>
          %dma_start3A_47 = arith.constant 0 : i32
          %dma_start3A_48 = arith.constant 0 : i32
          %dma_start3A_49 = tpu.memref_slice %arg6[%dma_start3A_47, %dma_start3A_48] : memref<10240x16xf32, #tpu.memory_space<vmem_shared>> -> memref<10240x16xf32, #tpu.memory_space<vmem_shared>>
          tpu.enqueue_indirect_dma source(%arg5 : memref<128x16xf32, #tpu.memory_space<vmem>>) target(%dma_start3A_49 : memref<10240x16xf32, #tpu.memory_space<vmem_shared>>) offsets(%dma_start3A_46 : memref<128xi32, #tpu.memory_space<vmem>>) semaphore(%run_scoped3A : memref<!tpu.dma_semaphore, #tpu.memory_space<semaphore_mem>>) {add = true}
          %dma_wait3A = arith.constant 0 : i32
          %dma_wait3A_50 = tpu.memref_slice %arg4[%add3A_44, %dma_wait3A] : memref<80x128xi32, #tpu.memory_space<vmem>> -> memref<1x128xi32, #tpu.memory_space<vmem>>
          %dma_wait3A_51 = tpu.memref_squeeze %dma_wait3A_50 : memref<1x128xi32, #tpu.memory_space<vmem>> -> memref<128xi32, #tpu.memory_space<vmem>>
          %dma_wait3A_52 = arith.constant 0 : i32
          %dma_wait3A_53 = arith.constant 0 : i32
          %dma_wait3A_54 = tpu.memref_slice %arg6[%dma_wait3A_52, %dma_wait3A_53] : memref<10240x16xf32, #tpu.memory_space<vmem_shared>> -> memref<10240x16xf32, #tpu.memory_space<vmem_shared>>
          tpu.wait_indirect_dma semaphore(%run_scoped3A : memref<!tpu.dma_semaphore, #tpu.memory_space<semaphore_mem>>) src(%arg5 : memref<128x16xf32, #tpu.memory_space<vmem>>) dst(%dma_wait3A_54 : memref<10240x16xf32, #tpu.memory_space<vmem_shared>>)
          tpu.yield
        }) : () -> ()
      }
      %scan3A_38 = arith.constant 80 : i32
    } else {
    }
    %eq3A_23 = arith.constant 1 : i32
    %eq3A_24 = arith.cmpi eq, %arg0, %eq3A_23 : i32
    %convert_element_type3A_25 = arith.extui %eq3A_24 : i1 to i32
    %cond3A_26 = arith.constant 0 : i32
    %cond3A_27 = arith.cmpi ne, %convert_element_type3A_25, %cond3A_26 : i32
    scf.if %cond3A_27 {
      %scan3A_34 = arith.constant 0 : i32
      %scan3A_35 = arith.constant 80 : i32
      %scan3A_36 = arith.addi %scan3A_34, %scan3A_35 : i32
      %scan3A_37 = arith.constant 1 : i32
      scf.for %scan3A_39 = %scan3A_34 to %scan3A_36 step %scan3A_37  : i32 {
        %mul3A_40 = arith.constant 1 : i32
        %mul3A_41 = arith.muli %scan3A_39, %mul3A_40 : i32
        %add3A_42 = arith.constant 0 : i32
        %add3A_43 = arith.addi %add3A_42, %mul3A_41 : i32
        %add3A_44 = arith.addi %sub3A, %add3A_43 : i32
        "tpu.region"() ({
          %run_scoped3A = tpu.sem_alloc : memref<!tpu.dma_semaphore, #tpu.memory_space<semaphore_mem>>
          %dma_start3A = arith.constant 0 : i32
          %dma_start3A_45 = tpu.memref_slice %arg4[%add3A_44, %dma_start3A] : memref<80x128xi32, #tpu.memory_space<vmem>> -> memref<1x128xi32, #tpu.memory_space<vmem>>
          %dma_start3A_46 = tpu.memref_squeeze %dma_start3A_45 : memref<1x128xi32, #tpu.memory_space<vmem>> -> memref<128xi32, #tpu.memory_space<vmem>>
          %dma_start3A_47 = arith.constant 0 : i32
          %dma_start3A_48 = arith.constant 0 : i32
          %dma_start3A_49 = tpu.memref_slice %arg6[%dma_start3A_47, %dma_start3A_48] : memref<10240x16xf32, #tpu.memory_space<vmem_shared>> -> memref<10240x16xf32, #tpu.memory_space<vmem_shared>>
          tpu.enqueue_indirect_dma source(%arg5 : memref<128x16xf32, #tpu.memory_space<vmem>>) target(%dma_start3A_49 : memref<10240x16xf32, #tpu.memory_space<vmem_shared>>) offsets(%dma_start3A_46 : memref<128xi32, #tpu.memory_space<vmem>>) semaphore(%run_scoped3A : memref<!tpu.dma_semaphore, #tpu.memory_space<semaphore_mem>>) {add = true}
          %dma_wait3A = arith.constant 0 : i32
          %dma_wait3A_50 = tpu.memref_slice %arg4[%add3A_44, %dma_wait3A] : memref<80x128xi32, #tpu.memory_space<vmem>> -> memref<1x128xi32, #tpu.memory_space<vmem>>
          %dma_wait3A_51 = tpu.memref_squeeze %dma_wait3A_50 : memref<1x128xi32, #tpu.memory_space<vmem>> -> memref<128xi32, #tpu.memory_space<vmem>>
          %dma_wait3A_52 = arith.constant 0 : i32
          %dma_wait3A_53 = arith.constant 0 : i32
          %dma_wait3A_54 = tpu.memref_slice %arg6[%dma_wait3A_52, %dma_wait3A_53] : memref<10240x16xf32, #tpu.memory_space<vmem_shared>> -> memref<10240x16xf32, #tpu.memory_space<vmem_shared>>
          tpu.wait_indirect_dma semaphore(%run_scoped3A : memref<!tpu.dma_semaphore, #tpu.memory_space<semaphore_mem>>) src(%arg5 : memref<128x16xf32, #tpu.memory_space<vmem>>) dst(%dma_wait3A_54 : memref<10240x16xf32, #tpu.memory_space<vmem_shared>>)
          tpu.yield
        }) : () -> ()
      }
      %scan3A_38 = arith.constant 80 : i32
    } else {
    }
    %barrier3A_28 = arith.constant 0 : index
    tpu.barrier barrier_id(%barrier3A_28)
    %scan3A_29 = arith.constant 0 : i32
    %scan3A_30 = arith.constant 5 : i32
    %scan3A_31 = arith.addi %scan3A_29, %scan3A_30 : i32
    %scan3A_32 = arith.constant 1 : i32
    scf.for %scan3A_34 = %scan3A_29 to %scan3A_31 step %scan3A_32  : i32 {
      %mul3A_35 = arith.constant 1 : i32
      %mul3A_36 = arith.muli %scan3A_34, %mul3A_35 : i32
      %add3A_37 = arith.constant 0 : i32
      %add3A_38 = arith.addi %add3A_37, %mul3A_36 : i32
      %mul3A_39 = arith.constant 640 : i32
      %mul3A_40 = arith.muli %arg1, %mul3A_39 : i32
      %mul3A_41 = arith.constant 128 : i32
      %mul3A_42 = arith.muli %add3A_38, %mul3A_41 : i32
      %add3A_43 = arith.addi %mul3A_40, %mul3A_42 : i32
      "tpu.region"() ({
        %run_scoped3A = tpu.sem_alloc : memref<!tpu.dma_semaphore, #tpu.memory_space<semaphore_mem>>
        %dma_start3A = arith.constant 0 : i32
        %dma_start3A_44 = arith.constant 0 : i32
        %dma_start3A_45 = tpu.memref_slice %arg3[%arg0, %dma_start3A, %dma_start3A_44] : memref<2x10240x16xf32, #tpu.memory_space<hbm>> -> memref<1x10240x16xf32, #tpu.memory_space<hbm>>
        %dma_start3A_46 = tpu.memref_squeeze %dma_start3A_45 : memref<1x10240x16xf32, #tpu.memory_space<hbm>> -> memref<10240x16xf32, #tpu.memory_space<hbm>>
        %dma_start3A_47 = arith.constant 0 : i32
        %dma_start3A_48 = tpu.memref_slice %dma_start3A_46[%add3A_43, %dma_start3A_47] : memref<10240x16xf32, #tpu.memory_space<hbm>> -> memref<128x16xf32, #tpu.memory_space<hbm>>
        %dma_start3A_49 = arith.constant 0 : i32
        %dma_start3A_50 = tpu.memref_slice %arg6[%add3A_43, %dma_start3A_49] : memref<10240x16xf32, #tpu.memory_space<vmem_shared>> -> memref<128x16xf32, #tpu.memory_space<vmem_shared>>
        tpu.enqueue_dma source(%dma_start3A_50 : memref<128x16xf32, #tpu.memory_space<vmem_shared>>) target(%dma_start3A_48 : memref<128x16xf32, #tpu.memory_space<hbm>>) target_semaphore(%run_scoped3A : memref<!tpu.dma_semaphore, #tpu.memory_space<semaphore_mem>>)
        %dma_wait3A = arith.constant 0 : i32
        %dma_wait3A_51 = arith.constant 0 : i32
        %dma_wait3A_52 = tpu.memref_slice %arg3[%arg0, %dma_wait3A, %dma_wait3A_51] : memref<2x10240x16xf32, #tpu.memory_space<hbm>> -> memref<1x10240x16xf32, #tpu.memory_space<hbm>>
        %dma_wait3A_53 = tpu.memref_squeeze %dma_wait3A_52 : memref<1x10240x16xf32, #tpu.memory_space<hbm>> -> memref<10240x16xf32, #tpu.memory_space<hbm>>
        %dma_wait3A_54 = arith.constant 0 : i32
        %dma_wait3A_55 = tpu.memref_slice %dma_wait3A_53[%add3A_43, %dma_wait3A_54] : memref<10240x16xf32, #tpu.memory_space<hbm>> -> memref<128x16xf32, #tpu.memory_space<hbm>>
        %dma_wait3A_56 = arith.constant 0 : i32
        %dma_wait3A_57 = tpu.memref_slice %arg6[%add3A_43, %dma_wait3A_56] : memref<10240x16xf32, #tpu.memory_space<vmem_shared>> -> memref<128x16xf32, #tpu.memory_space<vmem_shared>>
        tpu.wait_dma2 semaphore(%run_scoped3A : memref<!tpu.dma_semaphore, #tpu.memory_space<semaphore_mem>>) src(%dma_wait3A_57 : memref<128x16xf32, #tpu.memory_space<vmem_shared>>) dst(%dma_wait3A_55 : memref<128x16xf32, #tpu.memory_space<hbm>>)
        tpu.yield
      }) : () -> ()
    }
    %scan3A_33 = arith.constant 5 : i32
    return
  }
}

#map = affine_map<(d0, d1) -> (0, 0)>
#map1 = affine_map<(d0, d1) -> (0, 0, 0)>
module attributes {stable_mosaic.version = 14 : i64} {
  func.func @k(%arg0: i32, %arg1: i32, %arg2: memref<10000x16xf32, #tpu.memory_space<hbm>>, %arg3: memref<2560x128xi32, #tpu.memory_space<hbm>>, %arg4: memref<2560x128xi32, #tpu.memory_space<hbm>>, %arg5: memref<2x10240x16xf32, #tpu.memory_space<hbm>>, %arg6: memref<128x128xi32, #tpu.memory_space<vmem>>, %arg7: memref<128x128xi32, #tpu.memory_space<vmem>>, %arg8: memref<128x16xf32, #tpu.memory_space<vmem>>, %arg9: memref<128x16xf32, #tpu.memory_space<vmem>>, %arg10: memref<128x16xf32, #tpu.memory_space<vmem>>, %arg11: memref<128x16xf32, #tpu.memory_space<vmem>>, %arg12: memref<128x16xf32, #tpu.memory_space<vmem>>, %arg13: memref<128x16xf32, #tpu.memory_space<vmem>>, %arg14: memref<128x16xf32, #tpu.memory_space<vmem>>, %arg15: memref<128x16xf32, #tpu.memory_space<vmem>>, %arg16: memref<10240x16xf32, #tpu.memory_space<vmem_shared>>, %arg17: memref<!tpu.dma_semaphore, #tpu.memory_space<semaphore_mem>>, %arg18: memref<!tpu.dma_semaphore, #tpu.memory_space<semaphore_mem>>, %arg19: memref<!tpu.dma_semaphore, #tpu.memory_space<semaphore_mem>>, %arg20: memref<!tpu.dma_semaphore, #tpu.memory_space<semaphore_mem>>, %arg21: memref<!tpu.dma_semaphore, #tpu.memory_space<semaphore_mem>>, %arg22: memref<!tpu.dma_semaphore, #tpu.memory_space<semaphore_mem>>, %arg23: memref<!tpu.dma_semaphore, #tpu.memory_space<semaphore_mem>>, %arg24: memref<!tpu.dma_semaphore, #tpu.memory_space<semaphore_mem>>) attributes {dimension_semantics = [#tpu.dimension_semantics<core_parallel>, #tpu.dimension_semantics<subcore_parallel>], iteration_bounds = array<i64: 2, 16>, scalar_prefetch = 0 : i64, scratch_operands = 19 : i64, tpu.core_type = #tpu.core_type<sc_vector_subcore>, window_params = [{transform_indices = #map}, {transform_indices = #map}, {transform_indices = #map}, {transform_indices = #map1}]} {
    %eq3A = arith.constant 0 : i32
    %eq3A_0 = arith.cmpi eq, %arg0, %eq3A : i32
    %mul3A = arith.constant 128 : i32
    %mul3A_1 = arith.muli %arg1, %mul3A : i32
    %mul3A_2 = arith.constant 32 : i32
    %mul3A_3 = arith.muli %arg1, %mul3A_2 : i32
    %add3A = arith.constant 2048 : i32
    %add3A_4 = arith.addi %add3A, %mul3A_3 : i32
    %select_n3A = arith.select %eq3A_0, %mul3A_1, %add3A_4 : i32
    %min3A = arith.constant 2432 : i32
    %min3A_5 = arith.minsi %select_n3A, %min3A : i32
    %sub3A = arith.subi %select_n3A, %min3A_5 : i32
    "tpu.region"() ({
      %run_scoped3A = tpu.sem_alloc : memref<!tpu.dma_semaphore, #tpu.memory_space<semaphore_mem>>
      %dma_start3A = arith.constant 0 : i32
      %dma_start3A_29 = tpu.memref_slice %arg3[%min3A_5, %dma_start3A] : memref<2560x128xi32, #tpu.memory_space<hbm>> -> memref<128x128xi32, #tpu.memory_space<hbm>>
      %dma_start3A_30 = arith.constant 0 : i32
      %dma_start3A_31 = tpu.memref_slice %arg3[%min3A_5, %dma_start3A_30] : memref<2560x128xi32, #tpu.memory_space<hbm>> -> memref<128x128xi32, #tpu.memory_space<hbm>>
      tpu.enqueue_dma source(%dma_start3A_31 : memref<128x128xi32, #tpu.memory_space<hbm>>) target(%arg6 : memref<128x128xi32, #tpu.memory_space<vmem>>) target_semaphore(%run_scoped3A : memref<!tpu.dma_semaphore, #tpu.memory_space<semaphore_mem>>)
      %dma_wait3A = arith.constant 0 : i32
      %dma_wait3A_32 = tpu.memref_slice %arg3[%min3A_5, %dma_wait3A] : memref<2560x128xi32, #tpu.memory_space<hbm>> -> memref<128x128xi32, #tpu.memory_space<hbm>>
      %dma_wait3A_33 = arith.constant 0 : i32
      %dma_wait3A_34 = tpu.memref_slice %arg3[%min3A_5, %dma_wait3A_33] : memref<2560x128xi32, #tpu.memory_space<hbm>> -> memref<128x128xi32, #tpu.memory_space<hbm>>
      tpu.wait_dma2 semaphore(%run_scoped3A : memref<!tpu.dma_semaphore, #tpu.memory_space<semaphore_mem>>) src(%dma_wait3A_34 : memref<128x128xi32, #tpu.memory_space<hbm>>) dst(%arg6 : memref<128x128xi32, #tpu.memory_space<vmem>>)
      tpu.yield
    }) : () -> ()
    "tpu.region"() ({
      %run_scoped3A = tpu.sem_alloc : memref<!tpu.dma_semaphore, #tpu.memory_space<semaphore_mem>>
      %dma_start3A = arith.constant 0 : i32
      %dma_start3A_29 = tpu.memref_slice %arg4[%min3A_5, %dma_start3A] : memref<2560x128xi32, #tpu.memory_space<hbm>> -> memref<128x128xi32, #tpu.memory_space<hbm>>
      %dma_start3A_30 = arith.constant 0 : i32
      %dma_start3A_31 = tpu.memref_slice %arg4[%min3A_5, %dma_start3A_30] : memref<2560x128xi32, #tpu.memory_space<hbm>> -> memref<128x128xi32, #tpu.memory_space<hbm>>
      tpu.enqueue_dma source(%dma_start3A_31 : memref<128x128xi32, #tpu.memory_space<hbm>>) target(%arg7 : memref<128x128xi32, #tpu.memory_space<vmem>>) target_semaphore(%run_scoped3A : memref<!tpu.dma_semaphore, #tpu.memory_space<semaphore_mem>>)
      %dma_wait3A = arith.constant 0 : i32
      %dma_wait3A_32 = tpu.memref_slice %arg4[%min3A_5, %dma_wait3A] : memref<2560x128xi32, #tpu.memory_space<hbm>> -> memref<128x128xi32, #tpu.memory_space<hbm>>
      %dma_wait3A_33 = arith.constant 0 : i32
      %dma_wait3A_34 = tpu.memref_slice %arg4[%min3A_5, %dma_wait3A_33] : memref<2560x128xi32, #tpu.memory_space<hbm>> -> memref<128x128xi32, #tpu.memory_space<hbm>>
      tpu.wait_dma2 semaphore(%run_scoped3A : memref<!tpu.dma_semaphore, #tpu.memory_space<semaphore_mem>>) src(%dma_wait3A_34 : memref<128x128xi32, #tpu.memory_space<hbm>>) dst(%arg7 : memref<128x128xi32, #tpu.memory_space<vmem>>)
      tpu.yield
    }) : () -> ()
    %scan3A = arith.constant 0 : i32
    %scan3A_6 = arith.constant 128 : i32
    %scan3A_7 = arith.addi %scan3A, %scan3A_6 : i32
    %scan3A_8 = arith.constant 1 : i32
    scf.for %scan3A_29 = %scan3A to %scan3A_7 step %scan3A_8  : i32 {
      %mul3A_30 = arith.constant 1 : i32
      %mul3A_31 = arith.muli %scan3A_29, %mul3A_30 : i32
      %add3A_32 = arith.constant 0 : i32
      %add3A_33 = arith.addi %add3A_32, %mul3A_31 : i32
      %scan3A_34 = arith.constant 0 : i32
      %mul3A_35 = arith.constant 1 : i32
      %mul3A_36 = arith.muli %scan3A_34, %mul3A_35 : i32
      %add3A_37 = arith.constant 0 : i32
      %add3A_38 = arith.addi %add3A_37, %mul3A_36 : i32
      %broadcast_in_dim3A = arith.constant 0.000000e+00 : f32
      %broadcast_in_dim3A_39 = vector.broadcast %broadcast_in_dim3A : f32 to vector<16xf32>
      %mul3A_40 = arith.constant 16 : i32
      %mul3A_41 = arith.muli %add3A_38, %mul3A_40 : i32
      %swap3A = arith.index_cast %add3A_33 : i32 to index
      %swap3A_42 = arith.index_cast %mul3A_41 : i32 to index
      %swap3A_43 = tpu.vector_load %arg8[%swap3A, %swap3A_42] {strides = array<i32>} : memref<128x16xf32, #tpu.memory_space<vmem>>, vector<1x16xf32>,
      %swap3A_44 = vector.shape_cast %swap3A_43 : vector<1x16xf32> to vector<16xf32>
      %swap3A_45 = vector.shape_cast %broadcast_in_dim3A_39 : vector<16xf32> to vector<1x16xf32>
      tpu.vector_store %arg8[%swap3A, %swap3A_42], %swap3A_45 {strides = array<i32>} : memref<128x16xf32, #tpu.memory_space<vmem>>, vector<1x16xf32>,
      %scan3A_46 = arith.constant 1 : i32
    }
    %scan3A_9 = arith.constant 128 : i32
    %scan3A_10 = arith.constant 0 : i32
    %scan3A_11 = arith.constant 5 : i32
    %scan3A_12 = arith.addi %scan3A_10, %scan3A_11 : i32
    %scan3A_13 = arith.constant 1 : i32
    scf.for %scan3A_29 = %scan3A_10 to %scan3A_12 step %scan3A_13  : i32 {
      %mul3A_30 = arith.constant 1 : i32
      %mul3A_31 = arith.muli %scan3A_29, %mul3A_30 : i32
      %add3A_32 = arith.constant 0 : i32
      %add3A_33 = arith.addi %add3A_32, %mul3A_31 : i32
      %mul3A_34 = arith.constant 640 : i32
      %mul3A_35 = arith.muli %arg1, %mul3A_34 : i32
      %mul3A_36 = arith.constant 128 : i32
      %mul3A_37 = arith.muli %add3A_33, %mul3A_36 : i32
      %add3A_38 = arith.addi %mul3A_35, %mul3A_37 : i32
      "tpu.region"() ({
        %run_scoped3A = tpu.sem_alloc : memref<!tpu.dma_semaphore, #tpu.memory_space<semaphore_mem>>
        %dma_start3A = arith.constant 0 : i32
        %dma_start3A_39 = tpu.memref_slice %arg16[%add3A_38, %dma_start3A] : memref<10240x16xf32, #tpu.memory_space<vmem_shared>> -> memref<128x16xf32, #tpu.memory_space<vmem_shared>>
        %dma_start3A_40 = arith.constant 0 : i32
        %dma_start3A_41 = tpu.memref_slice %arg16[%add3A_38, %dma_start3A_40] : memref<10240x16xf32, #tpu.memory_space<vmem_shared>> -> memref<128x16xf32, #tpu.memory_space<vmem_shared>>
        tpu.enqueue_dma source(%arg8 : memref<128x16xf32, #tpu.memory_space<vmem>>) target(%dma_start3A_41 : memref<128x16xf32, #tpu.memory_space<vmem_shared>>) target_semaphore(%run_scoped3A : memref<!tpu.dma_semaphore, #tpu.memory_space<semaphore_mem>>)
        %dma_wait3A = arith.constant 0 : i32
        %dma_wait3A_42 = tpu.memref_slice %arg16[%add3A_38, %dma_wait3A] : memref<10240x16xf32, #tpu.memory_space<vmem_shared>> -> memref<128x16xf32, #tpu.memory_space<vmem_shared>>
        %dma_wait3A_43 = arith.constant 0 : i32
        %dma_wait3A_44 = tpu.memref_slice %arg16[%add3A_38, %dma_wait3A_43] : memref<10240x16xf32, #tpu.memory_space<vmem_shared>> -> memref<128x16xf32, #tpu.memory_space<vmem_shared>>
        tpu.wait_dma2 semaphore(%run_scoped3A : memref<!tpu.dma_semaphore, #tpu.memory_space<semaphore_mem>>) src(%arg8 : memref<128x16xf32, #tpu.memory_space<vmem>>) dst(%dma_wait3A_44 : memref<128x16xf32, #tpu.memory_space<vmem_shared>>)
        tpu.yield
      }) : () -> ()
    }
    %scan3A_14 = arith.constant 5 : i32
    %barrier3A = arith.constant 0 : index
    tpu.barrier barrier_id(%barrier3A)
    %eq3A_15 = arith.constant 0 : i32
    %eq3A_16 = arith.cmpi eq, %arg0, %eq3A_15 : i32
    %convert_element_type3A = arith.extui %eq3A_16 : i1 to i32
    %cond3A = arith.constant 0 : i32
    %cond3A_17 = arith.cmpi ne, %convert_element_type3A, %cond3A : i32
    scf.if %cond3A_17 {
      %add3A_29 = arith.constant 0 : i32
      %add3A_30 = arith.addi %sub3A, %add3A_29 : i32
      %dma_start3A = arith.constant 0 : i32
      %dma_start3A_31 = tpu.memref_slice %arg6[%add3A_30, %dma_start3A] : memref<128x128xi32, #tpu.memory_space<vmem>> -> memref<1x128xi32, #tpu.memory_space<vmem>>
      %dma_start3A_32 = tpu.memref_squeeze %dma_start3A_31 : memref<1x128xi32, #tpu.memory_space<vmem>> -> memref<128xi32, #tpu.memory_space<vmem>>
      %dma_start3A_33 = arith.constant 0 : i32
      %dma_start3A_34 = arith.constant 0 : i32
      %dma_start3A_35 = tpu.memref_slice %arg2[%dma_start3A_33, %dma_start3A_34] : memref<10000x16xf32, #tpu.memory_space<hbm>> -> memref<10000x16xf32, #tpu.memory_space<hbm>>
      tpu.enqueue_indirect_dma source(%dma_start3A_35 : memref<10000x16xf32, #tpu.memory_space<hbm>>) target(%arg8 : memref<128x16xf32, #tpu.memory_space<vmem>>) offsets(%dma_start3A_32 : memref<128xi32, #tpu.memory_space<vmem>>) semaphore(%arg17 : memref<!tpu.dma_semaphore, #tpu.memory_space<semaphore_mem>>)
      %add3A_36 = arith.constant 1 : i32
      %add3A_37 = arith.addi %sub3A, %add3A_36 : i32
      %dma_start3A_38 = arith.constant 0 : i32
      %dma_start3A_39 = tpu.memref_slice %arg6[%add3A_37, %dma_start3A_38] : memref<128x128xi32, #tpu.memory_space<vmem>> -> memref<1x128xi32, #tpu.memory_space<vmem>>
      %dma_start3A_40 = tpu.memref_squeeze %dma_start3A_39 : memref<1x128xi32, #tpu.memory_space<vmem>> -> memref<128xi32, #tpu.memory_space<vmem>>
      %dma_start3A_41 = arith.constant 0 : i32
      %dma_start3A_42 = arith.constant 0 : i32
      %dma_start3A_43 = tpu.memref_slice %arg2[%dma_start3A_41, %dma_start3A_42] : memref<10000x16xf32, #tpu.memory_space<hbm>> -> memref<10000x16xf32, #tpu.memory_space<hbm>>
      tpu.enqueue_indirect_dma source(%dma_start3A_43 : memref<10000x16xf32, #tpu.memory_space<hbm>>) target(%arg9 : memref<128x16xf32, #tpu.memory_space<vmem>>) offsets(%dma_start3A_40 : memref<128xi32, #tpu.memory_space<vmem>>) semaphore(%arg18 : memref<!tpu.dma_semaphore, #tpu.memory_space<semaphore_mem>>)
      %add3A_44 = arith.constant 2 : i32
      %add3A_45 = arith.addi %sub3A, %add3A_44 : i32
      %dma_start3A_46 = arith.constant 0 : i32
      %dma_start3A_47 = tpu.memref_slice %arg6[%add3A_45, %dma_start3A_46] : memref<128x128xi32, #tpu.memory_space<vmem>> -> memref<1x128xi32, #tpu.memory_space<vmem>>
      %dma_start3A_48 = tpu.memref_squeeze %dma_start3A_47 : memref<1x128xi32, #tpu.memory_space<vmem>> -> memref<128xi32, #tpu.memory_space<vmem>>
      %dma_start3A_49 = arith.constant 0 : i32
      %dma_start3A_50 = arith.constant 0 : i32
      %dma_start3A_51 = tpu.memref_slice %arg2[%dma_start3A_49, %dma_start3A_50] : memref<10000x16xf32, #tpu.memory_space<hbm>> -> memref<10000x16xf32, #tpu.memory_space<hbm>>
      tpu.enqueue_indirect_dma source(%dma_start3A_51 : memref<10000x16xf32, #tpu.memory_space<hbm>>) target(%arg10 : memref<128x16xf32, #tpu.memory_space<vmem>>) offsets(%dma_start3A_48 : memref<128xi32, #tpu.memory_space<vmem>>) semaphore(%arg19 : memref<!tpu.dma_semaphore, #tpu.memory_space<semaphore_mem>>)
      %add3A_52 = arith.constant 3 : i32
      %add3A_53 = arith.addi %sub3A, %add3A_52 : i32
      %dma_start3A_54 = arith.constant 0 : i32
      %dma_start3A_55 = tpu.memref_slice %arg6[%add3A_53, %dma_start3A_54] : memref<128x128xi32, #tpu.memory_space<vmem>> -> memref<1x128xi32, #tpu.memory_space<vmem>>
      %dma_start3A_56 = tpu.memref_squeeze %dma_start3A_55 : memref<1x128xi32, #tpu.memory_space<vmem>> -> memref<128xi32, #tpu.memory_space<vmem>>
      %dma_start3A_57 = arith.constant 0 : i32
      %dma_start3A_58 = arith.constant 0 : i32
      %dma_start3A_59 = tpu.memref_slice %arg2[%dma_start3A_57, %dma_start3A_58] : memref<10000x16xf32, #tpu.memory_space<hbm>> -> memref<10000x16xf32, #tpu.memory_space<hbm>>
      tpu.enqueue_indirect_dma source(%dma_start3A_59 : memref<10000x16xf32, #tpu.memory_space<hbm>>) target(%arg11 : memref<128x16xf32, #tpu.memory_space<vmem>>) offsets(%dma_start3A_56 : memref<128xi32, #tpu.memory_space<vmem>>) semaphore(%arg20 : memref<!tpu.dma_semaphore, #tpu.memory_space<semaphore_mem>>)
      %add3A_60 = arith.constant 4 : i32
      %add3A_61 = arith.addi %sub3A, %add3A_60 : i32
      %dma_start3A_62 = arith.constant 0 : i32
      %dma_start3A_63 = tpu.memref_slice %arg6[%add3A_61, %dma_start3A_62] : memref<128x128xi32, #tpu.memory_space<vmem>> -> memref<1x128xi32, #tpu.memory_space<vmem>>
      %dma_start3A_64 = tpu.memref_squeeze %dma_start3A_63 : memref<1x128xi32, #tpu.memory_space<vmem>> -> memref<128xi32, #tpu.memory_space<vmem>>
      %dma_start3A_65 = arith.constant 0 : i32
      %dma_start3A_66 = arith.constant 0 : i32
      %dma_start3A_67 = tpu.memref_slice %arg2[%dma_start3A_65, %dma_start3A_66] : memref<10000x16xf32, #tpu.memory_space<hbm>> -> memref<10000x16xf32, #tpu.memory_space<hbm>>
      tpu.enqueue_indirect_dma source(%dma_start3A_67 : memref<10000x16xf32, #tpu.memory_space<hbm>>) target(%arg12 : memref<128x16xf32, #tpu.memory_space<vmem>>) offsets(%dma_start3A_64 : memref<128xi32, #tpu.memory_space<vmem>>) semaphore(%arg21 : memref<!tpu.dma_semaphore, #tpu.memory_space<semaphore_mem>>)
      %add3A_68 = arith.constant 5 : i32
      %add3A_69 = arith.addi %sub3A, %add3A_68 : i32
      %dma_start3A_70 = arith.constant 0 : i32
      %dma_start3A_71 = tpu.memref_slice %arg6[%add3A_69, %dma_start3A_70] : memref<128x128xi32, #tpu.memory_space<vmem>> -> memref<1x128xi32, #tpu.memory_space<vmem>>
      %dma_start3A_72 = tpu.memref_squeeze %dma_start3A_71 : memref<1x128xi32, #tpu.memory_space<vmem>> -> memref<128xi32, #tpu.memory_space<vmem>>
      %dma_start3A_73 = arith.constant 0 : i32
      %dma_start3A_74 = arith.constant 0 : i32
      %dma_start3A_75 = tpu.memref_slice %arg2[%dma_start3A_73, %dma_start3A_74] : memref<10000x16xf32, #tpu.memory_space<hbm>> -> memref<10000x16xf32, #tpu.memory_space<hbm>>
      tpu.enqueue_indirect_dma source(%dma_start3A_75 : memref<10000x16xf32, #tpu.memory_space<hbm>>) target(%arg13 : memref<128x16xf32, #tpu.memory_space<vmem>>) offsets(%dma_start3A_72 : memref<128xi32, #tpu.memory_space<vmem>>) semaphore(%arg22 : memref<!tpu.dma_semaphore, #tpu.memory_space<semaphore_mem>>)
      %add3A_76 = arith.constant 6 : i32
      %add3A_77 = arith.addi %sub3A, %add3A_76 : i32
      %dma_start3A_78 = arith.constant 0 : i32
      %dma_start3A_79 = tpu.memref_slice %arg6[%add3A_77, %dma_start3A_78] : memref<128x128xi32, #tpu.memory_space<vmem>> -> memref<1x128xi32, #tpu.memory_space<vmem>>
      %dma_start3A_80 = tpu.memref_squeeze %dma_start3A_79 : memref<1x128xi32, #tpu.memory_space<vmem>> -> memref<128xi32, #tpu.memory_space<vmem>>
      %dma_start3A_81 = arith.constant 0 : i32
      %dma_start3A_82 = arith.constant 0 : i32
      %dma_start3A_83 = tpu.memref_slice %arg2[%dma_start3A_81, %dma_start3A_82] : memref<10000x16xf32, #tpu.memory_space<hbm>> -> memref<10000x16xf32, #tpu.memory_space<hbm>>
      tpu.enqueue_indirect_dma source(%dma_start3A_83 : memref<10000x16xf32, #tpu.memory_space<hbm>>) target(%arg14 : memref<128x16xf32, #tpu.memory_space<vmem>>) offsets(%dma_start3A_80 : memref<128xi32, #tpu.memory_space<vmem>>) semaphore(%arg23 : memref<!tpu.dma_semaphore, #tpu.memory_space<semaphore_mem>>)
      %add3A_84 = arith.constant 7 : i32
      %add3A_85 = arith.addi %sub3A, %add3A_84 : i32
      %dma_start3A_86 = arith.constant 0 : i32
      %dma_start3A_87 = tpu.memref_slice %arg6[%add3A_85, %dma_start3A_86] : memref<128x128xi32, #tpu.memory_space<vmem>> -> memref<1x128xi32, #tpu.memory_space<vmem>>
      %dma_start3A_88 = tpu.memref_squeeze %dma_start3A_87 : memref<1x128xi32, #tpu.memory_space<vmem>> -> memref<128xi32, #tpu.memory_space<vmem>>
      %dma_start3A_89 = arith.constant 0 : i32
      %dma_start3A_90 = arith.constant 0 : i32
      %dma_start3A_91 = tpu.memref_slice %arg2[%dma_start3A_89, %dma_start3A_90] : memref<10000x16xf32, #tpu.memory_space<hbm>> -> memref<10000x16xf32, #tpu.memory_space<hbm>>
      tpu.enqueue_indirect_dma source(%dma_start3A_91 : memref<10000x16xf32, #tpu.memory_space<hbm>>) target(%arg15 : memref<128x16xf32, #tpu.memory_space<vmem>>) offsets(%dma_start3A_88 : memref<128xi32, #tpu.memory_space<vmem>>) semaphore(%arg24 : memref<!tpu.dma_semaphore, #tpu.memory_space<semaphore_mem>>)
      %scan3A_92 = arith.constant 0 : i32
      %scan3A_93 = arith.constant 16 : i32
      %scan3A_94 = arith.addi %scan3A_92, %scan3A_93 : i32
      %scan3A_95 = arith.constant 1 : i32
      scf.for %scan3A_97 = %scan3A_92 to %scan3A_94 step %scan3A_95  : i32 {
        %mul3A_98 = arith.constant 1 : i32
        %mul3A_99 = arith.muli %scan3A_97, %mul3A_98 : i32
        %add3A_100 = arith.constant 0 : i32
        %add3A_101 = arith.addi %add3A_100, %mul3A_99 : i32
        %mul3A_102 = arith.constant 8 : i32
        %mul3A_103 = arith.muli %add3A_101, %mul3A_102 : i32
        %add3A_104 = arith.addi %sub3A, %mul3A_103 : i32
        %add3A_105 = arith.constant 0 : i32
        %add3A_106 = arith.addi %add3A_104, %add3A_105 : i32
        %dma_wait3A = arith.constant 0 : i32
        %dma_wait3A_107 = tpu.memref_slice %arg6[%add3A_106, %dma_wait3A] : memref<128x128xi32, #tpu.memory_space<vmem>> -> memref<1x128xi32, #tpu.memory_space<vmem>>
        %dma_wait3A_108 = tpu.memref_squeeze %dma_wait3A_107 : memref<1x128xi32, #tpu.memory_space<vmem>> -> memref<128xi32, #tpu.memory_space<vmem>>
        %dma_wait3A_109 = arith.constant 0 : i32
        %dma_wait3A_110 = arith.constant 0 : i32
        %dma_wait3A_111 = tpu.memref_slice %arg2[%dma_wait3A_109, %dma_wait3A_110] : memref<10000x16xf32, #tpu.memory_space<hbm>> -> memref<10000x16xf32, #tpu.memory_space<hbm>>
        tpu.wait_indirect_dma semaphore(%arg17 : memref<!tpu.dma_semaphore, #tpu.memory_space<semaphore_mem>>) src(%dma_wait3A_111 : memref<10000x16xf32, #tpu.memory_space<hbm>>) dst(%arg8 : memref<128x16xf32, #tpu.memory_space<vmem>>)
        "tpu.region"() ({
          %run_scoped3A = tpu.sem_alloc : memref<!tpu.dma_semaphore, #tpu.memory_space<semaphore_mem>>
          %dma_start3A_231 = arith.constant 0 : i32
          %dma_start3A_232 = tpu.memref_slice %arg7[%add3A_106, %dma_start3A_231] : memref<128x128xi32, #tpu.memory_space<vmem>> -> memref<1x128xi32, #tpu.memory_space<vmem>>
          %dma_start3A_233 = tpu.memref_squeeze %dma_start3A_232 : memref<1x128xi32, #tpu.memory_space<vmem>> -> memref<128xi32, #tpu.memory_space<vmem>>
          %dma_start3A_234 = arith.constant 0 : i32
          %dma_start3A_235 = arith.constant 0 : i32
          %dma_start3A_236 = tpu.memref_slice %arg16[%dma_start3A_234, %dma_start3A_235] : memref<10240x16xf32, #tpu.memory_space<vmem_shared>> -> memref<10240x16xf32, #tpu.memory_space<vmem_shared>>
          tpu.enqueue_indirect_dma source(%arg8 : memref<128x16xf32, #tpu.memory_space<vmem>>) target(%dma_start3A_236 : memref<10240x16xf32, #tpu.memory_space<vmem_shared>>) offsets(%dma_start3A_233 : memref<128xi32, #tpu.memory_space<vmem>>) semaphore(%run_scoped3A : memref<!tpu.dma_semaphore, #tpu.memory_space<semaphore_mem>>) {add = true}
          %dma_wait3A_237 = arith.constant 0 : i32
          %dma_wait3A_238 = tpu.memref_slice %arg7[%add3A_106, %dma_wait3A_237] : memref<128x128xi32, #tpu.memory_space<vmem>> -> memref<1x128xi32, #tpu.memory_space<vmem>>
          %dma_wait3A_239 = tpu.memref_squeeze %dma_wait3A_238 : memref<1x128xi32, #tpu.memory_space<vmem>> -> memref<128xi32, #tpu.memory_space<vmem>>
          %dma_wait3A_240 = arith.constant 0 : i32
          %dma_wait3A_241 = arith.constant 0 : i32
          %dma_wait3A_242 = tpu.memref_slice %arg16[%dma_wait3A_240, %dma_wait3A_241] : memref<10240x16xf32, #tpu.memory_space<vmem_shared>> -> memref<10240x16xf32, #tpu.memory_space<vmem_shared>>
          tpu.wait_indirect_dma semaphore(%run_scoped3A : memref<!tpu.dma_semaphore, #tpu.memory_space<semaphore_mem>>) src(%arg8 : memref<128x16xf32, #tpu.memory_space<vmem>>) dst(%dma_wait3A_242 : memref<10240x16xf32, #tpu.memory_space<vmem_shared>>)
          tpu.yield
        }) : () -> ()
        %add3A_112 = arith.constant 8 : i32
        %add3A_113 = arith.addi %add3A_106, %add3A_112 : i32
        %add3A_114 = arith.constant 128 : i32
        %add3A_115 = arith.addi %sub3A, %add3A_114 : i32
        %lt3A = arith.cmpi slt, %add3A_113, %add3A_115 : i32
        %convert_element_type3A_116 = arith.extui %lt3A : i1 to i32
        %cond3A_117 = arith.constant 0 : i32
        %cond3A_118 = arith.cmpi ne, %convert_element_type3A_116, %cond3A_117 : i32
        scf.if %cond3A_118 {
          %add3A_231 = arith.constant 8 : i32
          %add3A_232 = arith.addi %add3A_106, %add3A_231 : i32
          %dma_start3A_233 = arith.constant 0 : i32
          %dma_start3A_234 = tpu.memref_slice %arg6[%add3A_232, %dma_start3A_233] : memref<128x128xi32, #tpu.memory_space<vmem>> -> memref<1x128xi32, #tpu.memory_space<vmem>>
          %dma_start3A_235 = tpu.memref_squeeze %dma_start3A_234 : memref<1x128xi32, #tpu.memory_space<vmem>> -> memref<128xi32, #tpu.memory_space<vmem>>
          %dma_start3A_236 = arith.constant 0 : i32
          %dma_start3A_237 = arith.constant 0 : i32
          %dma_start3A_238 = tpu.memref_slice %arg2[%dma_start3A_236, %dma_start3A_237] : memref<10000x16xf32, #tpu.memory_space<hbm>> -> memref<10000x16xf32, #tpu.memory_space<hbm>>
          tpu.enqueue_indirect_dma source(%dma_start3A_238 : memref<10000x16xf32, #tpu.memory_space<hbm>>) target(%arg8 : memref<128x16xf32, #tpu.memory_space<vmem>>) offsets(%dma_start3A_235 : memref<128xi32, #tpu.memory_space<vmem>>) semaphore(%arg17 : memref<!tpu.dma_semaphore, #tpu.memory_space<semaphore_mem>>)
        } else {
        }
        %add3A_119 = arith.constant 1 : i32
        %add3A_120 = arith.addi %add3A_104, %add3A_119 : i32
        %dma_wait3A_121 = arith.constant 0 : i32
        %dma_wait3A_122 = tpu.memref_slice %arg6[%add3A_120, %dma_wait3A_121] : memref<128x128xi32, #tpu.memory_space<vmem>> -> memref<1x128xi32, #tpu.memory_space<vmem>>
        %dma_wait3A_123 = tpu.memref_squeeze %dma_wait3A_122 : memref<1x128xi32, #tpu.memory_space<vmem>> -> memref<128xi32, #tpu.memory_space<vmem>>
        %dma_wait3A_124 = arith.constant 0 : i32
        %dma_wait3A_125 = arith.constant 0 : i32
        %dma_wait3A_126 = tpu.memref_slice %arg2[%dma_wait3A_124, %dma_wait3A_125] : memref<10000x16xf32, #tpu.memory_space<hbm>> -> memref<10000x16xf32, #tpu.memory_space<hbm>>
        tpu.wait_indirect_dma semaphore(%arg18 : memref<!tpu.dma_semaphore, #tpu.memory_space<semaphore_mem>>) src(%dma_wait3A_126 : memref<10000x16xf32, #tpu.memory_space<hbm>>) dst(%arg9 : memref<128x16xf32, #tpu.memory_space<vmem>>)
        "tpu.region"() ({
          %run_scoped3A = tpu.sem_alloc : memref<!tpu.dma_semaphore, #tpu.memory_space<semaphore_mem>>
          %dma_start3A_231 = arith.constant 0 : i32
          %dma_start3A_232 = tpu.memref_slice %arg7[%add3A_120, %dma_start3A_231] : memref<128x128xi32, #tpu.memory_space<vmem>> -> memref<1x128xi32, #tpu.memory_space<vmem>>
          %dma_start3A_233 = tpu.memref_squeeze %dma_start3A_232 : memref<1x128xi32, #tpu.memory_space<vmem>> -> memref<128xi32, #tpu.memory_space<vmem>>
          %dma_start3A_234 = arith.constant 0 : i32
          %dma_start3A_235 = arith.constant 0 : i32
          %dma_start3A_236 = tpu.memref_slice %arg16[%dma_start3A_234, %dma_start3A_235] : memref<10240x16xf32, #tpu.memory_space<vmem_shared>> -> memref<10240x16xf32, #tpu.memory_space<vmem_shared>>
          tpu.enqueue_indirect_dma source(%arg9 : memref<128x16xf32, #tpu.memory_space<vmem>>) target(%dma_start3A_236 : memref<10240x16xf32, #tpu.memory_space<vmem_shared>>) offsets(%dma_start3A_233 : memref<128xi32, #tpu.memory_space<vmem>>) semaphore(%run_scoped3A : memref<!tpu.dma_semaphore, #tpu.memory_space<semaphore_mem>>) {add = true}
          %dma_wait3A_237 = arith.constant 0 : i32
          %dma_wait3A_238 = tpu.memref_slice %arg7[%add3A_120, %dma_wait3A_237] : memref<128x128xi32, #tpu.memory_space<vmem>> -> memref<1x128xi32, #tpu.memory_space<vmem>>
          %dma_wait3A_239 = tpu.memref_squeeze %dma_wait3A_238 : memref<1x128xi32, #tpu.memory_space<vmem>> -> memref<128xi32, #tpu.memory_space<vmem>>
          %dma_wait3A_240 = arith.constant 0 : i32
          %dma_wait3A_241 = arith.constant 0 : i32
          %dma_wait3A_242 = tpu.memref_slice %arg16[%dma_wait3A_240, %dma_wait3A_241] : memref<10240x16xf32, #tpu.memory_space<vmem_shared>> -> memref<10240x16xf32, #tpu.memory_space<vmem_shared>>
          tpu.wait_indirect_dma semaphore(%run_scoped3A : memref<!tpu.dma_semaphore, #tpu.memory_space<semaphore_mem>>) src(%arg9 : memref<128x16xf32, #tpu.memory_space<vmem>>) dst(%dma_wait3A_242 : memref<10240x16xf32, #tpu.memory_space<vmem_shared>>)
          tpu.yield
        }) : () -> ()
        %add3A_127 = arith.constant 8 : i32
        %add3A_128 = arith.addi %add3A_120, %add3A_127 : i32
        %add3A_129 = arith.constant 128 : i32
        %add3A_130 = arith.addi %sub3A, %add3A_129 : i32
        %lt3A_131 = arith.cmpi slt, %add3A_128, %add3A_130 : i32
        %convert_element_type3A_132 = arith.extui %lt3A_131 : i1 to i32
        %cond3A_133 = arith.constant 0 : i32
        %cond3A_134 = arith.cmpi ne, %convert_element_type3A_132, %cond3A_133 : i32
        scf.if %cond3A_134 {
          %add3A_231 = arith.constant 8 : i32
          %add3A_232 = arith.addi %add3A_120, %add3A_231 : i32
          %dma_start3A_233 = arith.constant 0 : i32
          %dma_start3A_234 = tpu.memref_slice %arg6[%add3A_232, %dma_start3A_233] : memref<128x128xi32, #tpu.memory_space<vmem>> -> memref<1x128xi32, #tpu.memory_space<vmem>>
          %dma_start3A_235 = tpu.memref_squeeze %dma_start3A_234 : memref<1x128xi32, #tpu.memory_space<vmem>> -> memref<128xi32, #tpu.memory_space<vmem>>
          %dma_start3A_236 = arith.constant 0 : i32
          %dma_start3A_237 = arith.constant 0 : i32
          %dma_start3A_238 = tpu.memref_slice %arg2[%dma_start3A_236, %dma_start3A_237] : memref<10000x16xf32, #tpu.memory_space<hbm>> -> memref<10000x16xf32, #tpu.memory_space<hbm>>
          tpu.enqueue_indirect_dma source(%dma_start3A_238 : memref<10000x16xf32, #tpu.memory_space<hbm>>) target(%arg9 : memref<128x16xf32, #tpu.memory_space<vmem>>) offsets(%dma_start3A_235 : memref<128xi32, #tpu.memory_space<vmem>>) semaphore(%arg18 : memref<!tpu.dma_semaphore, #tpu.memory_space<semaphore_mem>>)
        } else {
        }
        %add3A_135 = arith.constant 2 : i32
        %add3A_136 = arith.addi %add3A_104, %add3A_135 : i32
        %dma_wait3A_137 = arith.constant 0 : i32
        %dma_wait3A_138 = tpu.memref_slice %arg6[%add3A_136, %dma_wait3A_137] : memref<128x128xi32, #tpu.memory_space<vmem>> -> memref<1x128xi32, #tpu.memory_space<vmem>>
        %dma_wait3A_139 = tpu.memref_squeeze %dma_wait3A_138 : memref<1x128xi32, #tpu.memory_space<vmem>> -> memref<128xi32, #tpu.memory_space<vmem>>
        %dma_wait3A_140 = arith.constant 0 : i32
        %dma_wait3A_141 = arith.constant 0 : i32
        %dma_wait3A_142 = tpu.memref_slice %arg2[%dma_wait3A_140, %dma_wait3A_141] : memref<10000x16xf32, #tpu.memory_space<hbm>> -> memref<10000x16xf32, #tpu.memory_space<hbm>>
        tpu.wait_indirect_dma semaphore(%arg19 : memref<!tpu.dma_semaphore, #tpu.memory_space<semaphore_mem>>) src(%dma_wait3A_142 : memref<10000x16xf32, #tpu.memory_space<hbm>>) dst(%arg10 : memref<128x16xf32, #tpu.memory_space<vmem>>)
        "tpu.region"() ({
          %run_scoped3A = tpu.sem_alloc : memref<!tpu.dma_semaphore, #tpu.memory_space<semaphore_mem>>
          %dma_start3A_231 = arith.constant 0 : i32
          %dma_start3A_232 = tpu.memref_slice %arg7[%add3A_136, %dma_start3A_231] : memref<128x128xi32, #tpu.memory_space<vmem>> -> memref<1x128xi32, #tpu.memory_space<vmem>>
          %dma_start3A_233 = tpu.memref_squeeze %dma_start3A_232 : memref<1x128xi32, #tpu.memory_space<vmem>> -> memref<128xi32, #tpu.memory_space<vmem>>
          %dma_start3A_234 = arith.constant 0 : i32
          %dma_start3A_235 = arith.constant 0 : i32
          %dma_start3A_236 = tpu.memref_slice %arg16[%dma_start3A_234, %dma_start3A_235] : memref<10240x16xf32, #tpu.memory_space<vmem_shared>> -> memref<10240x16xf32, #tpu.memory_space<vmem_shared>>
          tpu.enqueue_indirect_dma source(%arg10 : memref<128x16xf32, #tpu.memory_space<vmem>>) target(%dma_start3A_236 : memref<10240x16xf32, #tpu.memory_space<vmem_shared>>) offsets(%dma_start3A_233 : memref<128xi32, #tpu.memory_space<vmem>>) semaphore(%run_scoped3A : memref<!tpu.dma_semaphore, #tpu.memory_space<semaphore_mem>>) {add = true}
          %dma_wait3A_237 = arith.constant 0 : i32
          %dma_wait3A_238 = tpu.memref_slice %arg7[%add3A_136, %dma_wait3A_237] : memref<128x128xi32, #tpu.memory_space<vmem>> -> memref<1x128xi32, #tpu.memory_space<vmem>>
          %dma_wait3A_239 = tpu.memref_squeeze %dma_wait3A_238 : memref<1x128xi32, #tpu.memory_space<vmem>> -> memref<128xi32, #tpu.memory_space<vmem>>
          %dma_wait3A_240 = arith.constant 0 : i32
          %dma_wait3A_241 = arith.constant 0 : i32
          %dma_wait3A_242 = tpu.memref_slice %arg16[%dma_wait3A_240, %dma_wait3A_241] : memref<10240x16xf32, #tpu.memory_space<vmem_shared>> -> memref<10240x16xf32, #tpu.memory_space<vmem_shared>>
          tpu.wait_indirect_dma semaphore(%run_scoped3A : memref<!tpu.dma_semaphore, #tpu.memory_space<semaphore_mem>>) src(%arg10 : memref<128x16xf32, #tpu.memory_space<vmem>>) dst(%dma_wait3A_242 : memref<10240x16xf32, #tpu.memory_space<vmem_shared>>)
          tpu.yield
        }) : () -> ()
        %add3A_143 = arith.constant 8 : i32
        %add3A_144 = arith.addi %add3A_136, %add3A_143 : i32
        %add3A_145 = arith.constant 128 : i32
        %add3A_146 = arith.addi %sub3A, %add3A_145 : i32
        %lt3A_147 = arith.cmpi slt, %add3A_144, %add3A_146 : i32
        %convert_element_type3A_148 = arith.extui %lt3A_147 : i1 to i32
        %cond3A_149 = arith.constant 0 : i32
        %cond3A_150 = arith.cmpi ne, %convert_element_type3A_148, %cond3A_149 : i32
        scf.if %cond3A_150 {
          %add3A_231 = arith.constant 8 : i32
          %add3A_232 = arith.addi %add3A_136, %add3A_231 : i32
          %dma_start3A_233 = arith.constant 0 : i32
          %dma_start3A_234 = tpu.memref_slice %arg6[%add3A_232, %dma_start3A_233] : memref<128x128xi32, #tpu.memory_space<vmem>> -> memref<1x128xi32, #tpu.memory_space<vmem>>
          %dma_start3A_235 = tpu.memref_squeeze %dma_start3A_234 : memref<1x128xi32, #tpu.memory_space<vmem>> -> memref<128xi32, #tpu.memory_space<vmem>>
          %dma_start3A_236 = arith.constant 0 : i32
          %dma_start3A_237 = arith.constant 0 : i32
          %dma_start3A_238 = tpu.memref_slice %arg2[%dma_start3A_236, %dma_start3A_237] : memref<10000x16xf32, #tpu.memory_space<hbm>> -> memref<10000x16xf32, #tpu.memory_space<hbm>>
          tpu.enqueue_indirect_dma source(%dma_start3A_238 : memref<10000x16xf32, #tpu.memory_space<hbm>>) target(%arg10 : memref<128x16xf32, #tpu.memory_space<vmem>>) offsets(%dma_start3A_235 : memref<128xi32, #tpu.memory_space<vmem>>) semaphore(%arg19 : memref<!tpu.dma_semaphore, #tpu.memory_space<semaphore_mem>>)
        } else {
        }
        %add3A_151 = arith.constant 3 : i32
        %add3A_152 = arith.addi %add3A_104, %add3A_151 : i32
        %dma_wait3A_153 = arith.constant 0 : i32
        %dma_wait3A_154 = tpu.memref_slice %arg6[%add3A_152, %dma_wait3A_153] : memref<128x128xi32, #tpu.memory_space<vmem>> -> memref<1x128xi32, #tpu.memory_space<vmem>>
        %dma_wait3A_155 = tpu.memref_squeeze %dma_wait3A_154 : memref<1x128xi32, #tpu.memory_space<vmem>> -> memref<128xi32, #tpu.memory_space<vmem>>
        %dma_wait3A_156 = arith.constant 0 : i32
        %dma_wait3A_157 = arith.constant 0 : i32
        %dma_wait3A_158 = tpu.memref_slice %arg2[%dma_wait3A_156, %dma_wait3A_157] : memref<10000x16xf32, #tpu.memory_space<hbm>> -> memref<10000x16xf32, #tpu.memory_space<hbm>>
        tpu.wait_indirect_dma semaphore(%arg20 : memref<!tpu.dma_semaphore, #tpu.memory_space<semaphore_mem>>) src(%dma_wait3A_158 : memref<10000x16xf32, #tpu.memory_space<hbm>>) dst(%arg11 : memref<128x16xf32, #tpu.memory_space<vmem>>)
        "tpu.region"() ({
          %run_scoped3A = tpu.sem_alloc : memref<!tpu.dma_semaphore, #tpu.memory_space<semaphore_mem>>
          %dma_start3A_231 = arith.constant 0 : i32
          %dma_start3A_232 = tpu.memref_slice %arg7[%add3A_152, %dma_start3A_231] : memref<128x128xi32, #tpu.memory_space<vmem>> -> memref<1x128xi32, #tpu.memory_space<vmem>>
          %dma_start3A_233 = tpu.memref_squeeze %dma_start3A_232 : memref<1x128xi32, #tpu.memory_space<vmem>> -> memref<128xi32, #tpu.memory_space<vmem>>
          %dma_start3A_234 = arith.constant 0 : i32
          %dma_start3A_235 = arith.constant 0 : i32
          %dma_start3A_236 = tpu.memref_slice %arg16[%dma_start3A_234, %dma_start3A_235] : memref<10240x16xf32, #tpu.memory_space<vmem_shared>> -> memref<10240x16xf32, #tpu.memory_space<vmem_shared>>
          tpu.enqueue_indirect_dma source(%arg11 : memref<128x16xf32, #tpu.memory_space<vmem>>) target(%dma_start3A_236 : memref<10240x16xf32, #tpu.memory_space<vmem_shared>>) offsets(%dma_start3A_233 : memref<128xi32, #tpu.memory_space<vmem>>) semaphore(%run_scoped3A : memref<!tpu.dma_semaphore, #tpu.memory_space<semaphore_mem>>) {add = true}
          %dma_wait3A_237 = arith.constant 0 : i32
          %dma_wait3A_238 = tpu.memref_slice %arg7[%add3A_152, %dma_wait3A_237] : memref<128x128xi32, #tpu.memory_space<vmem>> -> memref<1x128xi32, #tpu.memory_space<vmem>>
          %dma_wait3A_239 = tpu.memref_squeeze %dma_wait3A_238 : memref<1x128xi32, #tpu.memory_space<vmem>> -> memref<128xi32, #tpu.memory_space<vmem>>
          %dma_wait3A_240 = arith.constant 0 : i32
          %dma_wait3A_241 = arith.constant 0 : i32
          %dma_wait3A_242 = tpu.memref_slice %arg16[%dma_wait3A_240, %dma_wait3A_241] : memref<10240x16xf32, #tpu.memory_space<vmem_shared>> -> memref<10240x16xf32, #tpu.memory_space<vmem_shared>>
          tpu.wait_indirect_dma semaphore(%run_scoped3A : memref<!tpu.dma_semaphore, #tpu.memory_space<semaphore_mem>>) src(%arg11 : memref<128x16xf32, #tpu.memory_space<vmem>>) dst(%dma_wait3A_242 : memref<10240x16xf32, #tpu.memory_space<vmem_shared>>)
          tpu.yield
        }) : () -> ()
        %add3A_159 = arith.constant 8 : i32
        %add3A_160 = arith.addi %add3A_152, %add3A_159 : i32
        %add3A_161 = arith.constant 128 : i32
        %add3A_162 = arith.addi %sub3A, %add3A_161 : i32
        %lt3A_163 = arith.cmpi slt, %add3A_160, %add3A_162 : i32
        %convert_element_type3A_164 = arith.extui %lt3A_163 : i1 to i32
        %cond3A_165 = arith.constant 0 : i32
        %cond3A_166 = arith.cmpi ne, %convert_element_type3A_164, %cond3A_165 : i32
        scf.if %cond3A_166 {
          %add3A_231 = arith.constant 8 : i32
          %add3A_232 = arith.addi %add3A_152, %add3A_231 : i32
          %dma_start3A_233 = arith.constant 0 : i32
          %dma_start3A_234 = tpu.memref_slice %arg6[%add3A_232, %dma_start3A_233] : memref<128x128xi32, #tpu.memory_space<vmem>> -> memref<1x128xi32, #tpu.memory_space<vmem>>
          %dma_start3A_235 = tpu.memref_squeeze %dma_start3A_234 : memref<1x128xi32, #tpu.memory_space<vmem>> -> memref<128xi32, #tpu.memory_space<vmem>>
          %dma_start3A_236 = arith.constant 0 : i32
          %dma_start3A_237 = arith.constant 0 : i32
          %dma_start3A_238 = tpu.memref_slice %arg2[%dma_start3A_236, %dma_start3A_237] : memref<10000x16xf32, #tpu.memory_space<hbm>> -> memref<10000x16xf32, #tpu.memory_space<hbm>>
          tpu.enqueue_indirect_dma source(%dma_start3A_238 : memref<10000x16xf32, #tpu.memory_space<hbm>>) target(%arg11 : memref<128x16xf32, #tpu.memory_space<vmem>>) offsets(%dma_start3A_235 : memref<128xi32, #tpu.memory_space<vmem>>) semaphore(%arg20 : memref<!tpu.dma_semaphore, #tpu.memory_space<semaphore_mem>>)
        } else {
        }
        %add3A_167 = arith.constant 4 : i32
        %add3A_168 = arith.addi %add3A_104, %add3A_167 : i32
        %dma_wait3A_169 = arith.constant 0 : i32
        %dma_wait3A_170 = tpu.memref_slice %arg6[%add3A_168, %dma_wait3A_169] : memref<128x128xi32, #tpu.memory_space<vmem>> -> memref<1x128xi32, #tpu.memory_space<vmem>>
        %dma_wait3A_171 = tpu.memref_squeeze %dma_wait3A_170 : memref<1x128xi32, #tpu.memory_space<vmem>> -> memref<128xi32, #tpu.memory_space<vmem>>
        %dma_wait3A_172 = arith.constant 0 : i32
        %dma_wait3A_173 = arith.constant 0 : i32
        %dma_wait3A_174 = tpu.memref_slice %arg2[%dma_wait3A_172, %dma_wait3A_173] : memref<10000x16xf32, #tpu.memory_space<hbm>> -> memref<10000x16xf32, #tpu.memory_space<hbm>>
        tpu.wait_indirect_dma semaphore(%arg21 : memref<!tpu.dma_semaphore, #tpu.memory_space<semaphore_mem>>) src(%dma_wait3A_174 : memref<10000x16xf32, #tpu.memory_space<hbm>>) dst(%arg12 : memref<128x16xf32, #tpu.memory_space<vmem>>)
        "tpu.region"() ({
          %run_scoped3A = tpu.sem_alloc : memref<!tpu.dma_semaphore, #tpu.memory_space<semaphore_mem>>
          %dma_start3A_231 = arith.constant 0 : i32
          %dma_start3A_232 = tpu.memref_slice %arg7[%add3A_168, %dma_start3A_231] : memref<128x128xi32, #tpu.memory_space<vmem>> -> memref<1x128xi32, #tpu.memory_space<vmem>>
          %dma_start3A_233 = tpu.memref_squeeze %dma_start3A_232 : memref<1x128xi32, #tpu.memory_space<vmem>> -> memref<128xi32, #tpu.memory_space<vmem>>
          %dma_start3A_234 = arith.constant 0 : i32
          %dma_start3A_235 = arith.constant 0 : i32
          %dma_start3A_236 = tpu.memref_slice %arg16[%dma_start3A_234, %dma_start3A_235] : memref<10240x16xf32, #tpu.memory_space<vmem_shared>> -> memref<10240x16xf32, #tpu.memory_space<vmem_shared>>
          tpu.enqueue_indirect_dma source(%arg12 : memref<128x16xf32, #tpu.memory_space<vmem>>) target(%dma_start3A_236 : memref<10240x16xf32, #tpu.memory_space<vmem_shared>>) offsets(%dma_start3A_233 : memref<128xi32, #tpu.memory_space<vmem>>) semaphore(%run_scoped3A : memref<!tpu.dma_semaphore, #tpu.memory_space<semaphore_mem>>) {add = true}
          %dma_wait3A_237 = arith.constant 0 : i32
          %dma_wait3A_238 = tpu.memref_slice %arg7[%add3A_168, %dma_wait3A_237] : memref<128x128xi32, #tpu.memory_space<vmem>> -> memref<1x128xi32, #tpu.memory_space<vmem>>
          %dma_wait3A_239 = tpu.memref_squeeze %dma_wait3A_238 : memref<1x128xi32, #tpu.memory_space<vmem>> -> memref<128xi32, #tpu.memory_space<vmem>>
          %dma_wait3A_240 = arith.constant 0 : i32
          %dma_wait3A_241 = arith.constant 0 : i32
          %dma_wait3A_242 = tpu.memref_slice %arg16[%dma_wait3A_240, %dma_wait3A_241] : memref<10240x16xf32, #tpu.memory_space<vmem_shared>> -> memref<10240x16xf32, #tpu.memory_space<vmem_shared>>
          tpu.wait_indirect_dma semaphore(%run_scoped3A : memref<!tpu.dma_semaphore, #tpu.memory_space<semaphore_mem>>) src(%arg12 : memref<128x16xf32, #tpu.memory_space<vmem>>) dst(%dma_wait3A_242 : memref<10240x16xf32, #tpu.memory_space<vmem_shared>>)
          tpu.yield
        }) : () -> ()
        %add3A_175 = arith.constant 8 : i32
        %add3A_176 = arith.addi %add3A_168, %add3A_175 : i32
        %add3A_177 = arith.constant 128 : i32
        %add3A_178 = arith.addi %sub3A, %add3A_177 : i32
        %lt3A_179 = arith.cmpi slt, %add3A_176, %add3A_178 : i32
        %convert_element_type3A_180 = arith.extui %lt3A_179 : i1 to i32
        %cond3A_181 = arith.constant 0 : i32
        %cond3A_182 = arith.cmpi ne, %convert_element_type3A_180, %cond3A_181 : i32
        scf.if %cond3A_182 {
          %add3A_231 = arith.constant 8 : i32
          %add3A_232 = arith.addi %add3A_168, %add3A_231 : i32
          %dma_start3A_233 = arith.constant 0 : i32
          %dma_start3A_234 = tpu.memref_slice %arg6[%add3A_232, %dma_start3A_233] : memref<128x128xi32, #tpu.memory_space<vmem>> -> memref<1x128xi32, #tpu.memory_space<vmem>>
          %dma_start3A_235 = tpu.memref_squeeze %dma_start3A_234 : memref<1x128xi32, #tpu.memory_space<vmem>> -> memref<128xi32, #tpu.memory_space<vmem>>
          %dma_start3A_236 = arith.constant 0 : i32
          %dma_start3A_237 = arith.constant 0 : i32
          %dma_start3A_238 = tpu.memref_slice %arg2[%dma_start3A_236, %dma_start3A_237] : memref<10000x16xf32, #tpu.memory_space<hbm>> -> memref<10000x16xf32, #tpu.memory_space<hbm>>
          tpu.enqueue_indirect_dma source(%dma_start3A_238 : memref<10000x16xf32, #tpu.memory_space<hbm>>) target(%arg12 : memref<128x16xf32, #tpu.memory_space<vmem>>) offsets(%dma_start3A_235 : memref<128xi32, #tpu.memory_space<vmem>>) semaphore(%arg21 : memref<!tpu.dma_semaphore, #tpu.memory_space<semaphore_mem>>)
        } else {
        }
        %add3A_183 = arith.constant 5 : i32
        %add3A_184 = arith.addi %add3A_104, %add3A_183 : i32
        %dma_wait3A_185 = arith.constant 0 : i32
        %dma_wait3A_186 = tpu.memref_slice %arg6[%add3A_184, %dma_wait3A_185] : memref<128x128xi32, #tpu.memory_space<vmem>> -> memref<1x128xi32, #tpu.memory_space<vmem>>
        %dma_wait3A_187 = tpu.memref_squeeze %dma_wait3A_186 : memref<1x128xi32, #tpu.memory_space<vmem>> -> memref<128xi32, #tpu.memory_space<vmem>>
        %dma_wait3A_188 = arith.constant 0 : i32
        %dma_wait3A_189 = arith.constant 0 : i32
        %dma_wait3A_190 = tpu.memref_slice %arg2[%dma_wait3A_188, %dma_wait3A_189] : memref<10000x16xf32, #tpu.memory_space<hbm>> -> memref<10000x16xf32, #tpu.memory_space<hbm>>
        tpu.wait_indirect_dma semaphore(%arg22 : memref<!tpu.dma_semaphore, #tpu.memory_space<semaphore_mem>>) src(%dma_wait3A_190 : memref<10000x16xf32, #tpu.memory_space<hbm>>) dst(%arg13 : memref<128x16xf32, #tpu.memory_space<vmem>>)
        "tpu.region"() ({
          %run_scoped3A = tpu.sem_alloc : memref<!tpu.dma_semaphore, #tpu.memory_space<semaphore_mem>>
          %dma_start3A_231 = arith.constant 0 : i32
          %dma_start3A_232 = tpu.memref_slice %arg7[%add3A_184, %dma_start3A_231] : memref<128x128xi32, #tpu.memory_space<vmem>> -> memref<1x128xi32, #tpu.memory_space<vmem>>
          %dma_start3A_233 = tpu.memref_squeeze %dma_start3A_232 : memref<1x128xi32, #tpu.memory_space<vmem>> -> memref<128xi32, #tpu.memory_space<vmem>>
          %dma_start3A_234 = arith.constant 0 : i32
          %dma_start3A_235 = arith.constant 0 : i32
          %dma_start3A_236 = tpu.memref_slice %arg16[%dma_start3A_234, %dma_start3A_235] : memref<10240x16xf32, #tpu.memory_space<vmem_shared>> -> memref<10240x16xf32, #tpu.memory_space<vmem_shared>>
          tpu.enqueue_indirect_dma source(%arg13 : memref<128x16xf32, #tpu.memory_space<vmem>>) target(%dma_start3A_236 : memref<10240x16xf32, #tpu.memory_space<vmem_shared>>) offsets(%dma_start3A_233 : memref<128xi32, #tpu.memory_space<vmem>>) semaphore(%run_scoped3A : memref<!tpu.dma_semaphore, #tpu.memory_space<semaphore_mem>>) {add = true}
          %dma_wait3A_237 = arith.constant 0 : i32
          %dma_wait3A_238 = tpu.memref_slice %arg7[%add3A_184, %dma_wait3A_237] : memref<128x128xi32, #tpu.memory_space<vmem>> -> memref<1x128xi32, #tpu.memory_space<vmem>>
          %dma_wait3A_239 = tpu.memref_squeeze %dma_wait3A_238 : memref<1x128xi32, #tpu.memory_space<vmem>> -> memref<128xi32, #tpu.memory_space<vmem>>
          %dma_wait3A_240 = arith.constant 0 : i32
          %dma_wait3A_241 = arith.constant 0 : i32
          %dma_wait3A_242 = tpu.memref_slice %arg16[%dma_wait3A_240, %dma_wait3A_241] : memref<10240x16xf32, #tpu.memory_space<vmem_shared>> -> memref<10240x16xf32, #tpu.memory_space<vmem_shared>>
          tpu.wait_indirect_dma semaphore(%run_scoped3A : memref<!tpu.dma_semaphore, #tpu.memory_space<semaphore_mem>>) src(%arg13 : memref<128x16xf32, #tpu.memory_space<vmem>>) dst(%dma_wait3A_242 : memref<10240x16xf32, #tpu.memory_space<vmem_shared>>)
          tpu.yield
        }) : () -> ()
        %add3A_191 = arith.constant 8 : i32
        %add3A_192 = arith.addi %add3A_184, %add3A_191 : i32
        %add3A_193 = arith.constant 128 : i32
        %add3A_194 = arith.addi %sub3A, %add3A_193 : i32
        %lt3A_195 = arith.cmpi slt, %add3A_192, %add3A_194 : i32
        %convert_element_type3A_196 = arith.extui %lt3A_195 : i1 to i32
        %cond3A_197 = arith.constant 0 : i32
        %cond3A_198 = arith.cmpi ne, %convert_element_type3A_196, %cond3A_197 : i32
        scf.if %cond3A_198 {
          %add3A_231 = arith.constant 8 : i32
          %add3A_232 = arith.addi %add3A_184, %add3A_231 : i32
          %dma_start3A_233 = arith.constant 0 : i32
          %dma_start3A_234 = tpu.memref_slice %arg6[%add3A_232, %dma_start3A_233] : memref<128x128xi32, #tpu.memory_space<vmem>> -> memref<1x128xi32, #tpu.memory_space<vmem>>
          %dma_start3A_235 = tpu.memref_squeeze %dma_start3A_234 : memref<1x128xi32, #tpu.memory_space<vmem>> -> memref<128xi32, #tpu.memory_space<vmem>>
          %dma_start3A_236 = arith.constant 0 : i32
          %dma_start3A_237 = arith.constant 0 : i32
          %dma_start3A_238 = tpu.memref_slice %arg2[%dma_start3A_236, %dma_start3A_237] : memref<10000x16xf32, #tpu.memory_space<hbm>> -> memref<10000x16xf32, #tpu.memory_space<hbm>>
          tpu.enqueue_indirect_dma source(%dma_start3A_238 : memref<10000x16xf32, #tpu.memory_space<hbm>>) target(%arg13 : memref<128x16xf32, #tpu.memory_space<vmem>>) offsets(%dma_start3A_235 : memref<128xi32, #tpu.memory_space<vmem>>) semaphore(%arg22 : memref<!tpu.dma_semaphore, #tpu.memory_space<semaphore_mem>>)
        } else {
        }
        %add3A_199 = arith.constant 6 : i32
        %add3A_200 = arith.addi %add3A_104, %add3A_199 : i32
        %dma_wait3A_201 = arith.constant 0 : i32
        %dma_wait3A_202 = tpu.memref_slice %arg6[%add3A_200, %dma_wait3A_201] : memref<128x128xi32, #tpu.memory_space<vmem>> -> memref<1x128xi32, #tpu.memory_space<vmem>>
        %dma_wait3A_203 = tpu.memref_squeeze %dma_wait3A_202 : memref<1x128xi32, #tpu.memory_space<vmem>> -> memref<128xi32, #tpu.memory_space<vmem>>
        %dma_wait3A_204 = arith.constant 0 : i32
        %dma_wait3A_205 = arith.constant 0 : i32
        %dma_wait3A_206 = tpu.memref_slice %arg2[%dma_wait3A_204, %dma_wait3A_205] : memref<10000x16xf32, #tpu.memory_space<hbm>> -> memref<10000x16xf32, #tpu.memory_space<hbm>>
        tpu.wait_indirect_dma semaphore(%arg23 : memref<!tpu.dma_semaphore, #tpu.memory_space<semaphore_mem>>) src(%dma_wait3A_206 : memref<10000x16xf32, #tpu.memory_space<hbm>>) dst(%arg14 : memref<128x16xf32, #tpu.memory_space<vmem>>)
        "tpu.region"() ({
          %run_scoped3A = tpu.sem_alloc : memref<!tpu.dma_semaphore, #tpu.memory_space<semaphore_mem>>
          %dma_start3A_231 = arith.constant 0 : i32
          %dma_start3A_232 = tpu.memref_slice %arg7[%add3A_200, %dma_start3A_231] : memref<128x128xi32, #tpu.memory_space<vmem>> -> memref<1x128xi32, #tpu.memory_space<vmem>>
          %dma_start3A_233 = tpu.memref_squeeze %dma_start3A_232 : memref<1x128xi32, #tpu.memory_space<vmem>> -> memref<128xi32, #tpu.memory_space<vmem>>
          %dma_start3A_234 = arith.constant 0 : i32
          %dma_start3A_235 = arith.constant 0 : i32
          %dma_start3A_236 = tpu.memref_slice %arg16[%dma_start3A_234, %dma_start3A_235] : memref<10240x16xf32, #tpu.memory_space<vmem_shared>> -> memref<10240x16xf32, #tpu.memory_space<vmem_shared>>
          tpu.enqueue_indirect_dma source(%arg14 : memref<128x16xf32, #tpu.memory_space<vmem>>) target(%dma_start3A_236 : memref<10240x16xf32, #tpu.memory_space<vmem_shared>>) offsets(%dma_start3A_233 : memref<128xi32, #tpu.memory_space<vmem>>) semaphore(%run_scoped3A : memref<!tpu.dma_semaphore, #tpu.memory_space<semaphore_mem>>) {add = true}
          %dma_wait3A_237 = arith.constant 0 : i32
          %dma_wait3A_238 = tpu.memref_slice %arg7[%add3A_200, %dma_wait3A_237] : memref<128x128xi32, #tpu.memory_space<vmem>> -> memref<1x128xi32, #tpu.memory_space<vmem>>
          %dma_wait3A_239 = tpu.memref_squeeze %dma_wait3A_238 : memref<1x128xi32, #tpu.memory_space<vmem>> -> memref<128xi32, #tpu.memory_space<vmem>>
          %dma_wait3A_240 = arith.constant 0 : i32
          %dma_wait3A_241 = arith.constant 0 : i32
          %dma_wait3A_242 = tpu.memref_slice %arg16[%dma_wait3A_240, %dma_wait3A_241] : memref<10240x16xf32, #tpu.memory_space<vmem_shared>> -> memref<10240x16xf32, #tpu.memory_space<vmem_shared>>
          tpu.wait_indirect_dma semaphore(%run_scoped3A : memref<!tpu.dma_semaphore, #tpu.memory_space<semaphore_mem>>) src(%arg14 : memref<128x16xf32, #tpu.memory_space<vmem>>) dst(%dma_wait3A_242 : memref<10240x16xf32, #tpu.memory_space<vmem_shared>>)
          tpu.yield
        }) : () -> ()
        %add3A_207 = arith.constant 8 : i32
        %add3A_208 = arith.addi %add3A_200, %add3A_207 : i32
        %add3A_209 = arith.constant 128 : i32
        %add3A_210 = arith.addi %sub3A, %add3A_209 : i32
        %lt3A_211 = arith.cmpi slt, %add3A_208, %add3A_210 : i32
        %convert_element_type3A_212 = arith.extui %lt3A_211 : i1 to i32
        %cond3A_213 = arith.constant 0 : i32
        %cond3A_214 = arith.cmpi ne, %convert_element_type3A_212, %cond3A_213 : i32
        scf.if %cond3A_214 {
          %add3A_231 = arith.constant 8 : i32
          %add3A_232 = arith.addi %add3A_200, %add3A_231 : i32
          %dma_start3A_233 = arith.constant 0 : i32
          %dma_start3A_234 = tpu.memref_slice %arg6[%add3A_232, %dma_start3A_233] : memref<128x128xi32, #tpu.memory_space<vmem>> -> memref<1x128xi32, #tpu.memory_space<vmem>>
          %dma_start3A_235 = tpu.memref_squeeze %dma_start3A_234 : memref<1x128xi32, #tpu.memory_space<vmem>> -> memref<128xi32, #tpu.memory_space<vmem>>
          %dma_start3A_236 = arith.constant 0 : i32
          %dma_start3A_237 = arith.constant 0 : i32
          %dma_start3A_238 = tpu.memref_slice %arg2[%dma_start3A_236, %dma_start3A_237] : memref<10000x16xf32, #tpu.memory_space<hbm>> -> memref<10000x16xf32, #tpu.memory_space<hbm>>
          tpu.enqueue_indirect_dma source(%dma_start3A_238 : memref<10000x16xf32, #tpu.memory_space<hbm>>) target(%arg14 : memref<128x16xf32, #tpu.memory_space<vmem>>) offsets(%dma_start3A_235 : memref<128xi32, #tpu.memory_space<vmem>>) semaphore(%arg23 : memref<!tpu.dma_semaphore, #tpu.memory_space<semaphore_mem>>)
        } else {
        }
        %add3A_215 = arith.constant 7 : i32
        %add3A_216 = arith.addi %add3A_104, %add3A_215 : i32
        %dma_wait3A_217 = arith.constant 0 : i32
        %dma_wait3A_218 = tpu.memref_slice %arg6[%add3A_216, %dma_wait3A_217] : memref<128x128xi32, #tpu.memory_space<vmem>> -> memref<1x128xi32, #tpu.memory_space<vmem>>
        %dma_wait3A_219 = tpu.memref_squeeze %dma_wait3A_218 : memref<1x128xi32, #tpu.memory_space<vmem>> -> memref<128xi32, #tpu.memory_space<vmem>>
        %dma_wait3A_220 = arith.constant 0 : i32
        %dma_wait3A_221 = arith.constant 0 : i32
        %dma_wait3A_222 = tpu.memref_slice %arg2[%dma_wait3A_220, %dma_wait3A_221] : memref<10000x16xf32, #tpu.memory_space<hbm>> -> memref<10000x16xf32, #tpu.memory_space<hbm>>
        tpu.wait_indirect_dma semaphore(%arg24 : memref<!tpu.dma_semaphore, #tpu.memory_space<semaphore_mem>>) src(%dma_wait3A_222 : memref<10000x16xf32, #tpu.memory_space<hbm>>) dst(%arg15 : memref<128x16xf32, #tpu.memory_space<vmem>>)
        "tpu.region"() ({
          %run_scoped3A = tpu.sem_alloc : memref<!tpu.dma_semaphore, #tpu.memory_space<semaphore_mem>>
          %dma_start3A_231 = arith.constant 0 : i32
          %dma_start3A_232 = tpu.memref_slice %arg7[%add3A_216, %dma_start3A_231] : memref<128x128xi32, #tpu.memory_space<vmem>> -> memref<1x128xi32, #tpu.memory_space<vmem>>
          %dma_start3A_233 = tpu.memref_squeeze %dma_start3A_232 : memref<1x128xi32, #tpu.memory_space<vmem>> -> memref<128xi32, #tpu.memory_space<vmem>>
          %dma_start3A_234 = arith.constant 0 : i32
          %dma_start3A_235 = arith.constant 0 : i32
          %dma_start3A_236 = tpu.memref_slice %arg16[%dma_start3A_234, %dma_start3A_235] : memref<10240x16xf32, #tpu.memory_space<vmem_shared>> -> memref<10240x16xf32, #tpu.memory_space<vmem_shared>>
          tpu.enqueue_indirect_dma source(%arg15 : memref<128x16xf32, #tpu.memory_space<vmem>>) target(%dma_start3A_236 : memref<10240x16xf32, #tpu.memory_space<vmem_shared>>) offsets(%dma_start3A_233 : memref<128xi32, #tpu.memory_space<vmem>>) semaphore(%run_scoped3A : memref<!tpu.dma_semaphore, #tpu.memory_space<semaphore_mem>>) {add = true}
          %dma_wait3A_237 = arith.constant 0 : i32
          %dma_wait3A_238 = tpu.memref_slice %arg7[%add3A_216, %dma_wait3A_237] : memref<128x128xi32, #tpu.memory_space<vmem>> -> memref<1x128xi32, #tpu.memory_space<vmem>>
          %dma_wait3A_239 = tpu.memref_squeeze %dma_wait3A_238 : memref<1x128xi32, #tpu.memory_space<vmem>> -> memref<128xi32, #tpu.memory_space<vmem>>
          %dma_wait3A_240 = arith.constant 0 : i32
          %dma_wait3A_241 = arith.constant 0 : i32
          %dma_wait3A_242 = tpu.memref_slice %arg16[%dma_wait3A_240, %dma_wait3A_241] : memref<10240x16xf32, #tpu.memory_space<vmem_shared>> -> memref<10240x16xf32, #tpu.memory_space<vmem_shared>>
          tpu.wait_indirect_dma semaphore(%run_scoped3A : memref<!tpu.dma_semaphore, #tpu.memory_space<semaphore_mem>>) src(%arg15 : memref<128x16xf32, #tpu.memory_space<vmem>>) dst(%dma_wait3A_242 : memref<10240x16xf32, #tpu.memory_space<vmem_shared>>)
          tpu.yield
        }) : () -> ()
        %add3A_223 = arith.constant 8 : i32
        %add3A_224 = arith.addi %add3A_216, %add3A_223 : i32
        %add3A_225 = arith.constant 128 : i32
        %add3A_226 = arith.addi %sub3A, %add3A_225 : i32
        %lt3A_227 = arith.cmpi slt, %add3A_224, %add3A_226 : i32
        %convert_element_type3A_228 = arith.extui %lt3A_227 : i1 to i32
        %cond3A_229 = arith.constant 0 : i32
        %cond3A_230 = arith.cmpi ne, %convert_element_type3A_228, %cond3A_229 : i32
        scf.if %cond3A_230 {
          %add3A_231 = arith.constant 8 : i32
          %add3A_232 = arith.addi %add3A_216, %add3A_231 : i32
          %dma_start3A_233 = arith.constant 0 : i32
          %dma_start3A_234 = tpu.memref_slice %arg6[%add3A_232, %dma_start3A_233] : memref<128x128xi32, #tpu.memory_space<vmem>> -> memref<1x128xi32, #tpu.memory_space<vmem>>
          %dma_start3A_235 = tpu.memref_squeeze %dma_start3A_234 : memref<1x128xi32, #tpu.memory_space<vmem>> -> memref<128xi32, #tpu.memory_space<vmem>>
          %dma_start3A_236 = arith.constant 0 : i32
          %dma_start3A_237 = arith.constant 0 : i32
          %dma_start3A_238 = tpu.memref_slice %arg2[%dma_start3A_236, %dma_start3A_237] : memref<10000x16xf32, #tpu.memory_space<hbm>> -> memref<10000x16xf32, #tpu.memory_space<hbm>>
          tpu.enqueue_indirect_dma source(%dma_start3A_238 : memref<10000x16xf32, #tpu.memory_space<hbm>>) target(%arg15 : memref<128x16xf32, #tpu.memory_space<vmem>>) offsets(%dma_start3A_235 : memref<128xi32, #tpu.memory_space<vmem>>) semaphore(%arg24 : memref<!tpu.dma_semaphore, #tpu.memory_space<semaphore_mem>>)
        } else {
        }
      }
      %scan3A_96 = arith.constant 16 : i32
    } else {
    }
    %eq3A_18 = arith.constant 1 : i32
    %eq3A_19 = arith.cmpi eq, %arg0, %eq3A_18 : i32
    %convert_element_type3A_20 = arith.extui %eq3A_19 : i1 to i32
    %cond3A_21 = arith.constant 0 : i32
    %cond3A_22 = arith.cmpi ne, %convert_element_type3A_20, %cond3A_21 : i32
    scf.if %cond3A_22 {
      %add3A_29 = arith.constant 0 : i32
      %add3A_30 = arith.addi %sub3A, %add3A_29 : i32
      %dma_start3A = arith.constant 0 : i32
      %dma_start3A_31 = tpu.memref_slice %arg6[%add3A_30, %dma_start3A] : memref<128x128xi32, #tpu.memory_space<vmem>> -> memref<1x128xi32, #tpu.memory_space<vmem>>
      %dma_start3A_32 = tpu.memref_squeeze %dma_start3A_31 : memref<1x128xi32, #tpu.memory_space<vmem>> -> memref<128xi32, #tpu.memory_space<vmem>>
      %dma_start3A_33 = arith.constant 0 : i32
      %dma_start3A_34 = arith.constant 0 : i32
      %dma_start3A_35 = tpu.memref_slice %arg2[%dma_start3A_33, %dma_start3A_34] : memref<10000x16xf32, #tpu.memory_space<hbm>> -> memref<10000x16xf32, #tpu.memory_space<hbm>>
      tpu.enqueue_indirect_dma source(%dma_start3A_35 : memref<10000x16xf32, #tpu.memory_space<hbm>>) target(%arg8 : memref<128x16xf32, #tpu.memory_space<vmem>>) offsets(%dma_start3A_32 : memref<128xi32, #tpu.memory_space<vmem>>) semaphore(%arg17 : memref<!tpu.dma_semaphore, #tpu.memory_space<semaphore_mem>>)
      %add3A_36 = arith.constant 1 : i32
      %add3A_37 = arith.addi %sub3A, %add3A_36 : i32
      %dma_start3A_38 = arith.constant 0 : i32
      %dma_start3A_39 = tpu.memref_slice %arg6[%add3A_37, %dma_start3A_38] : memref<128x128xi32, #tpu.memory_space<vmem>> -> memref<1x128xi32, #tpu.memory_space<vmem>>
      %dma_start3A_40 = tpu.memref_squeeze %dma_start3A_39 : memref<1x128xi32, #tpu.memory_space<vmem>> -> memref<128xi32, #tpu.memory_space<vmem>>
      %dma_start3A_41 = arith.constant 0 : i32
      %dma_start3A_42 = arith.constant 0 : i32
      %dma_start3A_43 = tpu.memref_slice %arg2[%dma_start3A_41, %dma_start3A_42] : memref<10000x16xf32, #tpu.memory_space<hbm>> -> memref<10000x16xf32, #tpu.memory_space<hbm>>
      tpu.enqueue_indirect_dma source(%dma_start3A_43 : memref<10000x16xf32, #tpu.memory_space<hbm>>) target(%arg9 : memref<128x16xf32, #tpu.memory_space<vmem>>) offsets(%dma_start3A_40 : memref<128xi32, #tpu.memory_space<vmem>>) semaphore(%arg18 : memref<!tpu.dma_semaphore, #tpu.memory_space<semaphore_mem>>)
      %add3A_44 = arith.constant 2 : i32
      %add3A_45 = arith.addi %sub3A, %add3A_44 : i32
      %dma_start3A_46 = arith.constant 0 : i32
      %dma_start3A_47 = tpu.memref_slice %arg6[%add3A_45, %dma_start3A_46] : memref<128x128xi32, #tpu.memory_space<vmem>> -> memref<1x128xi32, #tpu.memory_space<vmem>>
      %dma_start3A_48 = tpu.memref_squeeze %dma_start3A_47 : memref<1x128xi32, #tpu.memory_space<vmem>> -> memref<128xi32, #tpu.memory_space<vmem>>
      %dma_start3A_49 = arith.constant 0 : i32
      %dma_start3A_50 = arith.constant 0 : i32
      %dma_start3A_51 = tpu.memref_slice %arg2[%dma_start3A_49, %dma_start3A_50] : memref<10000x16xf32, #tpu.memory_space<hbm>> -> memref<10000x16xf32, #tpu.memory_space<hbm>>
      tpu.enqueue_indirect_dma source(%dma_start3A_51 : memref<10000x16xf32, #tpu.memory_space<hbm>>) target(%arg10 : memref<128x16xf32, #tpu.memory_space<vmem>>) offsets(%dma_start3A_48 : memref<128xi32, #tpu.memory_space<vmem>>) semaphore(%arg19 : memref<!tpu.dma_semaphore, #tpu.memory_space<semaphore_mem>>)
      %add3A_52 = arith.constant 3 : i32
      %add3A_53 = arith.addi %sub3A, %add3A_52 : i32
      %dma_start3A_54 = arith.constant 0 : i32
      %dma_start3A_55 = tpu.memref_slice %arg6[%add3A_53, %dma_start3A_54] : memref<128x128xi32, #tpu.memory_space<vmem>> -> memref<1x128xi32, #tpu.memory_space<vmem>>
      %dma_start3A_56 = tpu.memref_squeeze %dma_start3A_55 : memref<1x128xi32, #tpu.memory_space<vmem>> -> memref<128xi32, #tpu.memory_space<vmem>>
      %dma_start3A_57 = arith.constant 0 : i32
      %dma_start3A_58 = arith.constant 0 : i32
      %dma_start3A_59 = tpu.memref_slice %arg2[%dma_start3A_57, %dma_start3A_58] : memref<10000x16xf32, #tpu.memory_space<hbm>> -> memref<10000x16xf32, #tpu.memory_space<hbm>>
      tpu.enqueue_indirect_dma source(%dma_start3A_59 : memref<10000x16xf32, #tpu.memory_space<hbm>>) target(%arg11 : memref<128x16xf32, #tpu.memory_space<vmem>>) offsets(%dma_start3A_56 : memref<128xi32, #tpu.memory_space<vmem>>) semaphore(%arg20 : memref<!tpu.dma_semaphore, #tpu.memory_space<semaphore_mem>>)
      %add3A_60 = arith.constant 4 : i32
      %add3A_61 = arith.addi %sub3A, %add3A_60 : i32
      %dma_start3A_62 = arith.constant 0 : i32
      %dma_start3A_63 = tpu.memref_slice %arg6[%add3A_61, %dma_start3A_62] : memref<128x128xi32, #tpu.memory_space<vmem>> -> memref<1x128xi32, #tpu.memory_space<vmem>>
      %dma_start3A_64 = tpu.memref_squeeze %dma_start3A_63 : memref<1x128xi32, #tpu.memory_space<vmem>> -> memref<128xi32, #tpu.memory_space<vmem>>
      %dma_start3A_65 = arith.constant 0 : i32
      %dma_start3A_66 = arith.constant 0 : i32
      %dma_start3A_67 = tpu.memref_slice %arg2[%dma_start3A_65, %dma_start3A_66] : memref<10000x16xf32, #tpu.memory_space<hbm>> -> memref<10000x16xf32, #tpu.memory_space<hbm>>
      tpu.enqueue_indirect_dma source(%dma_start3A_67 : memref<10000x16xf32, #tpu.memory_space<hbm>>) target(%arg12 : memref<128x16xf32, #tpu.memory_space<vmem>>) offsets(%dma_start3A_64 : memref<128xi32, #tpu.memory_space<vmem>>) semaphore(%arg21 : memref<!tpu.dma_semaphore, #tpu.memory_space<semaphore_mem>>)
      %add3A_68 = arith.constant 5 : i32
      %add3A_69 = arith.addi %sub3A, %add3A_68 : i32
      %dma_start3A_70 = arith.constant 0 : i32
      %dma_start3A_71 = tpu.memref_slice %arg6[%add3A_69, %dma_start3A_70] : memref<128x128xi32, #tpu.memory_space<vmem>> -> memref<1x128xi32, #tpu.memory_space<vmem>>
      %dma_start3A_72 = tpu.memref_squeeze %dma_start3A_71 : memref<1x128xi32, #tpu.memory_space<vmem>> -> memref<128xi32, #tpu.memory_space<vmem>>
      %dma_start3A_73 = arith.constant 0 : i32
      %dma_start3A_74 = arith.constant 0 : i32
      %dma_start3A_75 = tpu.memref_slice %arg2[%dma_start3A_73, %dma_start3A_74] : memref<10000x16xf32, #tpu.memory_space<hbm>> -> memref<10000x16xf32, #tpu.memory_space<hbm>>
      tpu.enqueue_indirect_dma source(%dma_start3A_75 : memref<10000x16xf32, #tpu.memory_space<hbm>>) target(%arg13 : memref<128x16xf32, #tpu.memory_space<vmem>>) offsets(%dma_start3A_72 : memref<128xi32, #tpu.memory_space<vmem>>) semaphore(%arg22 : memref<!tpu.dma_semaphore, #tpu.memory_space<semaphore_mem>>)
      %add3A_76 = arith.constant 6 : i32
      %add3A_77 = arith.addi %sub3A, %add3A_76 : i32
      %dma_start3A_78 = arith.constant 0 : i32
      %dma_start3A_79 = tpu.memref_slice %arg6[%add3A_77, %dma_start3A_78] : memref<128x128xi32, #tpu.memory_space<vmem>> -> memref<1x128xi32, #tpu.memory_space<vmem>>
      %dma_start3A_80 = tpu.memref_squeeze %dma_start3A_79 : memref<1x128xi32, #tpu.memory_space<vmem>> -> memref<128xi32, #tpu.memory_space<vmem>>
      %dma_start3A_81 = arith.constant 0 : i32
      %dma_start3A_82 = arith.constant 0 : i32
      %dma_start3A_83 = tpu.memref_slice %arg2[%dma_start3A_81, %dma_start3A_82] : memref<10000x16xf32, #tpu.memory_space<hbm>> -> memref<10000x16xf32, #tpu.memory_space<hbm>>
      tpu.enqueue_indirect_dma source(%dma_start3A_83 : memref<10000x16xf32, #tpu.memory_space<hbm>>) target(%arg14 : memref<128x16xf32, #tpu.memory_space<vmem>>) offsets(%dma_start3A_80 : memref<128xi32, #tpu.memory_space<vmem>>) semaphore(%arg23 : memref<!tpu.dma_semaphore, #tpu.memory_space<semaphore_mem>>)
      %add3A_84 = arith.constant 7 : i32
      %add3A_85 = arith.addi %sub3A, %add3A_84 : i32
      %dma_start3A_86 = arith.constant 0 : i32
      %dma_start3A_87 = tpu.memref_slice %arg6[%add3A_85, %dma_start3A_86] : memref<128x128xi32, #tpu.memory_space<vmem>> -> memref<1x128xi32, #tpu.memory_space<vmem>>
      %dma_start3A_88 = tpu.memref_squeeze %dma_start3A_87 : memref<1x128xi32, #tpu.memory_space<vmem>> -> memref<128xi32, #tpu.memory_space<vmem>>
      %dma_start3A_89 = arith.constant 0 : i32
      %dma_start3A_90 = arith.constant 0 : i32
      %dma_start3A_91 = tpu.memref_slice %arg2[%dma_start3A_89, %dma_start3A_90] : memref<10000x16xf32, #tpu.memory_space<hbm>> -> memref<10000x16xf32, #tpu.memory_space<hbm>>
      tpu.enqueue_indirect_dma source(%dma_start3A_91 : memref<10000x16xf32, #tpu.memory_space<hbm>>) target(%arg15 : memref<128x16xf32, #tpu.memory_space<vmem>>) offsets(%dma_start3A_88 : memref<128xi32, #tpu.memory_space<vmem>>) semaphore(%arg24 : memref<!tpu.dma_semaphore, #tpu.memory_space<semaphore_mem>>)
      %scan3A_92 = arith.constant 0 : i32
      %scan3A_93 = arith.constant 4 : i32
      %scan3A_94 = arith.addi %scan3A_92, %scan3A_93 : i32
      %scan3A_95 = arith.constant 1 : i32
      scf.for %scan3A_97 = %scan3A_92 to %scan3A_94 step %scan3A_95  : i32 {
        %mul3A_98 = arith.constant 1 : i32
        %mul3A_99 = arith.muli %scan3A_97, %mul3A_98 : i32
        %add3A_100 = arith.constant 0 : i32
        %add3A_101 = arith.addi %add3A_100, %mul3A_99 : i32
        %mul3A_102 = arith.constant 8 : i32
        %mul3A_103 = arith.muli %add3A_101, %mul3A_102 : i32
        %add3A_104 = arith.addi %sub3A, %mul3A_103 : i32
        %add3A_105 = arith.constant 0 : i32
        %add3A_106 = arith.addi %add3A_104, %add3A_105 : i32
        %dma_wait3A = arith.constant 0 : i32
        %dma_wait3A_107 = tpu.memref_slice %arg6[%add3A_106, %dma_wait3A] : memref<128x128xi32, #tpu.memory_space<vmem>> -> memref<1x128xi32, #tpu.memory_space<vmem>>
        %dma_wait3A_108 = tpu.memref_squeeze %dma_wait3A_107 : memref<1x128xi32, #tpu.memory_space<vmem>> -> memref<128xi32, #tpu.memory_space<vmem>>
        %dma_wait3A_109 = arith.constant 0 : i32
        %dma_wait3A_110 = arith.constant 0 : i32
        %dma_wait3A_111 = tpu.memref_slice %arg2[%dma_wait3A_109, %dma_wait3A_110] : memref<10000x16xf32, #tpu.memory_space<hbm>> -> memref<10000x16xf32, #tpu.memory_space<hbm>>
        tpu.wait_indirect_dma semaphore(%arg17 : memref<!tpu.dma_semaphore, #tpu.memory_space<semaphore_mem>>) src(%dma_wait3A_111 : memref<10000x16xf32, #tpu.memory_space<hbm>>) dst(%arg8 : memref<128x16xf32, #tpu.memory_space<vmem>>)
        "tpu.region"() ({
          %run_scoped3A = tpu.sem_alloc : memref<!tpu.dma_semaphore, #tpu.memory_space<semaphore_mem>>
          %dma_start3A_231 = arith.constant 0 : i32
          %dma_start3A_232 = tpu.memref_slice %arg7[%add3A_106, %dma_start3A_231] : memref<128x128xi32, #tpu.memory_space<vmem>> -> memref<1x128xi32, #tpu.memory_space<vmem>>
          %dma_start3A_233 = tpu.memref_squeeze %dma_start3A_232 : memref<1x128xi32, #tpu.memory_space<vmem>> -> memref<128xi32, #tpu.memory_space<vmem>>
          %dma_start3A_234 = arith.constant 0 : i32
          %dma_start3A_235 = arith.constant 0 : i32
          %dma_start3A_236 = tpu.memref_slice %arg16[%dma_start3A_234, %dma_start3A_235] : memref<10240x16xf32, #tpu.memory_space<vmem_shared>> -> memref<10240x16xf32, #tpu.memory_space<vmem_shared>>
          tpu.enqueue_indirect_dma source(%arg8 : memref<128x16xf32, #tpu.memory_space<vmem>>) target(%dma_start3A_236 : memref<10240x16xf32, #tpu.memory_space<vmem_shared>>) offsets(%dma_start3A_233 : memref<128xi32, #tpu.memory_space<vmem>>) semaphore(%run_scoped3A : memref<!tpu.dma_semaphore, #tpu.memory_space<semaphore_mem>>) {add = true}
          %dma_wait3A_237 = arith.constant 0 : i32
          %dma_wait3A_238 = tpu.memref_slice %arg7[%add3A_106, %dma_wait3A_237] : memref<128x128xi32, #tpu.memory_space<vmem>> -> memref<1x128xi32, #tpu.memory_space<vmem>>
          %dma_wait3A_239 = tpu.memref_squeeze %dma_wait3A_238 : memref<1x128xi32, #tpu.memory_space<vmem>> -> memref<128xi32, #tpu.memory_space<vmem>>
          %dma_wait3A_240 = arith.constant 0 : i32
          %dma_wait3A_241 = arith.constant 0 : i32
          %dma_wait3A_242 = tpu.memref_slice %arg16[%dma_wait3A_240, %dma_wait3A_241] : memref<10240x16xf32, #tpu.memory_space<vmem_shared>> -> memref<10240x16xf32, #tpu.memory_space<vmem_shared>>
          tpu.wait_indirect_dma semaphore(%run_scoped3A : memref<!tpu.dma_semaphore, #tpu.memory_space<semaphore_mem>>) src(%arg8 : memref<128x16xf32, #tpu.memory_space<vmem>>) dst(%dma_wait3A_242 : memref<10240x16xf32, #tpu.memory_space<vmem_shared>>)
          tpu.yield
        }) : () -> ()
        %add3A_112 = arith.constant 8 : i32
        %add3A_113 = arith.addi %add3A_106, %add3A_112 : i32
        %add3A_114 = arith.constant 32 : i32
        %add3A_115 = arith.addi %sub3A, %add3A_114 : i32
        %lt3A = arith.cmpi slt, %add3A_113, %add3A_115 : i32
        %convert_element_type3A_116 = arith.extui %lt3A : i1 to i32
        %cond3A_117 = arith.constant 0 : i32
        %cond3A_118 = arith.cmpi ne, %convert_element_type3A_116, %cond3A_117 : i32
        scf.if %cond3A_118 {
          %add3A_231 = arith.constant 8 : i32
          %add3A_232 = arith.addi %add3A_106, %add3A_231 : i32
          %dma_start3A_233 = arith.constant 0 : i32
          %dma_start3A_234 = tpu.memref_slice %arg6[%add3A_232, %dma_start3A_233] : memref<128x128xi32, #tpu.memory_space<vmem>> -> memref<1x128xi32, #tpu.memory_space<vmem>>
          %dma_start3A_235 = tpu.memref_squeeze %dma_start3A_234 : memref<1x128xi32, #tpu.memory_space<vmem>> -> memref<128xi32, #tpu.memory_space<vmem>>
          %dma_start3A_236 = arith.constant 0 : i32
          %dma_start3A_237 = arith.constant 0 : i32
          %dma_start3A_238 = tpu.memref_slice %arg2[%dma_start3A_236, %dma_start3A_237] : memref<10000x16xf32, #tpu.memory_space<hbm>> -> memref<10000x16xf32, #tpu.memory_space<hbm>>
          tpu.enqueue_indirect_dma source(%dma_start3A_238 : memref<10000x16xf32, #tpu.memory_space<hbm>>) target(%arg8 : memref<128x16xf32, #tpu.memory_space<vmem>>) offsets(%dma_start3A_235 : memref<128xi32, #tpu.memory_space<vmem>>) semaphore(%arg17 : memref<!tpu.dma_semaphore, #tpu.memory_space<semaphore_mem>>)
        } else {
        }
        %add3A_119 = arith.constant 1 : i32
        %add3A_120 = arith.addi %add3A_104, %add3A_119 : i32
        %dma_wait3A_121 = arith.constant 0 : i32
        %dma_wait3A_122 = tpu.memref_slice %arg6[%add3A_120, %dma_wait3A_121] : memref<128x128xi32, #tpu.memory_space<vmem>> -> memref<1x128xi32, #tpu.memory_space<vmem>>
        %dma_wait3A_123 = tpu.memref_squeeze %dma_wait3A_122 : memref<1x128xi32, #tpu.memory_space<vmem>> -> memref<128xi32, #tpu.memory_space<vmem>>
        %dma_wait3A_124 = arith.constant 0 : i32
        %dma_wait3A_125 = arith.constant 0 : i32
        %dma_wait3A_126 = tpu.memref_slice %arg2[%dma_wait3A_124, %dma_wait3A_125] : memref<10000x16xf32, #tpu.memory_space<hbm>> -> memref<10000x16xf32, #tpu.memory_space<hbm>>
        tpu.wait_indirect_dma semaphore(%arg18 : memref<!tpu.dma_semaphore, #tpu.memory_space<semaphore_mem>>) src(%dma_wait3A_126 : memref<10000x16xf32, #tpu.memory_space<hbm>>) dst(%arg9 : memref<128x16xf32, #tpu.memory_space<vmem>>)
        "tpu.region"() ({
          %run_scoped3A = tpu.sem_alloc : memref<!tpu.dma_semaphore, #tpu.memory_space<semaphore_mem>>
          %dma_start3A_231 = arith.constant 0 : i32
          %dma_start3A_232 = tpu.memref_slice %arg7[%add3A_120, %dma_start3A_231] : memref<128x128xi32, #tpu.memory_space<vmem>> -> memref<1x128xi32, #tpu.memory_space<vmem>>
          %dma_start3A_233 = tpu.memref_squeeze %dma_start3A_232 : memref<1x128xi32, #tpu.memory_space<vmem>> -> memref<128xi32, #tpu.memory_space<vmem>>
          %dma_start3A_234 = arith.constant 0 : i32
          %dma_start3A_235 = arith.constant 0 : i32
          %dma_start3A_236 = tpu.memref_slice %arg16[%dma_start3A_234, %dma_start3A_235] : memref<10240x16xf32, #tpu.memory_space<vmem_shared>> -> memref<10240x16xf32, #tpu.memory_space<vmem_shared>>
          tpu.enqueue_indirect_dma source(%arg9 : memref<128x16xf32, #tpu.memory_space<vmem>>) target(%dma_start3A_236 : memref<10240x16xf32, #tpu.memory_space<vmem_shared>>) offsets(%dma_start3A_233 : memref<128xi32, #tpu.memory_space<vmem>>) semaphore(%run_scoped3A : memref<!tpu.dma_semaphore, #tpu.memory_space<semaphore_mem>>) {add = true}
          %dma_wait3A_237 = arith.constant 0 : i32
          %dma_wait3A_238 = tpu.memref_slice %arg7[%add3A_120, %dma_wait3A_237] : memref<128x128xi32, #tpu.memory_space<vmem>> -> memref<1x128xi32, #tpu.memory_space<vmem>>
          %dma_wait3A_239 = tpu.memref_squeeze %dma_wait3A_238 : memref<1x128xi32, #tpu.memory_space<vmem>> -> memref<128xi32, #tpu.memory_space<vmem>>
          %dma_wait3A_240 = arith.constant 0 : i32
          %dma_wait3A_241 = arith.constant 0 : i32
          %dma_wait3A_242 = tpu.memref_slice %arg16[%dma_wait3A_240, %dma_wait3A_241] : memref<10240x16xf32, #tpu.memory_space<vmem_shared>> -> memref<10240x16xf32, #tpu.memory_space<vmem_shared>>
          tpu.wait_indirect_dma semaphore(%run_scoped3A : memref<!tpu.dma_semaphore, #tpu.memory_space<semaphore_mem>>) src(%arg9 : memref<128x16xf32, #tpu.memory_space<vmem>>) dst(%dma_wait3A_242 : memref<10240x16xf32, #tpu.memory_space<vmem_shared>>)
          tpu.yield
        }) : () -> ()
        %add3A_127 = arith.constant 8 : i32
        %add3A_128 = arith.addi %add3A_120, %add3A_127 : i32
        %add3A_129 = arith.constant 32 : i32
        %add3A_130 = arith.addi %sub3A, %add3A_129 : i32
        %lt3A_131 = arith.cmpi slt, %add3A_128, %add3A_130 : i32
        %convert_element_type3A_132 = arith.extui %lt3A_131 : i1 to i32
        %cond3A_133 = arith.constant 0 : i32
        %cond3A_134 = arith.cmpi ne, %convert_element_type3A_132, %cond3A_133 : i32
        scf.if %cond3A_134 {
          %add3A_231 = arith.constant 8 : i32
          %add3A_232 = arith.addi %add3A_120, %add3A_231 : i32
          %dma_start3A_233 = arith.constant 0 : i32
          %dma_start3A_234 = tpu.memref_slice %arg6[%add3A_232, %dma_start3A_233] : memref<128x128xi32, #tpu.memory_space<vmem>> -> memref<1x128xi32, #tpu.memory_space<vmem>>
          %dma_start3A_235 = tpu.memref_squeeze %dma_start3A_234 : memref<1x128xi32, #tpu.memory_space<vmem>> -> memref<128xi32, #tpu.memory_space<vmem>>
          %dma_start3A_236 = arith.constant 0 : i32
          %dma_start3A_237 = arith.constant 0 : i32
          %dma_start3A_238 = tpu.memref_slice %arg2[%dma_start3A_236, %dma_start3A_237] : memref<10000x16xf32, #tpu.memory_space<hbm>> -> memref<10000x16xf32, #tpu.memory_space<hbm>>
          tpu.enqueue_indirect_dma source(%dma_start3A_238 : memref<10000x16xf32, #tpu.memory_space<hbm>>) target(%arg9 : memref<128x16xf32, #tpu.memory_space<vmem>>) offsets(%dma_start3A_235 : memref<128xi32, #tpu.memory_space<vmem>>) semaphore(%arg18 : memref<!tpu.dma_semaphore, #tpu.memory_space<semaphore_mem>>)
        } else {
        }
        %add3A_135 = arith.constant 2 : i32
        %add3A_136 = arith.addi %add3A_104, %add3A_135 : i32
        %dma_wait3A_137 = arith.constant 0 : i32
        %dma_wait3A_138 = tpu.memref_slice %arg6[%add3A_136, %dma_wait3A_137] : memref<128x128xi32, #tpu.memory_space<vmem>> -> memref<1x128xi32, #tpu.memory_space<vmem>>
        %dma_wait3A_139 = tpu.memref_squeeze %dma_wait3A_138 : memref<1x128xi32, #tpu.memory_space<vmem>> -> memref<128xi32, #tpu.memory_space<vmem>>
        %dma_wait3A_140 = arith.constant 0 : i32
        %dma_wait3A_141 = arith.constant 0 : i32
        %dma_wait3A_142 = tpu.memref_slice %arg2[%dma_wait3A_140, %dma_wait3A_141] : memref<10000x16xf32, #tpu.memory_space<hbm>> -> memref<10000x16xf32, #tpu.memory_space<hbm>>
        tpu.wait_indirect_dma semaphore(%arg19 : memref<!tpu.dma_semaphore, #tpu.memory_space<semaphore_mem>>) src(%dma_wait3A_142 : memref<10000x16xf32, #tpu.memory_space<hbm>>) dst(%arg10 : memref<128x16xf32, #tpu.memory_space<vmem>>)
        "tpu.region"() ({
          %run_scoped3A = tpu.sem_alloc : memref<!tpu.dma_semaphore, #tpu.memory_space<semaphore_mem>>
          %dma_start3A_231 = arith.constant 0 : i32
          %dma_start3A_232 = tpu.memref_slice %arg7[%add3A_136, %dma_start3A_231] : memref<128x128xi32, #tpu.memory_space<vmem>> -> memref<1x128xi32, #tpu.memory_space<vmem>>
          %dma_start3A_233 = tpu.memref_squeeze %dma_start3A_232 : memref<1x128xi32, #tpu.memory_space<vmem>> -> memref<128xi32, #tpu.memory_space<vmem>>
          %dma_start3A_234 = arith.constant 0 : i32
          %dma_start3A_235 = arith.constant 0 : i32
          %dma_start3A_236 = tpu.memref_slice %arg16[%dma_start3A_234, %dma_start3A_235] : memref<10240x16xf32, #tpu.memory_space<vmem_shared>> -> memref<10240x16xf32, #tpu.memory_space<vmem_shared>>
          tpu.enqueue_indirect_dma source(%arg10 : memref<128x16xf32, #tpu.memory_space<vmem>>) target(%dma_start3A_236 : memref<10240x16xf32, #tpu.memory_space<vmem_shared>>) offsets(%dma_start3A_233 : memref<128xi32, #tpu.memory_space<vmem>>) semaphore(%run_scoped3A : memref<!tpu.dma_semaphore, #tpu.memory_space<semaphore_mem>>) {add = true}
          %dma_wait3A_237 = arith.constant 0 : i32
          %dma_wait3A_238 = tpu.memref_slice %arg7[%add3A_136, %dma_wait3A_237] : memref<128x128xi32, #tpu.memory_space<vmem>> -> memref<1x128xi32, #tpu.memory_space<vmem>>
          %dma_wait3A_239 = tpu.memref_squeeze %dma_wait3A_238 : memref<1x128xi32, #tpu.memory_space<vmem>> -> memref<128xi32, #tpu.memory_space<vmem>>
          %dma_wait3A_240 = arith.constant 0 : i32
          %dma_wait3A_241 = arith.constant 0 : i32
          %dma_wait3A_242 = tpu.memref_slice %arg16[%dma_wait3A_240, %dma_wait3A_241] : memref<10240x16xf32, #tpu.memory_space<vmem_shared>> -> memref<10240x16xf32, #tpu.memory_space<vmem_shared>>
          tpu.wait_indirect_dma semaphore(%run_scoped3A : memref<!tpu.dma_semaphore, #tpu.memory_space<semaphore_mem>>) src(%arg10 : memref<128x16xf32, #tpu.memory_space<vmem>>) dst(%dma_wait3A_242 : memref<10240x16xf32, #tpu.memory_space<vmem_shared>>)
          tpu.yield
        }) : () -> ()
        %add3A_143 = arith.constant 8 : i32
        %add3A_144 = arith.addi %add3A_136, %add3A_143 : i32
        %add3A_145 = arith.constant 32 : i32
        %add3A_146 = arith.addi %sub3A, %add3A_145 : i32
        %lt3A_147 = arith.cmpi slt, %add3A_144, %add3A_146 : i32
        %convert_element_type3A_148 = arith.extui %lt3A_147 : i1 to i32
        %cond3A_149 = arith.constant 0 : i32
        %cond3A_150 = arith.cmpi ne, %convert_element_type3A_148, %cond3A_149 : i32
        scf.if %cond3A_150 {
          %add3A_231 = arith.constant 8 : i32
          %add3A_232 = arith.addi %add3A_136, %add3A_231 : i32
          %dma_start3A_233 = arith.constant 0 : i32
          %dma_start3A_234 = tpu.memref_slice %arg6[%add3A_232, %dma_start3A_233] : memref<128x128xi32, #tpu.memory_space<vmem>> -> memref<1x128xi32, #tpu.memory_space<vmem>>
          %dma_start3A_235 = tpu.memref_squeeze %dma_start3A_234 : memref<1x128xi32, #tpu.memory_space<vmem>> -> memref<128xi32, #tpu.memory_space<vmem>>
          %dma_start3A_236 = arith.constant 0 : i32
          %dma_start3A_237 = arith.constant 0 : i32
          %dma_start3A_238 = tpu.memref_slice %arg2[%dma_start3A_236, %dma_start3A_237] : memref<10000x16xf32, #tpu.memory_space<hbm>> -> memref<10000x16xf32, #tpu.memory_space<hbm>>
          tpu.enqueue_indirect_dma source(%dma_start3A_238 : memref<10000x16xf32, #tpu.memory_space<hbm>>) target(%arg10 : memref<128x16xf32, #tpu.memory_space<vmem>>) offsets(%dma_start3A_235 : memref<128xi32, #tpu.memory_space<vmem>>) semaphore(%arg19 : memref<!tpu.dma_semaphore, #tpu.memory_space<semaphore_mem>>)
        } else {
        }
        %add3A_151 = arith.constant 3 : i32
        %add3A_152 = arith.addi %add3A_104, %add3A_151 : i32
        %dma_wait3A_153 = arith.constant 0 : i32
        %dma_wait3A_154 = tpu.memref_slice %arg6[%add3A_152, %dma_wait3A_153] : memref<128x128xi32, #tpu.memory_space<vmem>> -> memref<1x128xi32, #tpu.memory_space<vmem>>
        %dma_wait3A_155 = tpu.memref_squeeze %dma_wait3A_154 : memref<1x128xi32, #tpu.memory_space<vmem>> -> memref<128xi32, #tpu.memory_space<vmem>>
        %dma_wait3A_156 = arith.constant 0 : i32
        %dma_wait3A_157 = arith.constant 0 : i32
        %dma_wait3A_158 = tpu.memref_slice %arg2[%dma_wait3A_156, %dma_wait3A_157] : memref<10000x16xf32, #tpu.memory_space<hbm>> -> memref<10000x16xf32, #tpu.memory_space<hbm>>
        tpu.wait_indirect_dma semaphore(%arg20 : memref<!tpu.dma_semaphore, #tpu.memory_space<semaphore_mem>>) src(%dma_wait3A_158 : memref<10000x16xf32, #tpu.memory_space<hbm>>) dst(%arg11 : memref<128x16xf32, #tpu.memory_space<vmem>>)
        "tpu.region"() ({
          %run_scoped3A = tpu.sem_alloc : memref<!tpu.dma_semaphore, #tpu.memory_space<semaphore_mem>>
          %dma_start3A_231 = arith.constant 0 : i32
          %dma_start3A_232 = tpu.memref_slice %arg7[%add3A_152, %dma_start3A_231] : memref<128x128xi32, #tpu.memory_space<vmem>> -> memref<1x128xi32, #tpu.memory_space<vmem>>
          %dma_start3A_233 = tpu.memref_squeeze %dma_start3A_232 : memref<1x128xi32, #tpu.memory_space<vmem>> -> memref<128xi32, #tpu.memory_space<vmem>>
          %dma_start3A_234 = arith.constant 0 : i32
          %dma_start3A_235 = arith.constant 0 : i32
          %dma_start3A_236 = tpu.memref_slice %arg16[%dma_start3A_234, %dma_start3A_235] : memref<10240x16xf32, #tpu.memory_space<vmem_shared>> -> memref<10240x16xf32, #tpu.memory_space<vmem_shared>>
          tpu.enqueue_indirect_dma source(%arg11 : memref<128x16xf32, #tpu.memory_space<vmem>>) target(%dma_start3A_236 : memref<10240x16xf32, #tpu.memory_space<vmem_shared>>) offsets(%dma_start3A_233 : memref<128xi32, #tpu.memory_space<vmem>>) semaphore(%run_scoped3A : memref<!tpu.dma_semaphore, #tpu.memory_space<semaphore_mem>>) {add = true}
          %dma_wait3A_237 = arith.constant 0 : i32
          %dma_wait3A_238 = tpu.memref_slice %arg7[%add3A_152, %dma_wait3A_237] : memref<128x128xi32, #tpu.memory_space<vmem>> -> memref<1x128xi32, #tpu.memory_space<vmem>>
          %dma_wait3A_239 = tpu.memref_squeeze %dma_wait3A_238 : memref<1x128xi32, #tpu.memory_space<vmem>> -> memref<128xi32, #tpu.memory_space<vmem>>
          %dma_wait3A_240 = arith.constant 0 : i32
          %dma_wait3A_241 = arith.constant 0 : i32
          %dma_wait3A_242 = tpu.memref_slice %arg16[%dma_wait3A_240, %dma_wait3A_241] : memref<10240x16xf32, #tpu.memory_space<vmem_shared>> -> memref<10240x16xf32, #tpu.memory_space<vmem_shared>>
          tpu.wait_indirect_dma semaphore(%run_scoped3A : memref<!tpu.dma_semaphore, #tpu.memory_space<semaphore_mem>>) src(%arg11 : memref<128x16xf32, #tpu.memory_space<vmem>>) dst(%dma_wait3A_242 : memref<10240x16xf32, #tpu.memory_space<vmem_shared>>)
          tpu.yield
        }) : () -> ()
        %add3A_159 = arith.constant 8 : i32
        %add3A_160 = arith.addi %add3A_152, %add3A_159 : i32
        %add3A_161 = arith.constant 32 : i32
        %add3A_162 = arith.addi %sub3A, %add3A_161 : i32
        %lt3A_163 = arith.cmpi slt, %add3A_160, %add3A_162 : i32
        %convert_element_type3A_164 = arith.extui %lt3A_163 : i1 to i32
        %cond3A_165 = arith.constant 0 : i32
        %cond3A_166 = arith.cmpi ne, %convert_element_type3A_164, %cond3A_165 : i32
        scf.if %cond3A_166 {
          %add3A_231 = arith.constant 8 : i32
          %add3A_232 = arith.addi %add3A_152, %add3A_231 : i32
          %dma_start3A_233 = arith.constant 0 : i32
          %dma_start3A_234 = tpu.memref_slice %arg6[%add3A_232, %dma_start3A_233] : memref<128x128xi32, #tpu.memory_space<vmem>> -> memref<1x128xi32, #tpu.memory_space<vmem>>
          %dma_start3A_235 = tpu.memref_squeeze %dma_start3A_234 : memref<1x128xi32, #tpu.memory_space<vmem>> -> memref<128xi32, #tpu.memory_space<vmem>>
          %dma_start3A_236 = arith.constant 0 : i32
          %dma_start3A_237 = arith.constant 0 : i32
          %dma_start3A_238 = tpu.memref_slice %arg2[%dma_start3A_236, %dma_start3A_237] : memref<10000x16xf32, #tpu.memory_space<hbm>> -> memref<10000x16xf32, #tpu.memory_space<hbm>>
          tpu.enqueue_indirect_dma source(%dma_start3A_238 : memref<10000x16xf32, #tpu.memory_space<hbm>>) target(%arg11 : memref<128x16xf32, #tpu.memory_space<vmem>>) offsets(%dma_start3A_235 : memref<128xi32, #tpu.memory_space<vmem>>) semaphore(%arg20 : memref<!tpu.dma_semaphore, #tpu.memory_space<semaphore_mem>>)
        } else {
        }
        %add3A_167 = arith.constant 4 : i32
        %add3A_168 = arith.addi %add3A_104, %add3A_167 : i32
        %dma_wait3A_169 = arith.constant 0 : i32
        %dma_wait3A_170 = tpu.memref_slice %arg6[%add3A_168, %dma_wait3A_169] : memref<128x128xi32, #tpu.memory_space<vmem>> -> memref<1x128xi32, #tpu.memory_space<vmem>>
        %dma_wait3A_171 = tpu.memref_squeeze %dma_wait3A_170 : memref<1x128xi32, #tpu.memory_space<vmem>> -> memref<128xi32, #tpu.memory_space<vmem>>
        %dma_wait3A_172 = arith.constant 0 : i32
        %dma_wait3A_173 = arith.constant 0 : i32
        %dma_wait3A_174 = tpu.memref_slice %arg2[%dma_wait3A_172, %dma_wait3A_173] : memref<10000x16xf32, #tpu.memory_space<hbm>> -> memref<10000x16xf32, #tpu.memory_space<hbm>>
        tpu.wait_indirect_dma semaphore(%arg21 : memref<!tpu.dma_semaphore, #tpu.memory_space<semaphore_mem>>) src(%dma_wait3A_174 : memref<10000x16xf32, #tpu.memory_space<hbm>>) dst(%arg12 : memref<128x16xf32, #tpu.memory_space<vmem>>)
        "tpu.region"() ({
          %run_scoped3A = tpu.sem_alloc : memref<!tpu.dma_semaphore, #tpu.memory_space<semaphore_mem>>
          %dma_start3A_231 = arith.constant 0 : i32
          %dma_start3A_232 = tpu.memref_slice %arg7[%add3A_168, %dma_start3A_231] : memref<128x128xi32, #tpu.memory_space<vmem>> -> memref<1x128xi32, #tpu.memory_space<vmem>>
          %dma_start3A_233 = tpu.memref_squeeze %dma_start3A_232 : memref<1x128xi32, #tpu.memory_space<vmem>> -> memref<128xi32, #tpu.memory_space<vmem>>
          %dma_start3A_234 = arith.constant 0 : i32
          %dma_start3A_235 = arith.constant 0 : i32
          %dma_start3A_236 = tpu.memref_slice %arg16[%dma_start3A_234, %dma_start3A_235] : memref<10240x16xf32, #tpu.memory_space<vmem_shared>> -> memref<10240x16xf32, #tpu.memory_space<vmem_shared>>
          tpu.enqueue_indirect_dma source(%arg12 : memref<128x16xf32, #tpu.memory_space<vmem>>) target(%dma_start3A_236 : memref<10240x16xf32, #tpu.memory_space<vmem_shared>>) offsets(%dma_start3A_233 : memref<128xi32, #tpu.memory_space<vmem>>) semaphore(%run_scoped3A : memref<!tpu.dma_semaphore, #tpu.memory_space<semaphore_mem>>) {add = true}
          %dma_wait3A_237 = arith.constant 0 : i32
          %dma_wait3A_238 = tpu.memref_slice %arg7[%add3A_168, %dma_wait3A_237] : memref<128x128xi32, #tpu.memory_space<vmem>> -> memref<1x128xi32, #tpu.memory_space<vmem>>
          %dma_wait3A_239 = tpu.memref_squeeze %dma_wait3A_238 : memref<1x128xi32, #tpu.memory_space<vmem>> -> memref<128xi32, #tpu.memory_space<vmem>>
          %dma_wait3A_240 = arith.constant 0 : i32
          %dma_wait3A_241 = arith.constant 0 : i32
          %dma_wait3A_242 = tpu.memref_slice %arg16[%dma_wait3A_240, %dma_wait3A_241] : memref<10240x16xf32, #tpu.memory_space<vmem_shared>> -> memref<10240x16xf32, #tpu.memory_space<vmem_shared>>
          tpu.wait_indirect_dma semaphore(%run_scoped3A : memref<!tpu.dma_semaphore, #tpu.memory_space<semaphore_mem>>) src(%arg12 : memref<128x16xf32, #tpu.memory_space<vmem>>) dst(%dma_wait3A_242 : memref<10240x16xf32, #tpu.memory_space<vmem_shared>>)
          tpu.yield
        }) : () -> ()
        %add3A_175 = arith.constant 8 : i32
        %add3A_176 = arith.addi %add3A_168, %add3A_175 : i32
        %add3A_177 = arith.constant 32 : i32
        %add3A_178 = arith.addi %sub3A, %add3A_177 : i32
        %lt3A_179 = arith.cmpi slt, %add3A_176, %add3A_178 : i32
        %convert_element_type3A_180 = arith.extui %lt3A_179 : i1 to i32
        %cond3A_181 = arith.constant 0 : i32
        %cond3A_182 = arith.cmpi ne, %convert_element_type3A_180, %cond3A_181 : i32
        scf.if %cond3A_182 {
          %add3A_231 = arith.constant 8 : i32
          %add3A_232 = arith.addi %add3A_168, %add3A_231 : i32
          %dma_start3A_233 = arith.constant 0 : i32
          %dma_start3A_234 = tpu.memref_slice %arg6[%add3A_232, %dma_start3A_233] : memref<128x128xi32, #tpu.memory_space<vmem>> -> memref<1x128xi32, #tpu.memory_space<vmem>>
          %dma_start3A_235 = tpu.memref_squeeze %dma_start3A_234 : memref<1x128xi32, #tpu.memory_space<vmem>> -> memref<128xi32, #tpu.memory_space<vmem>>
          %dma_start3A_236 = arith.constant 0 : i32
          %dma_start3A_237 = arith.constant 0 : i32
          %dma_start3A_238 = tpu.memref_slice %arg2[%dma_start3A_236, %dma_start3A_237] : memref<10000x16xf32, #tpu.memory_space<hbm>> -> memref<10000x16xf32, #tpu.memory_space<hbm>>
          tpu.enqueue_indirect_dma source(%dma_start3A_238 : memref<10000x16xf32, #tpu.memory_space<hbm>>) target(%arg12 : memref<128x16xf32, #tpu.memory_space<vmem>>) offsets(%dma_start3A_235 : memref<128xi32, #tpu.memory_space<vmem>>) semaphore(%arg21 : memref<!tpu.dma_semaphore, #tpu.memory_space<semaphore_mem>>)
        } else {
        }
        %add3A_183 = arith.constant 5 : i32
        %add3A_184 = arith.addi %add3A_104, %add3A_183 : i32
        %dma_wait3A_185 = arith.constant 0 : i32
        %dma_wait3A_186 = tpu.memref_slice %arg6[%add3A_184, %dma_wait3A_185] : memref<128x128xi32, #tpu.memory_space<vmem>> -> memref<1x128xi32, #tpu.memory_space<vmem>>
        %dma_wait3A_187 = tpu.memref_squeeze %dma_wait3A_186 : memref<1x128xi32, #tpu.memory_space<vmem>> -> memref<128xi32, #tpu.memory_space<vmem>>
        %dma_wait3A_188 = arith.constant 0 : i32
        %dma_wait3A_189 = arith.constant 0 : i32
        %dma_wait3A_190 = tpu.memref_slice %arg2[%dma_wait3A_188, %dma_wait3A_189] : memref<10000x16xf32, #tpu.memory_space<hbm>> -> memref<10000x16xf32, #tpu.memory_space<hbm>>
        tpu.wait_indirect_dma semaphore(%arg22 : memref<!tpu.dma_semaphore, #tpu.memory_space<semaphore_mem>>) src(%dma_wait3A_190 : memref<10000x16xf32, #tpu.memory_space<hbm>>) dst(%arg13 : memref<128x16xf32, #tpu.memory_space<vmem>>)
        "tpu.region"() ({
          %run_scoped3A = tpu.sem_alloc : memref<!tpu.dma_semaphore, #tpu.memory_space<semaphore_mem>>
          %dma_start3A_231 = arith.constant 0 : i32
          %dma_start3A_232 = tpu.memref_slice %arg7[%add3A_184, %dma_start3A_231] : memref<128x128xi32, #tpu.memory_space<vmem>> -> memref<1x128xi32, #tpu.memory_space<vmem>>
          %dma_start3A_233 = tpu.memref_squeeze %dma_start3A_232 : memref<1x128xi32, #tpu.memory_space<vmem>> -> memref<128xi32, #tpu.memory_space<vmem>>
          %dma_start3A_234 = arith.constant 0 : i32
          %dma_start3A_235 = arith.constant 0 : i32
          %dma_start3A_236 = tpu.memref_slice %arg16[%dma_start3A_234, %dma_start3A_235] : memref<10240x16xf32, #tpu.memory_space<vmem_shared>> -> memref<10240x16xf32, #tpu.memory_space<vmem_shared>>
          tpu.enqueue_indirect_dma source(%arg13 : memref<128x16xf32, #tpu.memory_space<vmem>>) target(%dma_start3A_236 : memref<10240x16xf32, #tpu.memory_space<vmem_shared>>) offsets(%dma_start3A_233 : memref<128xi32, #tpu.memory_space<vmem>>) semaphore(%run_scoped3A : memref<!tpu.dma_semaphore, #tpu.memory_space<semaphore_mem>>) {add = true}
          %dma_wait3A_237 = arith.constant 0 : i32
          %dma_wait3A_238 = tpu.memref_slice %arg7[%add3A_184, %dma_wait3A_237] : memref<128x128xi32, #tpu.memory_space<vmem>> -> memref<1x128xi32, #tpu.memory_space<vmem>>
          %dma_wait3A_239 = tpu.memref_squeeze %dma_wait3A_238 : memref<1x128xi32, #tpu.memory_space<vmem>> -> memref<128xi32, #tpu.memory_space<vmem>>
          %dma_wait3A_240 = arith.constant 0 : i32
          %dma_wait3A_241 = arith.constant 0 : i32
          %dma_wait3A_242 = tpu.memref_slice %arg16[%dma_wait3A_240, %dma_wait3A_241] : memref<10240x16xf32, #tpu.memory_space<vmem_shared>> -> memref<10240x16xf32, #tpu.memory_space<vmem_shared>>
          tpu.wait_indirect_dma semaphore(%run_scoped3A : memref<!tpu.dma_semaphore, #tpu.memory_space<semaphore_mem>>) src(%arg13 : memref<128x16xf32, #tpu.memory_space<vmem>>) dst(%dma_wait3A_242 : memref<10240x16xf32, #tpu.memory_space<vmem_shared>>)
          tpu.yield
        }) : () -> ()
        %add3A_191 = arith.constant 8 : i32
        %add3A_192 = arith.addi %add3A_184, %add3A_191 : i32
        %add3A_193 = arith.constant 32 : i32
        %add3A_194 = arith.addi %sub3A, %add3A_193 : i32
        %lt3A_195 = arith.cmpi slt, %add3A_192, %add3A_194 : i32
        %convert_element_type3A_196 = arith.extui %lt3A_195 : i1 to i32
        %cond3A_197 = arith.constant 0 : i32
        %cond3A_198 = arith.cmpi ne, %convert_element_type3A_196, %cond3A_197 : i32
        scf.if %cond3A_198 {
          %add3A_231 = arith.constant 8 : i32
          %add3A_232 = arith.addi %add3A_184, %add3A_231 : i32
          %dma_start3A_233 = arith.constant 0 : i32
          %dma_start3A_234 = tpu.memref_slice %arg6[%add3A_232, %dma_start3A_233] : memref<128x128xi32, #tpu.memory_space<vmem>> -> memref<1x128xi32, #tpu.memory_space<vmem>>
          %dma_start3A_235 = tpu.memref_squeeze %dma_start3A_234 : memref<1x128xi32, #tpu.memory_space<vmem>> -> memref<128xi32, #tpu.memory_space<vmem>>
          %dma_start3A_236 = arith.constant 0 : i32
          %dma_start3A_237 = arith.constant 0 : i32
          %dma_start3A_238 = tpu.memref_slice %arg2[%dma_start3A_236, %dma_start3A_237] : memref<10000x16xf32, #tpu.memory_space<hbm>> -> memref<10000x16xf32, #tpu.memory_space<hbm>>
          tpu.enqueue_indirect_dma source(%dma_start3A_238 : memref<10000x16xf32, #tpu.memory_space<hbm>>) target(%arg13 : memref<128x16xf32, #tpu.memory_space<vmem>>) offsets(%dma_start3A_235 : memref<128xi32, #tpu.memory_space<vmem>>) semaphore(%arg22 : memref<!tpu.dma_semaphore, #tpu.memory_space<semaphore_mem>>)
        } else {
        }
        %add3A_199 = arith.constant 6 : i32
        %add3A_200 = arith.addi %add3A_104, %add3A_199 : i32
        %dma_wait3A_201 = arith.constant 0 : i32
        %dma_wait3A_202 = tpu.memref_slice %arg6[%add3A_200, %dma_wait3A_201] : memref<128x128xi32, #tpu.memory_space<vmem>> -> memref<1x128xi32, #tpu.memory_space<vmem>>
        %dma_wait3A_203 = tpu.memref_squeeze %dma_wait3A_202 : memref<1x128xi32, #tpu.memory_space<vmem>> -> memref<128xi32, #tpu.memory_space<vmem>>
        %dma_wait3A_204 = arith.constant 0 : i32
        %dma_wait3A_205 = arith.constant 0 : i32
        %dma_wait3A_206 = tpu.memref_slice %arg2[%dma_wait3A_204, %dma_wait3A_205] : memref<10000x16xf32, #tpu.memory_space<hbm>> -> memref<10000x16xf32, #tpu.memory_space<hbm>>
        tpu.wait_indirect_dma semaphore(%arg23 : memref<!tpu.dma_semaphore, #tpu.memory_space<semaphore_mem>>) src(%dma_wait3A_206 : memref<10000x16xf32, #tpu.memory_space<hbm>>) dst(%arg14 : memref<128x16xf32, #tpu.memory_space<vmem>>)
        "tpu.region"() ({
          %run_scoped3A = tpu.sem_alloc : memref<!tpu.dma_semaphore, #tpu.memory_space<semaphore_mem>>
          %dma_start3A_231 = arith.constant 0 : i32
          %dma_start3A_232 = tpu.memref_slice %arg7[%add3A_200, %dma_start3A_231] : memref<128x128xi32, #tpu.memory_space<vmem>> -> memref<1x128xi32, #tpu.memory_space<vmem>>
          %dma_start3A_233 = tpu.memref_squeeze %dma_start3A_232 : memref<1x128xi32, #tpu.memory_space<vmem>> -> memref<128xi32, #tpu.memory_space<vmem>>
          %dma_start3A_234 = arith.constant 0 : i32
          %dma_start3A_235 = arith.constant 0 : i32
          %dma_start3A_236 = tpu.memref_slice %arg16[%dma_start3A_234, %dma_start3A_235] : memref<10240x16xf32, #tpu.memory_space<vmem_shared>> -> memref<10240x16xf32, #tpu.memory_space<vmem_shared>>
          tpu.enqueue_indirect_dma source(%arg14 : memref<128x16xf32, #tpu.memory_space<vmem>>) target(%dma_start3A_236 : memref<10240x16xf32, #tpu.memory_space<vmem_shared>>) offsets(%dma_start3A_233 : memref<128xi32, #tpu.memory_space<vmem>>) semaphore(%run_scoped3A : memref<!tpu.dma_semaphore, #tpu.memory_space<semaphore_mem>>) {add = true}
          %dma_wait3A_237 = arith.constant 0 : i32
          %dma_wait3A_238 = tpu.memref_slice %arg7[%add3A_200, %dma_wait3A_237] : memref<128x128xi32, #tpu.memory_space<vmem>> -> memref<1x128xi32, #tpu.memory_space<vmem>>
          %dma_wait3A_239 = tpu.memref_squeeze %dma_wait3A_238 : memref<1x128xi32, #tpu.memory_space<vmem>> -> memref<128xi32, #tpu.memory_space<vmem>>
          %dma_wait3A_240 = arith.constant 0 : i32
          %dma_wait3A_241 = arith.constant 0 : i32
          %dma_wait3A_242 = tpu.memref_slice %arg16[%dma_wait3A_240, %dma_wait3A_241] : memref<10240x16xf32, #tpu.memory_space<vmem_shared>> -> memref<10240x16xf32, #tpu.memory_space<vmem_shared>>
          tpu.wait_indirect_dma semaphore(%run_scoped3A : memref<!tpu.dma_semaphore, #tpu.memory_space<semaphore_mem>>) src(%arg14 : memref<128x16xf32, #tpu.memory_space<vmem>>) dst(%dma_wait3A_242 : memref<10240x16xf32, #tpu.memory_space<vmem_shared>>)
          tpu.yield
        }) : () -> ()
        %add3A_207 = arith.constant 8 : i32
        %add3A_208 = arith.addi %add3A_200, %add3A_207 : i32
        %add3A_209 = arith.constant 32 : i32
        %add3A_210 = arith.addi %sub3A, %add3A_209 : i32
        %lt3A_211 = arith.cmpi slt, %add3A_208, %add3A_210 : i32
        %convert_element_type3A_212 = arith.extui %lt3A_211 : i1 to i32
        %cond3A_213 = arith.constant 0 : i32
        %cond3A_214 = arith.cmpi ne, %convert_element_type3A_212, %cond3A_213 : i32
        scf.if %cond3A_214 {
          %add3A_231 = arith.constant 8 : i32
          %add3A_232 = arith.addi %add3A_200, %add3A_231 : i32
          %dma_start3A_233 = arith.constant 0 : i32
          %dma_start3A_234 = tpu.memref_slice %arg6[%add3A_232, %dma_start3A_233] : memref<128x128xi32, #tpu.memory_space<vmem>> -> memref<1x128xi32, #tpu.memory_space<vmem>>
          %dma_start3A_235 = tpu.memref_squeeze %dma_start3A_234 : memref<1x128xi32, #tpu.memory_space<vmem>> -> memref<128xi32, #tpu.memory_space<vmem>>
          %dma_start3A_236 = arith.constant 0 : i32
          %dma_start3A_237 = arith.constant 0 : i32
          %dma_start3A_238 = tpu.memref_slice %arg2[%dma_start3A_236, %dma_start3A_237] : memref<10000x16xf32, #tpu.memory_space<hbm>> -> memref<10000x16xf32, #tpu.memory_space<hbm>>
          tpu.enqueue_indirect_dma source(%dma_start3A_238 : memref<10000x16xf32, #tpu.memory_space<hbm>>) target(%arg14 : memref<128x16xf32, #tpu.memory_space<vmem>>) offsets(%dma_start3A_235 : memref<128xi32, #tpu.memory_space<vmem>>) semaphore(%arg23 : memref<!tpu.dma_semaphore, #tpu.memory_space<semaphore_mem>>)
        } else {
        }
        %add3A_215 = arith.constant 7 : i32
        %add3A_216 = arith.addi %add3A_104, %add3A_215 : i32
        %dma_wait3A_217 = arith.constant 0 : i32
        %dma_wait3A_218 = tpu.memref_slice %arg6[%add3A_216, %dma_wait3A_217] : memref<128x128xi32, #tpu.memory_space<vmem>> -> memref<1x128xi32, #tpu.memory_space<vmem>>
        %dma_wait3A_219 = tpu.memref_squeeze %dma_wait3A_218 : memref<1x128xi32, #tpu.memory_space<vmem>> -> memref<128xi32, #tpu.memory_space<vmem>>
        %dma_wait3A_220 = arith.constant 0 : i32
        %dma_wait3A_221 = arith.constant 0 : i32
        %dma_wait3A_222 = tpu.memref_slice %arg2[%dma_wait3A_220, %dma_wait3A_221] : memref<10000x16xf32, #tpu.memory_space<hbm>> -> memref<10000x16xf32, #tpu.memory_space<hbm>>
        tpu.wait_indirect_dma semaphore(%arg24 : memref<!tpu.dma_semaphore, #tpu.memory_space<semaphore_mem>>) src(%dma_wait3A_222 : memref<10000x16xf32, #tpu.memory_space<hbm>>) dst(%arg15 : memref<128x16xf32, #tpu.memory_space<vmem>>)
        "tpu.region"() ({
          %run_scoped3A = tpu.sem_alloc : memref<!tpu.dma_semaphore, #tpu.memory_space<semaphore_mem>>
          %dma_start3A_231 = arith.constant 0 : i32
          %dma_start3A_232 = tpu.memref_slice %arg7[%add3A_216, %dma_start3A_231] : memref<128x128xi32, #tpu.memory_space<vmem>> -> memref<1x128xi32, #tpu.memory_space<vmem>>
          %dma_start3A_233 = tpu.memref_squeeze %dma_start3A_232 : memref<1x128xi32, #tpu.memory_space<vmem>> -> memref<128xi32, #tpu.memory_space<vmem>>
          %dma_start3A_234 = arith.constant 0 : i32
          %dma_start3A_235 = arith.constant 0 : i32
          %dma_start3A_236 = tpu.memref_slice %arg16[%dma_start3A_234, %dma_start3A_235] : memref<10240x16xf32, #tpu.memory_space<vmem_shared>> -> memref<10240x16xf32, #tpu.memory_space<vmem_shared>>
          tpu.enqueue_indirect_dma source(%arg15 : memref<128x16xf32, #tpu.memory_space<vmem>>) target(%dma_start3A_236 : memref<10240x16xf32, #tpu.memory_space<vmem_shared>>) offsets(%dma_start3A_233 : memref<128xi32, #tpu.memory_space<vmem>>) semaphore(%run_scoped3A : memref<!tpu.dma_semaphore, #tpu.memory_space<semaphore_mem>>) {add = true}
          %dma_wait3A_237 = arith.constant 0 : i32
          %dma_wait3A_238 = tpu.memref_slice %arg7[%add3A_216, %dma_wait3A_237] : memref<128x128xi32, #tpu.memory_space<vmem>> -> memref<1x128xi32, #tpu.memory_space<vmem>>
          %dma_wait3A_239 = tpu.memref_squeeze %dma_wait3A_238 : memref<1x128xi32, #tpu.memory_space<vmem>> -> memref<128xi32, #tpu.memory_space<vmem>>
          %dma_wait3A_240 = arith.constant 0 : i32
          %dma_wait3A_241 = arith.constant 0 : i32
          %dma_wait3A_242 = tpu.memref_slice %arg16[%dma_wait3A_240, %dma_wait3A_241] : memref<10240x16xf32, #tpu.memory_space<vmem_shared>> -> memref<10240x16xf32, #tpu.memory_space<vmem_shared>>
          tpu.wait_indirect_dma semaphore(%run_scoped3A : memref<!tpu.dma_semaphore, #tpu.memory_space<semaphore_mem>>) src(%arg15 : memref<128x16xf32, #tpu.memory_space<vmem>>) dst(%dma_wait3A_242 : memref<10240x16xf32, #tpu.memory_space<vmem_shared>>)
          tpu.yield
        }) : () -> ()
        %add3A_223 = arith.constant 8 : i32
        %add3A_224 = arith.addi %add3A_216, %add3A_223 : i32
        %add3A_225 = arith.constant 32 : i32
        %add3A_226 = arith.addi %sub3A, %add3A_225 : i32
        %lt3A_227 = arith.cmpi slt, %add3A_224, %add3A_226 : i32
        %convert_element_type3A_228 = arith.extui %lt3A_227 : i1 to i32
        %cond3A_229 = arith.constant 0 : i32
        %cond3A_230 = arith.cmpi ne, %convert_element_type3A_228, %cond3A_229 : i32
        scf.if %cond3A_230 {
          %add3A_231 = arith.constant 8 : i32
          %add3A_232 = arith.addi %add3A_216, %add3A_231 : i32
          %dma_start3A_233 = arith.constant 0 : i32
          %dma_start3A_234 = tpu.memref_slice %arg6[%add3A_232, %dma_start3A_233] : memref<128x128xi32, #tpu.memory_space<vmem>> -> memref<1x128xi32, #tpu.memory_space<vmem>>
          %dma_start3A_235 = tpu.memref_squeeze %dma_start3A_234 : memref<1x128xi32, #tpu.memory_space<vmem>> -> memref<128xi32, #tpu.memory_space<vmem>>
          %dma_start3A_236 = arith.constant 0 : i32
          %dma_start3A_237 = arith.constant 0 : i32
          %dma_start3A_238 = tpu.memref_slice %arg2[%dma_start3A_236, %dma_start3A_237] : memref<10000x16xf32, #tpu.memory_space<hbm>> -> memref<10000x16xf32, #tpu.memory_space<hbm>>
          tpu.enqueue_indirect_dma source(%dma_start3A_238 : memref<10000x16xf32, #tpu.memory_space<hbm>>) target(%arg15 : memref<128x16xf32, #tpu.memory_space<vmem>>) offsets(%dma_start3A_235 : memref<128xi32, #tpu.memory_space<vmem>>) semaphore(%arg24 : memref<!tpu.dma_semaphore, #tpu.memory_space<semaphore_mem>>)
        } else {
        }
      }
      %scan3A_96 = arith.constant 4 : i32
    } else {
    }
    %barrier3A_23 = arith.constant 0 : index
    tpu.barrier barrier_id(%barrier3A_23)
    %scan3A_24 = arith.constant 0 : i32
    %scan3A_25 = arith.constant 5 : i32
    %scan3A_26 = arith.addi %scan3A_24, %scan3A_25 : i32
    %scan3A_27 = arith.constant 1 : i32
    scf.for %scan3A_29 = %scan3A_24 to %scan3A_26 step %scan3A_27  : i32 {
      %mul3A_30 = arith.constant 1 : i32
      %mul3A_31 = arith.muli %scan3A_29, %mul3A_30 : i32
      %add3A_32 = arith.constant 0 : i32
      %add3A_33 = arith.addi %add3A_32, %mul3A_31 : i32
      %mul3A_34 = arith.constant 640 : i32
      %mul3A_35 = arith.muli %arg1, %mul3A_34 : i32
      %mul3A_36 = arith.constant 128 : i32
      %mul3A_37 = arith.muli %add3A_33, %mul3A_36 : i32
      %add3A_38 = arith.addi %mul3A_35, %mul3A_37 : i32
      "tpu.region"() ({
        %run_scoped3A = tpu.sem_alloc : memref<!tpu.dma_semaphore, #tpu.memory_space<semaphore_mem>>
        %dma_start3A = arith.constant 0 : i32
        %dma_start3A_39 = arith.constant 0 : i32
        %dma_start3A_40 = tpu.memref_slice %arg5[%arg0, %dma_start3A, %dma_start3A_39] : memref<2x10240x16xf32, #tpu.memory_space<hbm>> -> memref<1x10240x16xf32, #tpu.memory_space<hbm>>
        %dma_start3A_41 = tpu.memref_squeeze %dma_start3A_40 : memref<1x10240x16xf32, #tpu.memory_space<hbm>> -> memref<10240x16xf32, #tpu.memory_space<hbm>>
        %dma_start3A_42 = arith.constant 0 : i32
        %dma_start3A_43 = tpu.memref_slice %dma_start3A_41[%add3A_38, %dma_start3A_42] : memref<10240x16xf32, #tpu.memory_space<hbm>> -> memref<128x16xf32, #tpu.memory_space<hbm>>
        %dma_start3A_44 = arith.constant 0 : i32
        %dma_start3A_45 = tpu.memref_slice %arg16[%add3A_38, %dma_start3A_44] : memref<10240x16xf32, #tpu.memory_space<vmem_shared>> -> memref<128x16xf32, #tpu.memory_space<vmem_shared>>
        tpu.enqueue_dma source(%dma_start3A_45 : memref<128x16xf32, #tpu.memory_space<vmem_shared>>) target(%dma_start3A_43 : memref<128x16xf32, #tpu.memory_space<hbm>>) target_semaphore(%run_scoped3A : memref<!tpu.dma_semaphore, #tpu.memory_space<semaphore_mem>>)
        %dma_wait3A = arith.constant 0 : i32
        %dma_wait3A_46 = arith.constant 0 : i32
        %dma_wait3A_47 = tpu.memref_slice %arg5[%arg0, %dma_wait3A, %dma_wait3A_46] : memref<2x10240x16xf32, #tpu.memory_space<hbm>> -> memref<1x10240x16xf32, #tpu.memory_space<hbm>>
        %dma_wait3A_48 = tpu.memref_squeeze %dma_wait3A_47 : memref<1x10240x16xf32, #tpu.memory_space<hbm>> -> memref<10240x16xf32, #tpu.memory_space<hbm>>
        %dma_wait3A_49 = arith.constant 0 : i32
        %dma_wait3A_50 = tpu.memref_slice %dma_wait3A_48[%add3A_38, %dma_wait3A_49] : memref<10240x16xf32, #tpu.memory_space<hbm>> -> memref<128x16xf32, #tpu.memory_space<hbm>>
        %dma_wait3A_51 = arith.constant 0 : i32
        %dma_wait3A_52 = tpu.memref_slice %arg16[%add3A_38, %dma_wait3A_51] : memref<10240x16xf32, #tpu.memory_space<vmem_shared>> -> memref<128x16xf32, #tpu.memory_space<vmem_shared>>
        tpu.wait_dma2 semaphore(%run_scoped3A : memref<!tpu.dma_semaphore, #tpu.memory_space<semaphore_mem>>) src(%dma_wait3A_52 : memref<128x16xf32, #tpu.memory_space<vmem_shared>>) dst(%dma_wait3A_50 : memref<128x16xf32, #tpu.memory_space<hbm>>)
        tpu.yield
      }) : () -> ()
    }
    %scan3A_28 = arith.constant 5 : i32
    return
  }
}

module attributes {stable_mosaic.version = 14 : i64} {
  func.func @body(%arg0: i32, %arg1: memref<1000x128xf32, #tpu.memory_space<vmem>>, %arg2: memref<128x64xf32, #tpu.memory_space<vmem>>, %arg3: memref<2x1000x16xf32, #tpu.memory_space<vmem>>, %arg4: memref<1000x64xf32, #tpu.memory_space<vmem>>) attributes {dimension_semantics = [#tpu.dimension_semantics<arbitrary>], iteration_bounds = array<i64: 10>, scalar_prefetch = 0 : i64, scratch_operands = 0 : i64, tpu.core_type = #tpu.core_type<tc>, window_params = [{transform_indices = @transform_0, window_bounds = array<i64: 1000, 128>}, {pipeline_mode = #tpu.pipeline_mode<synchronous>, transform_indices = @transform_1, window_bounds = array<i64: 128, 64>}, {transform_indices = @transform_2, window_bounds = array<i64: 2, 1000, 16>}, {transform_indices = @transform_3, window_bounds = array<i64: 1000, 64>}]} {
    %get3A = arith.constant 0 : index
    %get3A_0 = arith.constant 0 : index
    %get3A_1 = arith.constant 0 : index
    %get3A_2 = vector.load %arg3[%get3A, %get3A_0, %get3A_1] : memref<2x1000x16xf32, #tpu.memory_space<vmem>>, vector<1x1000x1xf32>
    %get3A_3 = vector.shape_cast %get3A_2 : vector<1x1000x1xf32> to vector<1000xf32>
    %get3A_4 = arith.constant 1 : index
    %get3A_5 = arith.constant 0 : index
    %get3A_6 = arith.constant 0 : index
    %get3A_7 = vector.load %arg3[%get3A_4, %get3A_5, %get3A_6] : memref<2x1000x16xf32, #tpu.memory_space<vmem>>, vector<1x1000x1xf32>
    %get3A_8 = vector.shape_cast %get3A_7 : vector<1x1000x1xf32> to vector<1000xf32>
    %add3A = arith.addf %get3A_3, %get3A_8 : vector<1000xf32>
    %add3A_9 = arith.constant 1.000000e+00 : f32
    %add3A_10 = vector.broadcast %add3A_9 : f32 to vector<1000xf32>
    %add3A_11 = arith.addf %add3A, %add3A_10 : vector<1000xf32>
    %rsqrt3A = math.rsqrt %add3A_11 : vector<1000xf32>
    %get3A_12 = arith.constant 0 : index
    %get3A_13 = arith.constant 0 : index
    %get3A_14 = vector.load %arg1[%get3A_12, %get3A_13] : memref<1000x128xf32, #tpu.memory_space<vmem>>, vector<1000x128xf32>
    %get3A_15 = arith.constant 0 : index
    %get3A_16 = arith.constant 0 : index
    %get3A_17 = vector.load %arg2[%get3A_15, %get3A_16] : memref<128x64xf32, #tpu.memory_space<vmem>>, vector<128x64xf32>
    %dot_general3A = arith.constant dense<0.000000e+00> : vector<1000x64xf32>
    %dot_general3A_18 = tpu.matmul %get3A_14, %get3A_17, %dot_general3A {dimension_numbers = #tpu.dot_dimension_numbers<[1], [0], [0], [1], [0, 0, 1, 1], [], []>, transpose_lhs_hint = false} : vector<1000x128xf32>, vector<128x64xf32>, vector<1000x64xf32> -> vector<1000x64xf32>
    %broadcast_in_dim3A = vector.shape_cast %rsqrt3A : vector<1000xf32> to vector<1000x1xf32>
    %mul3A = vector.broadcast %broadcast_in_dim3A : vector<1000x1xf32> to vector<1000x64xf32>
    %mul3A_19 = arith.mulf %dot_general3A_18, %mul3A : vector<1000x64xf32>
    %swap3A = arith.constant 0 : index
    %swap3A_20 = arith.constant 0 : index
    %swap3A_21 = vector.load %arg4[%swap3A, %swap3A_20] : memref<1000x64xf32, #tpu.memory_space<vmem>>, vector<1000x64xf32>
    tpu.vector_store %arg4[%swap3A, %swap3A_20], %mul3A_19 {strides = array<i32>} : memref<1000x64xf32, #tpu.memory_space<vmem>>, vector<1000x64xf32>,
    return
  }
  func.func @transform_0(%arg0: i32) -> (i32, i32) {
    %c0_i32 = arith.constant 0 : i32
    %c0_i32_0 = arith.constant 0 : i32
    return %arg0, %c0_i32 : i32, i32
  }
  func.func @transform_1(%arg0: i32) -> (i32, i32) {
    %c0_i32 = arith.constant 0 : i32
    %c0_i32_0 = arith.constant 0 : i32
    %c0_i32_1 = arith.constant 0 : i32
    return %c0_i32, %c0_i32_0 : i32, i32
  }
  func.func @transform_2(%arg0: i32) -> (i32, i32, i32) {
    %c0_i32 = arith.constant 0 : i32
    %c0_i32_0 = arith.constant 0 : i32
    %c0_i32_1 = arith.constant 0 : i32
    return %c0_i32, %arg0, %c0_i32_0 : i32, i32, i32
  }
  func.func @transform_3(%arg0: i32) -> (i32, i32) {
    %c0_i32 = arith.constant 0 : i32
    %c0_i32_0 = arith.constant 0 : i32
    return %arg0, %c0_i32 : i32, i32
  }
}

module attributes {stable_mosaic.version = 14 : i64} {
  func.func @body(%arg0: i32, %arg1: memref<2x1000x64xf32, #tpu.memory_space<vmem>>, %arg2: memref<1000x64xf32, #tpu.memory_space<vmem>>, %arg3: memref<2x1000x16xf32, #tpu.memory_space<vmem>>, %arg4: memref<1x64xf32, #tpu.memory_space<vmem>>, %arg5: memref<64x32xf32, #tpu.memory_space<vmem>>, %arg6: memref<1000x32xf32, #tpu.memory_space<vmem>>) attributes {dimension_semantics = [#tpu.dimension_semantics<arbitrary>], iteration_bounds = array<i64: 10>, scalar_prefetch = 0 : i64, scratch_operands = 0 : i64, tpu.core_type = #tpu.core_type<tc>, window_params = [{transform_indices = @transform_0, window_bounds = array<i64: 2, 1000, 64>}, {transform_indices = @transform_1, window_bounds = array<i64: 1000, 64>}, {transform_indices = @transform_2, window_bounds = array<i64: 2, 1000, 16>}, {pipeline_mode = #tpu.pipeline_mode<synchronous>, transform_indices = @transform_3, window_bounds = array<i64: 1, 64>}, {pipeline_mode = #tpu.pipeline_mode<synchronous>, transform_indices = @transform_4, window_bounds = array<i64: 64, 32>}, {transform_indices = @transform_5, window_bounds = array<i64: 1000, 32>}]} {
    %get3A = arith.constant 0 : index
    %get3A_0 = arith.constant 0 : index
    %get3A_1 = arith.constant 0 : index
    %get3A_2 = vector.load %arg3[%get3A, %get3A_0, %get3A_1] : memref<2x1000x16xf32, #tpu.memory_space<vmem>>, vector<1x1000x1xf32>
    %get3A_3 = vector.shape_cast %get3A_2 : vector<1x1000x1xf32> to vector<1000xf32>
    %get3A_4 = arith.constant 1 : index
    %get3A_5 = arith.constant 0 : index
    %get3A_6 = arith.constant 0 : index
    %get3A_7 = vector.load %arg3[%get3A_4, %get3A_5, %get3A_6] : memref<2x1000x16xf32, #tpu.memory_space<vmem>>, vector<1x1000x1xf32>
    %get3A_8 = vector.shape_cast %get3A_7 : vector<1x1000x1xf32> to vector<1000xf32>
    %add3A = arith.addf %get3A_3, %get3A_8 : vector<1000xf32>
    %add3A_9 = arith.constant 1.000000e+00 : f32
    %add3A_10 = vector.broadcast %add3A_9 : f32 to vector<1000xf32>
    %add3A_11 = arith.addf %add3A, %add3A_10 : vector<1000xf32>
    %rsqrt3A = math.rsqrt %add3A_11 : vector<1000xf32>
    %broadcast_in_dim3A = vector.shape_cast %rsqrt3A : vector<1000xf32> to vector<1000x1xf32>
    %get3A_12 = arith.constant 0 : index
    %get3A_13 = arith.constant 0 : index
    %get3A_14 = arith.constant 0 : index
    %get3A_15 = vector.load %arg1[%get3A_12, %get3A_13, %get3A_14] : memref<2x1000x64xf32, #tpu.memory_space<vmem>>, vector<1x1000x64xf32>
    %get3A_16 = vector.shape_cast %get3A_15 : vector<1x1000x64xf32> to vector<1000x64xf32>
    %get3A_17 = arith.constant 1 : index
    %get3A_18 = arith.constant 0 : index
    %get3A_19 = arith.constant 0 : index
    %get3A_20 = vector.load %arg1[%get3A_17, %get3A_18, %get3A_19] : memref<2x1000x64xf32, #tpu.memory_space<vmem>>, vector<1x1000x64xf32>
    %get3A_21 = vector.shape_cast %get3A_20 : vector<1x1000x64xf32> to vector<1000x64xf32>
    %add3A_22 = arith.addf %get3A_16, %get3A_21 : vector<1000x64xf32>
    %get3A_23 = arith.constant 0 : index
    %get3A_24 = arith.constant 0 : index
    %get3A_25 = vector.load %arg2[%get3A_23, %get3A_24] : memref<1000x64xf32, #tpu.memory_space<vmem>>, vector<1000x64xf32>
    %add3A_26 = arith.addf %add3A_22, %get3A_25 : vector<1000x64xf32>
    %mul3A = vector.broadcast %broadcast_in_dim3A : vector<1000x1xf32> to vector<1000x64xf32>
    %mul3A_27 = arith.mulf %mul3A, %add3A_26 : vector<1000x64xf32>
    %get3A_28 = arith.constant 0 : index
    %get3A_29 = arith.constant 0 : index
    %get3A_30 = vector.load %arg4[%get3A_28, %get3A_29] : memref<1x64xf32, #tpu.memory_space<vmem>>, vector<1x64xf32>
    %add3A_31 = vector.broadcast %get3A_30 : vector<1x64xf32> to vector<1000x64xf32>
    %add3A_32 = arith.addf %mul3A_27, %add3A_31 : vector<1000x64xf32>
    %max3A = arith.constant 0.000000e+00 : f32
    %max3A_33 = vector.broadcast %max3A : f32 to vector<1000x64xf32>
    %max3A_34 = arith.maximumf %add3A_32, %max3A_33 : vector<1000x64xf32>
    %get3A_35 = arith.constant 0 : index
    %get3A_36 = arith.constant 0 : index
    %get3A_37 = vector.load %arg5[%get3A_35, %get3A_36] : memref<64x32xf32, #tpu.memory_space<vmem>>, vector<64x32xf32>
    %dot_general3A = arith.constant dense<0.000000e+00> : vector<1000x32xf32>
    %dot_general3A_38 = tpu.matmul %max3A_34, %get3A_37, %dot_general3A {dimension_numbers = #tpu.dot_dimension_numbers<[1], [0], [0], [1], [0, 0, 1, 1], [], []>, transpose_lhs_hint = false} : vector<1000x64xf32>, vector<64x32xf32>, vector<1000x32xf32> -> vector<1000x32xf32>
    %broadcast_in_dim3A_39 = vector.shape_cast %rsqrt3A : vector<1000xf32> to vector<1000x1xf32>
    %mul3A_40 = vector.broadcast %broadcast_in_dim3A_39 : vector<1000x1xf32> to vector<1000x32xf32>
    %mul3A_41 = arith.mulf %dot_general3A_38, %mul3A_40 : vector<1000x32xf32>
    %swap3A = arith.constant 0 : index
    %swap3A_42 = arith.constant 0 : index
    %swap3A_43 = vector.load %arg6[%swap3A, %swap3A_42] : memref<1000x32xf32, #tpu.memory_space<vmem>>, vector<1000x32xf32>
    tpu.vector_store %arg6[%swap3A, %swap3A_42], %mul3A_41 {strides = array<i32>} : memref<1000x32xf32, #tpu.memory_space<vmem>>, vector<1000x32xf32>,
    return
  }
  func.func @transform_0(%arg0: i32) -> (i32, i32, i32) {
    %c0_i32 = arith.constant 0 : i32
    %c0_i32_0 = arith.constant 0 : i32
    %c0_i32_1 = arith.constant 0 : i32
    return %c0_i32, %arg0, %c0_i32_0 : i32, i32, i32
  }
  func.func @transform_1(%arg0: i32) -> (i32, i32) {
    %c0_i32 = arith.constant 0 : i32
    %c0_i32_0 = arith.constant 0 : i32
    return %arg0, %c0_i32 : i32, i32
  }
  func.func @transform_2(%arg0: i32) -> (i32, i32, i32) {
    %c0_i32 = arith.constant 0 : i32
    %c0_i32_0 = arith.constant 0 : i32
    %c0_i32_1 = arith.constant 0 : i32
    return %c0_i32, %arg0, %c0_i32_0 : i32, i32, i32
  }
  func.func @transform_3(%arg0: i32) -> (i32, i32) {
    %c0_i32 = arith.constant 0 : i32
    %c0_i32_0 = arith.constant 0 : i32
    %c0_i32_1 = arith.constant 0 : i32
    return %c0_i32, %c0_i32_0 : i32, i32
  }
  func.func @transform_4(%arg0: i32) -> (i32, i32) {
    %c0_i32 = arith.constant 0 : i32
    %c0_i32_0 = arith.constant 0 : i32
    %c0_i32_1 = arith.constant 0 : i32
    return %c0_i32, %c0_i32_0 : i32, i32
  }
  func.func @transform_5(%arg0: i32) -> (i32, i32) {
    %c0_i32 = arith.constant 0 : i32
    %c0_i32_0 = arith.constant 0 : i32
    return %arg0, %c0_i32 : i32, i32
  }
}

module attributes {stable_mosaic.version = 14 : i64} {
  func.func @body(%arg0: i32, %arg1: memref<2x1000x32xf32, #tpu.memory_space<vmem>>, %arg2: memref<1000x32xf32, #tpu.memory_space<vmem>>, %arg3: memref<2x1000x16xf32, #tpu.memory_space<vmem>>, %arg4: memref<1x32xf32, #tpu.memory_space<vmem>>, %arg5: memref<32x16xf32, #tpu.memory_space<vmem>>, %arg6: memref<1000x16xf32, #tpu.memory_space<vmem>>) attributes {dimension_semantics = [#tpu.dimension_semantics<arbitrary>], iteration_bounds = array<i64: 10>, scalar_prefetch = 0 : i64, scratch_operands = 0 : i64, tpu.core_type = #tpu.core_type<tc>, window_params = [{transform_indices = @transform_0, window_bounds = array<i64: 2, 1000, 32>}, {transform_indices = @transform_1, window_bounds = array<i64: 1000, 32>}, {transform_indices = @transform_2, window_bounds = array<i64: 2, 1000, 16>}, {pipeline_mode = #tpu.pipeline_mode<synchronous>, transform_indices = @transform_3, window_bounds = array<i64: 1, 32>}, {pipeline_mode = #tpu.pipeline_mode<synchronous>, transform_indices = @transform_4, window_bounds = array<i64: 32, 16>}, {transform_indices = @transform_5, window_bounds = array<i64: 1000, 16>}]} {
    %get3A = arith.constant 0 : index
    %get3A_0 = arith.constant 0 : index
    %get3A_1 = arith.constant 0 : index
    %get3A_2 = vector.load %arg3[%get3A, %get3A_0, %get3A_1] : memref<2x1000x16xf32, #tpu.memory_space<vmem>>, vector<1x1000x1xf32>
    %get3A_3 = vector.shape_cast %get3A_2 : vector<1x1000x1xf32> to vector<1000xf32>
    %get3A_4 = arith.constant 1 : index
    %get3A_5 = arith.constant 0 : index
    %get3A_6 = arith.constant 0 : index
    %get3A_7 = vector.load %arg3[%get3A_4, %get3A_5, %get3A_6] : memref<2x1000x16xf32, #tpu.memory_space<vmem>>, vector<1x1000x1xf32>
    %get3A_8 = vector.shape_cast %get3A_7 : vector<1x1000x1xf32> to vector<1000xf32>
    %add3A = arith.addf %get3A_3, %get3A_8 : vector<1000xf32>
    %add3A_9 = arith.constant 1.000000e+00 : f32
    %add3A_10 = vector.broadcast %add3A_9 : f32 to vector<1000xf32>
    %add3A_11 = arith.addf %add3A, %add3A_10 : vector<1000xf32>
    %rsqrt3A = math.rsqrt %add3A_11 : vector<1000xf32>
    %broadcast_in_dim3A = vector.shape_cast %rsqrt3A : vector<1000xf32> to vector<1000x1xf32>
    %get3A_12 = arith.constant 0 : index
    %get3A_13 = arith.constant 0 : index
    %get3A_14 = arith.constant 0 : index
    %get3A_15 = vector.load %arg1[%get3A_12, %get3A_13, %get3A_14] : memref<2x1000x32xf32, #tpu.memory_space<vmem>>, vector<1x1000x32xf32>
    %get3A_16 = vector.shape_cast %get3A_15 : vector<1x1000x32xf32> to vector<1000x32xf32>
    %get3A_17 = arith.constant 1 : index
    %get3A_18 = arith.constant 0 : index
    %get3A_19 = arith.constant 0 : index
    %get3A_20 = vector.load %arg1[%get3A_17, %get3A_18, %get3A_19] : memref<2x1000x32xf32, #tpu.memory_space<vmem>>, vector<1x1000x32xf32>
    %get3A_21 = vector.shape_cast %get3A_20 : vector<1x1000x32xf32> to vector<1000x32xf32>
    %add3A_22 = arith.addf %get3A_16, %get3A_21 : vector<1000x32xf32>
    %get3A_23 = arith.constant 0 : index
    %get3A_24 = arith.constant 0 : index
    %get3A_25 = vector.load %arg2[%get3A_23, %get3A_24] : memref<1000x32xf32, #tpu.memory_space<vmem>>, vector<1000x32xf32>
    %add3A_26 = arith.addf %add3A_22, %get3A_25 : vector<1000x32xf32>
    %mul3A = vector.broadcast %broadcast_in_dim3A : vector<1000x1xf32> to vector<1000x32xf32>
    %mul3A_27 = arith.mulf %mul3A, %add3A_26 : vector<1000x32xf32>
    %get3A_28 = arith.constant 0 : index
    %get3A_29 = arith.constant 0 : index
    %get3A_30 = vector.load %arg4[%get3A_28, %get3A_29] : memref<1x32xf32, #tpu.memory_space<vmem>>, vector<1x32xf32>
    %add3A_31 = vector.broadcast %get3A_30 : vector<1x32xf32> to vector<1000x32xf32>
    %add3A_32 = arith.addf %mul3A_27, %add3A_31 : vector<1000x32xf32>
    %max3A = arith.constant 0.000000e+00 : f32
    %max3A_33 = vector.broadcast %max3A : f32 to vector<1000x32xf32>
    %max3A_34 = arith.maximumf %add3A_32, %max3A_33 : vector<1000x32xf32>
    %get3A_35 = arith.constant 0 : index
    %get3A_36 = arith.constant 0 : index
    %get3A_37 = vector.load %arg5[%get3A_35, %get3A_36] : memref<32x16xf32, #tpu.memory_space<vmem>>, vector<32x16xf32>
    %dot_general3A = arith.constant dense<0.000000e+00> : vector<1000x16xf32>
    %dot_general3A_38 = tpu.matmul %max3A_34, %get3A_37, %dot_general3A {dimension_numbers = #tpu.dot_dimension_numbers<[1], [0], [0], [1], [0, 0, 1, 1], [], []>, transpose_lhs_hint = false} : vector<1000x32xf32>, vector<32x16xf32>, vector<1000x16xf32> -> vector<1000x16xf32>
    %broadcast_in_dim3A_39 = vector.shape_cast %rsqrt3A : vector<1000xf32> to vector<1000x1xf32>
    %mul3A_40 = vector.broadcast %broadcast_in_dim3A_39 : vector<1000x1xf32> to vector<1000x16xf32>
    %mul3A_41 = arith.mulf %dot_general3A_38, %mul3A_40 : vector<1000x16xf32>
    %swap3A = arith.constant 0 : index
    %swap3A_42 = arith.constant 0 : index
    %swap3A_43 = vector.load %arg6[%swap3A, %swap3A_42] : memref<1000x16xf32, #tpu.memory_space<vmem>>, vector<1000x16xf32>
    tpu.vector_store %arg6[%swap3A, %swap3A_42], %mul3A_41 {strides = array<i32>} : memref<1000x16xf32, #tpu.memory_space<vmem>>, vector<1000x16xf32>,
    return
  }
  func.func @transform_0(%arg0: i32) -> (i32, i32, i32) {
    %c0_i32 = arith.constant 0 : i32
    %c0_i32_0 = arith.constant 0 : i32
    %c0_i32_1 = arith.constant 0 : i32
    return %c0_i32, %arg0, %c0_i32_0 : i32, i32, i32
  }
  func.func @transform_1(%arg0: i32) -> (i32, i32) {
    %c0_i32 = arith.constant 0 : i32
    %c0_i32_0 = arith.constant 0 : i32
    return %arg0, %c0_i32 : i32, i32
  }
  func.func @transform_2(%arg0: i32) -> (i32, i32, i32) {
    %c0_i32 = arith.constant 0 : i32
    %c0_i32_0 = arith.constant 0 : i32
    %c0_i32_1 = arith.constant 0 : i32
    return %c0_i32, %arg0, %c0_i32_0 : i32, i32, i32
  }
  func.func @transform_3(%arg0: i32) -> (i32, i32) {
    %c0_i32 = arith.constant 0 : i32
    %c0_i32_0 = arith.constant 0 : i32
    %c0_i32_1 = arith.constant 0 : i32
    return %c0_i32, %c0_i32_0 : i32, i32
  }
  func.func @transform_4(%arg0: i32) -> (i32, i32) {
    %c0_i32 = arith.constant 0 : i32
    %c0_i32_0 = arith.constant 0 : i32
    %c0_i32_1 = arith.constant 0 : i32
    return %c0_i32, %c0_i32_0 : i32, i32
  }
  func.func @transform_5(%arg0: i32) -> (i32, i32) {
    %c0_i32 = arith.constant 0 : i32
    %c0_i32_0 = arith.constant 0 : i32
    return %arg0, %c0_i32 : i32, i32
  }
}

module attributes {stable_mosaic.version = 14 : i64} {
  func.func @body(%arg0: i32, %arg1: memref<2x1000x16xf32, #tpu.memory_space<vmem>>, %arg2: memref<1000x16xf32, #tpu.memory_space<vmem>>, %arg3: memref<2x1000x16xf32, #tpu.memory_space<vmem>>, %arg4: memref<1x2xf32, #tpu.memory_space<vmem>>, %arg5: memref<1000x2xf32, #tpu.memory_space<vmem>>) attributes {dimension_semantics = [#tpu.dimension_semantics<arbitrary>], iteration_bounds = array<i64: 10>, scalar_prefetch = 0 : i64, scratch_operands = 0 : i64, tpu.core_type = #tpu.core_type<tc>, window_params = [{transform_indices = @transform_0, window_bounds = array<i64: 2, 1000, 16>}, {transform_indices = @transform_1, window_bounds = array<i64: 1000, 16>}, {transform_indices = @transform_2, window_bounds = array<i64: 2, 1000, 16>}, {pipeline_mode = #tpu.pipeline_mode<synchronous>, transform_indices = @transform_3, window_bounds = array<i64: 1, 2>}, {transform_indices = @transform_4, window_bounds = array<i64: 1000, 2>}]} {
    %get3A = arith.constant 0 : index
    %get3A_0 = arith.constant 0 : index
    %get3A_1 = arith.constant 0 : index
    %get3A_2 = vector.load %arg3[%get3A, %get3A_0, %get3A_1] : memref<2x1000x16xf32, #tpu.memory_space<vmem>>, vector<1x1000x1xf32>
    %get3A_3 = vector.shape_cast %get3A_2 : vector<1x1000x1xf32> to vector<1000xf32>
    %get3A_4 = arith.constant 1 : index
    %get3A_5 = arith.constant 0 : index
    %get3A_6 = arith.constant 0 : index
    %get3A_7 = vector.load %arg3[%get3A_4, %get3A_5, %get3A_6] : memref<2x1000x16xf32, #tpu.memory_space<vmem>>, vector<1x1000x1xf32>
    %get3A_8 = vector.shape_cast %get3A_7 : vector<1x1000x1xf32> to vector<1000xf32>
    %add3A = arith.addf %get3A_3, %get3A_8 : vector<1000xf32>
    %add3A_9 = arith.constant 1.000000e+00 : f32
    %add3A_10 = vector.broadcast %add3A_9 : f32 to vector<1000xf32>
    %add3A_11 = arith.addf %add3A, %add3A_10 : vector<1000xf32>
    %rsqrt3A = math.rsqrt %add3A_11 : vector<1000xf32>
    %broadcast_in_dim3A = vector.shape_cast %rsqrt3A : vector<1000xf32> to vector<1000x1xf32>
    %get3A_12 = arith.constant 0 : index
    %get3A_13 = arith.constant 0 : index
    %get3A_14 = arith.constant 0 : index
    %get3A_15 = vector.load %arg1[%get3A_12, %get3A_13, %get3A_14] : memref<2x1000x16xf32, #tpu.memory_space<vmem>>, vector<1x1000x16xf32>
    %get3A_16 = vector.shape_cast %get3A_15 : vector<1x1000x16xf32> to vector<1000x16xf32>
    %get3A_17 = arith.constant 1 : index
    %get3A_18 = arith.constant 0 : index
    %get3A_19 = arith.constant 0 : index
    %get3A_20 = vector.load %arg1[%get3A_17, %get3A_18, %get3A_19] : memref<2x1000x16xf32, #tpu.memory_space<vmem>>, vector<1x1000x16xf32>
    %get3A_21 = vector.shape_cast %get3A_20 : vector<1x1000x16xf32> to vector<1000x16xf32>
    %add3A_22 = arith.addf %get3A_16, %get3A_21 : vector<1000x16xf32>
    %get3A_23 = arith.constant 0 : index
    %get3A_24 = arith.constant 0 : index
    %get3A_25 = vector.load %arg2[%get3A_23, %get3A_24] : memref<1000x16xf32, #tpu.memory_space<vmem>>, vector<1000x16xf32>
    %add3A_26 = arith.addf %add3A_22, %get3A_25 : vector<1000x16xf32>
    %mul3A = vector.broadcast %broadcast_in_dim3A : vector<1000x1xf32> to vector<1000x16xf32>
    %mul3A_27 = arith.mulf %mul3A, %add3A_26 : vector<1000x16xf32>
    %slice3A = vector.extract_strided_slice %mul3A_27 {offsets = [0, 0], sizes = [1000, 2], strides = [1, 1]} : vector<1000x16xf32> to vector<1000x2xf32>
    %get3A_28 = arith.constant 0 : index
    %get3A_29 = arith.constant 0 : index
    %get3A_30 = vector.load %arg4[%get3A_28, %get3A_29] : memref<1x2xf32, #tpu.memory_space<vmem>>, vector<1x2xf32>
    %add3A_31 = vector.broadcast %get3A_30 : vector<1x2xf32> to vector<1000x2xf32>
    %add3A_32 = arith.addf %slice3A, %add3A_31 : vector<1000x2xf32>
    %reduce_max3A = arith.constant dense<0xFF800000> : vector<1000xf32>
    %reduce_max3A_33 = vector.multi_reduction <maximumf>, %add3A_32, %reduce_max3A [1] : vector<1000x2xf32> to vector<1000xf32>
    %max3A = arith.constant 0xFF800000 : f32
    %max3A_34 = vector.broadcast %max3A : f32 to vector<1000xf32>
    %max3A_35 = arith.maximumf %max3A_34, %reduce_max3A_33 : vector<1000xf32>
    %broadcast_in_dim3A_36 = vector.shape_cast %max3A_35 : vector<1000xf32> to vector<1000x1xf32>
    %sub3A = vector.broadcast %broadcast_in_dim3A_36 : vector<1000x1xf32> to vector<1000x2xf32>
    %sub3A_37 = arith.subf %add3A_32, %sub3A : vector<1000x2xf32>
    %exp3A = math.exp %sub3A_37 : vector<1000x2xf32>
    %reduce_sum3A = arith.constant dense<0.000000e+00> : vector<1000xf32>
    %reduce_sum3A_38 = vector.multi_reduction <add>, %exp3A, %reduce_sum3A [1] : vector<1000x2xf32> to vector<1000xf32>
    %broadcast_in_dim3A_39 = vector.shape_cast %reduce_sum3A_38 : vector<1000xf32> to vector<1000x1xf32>
    %log3A = math.log %broadcast_in_dim3A_39 : vector<1000x1xf32>
    %sub3A_40 = vector.broadcast %log3A : vector<1000x1xf32> to vector<1000x2xf32>
    %sub3A_41 = arith.subf %sub3A_37, %sub3A_40 : vector<1000x2xf32>
    %swap3A = arith.constant 0 : index
    %swap3A_42 = arith.constant 0 : index
    %swap3A_43 = vector.load %arg5[%swap3A, %swap3A_42] : memref<1000x2xf32, #tpu.memory_space<vmem>>, vector<1000x2xf32>
    tpu.vector_store %arg5[%swap3A, %swap3A_42], %sub3A_41 {strides = array<i32>} : memref<1000x2xf32, #tpu.memory_space<vmem>>, vector<1000x2xf32>,
    return
  }
  func.func @transform_0(%arg0: i32) -> (i32, i32, i32) {
    %c0_i32 = arith.constant 0 : i32
    %c0_i32_0 = arith.constant 0 : i32
    %c0_i32_1 = arith.constant 0 : i32
    return %c0_i32, %arg0, %c0_i32_0 : i32, i32, i32
  }
  func.func @transform_1(%arg0: i32) -> (i32, i32) {
    %c0_i32 = arith.constant 0 : i32
    %c0_i32_0 = arith.constant 0 : i32
    return %arg0, %c0_i32 : i32, i32
  }
  func.func @transform_2(%arg0: i32) -> (i32, i32, i32) {
    %c0_i32 = arith.constant 0 : i32
    %c0_i32_0 = arith.constant 0 : i32
    %c0_i32_1 = arith.constant 0 : i32
    return %c0_i32, %arg0, %c0_i32_0 : i32, i32, i32
  }
  func.func @transform_3(%arg0: i32) -> (i32, i32) {
    %c0_i32 = arith.constant 0 : i32
    %c0_i32_0 = arith.constant 0 : i32
    %c0_i32_1 = arith.constant 0 : i32
    return %c0_i32, %c0_i32_0 : i32, i32
  }
  func.func @transform_4(%arg0: i32) -> (i32, i32) {
    %c0_i32 = arith.constant 0 : i32
    %c0_i32_0 = arith.constant 0 : i32
    return %arg0, %c0_i32 : i32, i32
  }
}

</mosaic_0001>

<sc_bundles>
// kernel: kernel.10.cloned.1.call-start
scs
__scs_entry_jumppad:
0x0: {  	(pc) =	sbr.rel $0x88, $3  }
0x1: {  	(tag) =	ssettag $0x0;
	lr =	simm.s32 $0x1  }
0x2: {  	[smem:$0x3F99] =	sst lr;
	_ =	strace $0xD0000000  }
0x3: {  	_ = 	snop  }
0x4: {  	_ = 	snop  }
0x5: {  	_ = 	snop  }
0x6: {  	_ = 	snop  }
0x7: {  	_ = 	snop  }
__scs_overlays_trampoline_lowered:
0x8: {  	[smem:$0x3FA8] =	sst s0  }
0x9: {  	[smem:$0x3FA9] =	sst s1  }
0xa: {  	[smem:$0x3FAA] =	sst s2  }
0xb: {  	[smem:$0x3FAB] =	sst s3  }
0xc: {  	[smem:$0x3FAC] =	sst s4  }
0xd: {  	[smem:$0x3FAD] =	sst s5  }
0xe: {  	[smem:$0x3FAE] =	sst s6  }
0xf: {  	[smem:$0x3FAF] =	sst s7  }
0x10: {  	[smem:$0x3FB0] =	sst s8  }
0x11: {  	[smem:$0x3FB1] =	sst s9;
	s0 =	simm.s32 @!p0 $0x0  }
0x12: {  	s1 =	sld [smem:$0x3F97];
	s0 =	simm.s32 @p0 $0x1  }
0x13: {  	[smem:$0x3FB2] =	sst s0;
	s0 =	simm.s32 @!p1 $0x0  }
0x14: {  	s2 =	sld [smem:$0x3F96];
	s0 =	simm.s32 @p1 $0x1  }
0x15: {  	[smem:$0x3FB3] =	sst s0;
	s0 =	simm.s32 @!p2 $0x0  }
0x16: {  	s3 =	sld [smem:$0x3FDB];
	s0 =	simm.s32 @p2 $0x1  }
0x17: {  	s4 =	simm.s32 $0x1BF5;
	[smem:$0x3FB5] =	sst s0  }
0x18: {  	s0 =	sld [smem:$0x3F98];
	_ =	swait.ge [sflag:s4], $0x0  }
0x19: {  	s7 =	sld [smem:$0x3F99]  }
0x1a: {  	s8 =	sadd.s32 $0xFFFFE003, lr  }
0x1b: {  	s9 =	sadd.s32 $0xFFFFFEF7, lr;
	s5 =	simm.s32 $0xFFFFFFFF;
	p2 =	slt.u32 s8, $0xFFFFF086  }
0x1c: {  	p1 =	slt.u32 s9, $0xF7A;
	s5 =	simm.s32 @!p2 $0x0  }
0x1d: {  	s5 =	simm.s32 @p1 $0x1;
	p0 =	seq.s32 s7, s2  }
0x1e: {  	s7 =	smul.u32 @!p0 $0xF7A, s2;
	p2 =	seq.s32 @!p0 s5, $0x0  }
0x1f: {  	s9 =	smul.u32 $0xF7A, s1;
	s8 =	simm.s32 @!p0 $0x1BF5;
	p2 =	por !p2, p0  }
0x20: {  	[sflag:s8] =	ssyncset.s32 @!p0 $0xFFFFF086;
	s6 =	sadd.s32 @!p0 s3, s7;
	s7 =	simm.s32 @!p0 $0x108  }
0x21: {  	s3 =	sadd.s32 s3, s9;
	s6 =	sadd.s32 @!p0 $0x88, s6;
	s7 =	simm.s32 @p2 $0x1082  }
0x22: {  	[simem:s7], [sflag:s8] =	dma.local @!p0 [hbm:s6], $0xF7A  }
0x23: {  	s9 =	sor.u32 $0xD0000000, s2;
	s6 =	simm.s32 $0x108;
	_ =	swait.ge @!p0 [sflag:s8], $0x0  }
0x24: {  	s3 =	sadd.s32 $0x88, s3;
	s6 =	simm.s32 @!p1 $0x1082;
	[sflag:s4] =	ssyncset.s32 $0xFFFFF086  }
0x25: {  	[simem:s6], [sflag:s4] =	dma.local [hbm:s3], $0xF7A  }
0x26: {  	[smem:$0x3F99] =	sst s1;
	(tag) =	ssettag s2;
	_ =	strace s9  }
0x27: {  	s1 =	sld [smem:$0x3FA9]  }
0x28: {  	s2 =	sld [smem:$0x3FAA]  }
0x29: {  	s4 =	sld [smem:$0x3FAC]  }
0x2a: {  	p0 =	seq.s32 s5, $0x0;
	s5 =	sld [smem:$0x3FAD]  }
0x2b: {  	s6 =	sld [smem:$0x3FAE]  }
0x2c: {  	s7 =	sld [smem:$0x3FAF]  }
0x2d: {  	s3 =	simm.s32 $0x108;
	s8 =	sld [smem:$0x3FB0]  }
0x2e: {  	s3 =	simm.s32 @!p0 $0x1082;
	s9 =	sld [smem:$0x3FB1]  }
0x2f: {  	lr =	sadd.s32 s0, s3;
	s0 =	sld [smem:$0x3FA8]  }
0x30: {  	s3 =	sld [smem:$0x3FAB]  }
0x31: {  	[smem:$0x3FB4] =	sst s10  }
0x32: {  	s10 =	sld [smem:$0x3FB2];
	_ =	sdelay $0x3  }
0x33: {  	p0 =	seq.s32 s10, $0x1;
	s10 =	sld [smem:$0x3FB4];
	_ =	sdelay $0x3  }
0x34: {  	[smem:$0x3FB4] =	sst s10  }
0x35: {  	s10 =	sld [smem:$0x3FB3];
	_ =	sdelay $0x3  }
0x36: {  	p1 =	seq.s32 s10, $0x1;
	s10 =	sld [smem:$0x3FB4];
	_ =	sdelay $0x3  }
0x37: {  	[smem:$0x3FB4] =	sst s10  }
0x38: {  	s10 =	sld [smem:$0x3FB5]  }
0x39: {  	_ = 	snop;
	(pc) =	sbr.ind lr, $3  }
0x3a: {  	_ = 	snop  }
0x3b: {  	_ = 	snop  }
0x3c: {  	p2 =	seq.s32 s10, $0x1;
	s10 =	sld [smem:$0x3FB4]  }
0x3d: {  	_ =	shalt  }
0x3e: {  	_ =	shalt  }
0x3f: {  	_ =	shalt  }
0x40: {  	_ =	shalt  }
0x41: {  	_ =	shalt  }
0x42: {  	_ =	shalt  }
0x43: {  	_ =	shalt  }
0x44: {  	_ =	shalt  }
0x45: {  	_ =	shalt  }
0x46: {  	_ =	shalt  }
0x47: {  	_ =	shalt  }
0x48: {  	_ =	shalt  }
0x49: {  	_ =	shalt  }
0x4a: {  	_ =	shalt  }
0x4b: {  	_ =	shalt  }
0x4c: {  	_ =	shalt  }
0x4d: {  	_ =	shalt  }
0x4e: {  	_ =	shalt  }
0x4f: {  	_ =	shalt  }
0x50: {  	_ =	shalt  }
0x51: {  	_ =	shalt  }
0x52: {  	_ =	shalt  }
0x53: {  	_ =	shalt  }
0x54: {  	_ =	shalt  }
0x55: {  	_ =	shalt  }
0x56: {  	_ =	shalt  }
0x57: {  	_ =	shalt  }
0x58: {  	_ =	shalt  }
0x59: {  	_ =	shalt  }
0x5a: {  	_ =	shalt  }
0x5b: {  	_ =	shalt  }
0x5c: {  	_ =	shalt  }
0x5d: {  	_ =	shalt  }
0x5e: {  	_ =	shalt  }
0x5f: {  	_ =	shalt  }
0x60: {  	_ =	shalt  }
0x61: {  	_ =	shalt  }
0x62: {  	_ =	shalt  }
0x63: {  	_ =	shalt  }
0x64: {  	_ =	shalt  }
0x65: {  	_ =	shalt  }
0x66: {  	_ =	shalt  }
0x67: {  	_ =	shalt  }
0x68: {  	_ =	shalt  }
0x69: {  	_ =	shalt  }
0x6a: {  	_ =	shalt  }
0x6b: {  	_ =	shalt  }
0x6c: {  	_ =	shalt  }
0x6d: {  	_ =	shalt  }
0x6e: {  	_ =	shalt  }
0x6f: {  	_ =	shalt  }
0x70: {  	_ =	shalt  }
0x71: {  	_ =	shalt  }
0x72: {  	_ =	shalt  }
0x73: {  	_ =	shalt  }
0x74: {  	_ =	shalt  }
0x75: {  	_ =	shalt  }
0x76: {  	_ =	shalt  }
0x77: {  	_ =	shalt  }
0x78: {  	_ =	shalt  }
0x79: {  	_ =	shalt  }
0x7a: {  	_ =	shalt  }
0x7b: {  	_ =	shalt  }
0x7c: {  	_ =	shalt  }
0x7d: {  	_ =	shalt  }
0x7e: {  	_ =	shalt  }
0x7f: {  	_ =	shalt  }
0x80: {  	_ =	shalt  }
0x81: {  	_ =	shalt  }
0x82: {  	_ =	shalt  }
0x83: {  	_ =	shalt  }
0x84: {  	_ =	shalt  }
0x85: {  	_ =	shalt  }
0x86: {  	_ =	shalt  }
0x87: {  	_ =	shalt  }
.Lfunc_end0:
.L_simem_size_0:
called_computation_lowered:
.L_overlay_start_0:
0x88: {  	s2 =	sld [smem:$0x3FD9]  }
0x89: {  	s3 =	sld [smem:$0x3FFE];
	_ =	sdelay $0x1  }
0x8a: {  	s1 =	srdreg.scid  }
0x8b: {  	s0 =	sand.u32 $0x1, s1  }
0x8c: {  	s16 =	sshll.u32 s0, $0xA;
	s2 =	sadd.s32 s3, s2  }
0x8d: {  	s2 =	sadd.s32 s2, s16  }
0x8e: {  	[smem:$0x3FC0] =	sst s2  }
0x8f: {  	_ = 	snop  }
0x90: {  	(tm) =	ssettm $0x1  }
0x91: {  	s17 =	sld [smem:$0x3FFB];
	_ =	sdelay $0x3  }
0x92: {  	_ =	strace s17  }
0x93: {  	s2 =	sld [smem:$0x3FFC];
	_ =	sdelay $0x3  }
0x94: {  	_ =	strace s2  }
0x95: {  	s2 =	sld [smem:$0x3FFD];
	_ =	sdelay $0x3  }
0x96: {  	_ =	strace s2  }
0x97: {  	_ =	strace $0x8FFFFFFF  }
0x98: {  	s18 =	sld [smem:$0x3FDB];
	_ =	sdelay $0x1  }
0x99: {  	s19 =	simm.s32 $_scs_section_size  }
0x9a: {  	s4 =	simm.s32 $_size__tile_overlayer_lowered;
	s5 =	simm.s32 $_tile_overlayer_lowered  }
0x9b: {  	s22 =	simm.s32 $0x1BFF;
	s21 =	sshll.u32 s5, $0x1;
	s2 =	sadd.s32 s19, s18  }
0x9c: {  	s6 =	simm.s32 $0x0;
	s20 =	sshll.u32 s4, $0x1;
	s4 =	sadd.s32 s21, s2  }
0x9d: {  	[timem:s6], [sflag:s22] =	dma.local [hbm:s4], s20  }
0x9e: {  	_ =	swait.ge [sflag:s22], s20  }
0x9f: {  	s3 =	ssub.s32 $0x0, s20;
	[sflag:s22] =	ssyncset.done $0x0  }
0xa0: {  	[sflag:s22] =	ssyncadd.s32 s3;
	_ =	sdelay $0x1  }
0xa1: {  	s23 =	simm.s32 $0x1B8B  }
0xa2: {  	_ =	swait.ge [sflag:s23], $0x1  }
0xa3: {  	[sflag:s23] =	ssyncset.done $0x0  }
0xa4: {  	s25 =	simm.s32 $0x1B8E;
	s24 =	sld [smem:$0x3FFE];
	[sflag:s23] =	ssyncadd.s32 $0xFFFFFFFF  }
0xa5: {  	s26 =	simm.s32 $execute0_lowered;
	[smem:$0x3FD2] =	sst s25  }
0xa6: {  	s4 =	sshll.u32 s26, $0x1;
	_ =	strace $0x80000046;
	[dreg:$0x1] =	wrdreg $0xFFFFFFFF  }
0xa7: {  	s28 =	simm.s32 $_size_execute0_lowered;
	s2 =	sadd.s32 s2, s4;
	[dreg:$0x0] =	wrdreg $0x0  }
0xa8: {  	s4 =	sshll.u32 s28, $0x1;
	[dreg:$0x2] =	wrdreg s2  }
0xa9: {  	[dreg:$0x3] =	wrdreg s4  }
0xaa: {  	[dreg:$0x4] =	wrdreg $0xC0  }
0xab: {  	_ =	task [dreg:s6], $0x5FFFF  }
0xac: {  	[dreg:$0x1] =	wrdreg $0xFFFFFFFF  }
0xad: {  	[dreg:$0x0] =	wrdreg $0x60  }
0xae: {  	[dreg:$0x2] =	wrdreg s24  }
0xaf: {  	[dreg:$0x3] =	wrdreg $0x30000  }
0xb0: {  	[dreg:$0x4] =	wrdreg $0x9  }
0xb1: {  	_ =	task.clear_ibuf [dreg:s6], $0x5FFFF;
	_ =	strace $0x90000046  }
0xb2: {  	s29 =	simm.s32 $0x9;
	_ =	strace $0x80000048  }
0xb3: {  	_ =	swait.ge [sflag:s29], $0x1  }
0xb4: {  	[sflag:s29] =	ssyncadd.s32 $0xFFFFFFFF  }
0xb5: {  	_ =	strace $0x90000048  }
0xb6: {  	_ =	sfence  }
0xb7: {  	s30 =	sld [smem:$0x0];
	_ =	sdelay $0x2  }
0xb8: {  	s31 =	sshll.u32 s1, $0xD;
	s1 =	sshrl.u32 s1, $0x2  }
0xb9: {  	s3 =	sand.u32 $0x4000, s31;
	s1 =	sadd.s32 s1, s30  }
0xba: {  	s0 =	sor.u32 s3, s0;
	s1 =	sshll.u32 s1, $0x11  }
0xbb: {  	s0 =	sor.u32 s1, s0  }
0xbc: {  	s0 =	sadd.s32 $0x8F2B, s0  }
0xbd: {  	[sflag:s0] =	ssyncadd.remote.s32 $0x1  }
0xbe: {  	_ =	sfence.sel $0xFFFF  }
0xbf: {  	[dreg:$0x0] =	wrdreg $0xFFFFFFFF;
	(pc) =	sbr.abs _section_cstart, $3  }
0xc0: {  	[dreg:$0x1] =	wrdreg $0xFFFFFFFF  }
0xc1: {  	_ =	task.clear_ibuf [dreg:s6], $0x2FFFF;
	_ =	strace $0x9FFFFFFF  }
0xc2: {  	(tm) =	ssettm $0x7FFFFFFF  }
0xc3: {  	_ =	shalt  }
tec
execute0_lowered:
.L_overlay_start_1:
0x0: {  	(tag) =	ssettag $0x1  }
0x1: {  	s4 =	rddreg [dreg:$0x0]  }
0x2: {  	s2 =	rddreg [dreg:$0x1]  }
0x3: {  	s0 =	stileid.u32;
	s5 =	srdreg.scid  }
0x4: {  	s1 =	rddreg [dreg:$0x2];
	s6 =	smul.u32 $0x500, s0  }
0x5: {  	s3 =	simm.s32 $0x0;
	s13 =	sand.u32 $0x1, s5;
	s8 =	smul.u32 $0xA000, s0  }
0x6: {  	[smem:$0x7FF] =	sst s3;
	s11 =	smul.u32 $0x2800, s0;
	p0 =	seq.s32 s13, $0x0  }
0x7: {  	_ =	strace $0x80000047;
	s28 =	smul.u32 $0x5000, s13;
	s7 =	ssub.s32 $0x2, s13  }
0x8: {  	s5 =	sadd.s32 $0x5000, s6;
	s29 =	sshrl.u32 s7, $0x1;
	s30 =	sshrl.u32 s8, $0x2  }
0x9: {  	s14 =	sshrl.u32 s11, $0x3;
	s12 =	sadd.s32 $0x800, s11;
	s15 =	sadd.s32 s11, s2  }
0xa: {  	s17 =	sadd.s32 $0x1000, s11;
	s31 =	sadd.s32 $0x1800, s11;
	s11 =	sadd.s32 $0x2000, s11  }
0xb: {  	s5 =	smov.u32 @p0 s6;
	s6 =	sadd.s32 s28, s4;
	s7 =	ssub.s32 s7, s29  }
0xc: {  	s16 =	sshrl.u32 s12, $0x3;
	s18 =	sadd.s32 s12, s2;
	s19 =	sshrl.u32 s17, $0x3  }
0xd: {  	s20 =	sadd.s32 s17, s2;
	s21 =	sshrl.u32 s31, $0x3;
	s23 =	sadd.s32 s31, s2  }
0xe: {  	s24 =	sshrl.u32 s11, $0x3;
	s25 =	sadd.s32 s11, s2;
	s11 =	simm.s32 $0x1  }
0xf: {  	s12 =	simm.s32 $0x2800;
	p0 =	sne.s32 s13, $0x0;
	s13 =	simm.s32 $0x80  }
0x10: {  	s15 =	sshrl.u32 s15, $0x3;
	s5 =	sadd.s32 s5, s4;
	s22 =	sadd.s32 $0xBC00, s6  }
0x11: {  	s6 =	smax.u32 s7, $0x1;
	s17 =	sshrl.u32 s18, $0x3;
	s4 =	sadd.s32 $0x1C00, s5  }
.Ltmp0:
0x12: {  	s5 =	sadd.s32 s30, s2;
	s14 =	sadd.s32 s14, s22;
	(pc) =	sbr.rel .LBB2_1-.Ltmp0, $4  }
0x13: {  	s16 =	sadd.s32 s16, s22;
	s18 =	sadd.s32 s19, s22;
	s19 =	sshrl.u32 s20, $0x3  }
0x14: {  	s20 =	sadd.s32 s21, s22;
	s21 =	sshrl.u32 s23, $0x3;
	s22 =	sadd.s32 s24, s22  }
0x15: {  	s23 =	sshrl.u32 s25, $0x3;
	s24 =	simm.s32 $0x0;
	s7 =	sadd.s32 $0x800, s5  }
0x16: {  	v0 =	vimm.f32 $0.0e+00;
	v1 =	vimm.f32 $1.000000000e+00;
	s8 =	sadd.s32 $0x1000, s5;
	s9 =	sadd.s32 $0x1800, s5;
	s10 =	sadd.s32 $0x2000, s5  }
.LBB2_11:
0x17: {  	[sflag:s11] =	ssyncadd.s32 $0xFFFFF800  }
.LBB2_12:
0x18: {  	s25 =	sshll.u32 s0, $0x6  }
0x19: {  	[bflag:$0x0] =	sbarrier.arrive $0xFFFF;
	s25 =	sor.u32 $0x1C01, s25  }
0x1a: {  	[hbm:s14], [sflag:s25] =	dma.local [spmem:s15], $0x100  }
0x1b: {  	_ =	swait.ge [sflag:s11], $0x100  }
0x1c: {  	[sflag:s11] =	ssyncset.done $0x0  }
0x1d: {  	[sflag:s11] =	ssyncadd.s32 $0xFFFFFF00  }
0x1e: {  	[hbm:s16], [sflag:s25] =	dma.local [spmem:s17], $0x100  }
0x1f: {  	_ =	swait.ge [sflag:s11], $0x100  }
0x20: {  	[sflag:s11] =	ssyncset.done $0x0  }
0x21: {  	[sflag:s11] =	ssyncadd.s32 $0xFFFFFF00  }
0x22: {  	[hbm:s18], [sflag:s25] =	dma.local [spmem:s19], $0x100  }
0x23: {  	_ =	swait.ge [sflag:s11], $0x100  }
0x24: {  	[sflag:s11] =	ssyncset.done $0x0  }
0x25: {  	[sflag:s11] =	ssyncadd.s32 $0xFFFFFF00  }
0x26: {  	[hbm:s20], [sflag:s25] =	dma.local [spmem:s21], $0x100  }
0x27: {  	s24 =	sadd.s32 $0x1, s24;
	_ =	swait.ge [sflag:s11], $0x100  }
0x28: {  	p1 =	sne.s32 s24, s6;
	[sflag:s11] =	ssyncset.done $0x0  }
.Ltmp1:
0x29: {  	[sflag:s11] =	ssyncadd.s32 $0xFFFFFF00;
	(pc) =	sbr.rel @!p1 .LBB2_13-.Ltmp1, $4  }
0x2a: {  	[hbm:s22], [sflag:s25] =	dma.local [spmem:s23], $0x100  }
0x2b: {  	_ =	swait.ge [sflag:s11], $0x100  }
0x2c: {  	[sflag:s11] =	ssyncset.done $0x0  }
0x2d: {  	[sflag:s11] =	ssyncadd.s32 $0xFFFFFF00  }
.LBB2_1:
0x2e: {  	[tilespmem:s3], [sflag:$0x1] =	stream.linear.gather [hbm4b:s4+s3], $0x2800, $0x38;
	[tilespmem:$0x5800] =	vst v63  }
0x2f: {  	_ =	swait.ge [sflag:s11], $0x2800  }
0x30: {  	[sflag:s11] =	ssyncset.done $0x0  }
0x31: {  	s25 =	simm.s32 $0x40;
	s26 =	simm.s32 $0x0;
	[sflag:s11] =	ssyncadd.s32 $0xFFFFD800  }
.LBB2_2:
0x32: {  	p1 =	sne.s32 s25, $0x1FC0;
	[tilespmem:s26+$0x2800] =	vst v0;
	s26 =	smov.u32 s25;
	s25 =	sadd.s32 $0x40, s25  }
.Ltmp2:
0x33: {  	(pc) =	sbr.rel @p1 .LBB2_2-.Ltmp2, $2  }
0x34: {  	_ =	sdelay $0x2  }
0x35: {  	s26 =	sshra.s32 s26, $0x2  }
0x36: {  	[tilespmem:s26+$0x2800] =	vst v0  }
0x37: {  	[spmem:s5] =	stream.linear.scatter [tilespmem:s12], [sflag:$0x1], $0x800, $0x38;
	[tilespmem:$0x5800] =	vst v63  }
0x38: {  	_ =	swait.ge [sflag:s11], $0x800  }
0x39: {  	[sflag:s11] =	ssyncset.done $0x0  }
0x3a: {  	[sflag:s11] =	ssyncadd.s32 $0xFFFFF800  }
0x3b: {  	[spmem:s7] =	stream.linear.scatter [tilespmem:s12], [sflag:$0x1], $0x800, $0x38;
	[tilespmem:$0x5800] =	vst v63  }
0x3c: {  	_ =	swait.ge [sflag:s11], $0x800  }
0x3d: {  	[sflag:s11] =	ssyncset.done $0x0  }
0x3e: {  	[sflag:s11] =	ssyncadd.s32 $0xFFFFF800  }
0x3f: {  	[spmem:s8] =	stream.linear.scatter [tilespmem:s12], [sflag:$0x1], $0x800, $0x38;
	[tilespmem:$0x5800] =	vst v63  }
0x40: {  	_ =	swait.ge [sflag:s11], $0x800  }
0x41: {  	[sflag:s11] =	ssyncset.done $0x0  }
0x42: {  	[sflag:s11] =	ssyncadd.s32 $0xFFFFF800  }
0x43: {  	[spmem:s9] =	stream.linear.scatter [tilespmem:s12], [sflag:$0x1], $0x800, $0x38;
	[tilespmem:$0x5800] =	vst v63  }
0x44: {  	_ =	swait.ge [sflag:s11], $0x800  }
0x45: {  	[sflag:s11] =	ssyncset.done $0x0  }
0x46: {  	[sflag:s11] =	ssyncadd.s32 $0xFFFFF800  }
0x47: {  	[spmem:s10] =	stream.linear.scatter [tilespmem:s12], [sflag:$0x1], $0x800, $0x38;
	[tilespmem:$0x5800] =	vst v63  }
0x48: {  	_ =	swait.ge [sflag:s11], $0x800  }
0x49: {  	[sflag:s11] =	ssyncset.done $0x0  }
0x4a: {  	s25 =	simm.s32 $0x40;
	s26 =	simm.s32 $0x0;
	[sflag:s11] =	ssyncadd.s32 $0xFFFFF800  }
.LBB2_4:
0x4b: {  	p1 =	sne.s32 s25, $0x1FC0;
	[tilespmem:s26+$0x2800] =	vst v1;
	s26 =	smov.u32 s25;
	s25 =	sadd.s32 $0x40, s25  }
.Ltmp3:
0x4c: {  	(pc) =	sbr.rel @p1 .LBB2_4-.Ltmp3, $2  }
0x4d: {  	_ =	sdelay $0x2  }
0x4e: {  	s26 =	sshra.s32 s26, $0x2  }
.Ltmp4:
0x4f: {  	(pc) =	sbr.rel @p0 .LBB2_9-.Ltmp4, $4  }
0x50: {  	_ = 	snop  }
0x51: {  	[tilespmem:s26+$0x2800] =	vst v1  }
0x52: {  	s25 =	simm.s32 $0x0;
	[bflag:$0x0] =	sbarrier.arrive $0xFFFF  }
0x53: {  	s26 =	sshra.s32 s25, $0x2  }
0x54: {  	[spmem:s2] =	stream.indirect.scatter.add.f32 [tilespmem:s12], [sflag:$0x1], $0x10, s26, s13, $0xb8;
	[tilespmem:$0x5800] =	vst v63  }
0x55: {  	_ =	swait.ge [sflag:s11], $0x800  }
0x56: {  	s25 =	sadd.s32 $0x200, s25;
	[sflag:s11] =	ssyncset.done $0x0  }
.LBB2_7:
0x57: {  	s26 =	sshra.s32 s25, $0x2;
	[sflag:s11] =	ssyncadd.s32 $0xFFFFF800;
	p1 =	seq.s32 s25, $0x9E00  }
0x58: {  	[spmem:s2] =	stream.indirect.scatter.add.f32 [tilespmem:s12], [sflag:$0x1], $0x10, s26, s13, $0xb8;
	[tilespmem:$0x5800] =	vst v63  }
.Ltmp5:
0x59: {  	_ = 	snop;
	(pc) =	sbr.rel @!p1 .LBB2_7-.Ltmp5, $4  }
0x5a: {  	_ = 	snop  }
0x5b: {  	s25 =	sadd.s32 $0x200, s25  }
0x5c: {  	_ =	swait.ge [sflag:s11], $0x800  }
0x5d: {  	[sflag:s11] =	ssyncset.done $0x0  }
.Ltmp6:
0x5e: {  	(pc) =	sbr.rel .LBB2_12-.Ltmp6, $2  }
0x5f: {  	_ =	sdelay $0x2  }
0x60: {  	[sflag:s11] =	ssyncadd.s32 $0xFFFFF800  }
.LBB2_9:
0x61: {  	[spmem:s2] =	stream.indirect.scatter.add.f32 [tilespmem:s12], [sflag:$0x1], $0x10, s26, s13, $0xb8;
	[tilespmem:$0x5800] =	vst v63  }
0x62: {  	_ =	swait.ge [sflag:s11], $0x800  }
0x63: {  	s25 =	sadd.s32 $0x200, s25;
	[sflag:s11] =	ssyncset.done $0x0  }
.LBB2_10:
0x64: {  	s26 =	sshra.s32 s25, $0x2;
	[sflag:s11] =	ssyncadd.s32 $0xFFFFF800;
	p1 =	sne.s32 s25, $0x9E00  }
0x65: {  	[spmem:s2] =	stream.indirect.scatter.add.f32 [tilespmem:s12], [sflag:$0x1], $0x10, s26, s13, $0xb8;
	[tilespmem:$0x5800] =	vst v63  }
.Ltmp7:
0x66: {  	_ = 	snop;
	(pc) =	sbr.rel @p1 .LBB2_10-.Ltmp7, $4  }
0x67: {  	_ = 	snop  }
0x68: {  	s25 =	sadd.s32 $0x200, s25  }
0x69: {  	_ =	swait.ge [sflag:s11], $0x800  }
0x6a: {  	[sflag:s11] =	ssyncset.done $0x0  }
.Ltmp8:
0x6b: {  	_ = 	snop;
	(pc) =	sbr.rel .LBB2_11-.Ltmp8, $1  }
0x6c: {  	_ =	sdelay $0x3  }
.LBB2_13:
0x6d: {  	_ =	sfence.sel $0x180000  }
0x6e: {  	[bflag:$0x0] =	sbarrier.arrive $0xFFFF  }
0x6f: {  	p0 =	sne.s32 s0, $0x0;
	_ =	strace $0x90000047  }
0x70: {  	s0 =	sadd.s32 @!p0 $0x100000, s1;
	[bflag:$0x2] =	sbarrier.arrive $0xFFFF  }
0x71: {  	[sflag:s0] =	ssyncadd.tile.s32 @!p0 $0x1;
	_ =	shalt  }
.Lfunc_end2:
_tile_overlayer_lowered:
.L_overlay_start_2:
0x72: {  	(tag) =	ssettag $0x2  }
0x73: {  	s0 =	rddreg [dreg:$0x0];
	s2 =	stileid.u32  }
0x74: {  	s1 =	rddreg [dreg:$0x1];
	p0 =	sne.s32 s2, $0x0  }
0x75: {  	s3 =	rddreg [dreg:$0x2];
	[bflag:$0x3] =	sbarrier.arrive $0xFFFF;
	s2 =	simm.s32 @!p0 $0x1C01  }
0x76: {  	[timem:s3], [sflag:s2] =	dma.local @!p0 [hbm:s0], s1  }
0x77: {  	s0 =	simm.s32 @!p0 $0x1  }
0x78: {  	_ =	swait.ge @!p0 [sflag:s0], s1  }
0x79: {  	s1 =	ssub.s32 @!p0 $0x0, s1;
	[sflag:s0] =	ssyncset.done @!p0 $0x0  }
0x7a: {  	[sflag:s0] =	ssyncadd.s32 @!p0 s1  }
0x7b: {  	[bflag:$0x3] =	sbarrier.arrive $0xFFFF  }
0x7c: {  	_ =	shalt  }

// kernel: kernel.13.cloned.1.call-start
scs
__scs_entry_jumppad:
0x0: {  	(pc) =	sbr.rel $0x88, $3  }
0x1: {  	(tag) =	ssettag $0x0;
	lr =	simm.s32 $0x1  }
0x2: {  	[smem:$0x3F99] =	sst lr;
	_ =	strace $0xD0000000  }
0x3: {  	_ = 	snop  }
0x4: {  	_ = 	snop  }
0x5: {  	_ = 	snop  }
0x6: {  	_ = 	snop  }
0x7: {  	_ = 	snop  }
__scs_overlays_trampoline_lowered:
0x8: {  	[smem:$0x3FA8] =	sst s0  }
0x9: {  	[smem:$0x3FA9] =	sst s1  }
0xa: {  	[smem:$0x3FAA] =	sst s2  }
0xb: {  	[smem:$0x3FAB] =	sst s3  }
0xc: {  	[smem:$0x3FAC] =	sst s4  }
0xd: {  	[smem:$0x3FAD] =	sst s5  }
0xe: {  	[smem:$0x3FAE] =	sst s6  }
0xf: {  	[smem:$0x3FAF] =	sst s7  }
0x10: {  	[smem:$0x3FB0] =	sst s8  }
0x11: {  	[smem:$0x3FB1] =	sst s9;
	s0 =	simm.s32 @!p0 $0x0  }
0x12: {  	s1 =	sld [smem:$0x3F97];
	s0 =	simm.s32 @p0 $0x1  }
0x13: {  	[smem:$0x3FB2] =	sst s0;
	s0 =	simm.s32 @!p1 $0x0  }
0x14: {  	s2 =	sld [smem:$0x3F96];
	s0 =	simm.s32 @p1 $0x1  }
0x15: {  	[smem:$0x3FB3] =	sst s0;
	s0 =	simm.s32 @!p2 $0x0  }
0x16: {  	s3 =	sld [smem:$0x3FDB];
	s0 =	simm.s32 @p2 $0x1  }
0x17: {  	s4 =	simm.s32 $0x1BF5;
	[smem:$0x3FB5] =	sst s0  }
0x18: {  	s0 =	sld [smem:$0x3F98];
	_ =	swait.ge [sflag:s4], $0x0  }
0x19: {  	s7 =	sld [smem:$0x3F99]  }
0x1a: {  	s8 =	sadd.s32 $0xFFFFE003, lr  }
0x1b: {  	s9 =	sadd.s32 $0xFFFFFEF7, lr;
	s5 =	simm.s32 $0xFFFFFFFF;
	p2 =	slt.u32 s8, $0xFFFFF086  }
0x1c: {  	p1 =	slt.u32 s9, $0xF7A;
	s5 =	simm.s32 @!p2 $0x0  }
0x1d: {  	s5 =	simm.s32 @p1 $0x1;
	p0 =	seq.s32 s7, s2  }
0x1e: {  	s7 =	smul.u32 @!p0 $0xF7A, s2;
	p2 =	seq.s32 @!p0 s5, $0x0  }
0x1f: {  	s9 =	smul.u32 $0xF7A, s1;
	s8 =	simm.s32 @!p0 $0x1BF5;
	p2 =	por !p2, p0  }
0x20: {  	[sflag:s8] =	ssyncset.s32 @!p0 $0xFFFFF086;
	s6 =	sadd.s32 @!p0 s3, s7;
	s7 =	simm.s32 @!p0 $0x108  }
0x21: {  	s3 =	sadd.s32 s3, s9;
	s6 =	sadd.s32 @!p0 $0x88, s6;
	s7 =	simm.s32 @p2 $0x1082  }
0x22: {  	[simem:s7], [sflag:s8] =	dma.local @!p0 [hbm:s6], $0xF7A  }
0x23: {  	s9 =	sor.u32 $0xD0000000, s2;
	s6 =	simm.s32 $0x108;
	_ =	swait.ge @!p0 [sflag:s8], $0x0  }
0x24: {  	s3 =	sadd.s32 $0x88, s3;
	s6 =	simm.s32 @!p1 $0x1082;
	[sflag:s4] =	ssyncset.s32 $0xFFFFF086  }
0x25: {  	[simem:s6], [sflag:s4] =	dma.local [hbm:s3], $0xF7A  }
0x26: {  	[smem:$0x3F99] =	sst s1;
	(tag) =	ssettag s2;
	_ =	strace s9  }
0x27: {  	s1 =	sld [smem:$0x3FA9]  }
0x28: {  	s2 =	sld [smem:$0x3FAA]  }
0x29: {  	s4 =	sld [smem:$0x3FAC]  }
0x2a: {  	p0 =	seq.s32 s5, $0x0;
	s5 =	sld [smem:$0x3FAD]  }
0x2b: {  	s6 =	sld [smem:$0x3FAE]  }
0x2c: {  	s7 =	sld [smem:$0x3FAF]  }
0x2d: {  	s3 =	simm.s32 $0x108;
	s8 =	sld [smem:$0x3FB0]  }
0x2e: {  	s3 =	simm.s32 @!p0 $0x1082;
	s9 =	sld [smem:$0x3FB1]  }
0x2f: {  	lr =	sadd.s32 s0, s3;
	s0 =	sld [smem:$0x3FA8]  }
0x30: {  	s3 =	sld [smem:$0x3FAB]  }
0x31: {  	[smem:$0x3FB4] =	sst s10  }
0x32: {  	s10 =	sld [smem:$0x3FB2];
	_ =	sdelay $0x3  }
0x33: {  	p0 =	seq.s32 s10, $0x1;
	s10 =	sld [smem:$0x3FB4];
	_ =	sdelay $0x3  }
0x34: {  	[smem:$0x3FB4] =	sst s10  }
0x35: {  	s10 =	sld [smem:$0x3FB3];
	_ =	sdelay $0x3  }
0x36: {  	p1 =	seq.s32 s10, $0x1;
	s10 =	sld [smem:$0x3FB4];
	_ =	sdelay $0x3  }
0x37: {  	[smem:$0x3FB4] =	sst s10  }
0x38: {  	s10 =	sld [smem:$0x3FB5]  }
0x39: {  	_ = 	snop;
	(pc) =	sbr.ind lr, $3  }
0x3a: {  	_ = 	snop  }
0x3b: {  	_ = 	snop  }
0x3c: {  	p2 =	seq.s32 s10, $0x1;
	s10 =	sld [smem:$0x3FB4]  }
0x3d: {  	_ =	shalt  }
0x3e: {  	_ =	shalt  }
0x3f: {  	_ =	shalt  }
0x40: {  	_ =	shalt  }
0x41: {  	_ =	shalt  }
0x42: {  	_ =	shalt  }
0x43: {  	_ =	shalt  }
0x44: {  	_ =	shalt  }
0x45: {  	_ =	shalt  }
0x46: {  	_ =	shalt  }
0x47: {  	_ =	shalt  }
0x48: {  	_ =	shalt  }
0x49: {  	_ =	shalt  }
0x4a: {  	_ =	shalt  }
0x4b: {  	_ =	shalt  }
0x4c: {  	_ =	shalt  }
0x4d: {  	_ =	shalt  }
0x4e: {  	_ =	shalt  }
0x4f: {  	_ =	shalt  }
0x50: {  	_ =	shalt  }
0x51: {  	_ =	shalt  }
0x52: {  	_ =	shalt  }
0x53: {  	_ =	shalt  }
0x54: {  	_ =	shalt  }
0x55: {  	_ =	shalt  }
0x56: {  	_ =	shalt  }
0x57: {  	_ =	shalt  }
0x58: {  	_ =	shalt  }
0x59: {  	_ =	shalt  }
0x5a: {  	_ =	shalt  }
0x5b: {  	_ =	shalt  }
0x5c: {  	_ =	shalt  }
0x5d: {  	_ =	shalt  }
0x5e: {  	_ =	shalt  }
0x5f: {  	_ =	shalt  }
0x60: {  	_ =	shalt  }
0x61: {  	_ =	shalt  }
0x62: {  	_ =	shalt  }
0x63: {  	_ =	shalt  }
0x64: {  	_ =	shalt  }
0x65: {  	_ =	shalt  }
0x66: {  	_ =	shalt  }
0x67: {  	_ =	shalt  }
0x68: {  	_ =	shalt  }
0x69: {  	_ =	shalt  }
0x6a: {  	_ =	shalt  }
0x6b: {  	_ =	shalt  }
0x6c: {  	_ =	shalt  }
0x6d: {  	_ =	shalt  }
0x6e: {  	_ =	shalt  }
0x6f: {  	_ =	shalt  }
0x70: {  	_ =	shalt  }
0x71: {  	_ =	shalt  }
0x72: {  	_ =	shalt  }
0x73: {  	_ =	shalt  }
0x74: {  	_ =	shalt  }
0x75: {  	_ =	shalt  }
0x76: {  	_ =	shalt  }
0x77: {  	_ =	shalt  }
0x78: {  	_ =	shalt  }
0x79: {  	_ =	shalt  }
0x7a: {  	_ =	shalt  }
0x7b: {  	_ =	shalt  }
0x7c: {  	_ =	shalt  }
0x7d: {  	_ =	shalt  }
0x7e: {  	_ =	shalt  }
0x7f: {  	_ =	shalt  }
0x80: {  	_ =	shalt  }
0x81: {  	_ =	shalt  }
0x82: {  	_ =	shalt  }
0x83: {  	_ =	shalt  }
0x84: {  	_ =	shalt  }
0x85: {  	_ =	shalt  }
0x86: {  	_ =	shalt  }
0x87: {  	_ =	shalt  }
.Lfunc_end0:
.L_simem_size_0:
called_computation.1_lowered:
.L_overlay_start_0:
0x88: {  	s2 =	sld [smem:$0x3FD9]  }
0x89: {  	s3 =	sld [smem:$0x3FFE];
	_ =	sdelay $0x1  }
0x8a: {  	s1 =	srdreg.scid  }
0x8b: {  	s0 =	sand.u32 $0x1, s1  }
0x8c: {  	s16 =	sshll.u32 s0, $0xA;
	s2 =	sadd.s32 s3, s2  }
0x8d: {  	s2 =	sadd.s32 s2, s16  }
0x8e: {  	[smem:$0x3FC0] =	sst s2  }
0x8f: {  	_ = 	snop  }
0x90: {  	(tm) =	ssettm $0x1  }
0x91: {  	s17 =	sld [smem:$0x3FFB];
	_ =	sdelay $0x3  }
0x92: {  	_ =	strace s17  }
0x93: {  	s2 =	sld [smem:$0x3FFC];
	_ =	sdelay $0x3  }
0x94: {  	_ =	strace s2  }
0x95: {  	s2 =	sld [smem:$0x3FFD];
	_ =	sdelay $0x3  }
0x96: {  	_ =	strace s2  }
0x97: {  	_ =	strace $0x8FFFFFFF  }
0x98: {  	s18 =	sld [smem:$0x3FDB];
	_ =	sdelay $0x1  }
0x99: {  	s19 =	simm.s32 $_scs_section_size  }
0x9a: {  	s4 =	simm.s32 $_size__tile_overlayer_lowered;
	s5 =	simm.s32 $_tile_overlayer_lowered  }
0x9b: {  	s22 =	simm.s32 $0x1BFF;
	s21 =	sshll.u32 s5, $0x1;
	s2 =	sadd.s32 s19, s18  }
0x9c: {  	s6 =	simm.s32 $0x0;
	s20 =	sshll.u32 s4, $0x1;
	s4 =	sadd.s32 s21, s2  }
0x9d: {  	[timem:s6], [sflag:s22] =	dma.local [hbm:s4], s20  }
0x9e: {  	_ =	swait.ge [sflag:s22], s20  }
0x9f: {  	s3 =	ssub.s32 $0x0, s20;
	[sflag:s22] =	ssyncset.done $0x0  }
0xa0: {  	[sflag:s22] =	ssyncadd.s32 s3;
	_ =	sdelay $0x1  }
0xa1: {  	s23 =	simm.s32 $0x1B8B  }
0xa2: {  	_ =	swait.ge [sflag:s23], $0x1  }
0xa3: {  	[sflag:s23] =	ssyncset.done $0x0  }
0xa4: {  	s25 =	simm.s32 $0x1B8E;
	s24 =	sld [smem:$0x3FFE];
	[sflag:s23] =	ssyncadd.s32 $0xFFFFFFFF  }
0xa5: {  	s26 =	simm.s32 $execute0_lowered;
	[smem:$0x3FD2] =	sst s25  }
0xa6: {  	s4 =	sshll.u32 s26, $0x1;
	_ =	strace $0x80000049;
	[dreg:$0x1] =	wrdreg $0xFFFFFFFF  }
0xa7: {  	s28 =	simm.s32 $_size_execute0_lowered;
	s2 =	sadd.s32 s2, s4;
	[dreg:$0x0] =	wrdreg $0x0  }
0xa8: {  	s4 =	sshll.u32 s28, $0x1;
	[dreg:$0x2] =	wrdreg s2  }
0xa9: {  	[dreg:$0x3] =	wrdreg s4  }
0xaa: {  	[dreg:$0x4] =	wrdreg $0xC0  }
0xab: {  	_ =	task [dreg:s6], $0x5FFFF  }
0xac: {  	[dreg:$0x1] =	wrdreg $0xFFFFFFFF  }
0xad: {  	[dreg:$0x0] =	wrdreg $0x60  }
0xae: {  	[dreg:$0x2] =	wrdreg s24  }
0xaf: {  	[dreg:$0x3] =	wrdreg $0x108000  }
0xb0: {  	[dreg:$0x4] =	wrdreg $0x9  }
0xb1: {  	_ =	task.clear_ibuf [dreg:s6], $0x5FFFF;
	_ =	strace $0x90000049  }
0xb2: {  	s29 =	simm.s32 $0x9;
	_ =	strace $0x8000004B  }
0xb3: {  	_ =	swait.ge [sflag:s29], $0x1  }
0xb4: {  	[sflag:s29] =	ssyncadd.s32 $0xFFFFFFFF  }
0xb5: {  	_ =	strace $0x9000004B  }
0xb6: {  	_ =	sfence  }
0xb7: {  	s30 =	sld [smem:$0x0];
	_ =	sdelay $0x2  }
0xb8: {  	s31 =	sshll.u32 s1, $0xD;
	s1 =	sshrl.u32 s1, $0x2  }
0xb9: {  	s3 =	sand.u32 $0x4000, s31;
	s1 =	sadd.s32 s1, s30  }
0xba: {  	s0 =	sor.u32 s3, s0;
	s1 =	sshll.u32 s1, $0x11  }
0xbb: {  	s0 =	sor.u32 s1, s0  }
0xbc: {  	s0 =	sadd.s32 $0x8F2B, s0  }
0xbd: {  	[sflag:s0] =	ssyncadd.remote.s32 $0x1  }
0xbe: {  	_ =	sfence.sel $0xFFFF  }
0xbf: {  	[dreg:$0x0] =	wrdreg $0xFFFFFFFF;
	(pc) =	sbr.abs _section_cstart, $3  }
0xc0: {  	[dreg:$0x1] =	wrdreg $0xFFFFFFFF  }
0xc1: {  	_ =	task.clear_ibuf [dreg:s6], $0x2FFFF;
	_ =	strace $0x9FFFFFFF  }
0xc2: {  	(tm) =	ssettm $0x7FFFFFFF  }
0xc3: {  	_ =	shalt  }
tec
execute0_lowered:
.L_overlay_start_1:
0x0: {  	(tag) =	ssettag $0x1  }
0x1: {  	s11 =	stileid.u32  }
0x2: {  	s0 =	rddreg [dreg:$0x0];
	s3 =	smul.u32 $0x18, s11  }
0x3: {  	s2 =	rddreg [dreg:$0x1];
	s4 =	smul.u32 $0x88, s11  }
0x4: {  	s1 =	srdreg.scid;
	s5 =	simm.s32 $0x0;
	s17 =	smul.u32 $0x28000, s11  }
0x5: {  	s1 =	sand.u32 $0x1, s1;
	[smem:$0x7FF] =	sst s5;
	s11 =	smul.u32 $0xA000, s11  }
0x6: {  	p0 =	seq.s32 s1, $0x0;
	_ =	strace $0x8000004A;
	s8 =	ssub.s32 $0x2, s1  }
0x7: {  	s7 =	smul.u32 $0x14000, s1;
	s3 =	sadd.s32 $0x880, s3;
	s9 =	sshrl.u32 s8, $0x1  }
0x8: {  	s18 =	sshrl.u32 s17, $0x2;
	s12 =	sadd.s32 $0x2000, s11;
	s13 =	sshrl.u32 s11, $0x3  }
0x9: {  	s15 =	sadd.s32 $0x4000, s11;
	s17 =	sadd.s32 $0x6000, s11;
	s24 =	sadd.s32 $0x8000, s11  }
0xa: {  	s3 =	smov.u32 @p0 s4;
	s4 =	sadd.s32 $0x96E00, s0;
	s8 =	ssub.s32 s8, s9  }
0xb: {  	s14 =	sshrl.u32 s12, $0x3;
	s16 =	sshrl.u32 s15, $0x3;
	s25 =	sshrl.u32 s17, $0x3  }
0xc: {  	p0 =	sne.s32 s1, $0x0;
	s26 =	sshrl.u32 s24, $0x3;
	s17 =	sadd.s32 s17, s2  }
0xd: {  	s29 =	smin.u32 s3, $0x978;
	s23 =	sshll.u32 s3, $0x7;
	s8 =	smax.u32 s8, $0x1  }
0xe: {  	s6 =	sshll.u32 s29, $0x4;
	s9 =	ssub.s32 s3, s29;
	s3 =	sshll.u32 s3, $0x9  }
0xf: {  	s5 =	sshll.u32 s29, $0x9;
	[dreg:$0xe] =	wrdreg s8;
	s8 =	simm.s32 $0xA800  }
0x10: {  	s6 =	sadd.s32 s6, s0;
	s0 =	sadd.s32 s7, s0;
	s19 =	sshll.u32 s9, $0x9  }
0x11: {  	s7 =	sadd.s32 s18, s2;
	s21 =	sshll.u32 s9, $0x7;
	s18 =	sshll.u32 s29, $0x7  }
0x12: {  	s3 =	ssub.s32 s3, s5;
	s10 =	sadd.s32 $0x15C00, s6;
	s6 =	sadd.s32 $0x1C00, s6  }
0x13: {  	s20 =	sshra.s32 s19, $0x2;
	s22 =	sor.u32 $0x80, s21;
	[dreg:$0x3] =	wrdreg s10  }
0x14: {  	s0 =	sadd.s32 $0xAA800, s0;
	s19 =	sshra.s32 s3, $0x2;
	[dreg:$0x4] =	wrdreg s6  }
0x15: {  	s30 =	sadd.s32 $0x4000, s7;
	s31 =	sadd.s32 $0x6000, s7;
	[dreg:$0x5] =	wrdreg s20  }
0x16: {  	s1 =	sadd.s32 $0x8000, s7;
	s3 =	simm.s32 $0x5;
	[dreg:$0x6] =	wrdreg s22  }
0x17: {  	s10 =	ssub.s32 s23, s18;
	s13 =	sadd.s32 s13, s0;
	s28 =	sadd.s32 s14, s0  }
0x18: {  	s29 =	sadd.s32 s16, s0;
	s5 =	sadd.s32 s25, s0;
	s0 =	sadd.s32 s26, s0  }
0x19: {  	s6 =	sor.u32 $0x180, s21;
	s14 =	sadd.s32 s12, s2;
	[dreg:$0x7] =	wrdreg s13  }
0x1a: {  	s16 =	sadd.s32 s15, s2;
	s23 =	sadd.s32 s24, s2;
	[dreg:$0x8] =	wrdreg s28  }
0x1b: {  	s20 =	sadd.s32 $0x18, s9;
	s22 =	sor.u32 $0x7, s9;
	[dreg:$0x9] =	wrdreg s29  }
0x1c: {  	s26 =	sshrl.u32 s17, $0x3;
	s12 =	simm.s32 $0x1;
	[dreg:$0xa] =	wrdreg s5  }
0x1d: {  	s15 =	simm.s32 $0x4;
	[dreg:$0xb] =	wrdreg s0;
	s5 =	sor.u32 $0x100, s21  }
0x1e: {  	[dreg:$0xd] =	wrdreg s6;
	s13 =	sadd.s32 s11, s2;
	s21 =	sadd.s32 $0x88, s9  }
0x1f: {  	s24 =	sshrl.u32 s14, $0x3;
	s25 =	sshrl.u32 s16, $0x3;
	[dreg:$0x12] =	wrdreg s26  }
0x20: {  	s28 =	sshrl.u32 s23, $0x3;
	s29 =	sadd.s32 $0x2000, s7;
	[dreg:$0xc] =	wrdreg s5  }
.Ltmp0:
0x21: {  	s6 =	simm.s32 $0x80;
	[dreg:$0x10] =	wrdreg s24;
	(pc) =	sbr.rel .LBB2_1-.Ltmp0, $4  }
0x22: {  	s9 =	simm.s32 $0xC800;
	s11 =	simm.s32 $0xE800;
	[dreg:$0x11] =	wrdreg s25  }
0x23: {  	s14 =	simm.s32 $0x3;
	s16 =	simm.s32 $0x0;
	[dreg:$0x13] =	wrdreg s28  }
0x24: {  	s0 =	sshrl.u32 s13, $0x3;
	[dreg:$0x14] =	wrdreg s29;
	s5 =	simm.s32 $0x8800  }
0x25: {  	v0 =	vimm.f32 $0.0e+00;
	s13 =	simm.s32 $0x2;
	[dreg:$0xf] =	wrdreg s0;
	s0 =	sadd.s32 $0x4400, s19  }
.LBB2_9:
0x26: {  	[sflag:s3] =	ssyncadd.s32 $0xFFFFE000;
	s17 =	sadd.s32 @!p2 $0x380, s24  }
0x27: {  	[tilespmem:s26], [sflag:$0x4] =	stream.indirect.gather @!p2 [hbm4b:s4+s28], $0x40, s17, s28, $0xb8;
	[tilespmem:$0x1A800] =	vst v63  }
.LBB2_10:
0x28: {  	s17 =	stileid.u32;
	[bflag:$0x0] =	sbarrier.arrive $0xFFFF  }
0x29: {  	s17 =	sshll.u32 s17, $0x6;
	s18 =	rddreg [dreg:$0x7]  }
0x2a: {  	s23 =	rddreg [dreg:$0xf];
	s17 =	sor.u32 $0x1C05, s17  }
0x2b: {  	[hbm:s18], [sflag:s17] =	dma.local [spmem:s23], $0x400  }
0x2c: {  	_ =	swait.ge [sflag:s3], $0x400  }
0x2d: {  	[sflag:s3] =	ssyncset.done $0x0;
	s25 =	rddreg [dreg:$0x8]  }
0x2e: {  	s26 =	rddreg [dreg:$0x10];
	[sflag:s3] =	ssyncadd.s32 $0xFFFFFC00  }
0x2f: {  	[hbm:s25], [sflag:s17] =	dma.local [spmem:s26], $0x400  }
0x30: {  	_ =	swait.ge [sflag:s3], $0x400  }
0x31: {  	[sflag:s3] =	ssyncset.done $0x0;
	s28 =	rddreg [dreg:$0x9]  }
0x32: {  	s29 =	rddreg [dreg:$0x11];
	[sflag:s3] =	ssyncadd.s32 $0xFFFFFC00  }
0x33: {  	[hbm:s28], [sflag:s17] =	dma.local [spmem:s29], $0x400  }
0x34: {  	_ =	swait.ge [sflag:s3], $0x400  }
0x35: {  	[sflag:s3] =	ssyncset.done $0x0;
	s24 =	rddreg [dreg:$0xa]  }
0x36: {  	s25 =	rddreg [dreg:$0x12];
	[sflag:s3] =	ssyncadd.s32 $0xFFFFFC00  }
0x37: {  	[hbm:s24], [sflag:s17] =	dma.local [spmem:s25], $0x400  }
0x38: {  	_ =	swait.ge [sflag:s3], $0x400  }
0x39: {  	[sflag:s3] =	ssyncset.done $0x0;
	s26 =	rddreg [dreg:$0xb]  }
0x3a: {  	s28 =	rddreg [dreg:$0x13];
	[sflag:s3] =	ssyncadd.s32 $0xFFFFFC00  }
0x3b: {  	[hbm:s26], [sflag:s17] =	dma.local [spmem:s28], $0x400  }
0x3c: {  	_ =	swait.ge [sflag:s3], $0x400  }
0x3d: {  	s16 =	sadd.s32 $0x1, s16;
	s29 =	rddreg [dreg:$0xe]  }
0x3e: {  	p1 =	sne.s32 s16, s29  }
.Ltmp1:
0x3f: {  	_ = 	snop;
	(pc) =	sbr.rel @!p1 .LBB2_11-.Ltmp1, $3  }
0x40: {  	_ =	sdelay $0x1  }
0x41: {  	[sflag:s3] =	ssyncset.done $0x0  }
0x42: {  	[sflag:s3] =	ssyncadd.s32 $0xFFFFFC00  }
.LBB2_1:
0x43: {  	s17 =	simm.s32 $0x0;
	s18 =	rddreg [dreg:$0x3]  }
0x44: {  	[tilespmem:s17], [sflag:$0x5] =	stream.linear.gather [hbm4b:s18+s17], $0x4400, $0x38;
	[tilespmem:$0x1A800] =	vst v63  }
0x45: {  	_ =	swait.ge [sflag:s3], $0x4400  }
0x46: {  	[sflag:s3] =	ssyncset.done $0x0  }
0x47: {  	s23 =	simm.s32 $0x4400;
	s29 =	rddreg [dreg:$0x4];
	[sflag:s3] =	ssyncadd.s32 $0xFFFFBC00  }
0x48: {  	[tilespmem:s23], [sflag:$0x5] =	stream.linear.gather [hbm4b:s29+s17], $0x4400, $0x38;
	[tilespmem:$0x1A800] =	vst v63  }
0x49: {  	_ =	swait.ge [sflag:s3], $0x4400  }
0x4a: {  	[sflag:s3] =	ssyncset.done $0x0  }
0x4b: {  	s18 =	simm.s32 $0x100;
	s17 =	simm.s32 $0x0;
	[sflag:s3] =	ssyncadd.s32 $0xFFFFBC00  }
.LBB2_2:
0x4c: {  	p1 =	sne.s32 s18, $0x7F00;
	[tilespmem:s17+$0x8830] =	vst v0;
	s23 =	smov.u32 s18;
	s18 =	sadd.s32 $0x100, s18  }
.Ltmp2:
0x4d: {  	[tilespmem:s17+$0x8820] =	vst v0;
	(pc) =	sbr.rel @p1 .LBB2_2-.Ltmp2, $3  }
0x4e: {  	[tilespmem:s17+$0x8800] =	vst v0  }
0x4f: {  	[tilespmem:s17+$0x8810] =	vst v0;
	_ =	sdelay $0x1  }
0x50: {  	s17 =	sshra.s32 s23, $0x2  }
0x51: {  	[tilespmem:s17+$0x8830] =	vst v0  }
0x52: {  	[tilespmem:s17+$0x8820] =	vst v0  }
0x53: {  	[tilespmem:s17+$0x8800] =	vst v0  }
0x54: {  	[tilespmem:s17+$0x8810] =	vst v0  }
0x55: {  	[spmem:s7] =	stream.linear.scatter [tilespmem:s5], [sflag:$0x5], $0x2000, $0x38;
	[tilespmem:$0x1A800] =	vst v63  }
0x56: {  	_ =	swait.ge [sflag:s3], $0x2000  }
0x57: {  	[sflag:s3] =	ssyncset.done $0x0  }
0x58: {  	s24 =	rddreg [dreg:$0x14];
	[sflag:s3] =	ssyncadd.s32 $0xFFFFE000  }
0x59: {  	[spmem:s24] =	stream.linear.scatter [tilespmem:s5], [sflag:$0x5], $0x2000, $0x38;
	[tilespmem:$0x1A800] =	vst v63  }
0x5a: {  	_ =	swait.ge [sflag:s3], $0x2000  }
0x5b: {  	[sflag:s3] =	ssyncset.done $0x0  }
0x5c: {  	[sflag:s3] =	ssyncadd.s32 $0xFFFFE000  }
0x5d: {  	[spmem:s30] =	stream.linear.scatter [tilespmem:s5], [sflag:$0x5], $0x2000, $0x38;
	[tilespmem:$0x1A800] =	vst v63  }
0x5e: {  	_ =	swait.ge [sflag:s3], $0x2000  }
0x5f: {  	[sflag:s3] =	ssyncset.done $0x0  }
0x60: {  	[sflag:s3] =	ssyncadd.s32 $0xFFFFE000  }
0x61: {  	[spmem:s31] =	stream.linear.scatter [tilespmem:s5], [sflag:$0x5], $0x2000, $0x38;
	[tilespmem:$0x1A800] =	vst v63  }
0x62: {  	_ =	swait.ge [sflag:s3], $0x2000  }
0x63: {  	[sflag:s3] =	ssyncset.done $0x0  }
0x64: {  	[sflag:s3] =	ssyncadd.s32 $0xFFFFE000  }
0x65: {  	[spmem:s1] =	stream.linear.scatter [tilespmem:s5], [sflag:$0x5], $0x2000, $0x38;
	[tilespmem:$0x1A800] =	vst v63  }
0x66: {  	_ =	swait.ge [sflag:s3], $0x2000  }
0x67: {  	[sflag:s3] =	ssyncset.done $0x0  }
0x68: {  	[sflag:s3] =	ssyncadd.s32 $0xFFFFE000  }
0x69: {  	[bflag:$0x0] =	sbarrier.arrive $0xFFFF  }
0x6a: {  	s25 =	rddreg [dreg:$0x5]  }
0x6b: {  	[tilespmem:s5], [sflag:$0x1] =	stream.indirect.gather [hbm4b:s4+s6], $0x40, s25, s6, $0xb8;
	[tilespmem:$0x1A800] =	vst v63  }
0x6c: {  	s26 =	rddreg [dreg:$0x6]  }
0x6d: {  	[tilespmem:s8], [sflag:$0x2] =	stream.indirect.gather [hbm4b:s4+s6], $0x40, s26, s6, $0xb8;
	[tilespmem:$0x1A800] =	vst v63  }
.Ltmp3:
0x6e: {  	_ = 	snop;
	(pc) =	sbr.rel @p0 .LBB2_7-.Ltmp3, $4  }
0x6f: {  	s28 =	rddreg [dreg:$0xc]  }
0x70: {  	[tilespmem:s9], [sflag:$0x3] =	stream.indirect.gather [hbm4b:s4+s6], $0x40, s28, s6, $0xb8;
	[tilespmem:$0x1A800] =	vst v63  }
0x71: {  	s29 =	rddreg [dreg:$0xd]  }
0x72: {  	[tilespmem:s11], [sflag:$0x4] =	stream.indirect.gather [hbm4b:s4+s6], $0x40, s29, s6, $0xb8;
	[tilespmem:$0x1A800] =	vst v63  }
0x73: {  	_ =	swait.ge [sflag:s12], $0x2000  }
0x74: {  	[sflag:s12] =	ssyncset.done $0x0  }
0x75: {  	s17 =	sadd.s32 $0x0, s0;
	s18 =	sadd.s32 $0xFFFFFFFD, s22;
	[sflag:s12] =	ssyncadd.s32 $0xFFFFE000  }
0x76: {  	[spmem:s2] =	stream.indirect.scatter.add.f32 [tilespmem:s5], [sflag:$0x5], $0x40, s17, s6, $0xb8;
	[tilespmem:$0x1A800] =	vst v63  }
0x77: {  	p1 =	sge.u32 s18, s21;
	_ =	swait.ge [sflag:s3], $0x2000  }
0x78: {  	s18 =	sadd.s32 @!p1 $0x0, s19;
	s23 =	simm.s32 @!p1 $0x80;
	[sflag:s3] =	ssyncset.done $0x0  }
0x79: {  	s17 =	simm.s32 @!p1 $0x8800;
	s18 =	sadd.s32 @!p1 $0x200, s18;
	[sflag:s3] =	ssyncadd.s32 $0xFFFFE000  }
0x7a: {  	[tilespmem:s17], [sflag:$0x1] =	stream.indirect.gather @!p1 [hbm4b:s4+s23], $0x40, s18, s23, $0xb8;
	[tilespmem:$0x1A800] =	vst v63  }
0x7b: {  	_ =	swait.ge [sflag:s13], $0x2000  }
0x7c: {  	s23 =	sor.u32 $0x80, s10;
	[sflag:s13] =	ssyncset.done $0x0  }
0x7d: {  	s24 =	sadd.s32 $0xFFFFFFFE, s22;
	s17 =	sadd.s32 $0x4400, s23;
	[sflag:s13] =	ssyncadd.s32 $0xFFFFE000  }
0x7e: {  	[spmem:s2] =	stream.indirect.scatter.add.f32 [tilespmem:s8], [sflag:$0x5], $0x40, s17, s6, $0xb8;
	[tilespmem:$0x1A800] =	vst v63  }
0x7f: {  	p1 =	sge.u32 s24, s21;
	_ =	swait.ge [sflag:s3], $0x2000  }
0x80: {  	s18 =	sadd.s32 @!p1 $0x0, s19;
	s23 =	simm.s32 @!p1 $0x80;
	[sflag:s3] =	ssyncset.done $0x0  }
0x81: {  	s18 =	sadd.s32 @!p1 $0x280, s18;
	s17 =	simm.s32 @!p1 $0xA800;
	[sflag:s3] =	ssyncadd.s32 $0xFFFFE000  }
0x82: {  	[tilespmem:s17], [sflag:$0x2] =	stream.indirect.gather @!p1 [hbm4b:s4+s23], $0x40, s18, s23, $0xb8;
	[tilespmem:$0x1A800] =	vst v63  }
0x83: {  	_ =	swait.ge [sflag:s14], $0x2000  }
0x84: {  	s25 =	sor.u32 $0x100, s10;
	[sflag:s14] =	ssyncset.done $0x0  }
0x85: {  	s26 =	sadd.s32 $0xFFFFFFFF, s22;
	s17 =	sadd.s32 $0x4400, s25;
	[sflag:s14] =	ssyncadd.s32 $0xFFFFE000  }
0x86: {  	[spmem:s2] =	stream.indirect.scatter.add.f32 [tilespmem:s9], [sflag:$0x5], $0x40, s17, s6, $0xb8;
	[tilespmem:$0x1A800] =	vst v63  }
0x87: {  	p1 =	sge.u32 s26, s21;
	_ =	swait.ge [sflag:s3], $0x2000  }
0x88: {  	s18 =	sadd.s32 @!p1 $0x0, s19;
	s23 =	simm.s32 @!p1 $0x80;
	[sflag:s3] =	ssyncset.done $0x0  }
0x89: {  	s18 =	sadd.s32 @!p1 $0x300, s18;
	s17 =	simm.s32 @!p1 $0xC800;
	[sflag:s3] =	ssyncadd.s32 $0xFFFFE000  }
0x8a: {  	[tilespmem:s17], [sflag:$0x3] =	stream.indirect.gather @!p1 [hbm4b:s4+s23], $0x40, s18, s23, $0xb8;
	[tilespmem:$0x1A800] =	vst v63  }
0x8b: {  	p2 =	sge.u32 s22, s21;
	_ =	swait.ge [sflag:s15], $0x2000  }
0x8c: {  	s29 =	sor.u32 $0x180, s10;
	s28 =	simm.s32 @!p2 $0x80;
	[sflag:s15] =	ssyncset.done $0x0  }
0x8d: {  	s24 =	sadd.s32 @!p2 $0x0, s19;
	s23 =	sadd.s32 $0x4400, s29;
	[sflag:s15] =	ssyncadd.s32 $0xFFFFE000  }
0x8e: {  	[spmem:s2] =	stream.indirect.scatter.add.f32 [tilespmem:s11], [sflag:$0x5], $0x40, s23, s6, $0xb8;
	[tilespmem:$0x1A800] =	vst v63  }
0x8f: {  	s26 =	simm.s32 @!p2 $0xE800;
	s17 =	simm.s32 $0x800;
	_ =	swait.ge [sflag:s3], $0x2000  }
0x90: {  	s18 =	sadd.s32 $0x4, s22;
	s23 =	sadd.s32 $0x200, s10;
	[sflag:s3] =	ssyncset.done $0x0  }
.LBB2_5:
0x91: {  	[sflag:s3] =	ssyncadd.s32 $0xFFFFE000;
	s29 =	sadd.s32 @!p2 $0x380, s24  }
0x92: {  	s24 =	smov.u32 s17;
	s17 =	sadd.s32 $0x800, s17;
	s25 =	smov.u32 s18  }
0x93: {  	[tilespmem:s26], [sflag:$0x4] =	stream.indirect.gather @!p2 [hbm4b:s4+s28], $0x40, s29, s28, $0xb8;
	[tilespmem:$0x1A800] =	vst v63  }
0x94: {  	s26 =	sshra.s32 s24, $0x2;
	p1 =	seq.s32 s17, $0x11000;
	_ =	swait.ge [sflag:s12], $0x2000  }
0x95: {  	s28 =	sadd.s32 $0xFFFFFFFD, s18;
	s26 =	sadd.s32 s26, s0;
	[sflag:s12] =	ssyncset.done $0x0  }
0x96: {  	p2 =	sge.u32 s28, s21;
	[sflag:s12] =	ssyncadd.s32 $0xFFFFE000  }
0x97: {  	[spmem:s2] =	stream.indirect.scatter.add.f32 [tilespmem:s5], [sflag:$0x5], $0x40, s26, s6, $0xb8;
	[tilespmem:$0x1A800] =	vst v63  }
0x98: {  	s28 =	simm.s32 @!p2 $0x8800;
	s26 =	sshra.s32 @!p2 s24, $0x2;
	_ =	swait.ge [sflag:s3], $0x2000  }
0x99: {  	s29 =	simm.s32 @!p2 $0x80;
	s26 =	sadd.s32 @!p2 s26, s19;
	[sflag:s3] =	ssyncset.done $0x0  }
0x9a: {  	s26 =	sadd.s32 @!p2 $0x200, s26;
	[sflag:s3] =	ssyncadd.s32 $0xFFFFE000  }
0x9b: {  	[tilespmem:s28], [sflag:$0x1] =	stream.indirect.gather @!p2 [hbm4b:s4+s29], $0x40, s26, s29, $0xb8;
	[tilespmem:$0x1A800] =	vst v63  }
0x9c: {  	s26 =	sor.u32 $0x80, s23;
	_ =	swait.ge [sflag:s13], $0x2000  }
0x9d: {  	s28 =	sadd.s32 $0xFFFFFFFE, s18;
	s26 =	sadd.s32 $0x4400, s26;
	[sflag:s13] =	ssyncset.done $0x0  }
0x9e: {  	p2 =	sge.u32 s28, s21;
	[sflag:s13] =	ssyncadd.s32 $0xFFFFE000  }
0x9f: {  	[spmem:s2] =	stream.indirect.scatter.add.f32 [tilespmem:s8], [sflag:$0x5], $0x40, s26, s6, $0xb8;
	[tilespmem:$0x1A800] =	vst v63  }
0xa0: {  	s28 =	simm.s32 @!p2 $0xA800;
	s26 =	sshra.s32 @!p2 s24, $0x2;
	_ =	swait.ge [sflag:s3], $0x2000  }
0xa1: {  	s29 =	simm.s32 @!p2 $0x80;
	s26 =	sadd.s32 @!p2 s26, s19;
	[sflag:s3] =	ssyncset.done $0x0  }
0xa2: {  	s26 =	sadd.s32 @!p2 $0x280, s26;
	[sflag:s3] =	ssyncadd.s32 $0xFFFFE000  }
0xa3: {  	[tilespmem:s28], [sflag:$0x2] =	stream.indirect.gather @!p2 [hbm4b:s4+s29], $0x40, s26, s29, $0xb8;
	[tilespmem:$0x1A800] =	vst v63  }
0xa4: {  	s26 =	sor.u32 $0x100, s23;
	_ =	swait.ge [sflag:s14], $0x2000  }
0xa5: {  	s28 =	sadd.s32 $0xFFFFFFFF, s18;
	s26 =	sadd.s32 $0x4400, s26;
	[sflag:s14] =	ssyncset.done $0x0  }
0xa6: {  	p2 =	sge.u32 s28, s21;
	[sflag:s14] =	ssyncadd.s32 $0xFFFFE000  }
0xa7: {  	[spmem:s2] =	stream.indirect.scatter.add.f32 [tilespmem:s9], [sflag:$0x5], $0x40, s26, s6, $0xb8;
	[tilespmem:$0x1A800] =	vst v63  }
0xa8: {  	s28 =	simm.s32 @!p2 $0xC800;
	s26 =	sshra.s32 @!p2 s24, $0x2;
	_ =	swait.ge [sflag:s3], $0x2000  }
0xa9: {  	s29 =	simm.s32 @!p2 $0x80;
	s26 =	sadd.s32 @!p2 s26, s19;
	[sflag:s3] =	ssyncset.done $0x0  }
0xaa: {  	s26 =	sadd.s32 @!p2 $0x300, s26;
	[sflag:s3] =	ssyncadd.s32 $0xFFFFE000  }
0xab: {  	[tilespmem:s28], [sflag:$0x3] =	stream.indirect.gather @!p2 [hbm4b:s4+s29], $0x40, s26, s29, $0xb8;
	[tilespmem:$0x1A800] =	vst v63  }
0xac: {  	s18 =	sadd.s32 $0x4, s18;
	s26 =	sor.u32 $0x180, s23;
	_ =	swait.ge [sflag:s15], $0x2000  }
.Ltmp4:
0xad: {  	s26 =	sadd.s32 $0x4400, s26;
	[sflag:s15] =	ssyncset.done $0x0;
	(pc) =	sbr.rel @!p1 .LBB2_5-.Ltmp4, $4  }
0xae: {  	p2 =	sge.u32 s25, s21;
	s23 =	sadd.s32 $0x200, s23;
	[sflag:s15] =	ssyncadd.s32 $0xFFFFE000  }
0xaf: {  	[spmem:s2] =	stream.indirect.scatter.add.f32 [tilespmem:s11], [sflag:$0x5], $0x40, s26, s6, $0xb8;
	[tilespmem:$0x1A800] =	vst v63  }
0xb0: {  	s24 =	sshra.s32 @!p2 s24, $0x2;
	s26 =	simm.s32 @!p2 $0xE800;
	_ =	swait.ge [sflag:s3], $0x2000  }
0xb1: {  	s28 =	simm.s32 @!p2 $0x80;
	s24 =	sadd.s32 @!p2 s24, s19;
	[sflag:s3] =	ssyncset.done $0x0  }
.Ltmp5:
0xb2: {  	(pc) =	sbr.rel .LBB2_10-.Ltmp5, $3  }
0xb3: {  	_ =	sdelay $0x1  }
0xb4: {  	[sflag:s3] =	ssyncadd.s32 $0xFFFFE000;
	s17 =	sadd.s32 @!p2 $0x380, s24  }
0xb5: {  	[tilespmem:s26], [sflag:$0x4] =	stream.indirect.gather @!p2 [hbm4b:s4+s28], $0x40, s17, s28, $0xb8;
	[tilespmem:$0x1A800] =	vst v63  }
.LBB2_7:
0xb6: {  	_ =	swait.ge [sflag:s12], $0x2000  }
0xb7: {  	[sflag:s12] =	ssyncset.done $0x0  }
0xb8: {  	s17 =	sadd.s32 $0x0, s0;
	s18 =	sadd.s32 $0xFFFFFFFD, s22;
	[sflag:s12] =	ssyncadd.s32 $0xFFFFE000  }
0xb9: {  	[spmem:s2] =	stream.indirect.scatter.add.f32 [tilespmem:s5], [sflag:$0x5], $0x40, s17, s6, $0xb8;
	[tilespmem:$0x1A800] =	vst v63  }
0xba: {  	p1 =	sge.u32 s18, s20;
	_ =	swait.ge [sflag:s3], $0x2000  }
0xbb: {  	s18 =	sadd.s32 @!p1 $0x0, s19;
	s23 =	simm.s32 @!p1 $0x80;
	[sflag:s3] =	ssyncset.done $0x0  }
0xbc: {  	s17 =	simm.s32 @!p1 $0x8800;
	s18 =	sadd.s32 @!p1 $0x200, s18;
	[sflag:s3] =	ssyncadd.s32 $0xFFFFE000  }
0xbd: {  	[tilespmem:s17], [sflag:$0x1] =	stream.indirect.gather @!p1 [hbm4b:s4+s23], $0x40, s18, s23, $0xb8;
	[tilespmem:$0x1A800] =	vst v63  }
0xbe: {  	_ =	swait.ge [sflag:s13], $0x2000  }
0xbf: {  	s23 =	sor.u32 $0x80, s10;
	[sflag:s13] =	ssyncset.done $0x0  }
0xc0: {  	s24 =	sadd.s32 $0xFFFFFFFE, s22;
	s17 =	sadd.s32 $0x4400, s23;
	[sflag:s13] =	ssyncadd.s32 $0xFFFFE000  }
0xc1: {  	[spmem:s2] =	stream.indirect.scatter.add.f32 [tilespmem:s8], [sflag:$0x5], $0x40, s17, s6, $0xb8;
	[tilespmem:$0x1A800] =	vst v63  }
0xc2: {  	p1 =	sge.u32 s24, s20;
	_ =	swait.ge [sflag:s3], $0x2000  }
0xc3: {  	s18 =	sadd.s32 @!p1 $0x0, s19;
	s23 =	simm.s32 @!p1 $0x80;
	[sflag:s3] =	ssyncset.done $0x0  }
0xc4: {  	s18 =	sadd.s32 @!p1 $0x280, s18;
	s17 =	simm.s32 @!p1 $0xA800;
	[sflag:s3] =	ssyncadd.s32 $0xFFFFE000  }
0xc5: {  	[tilespmem:s17], [sflag:$0x2] =	stream.indirect.gather @!p1 [hbm4b:s4+s23], $0x40, s18, s23, $0xb8;
	[tilespmem:$0x1A800] =	vst v63  }
0xc6: {  	_ =	swait.ge [sflag:s14], $0x2000  }
0xc7: {  	s25 =	sor.u32 $0x100, s10;
	[sflag:s14] =	ssyncset.done $0x0  }
0xc8: {  	s26 =	sadd.s32 $0xFFFFFFFF, s22;
	s17 =	sadd.s32 $0x4400, s25;
	[sflag:s14] =	ssyncadd.s32 $0xFFFFE000  }
0xc9: {  	[spmem:s2] =	stream.indirect.scatter.add.f32 [tilespmem:s9], [sflag:$0x5], $0x40, s17, s6, $0xb8;
	[tilespmem:$0x1A800] =	vst v63  }
0xca: {  	p1 =	sge.u32 s26, s20;
	_ =	swait.ge [sflag:s3], $0x2000  }
0xcb: {  	s18 =	sadd.s32 @!p1 $0x0, s19;
	s23 =	simm.s32 @!p1 $0x80;
	[sflag:s3] =	ssyncset.done $0x0  }
0xcc: {  	s18 =	sadd.s32 @!p1 $0x300, s18;
	s17 =	simm.s32 @!p1 $0xC800;
	[sflag:s3] =	ssyncadd.s32 $0xFFFFE000  }
0xcd: {  	[tilespmem:s17], [sflag:$0x3] =	stream.indirect.gather @!p1 [hbm4b:s4+s23], $0x40, s18, s23, $0xb8;
	[tilespmem:$0x1A800] =	vst v63  }
0xce: {  	p2 =	sge.u32 s22, s20;
	_ =	swait.ge [sflag:s15], $0x2000  }
0xcf: {  	s29 =	sor.u32 $0x180, s10;
	s28 =	simm.s32 @!p2 $0x80;
	[sflag:s15] =	ssyncset.done $0x0  }
0xd0: {  	s24 =	sadd.s32 @!p2 $0x0, s19;
	s23 =	sadd.s32 $0x4400, s29;
	[sflag:s15] =	ssyncadd.s32 $0xFFFFE000  }
0xd1: {  	[spmem:s2] =	stream.indirect.scatter.add.f32 [tilespmem:s11], [sflag:$0x5], $0x40, s23, s6, $0xb8;
	[tilespmem:$0x1A800] =	vst v63  }
0xd2: {  	s26 =	simm.s32 @!p2 $0xE800;
	s17 =	simm.s32 $0x800;
	_ =	swait.ge [sflag:s3], $0x2000  }
0xd3: {  	s18 =	sadd.s32 $0x4, s22;
	s23 =	sadd.s32 $0x200, s10;
	[sflag:s3] =	ssyncset.done $0x0  }
.LBB2_8:
0xd4: {  	[sflag:s3] =	ssyncadd.s32 $0xFFFFE000;
	s29 =	sadd.s32 @!p2 $0x380, s24  }
0xd5: {  	s24 =	smov.u32 s17;
	s17 =	sadd.s32 $0x800, s17;
	s25 =	smov.u32 s18  }
0xd6: {  	[tilespmem:s26], [sflag:$0x4] =	stream.indirect.gather @!p2 [hbm4b:s4+s28], $0x40, s29, s28, $0xb8;
	[tilespmem:$0x1A800] =	vst v63  }
0xd7: {  	s26 =	sshra.s32 s24, $0x2;
	p1 =	sne.s32 s17, $0x3000;
	_ =	swait.ge [sflag:s12], $0x2000  }
0xd8: {  	s28 =	sadd.s32 $0xFFFFFFFD, s18;
	s26 =	sadd.s32 s26, s0;
	[sflag:s12] =	ssyncset.done $0x0  }
0xd9: {  	p2 =	sge.u32 s28, s20;
	[sflag:s12] =	ssyncadd.s32 $0xFFFFE000  }
0xda: {  	[spmem:s2] =	stream.indirect.scatter.add.f32 [tilespmem:s5], [sflag:$0x5], $0x40, s26, s6, $0xb8;
	[tilespmem:$0x1A800] =	vst v63  }
0xdb: {  	s28 =	simm.s32 @!p2 $0x8800;
	s26 =	sshra.s32 @!p2 s24, $0x2;
	_ =	swait.ge [sflag:s3], $0x2000  }
0xdc: {  	s29 =	simm.s32 @!p2 $0x80;
	s26 =	sadd.s32 @!p2 s26, s19;
	[sflag:s3] =	ssyncset.done $0x0  }
0xdd: {  	s26 =	sadd.s32 @!p2 $0x200, s26;
	[sflag:s3] =	ssyncadd.s32 $0xFFFFE000  }
0xde: {  	[tilespmem:s28], [sflag:$0x1] =	stream.indirect.gather @!p2 [hbm4b:s4+s29], $0x40, s26, s29, $0xb8;
	[tilespmem:$0x1A800] =	vst v63  }
0xdf: {  	s26 =	sor.u32 $0x80, s23;
	_ =	swait.ge [sflag:s13], $0x2000  }
0xe0: {  	s28 =	sadd.s32 $0xFFFFFFFE, s18;
	s26 =	sadd.s32 $0x4400, s26;
	[sflag:s13] =	ssyncset.done $0x0  }
0xe1: {  	p2 =	sge.u32 s28, s20;
	[sflag:s13] =	ssyncadd.s32 $0xFFFFE000  }
0xe2: {  	[spmem:s2] =	stream.indirect.scatter.add.f32 [tilespmem:s8], [sflag:$0x5], $0x40, s26, s6, $0xb8;
	[tilespmem:$0x1A800] =	vst v63  }
0xe3: {  	s28 =	simm.s32 @!p2 $0xA800;
	s26 =	sshra.s32 @!p2 s24, $0x2;
	_ =	swait.ge [sflag:s3], $0x2000  }
0xe4: {  	s29 =	simm.s32 @!p2 $0x80;
	s26 =	sadd.s32 @!p2 s26, s19;
	[sflag:s3] =	ssyncset.done $0x0  }
0xe5: {  	s26 =	sadd.s32 @!p2 $0x280, s26;
	[sflag:s3] =	ssyncadd.s32 $0xFFFFE000  }
0xe6: {  	[tilespmem:s28], [sflag:$0x2] =	stream.indirect.gather @!p2 [hbm4b:s4+s29], $0x40, s26, s29, $0xb8;
	[tilespmem:$0x1A800] =	vst v63  }
0xe7: {  	s26 =	sor.u32 $0x100, s23;
	_ =	swait.ge [sflag:s14], $0x2000  }
0xe8: {  	s28 =	sadd.s32 $0xFFFFFFFF, s18;
	s26 =	sadd.s32 $0x4400, s26;
	[sflag:s14] =	ssyncset.done $0x0  }
0xe9: {  	p2 =	sge.u32 s28, s20;
	[sflag:s14] =	ssyncadd.s32 $0xFFFFE000  }
0xea: {  	[spmem:s2] =	stream.indirect.scatter.add.f32 [tilespmem:s9], [sflag:$0x5], $0x40, s26, s6, $0xb8;
	[tilespmem:$0x1A800] =	vst v63  }
0xeb: {  	s28 =	simm.s32 @!p2 $0xC800;
	s26 =	sshra.s32 @!p2 s24, $0x2;
	_ =	swait.ge [sflag:s3], $0x2000  }
0xec: {  	s29 =	simm.s32 @!p2 $0x80;
	s26 =	sadd.s32 @!p2 s26, s19;
	[sflag:s3] =	ssyncset.done $0x0  }
0xed: {  	s26 =	sadd.s32 @!p2 $0x300, s26;
	[sflag:s3] =	ssyncadd.s32 $0xFFFFE000  }
0xee: {  	[tilespmem:s28], [sflag:$0x3] =	stream.indirect.gather @!p2 [hbm4b:s4+s29], $0x40, s26, s29, $0xb8;
	[tilespmem:$0x1A800] =	vst v63  }
0xef: {  	s18 =	sadd.s32 $0x4, s18;
	s26 =	sor.u32 $0x180, s23;
	_ =	swait.ge [sflag:s15], $0x2000  }
.Ltmp6:
0xf0: {  	s26 =	sadd.s32 $0x4400, s26;
	[sflag:s15] =	ssyncset.done $0x0;
	(pc) =	sbr.rel @p1 .LBB2_8-.Ltmp6, $4  }
0xf1: {  	p2 =	sge.u32 s25, s20;
	s23 =	sadd.s32 $0x200, s23;
	[sflag:s15] =	ssyncadd.s32 $0xFFFFE000  }
0xf2: {  	[spmem:s2] =	stream.indirect.scatter.add.f32 [tilespmem:s11], [sflag:$0x5], $0x40, s26, s6, $0xb8;
	[tilespmem:$0x1A800] =	vst v63  }
0xf3: {  	s24 =	sshra.s32 @!p2 s24, $0x2;
	s26 =	simm.s32 @!p2 $0xE800;
	_ =	swait.ge [sflag:s3], $0x2000  }
0xf4: {  	s28 =	simm.s32 @!p2 $0x80;
	s24 =	sadd.s32 @!p2 s24, s19;
	[sflag:s3] =	ssyncset.done $0x0  }
.Ltmp7:
0xf5: {  	_ = 	snop;
	(pc) =	sbr.rel .LBB2_9-.Ltmp7, $1  }
0xf6: {  	_ =	sdelay $0x3  }
.LBB2_11:
0xf7: {  	_ =	sfence.sel $0x180000  }
0xf8: {  	[bflag:$0x0] =	sbarrier.arrive $0xFFFF  }
0xf9: {  	_ =	strace $0x9000004A  }
0xfa: {  	s0 =	stileid.u32;
	[bflag:$0x2] =	sbarrier.arrive $0xFFFF  }
0xfb: {  	p0 =	sne.s32 s0, $0x0;
	s0 =	rddreg [dreg:$0x2]  }
0xfc: {  	s0 =	sadd.s32 @!p0 $0x100000, s0  }
0xfd: {  	[sflag:s0] =	ssyncadd.tile.s32 @!p0 $0x1;
	_ =	shalt  }
.Lfunc_end2:
_tile_overlayer_lowered:
.L_overlay_start_2:
0xfe: {  	(tag) =	ssettag $0x2  }
0xff: {  	s0 =	rddreg [dreg:$0x0];
	s2 =	stileid.u32  }
0x100: {  	s1 =	rddreg [dreg:$0x1];
	p0 =	sne.s32 s2, $0x0  }
0x101: {  	s3 =	rddreg [dreg:$0x2];
	[bflag:$0x3] =	sbarrier.arrive $0xFFFF;
	s2 =	simm.s32 @!p0 $0x1C05  }
0x102: {  	[timem:s3], [sflag:s2] =	dma.local @!p0 [hbm:s0], s1  }
0x103: {  	s0 =	simm.s32 @!p0 $0x5  }
0x104: {  	_ =	swait.ge @!p0 [sflag:s0], s1  }
0x105: {  	s1 =	ssub.s32 @!p0 $0x0, s1;
	[sflag:s0] =	ssyncset.done @!p0 $0x0  }
0x106: {  	[sflag:s0] =	ssyncadd.s32 @!p0 s1  }
0x107: {  	[bflag:$0x3] =	sbarrier.arrive $0xFFFF  }
0x108: {  	_ =	shalt  }

// kernel: kernel.16.cloned.1.call-start
scs
__scs_entry_jumppad:
0x0: {  	(pc) =	sbr.rel $0x88, $3  }
0x1: {  	(tag) =	ssettag $0x0;
	lr =	simm.s32 $0x1  }
0x2: {  	[smem:$0x3F99] =	sst lr;
	_ =	strace $0xD0000000  }
0x3: {  	_ = 	snop  }
0x4: {  	_ = 	snop  }
0x5: {  	_ = 	snop  }
0x6: {  	_ = 	snop  }
0x7: {  	_ = 	snop  }
__scs_overlays_trampoline_lowered:
0x8: {  	[smem:$0x3FA8] =	sst s0  }
0x9: {  	[smem:$0x3FA9] =	sst s1  }
0xa: {  	[smem:$0x3FAA] =	sst s2  }
0xb: {  	[smem:$0x3FAB] =	sst s3  }
0xc: {  	[smem:$0x3FAC] =	sst s4  }
0xd: {  	[smem:$0x3FAD] =	sst s5  }
0xe: {  	[smem:$0x3FAE] =	sst s6  }
0xf: {  	[smem:$0x3FAF] =	sst s7  }
0x10: {  	[smem:$0x3FB0] =	sst s8  }
0x11: {  	[smem:$0x3FB1] =	sst s9;
	s0 =	simm.s32 @!p0 $0x0  }
0x12: {  	s1 =	sld [smem:$0x3F97];
	s0 =	simm.s32 @p0 $0x1  }
0x13: {  	[smem:$0x3FB2] =	sst s0;
	s0 =	simm.s32 @!p1 $0x0  }
0x14: {  	s2 =	sld [smem:$0x3F96];
	s0 =	simm.s32 @p1 $0x1  }
0x15: {  	[smem:$0x3FB3] =	sst s0;
	s0 =	simm.s32 @!p2 $0x0  }
0x16: {  	s3 =	sld [smem:$0x3FDB];
	s0 =	simm.s32 @p2 $0x1  }
0x17: {  	s4 =	simm.s32 $0x1BF5;
	[smem:$0x3FB5] =	sst s0  }
0x18: {  	s0 =	sld [smem:$0x3F98];
	_ =	swait.ge [sflag:s4], $0x0  }
0x19: {  	s7 =	sld [smem:$0x3F99]  }
0x1a: {  	s8 =	sadd.s32 $0xFFFFE003, lr  }
0x1b: {  	s9 =	sadd.s32 $0xFFFFFEF7, lr;
	s5 =	simm.s32 $0xFFFFFFFF;
	p2 =	slt.u32 s8, $0xFFFFF086  }
0x1c: {  	p1 =	slt.u32 s9, $0xF7A;
	s5 =	simm.s32 @!p2 $0x0  }
0x1d: {  	s5 =	simm.s32 @p1 $0x1;
	p0 =	seq.s32 s7, s2  }
0x1e: {  	s7 =	smul.u32 @!p0 $0xF7A, s2;
	p2 =	seq.s32 @!p0 s5, $0x0  }
0x1f: {  	s9 =	smul.u32 $0xF7A, s1;
	s8 =	simm.s32 @!p0 $0x1BF5;
	p2 =	por !p2, p0  }
0x20: {  	[sflag:s8] =	ssyncset.s32 @!p0 $0xFFFFF086;
	s6 =	sadd.s32 @!p0 s3, s7;
	s7 =	simm.s32 @!p0 $0x108  }
0x21: {  	s3 =	sadd.s32 s3, s9;
	s6 =	sadd.s32 @!p0 $0x88, s6;
	s7 =	simm.s32 @p2 $0x1082  }
0x22: {  	[simem:s7], [sflag:s8] =	dma.local @!p0 [hbm:s6], $0xF7A  }
0x23: {  	s9 =	sor.u32 $0xD0000000, s2;
	s6 =	simm.s32 $0x108;
	_ =	swait.ge @!p0 [sflag:s8], $0x0  }
0x24: {  	s3 =	sadd.s32 $0x88, s3;
	s6 =	simm.s32 @!p1 $0x1082;
	[sflag:s4] =	ssyncset.s32 $0xFFFFF086  }
0x25: {  	[simem:s6], [sflag:s4] =	dma.local [hbm:s3], $0xF7A  }
0x26: {  	[smem:$0x3F99] =	sst s1;
	(tag) =	ssettag s2;
	_ =	strace s9  }
0x27: {  	s1 =	sld [smem:$0x3FA9]  }
0x28: {  	s2 =	sld [smem:$0x3FAA]  }
0x29: {  	s4 =	sld [smem:$0x3FAC]  }
0x2a: {  	p0 =	seq.s32 s5, $0x0;
	s5 =	sld [smem:$0x3FAD]  }
0x2b: {  	s6 =	sld [smem:$0x3FAE]  }
0x2c: {  	s7 =	sld [smem:$0x3FAF]  }
0x2d: {  	s3 =	simm.s32 $0x108;
	s8 =	sld [smem:$0x3FB0]  }
0x2e: {  	s3 =	simm.s32 @!p0 $0x1082;
	s9 =	sld [smem:$0x3FB1]  }
0x2f: {  	lr =	sadd.s32 s0, s3;
	s0 =	sld [smem:$0x3FA8]  }
0x30: {  	s3 =	sld [smem:$0x3FAB]  }
0x31: {  	[smem:$0x3FB4] =	sst s10  }
0x32: {  	s10 =	sld [smem:$0x3FB2];
	_ =	sdelay $0x3  }
0x33: {  	p0 =	seq.s32 s10, $0x1;
	s10 =	sld [smem:$0x3FB4];
	_ =	sdelay $0x3  }
0x34: {  	[smem:$0x3FB4] =	sst s10  }
0x35: {  	s10 =	sld [smem:$0x3FB3];
	_ =	sdelay $0x3  }
0x36: {  	p1 =	seq.s32 s10, $0x1;
	s10 =	sld [smem:$0x3FB4];
	_ =	sdelay $0x3  }
0x37: {  	[smem:$0x3FB4] =	sst s10  }
0x38: {  	s10 =	sld [smem:$0x3FB5]  }
0x39: {  	_ = 	snop;
	(pc) =	sbr.ind lr, $3  }
0x3a: {  	_ = 	snop  }
0x3b: {  	_ = 	snop  }
0x3c: {  	p2 =	seq.s32 s10, $0x1;
	s10 =	sld [smem:$0x3FB4]  }
0x3d: {  	_ =	shalt  }
0x3e: {  	_ =	shalt  }
0x3f: {  	_ =	shalt  }
0x40: {  	_ =	shalt  }
0x41: {  	_ =	shalt  }
0x42: {  	_ =	shalt  }
0x43: {  	_ =	shalt  }
0x44: {  	_ =	shalt  }
0x45: {  	_ =	shalt  }
0x46: {  	_ =	shalt  }
0x47: {  	_ =	shalt  }
0x48: {  	_ =	shalt  }
0x49: {  	_ =	shalt  }
0x4a: {  	_ =	shalt  }
0x4b: {  	_ =	shalt  }
0x4c: {  	_ =	shalt  }
0x4d: {  	_ =	shalt  }
0x4e: {  	_ =	shalt  }
0x4f: {  	_ =	shalt  }
0x50: {  	_ =	shalt  }
0x51: {  	_ =	shalt  }
0x52: {  	_ =	shalt  }
0x53: {  	_ =	shalt  }
0x54: {  	_ =	shalt  }
0x55: {  	_ =	shalt  }
0x56: {  	_ =	shalt  }
0x57: {  	_ =	shalt  }
0x58: {  	_ =	shalt  }
0x59: {  	_ =	shalt  }
0x5a: {  	_ =	shalt  }
0x5b: {  	_ =	shalt  }
0x5c: {  	_ =	shalt  }
0x5d: {  	_ =	shalt  }
0x5e: {  	_ =	shalt  }
0x5f: {  	_ =	shalt  }
0x60: {  	_ =	shalt  }
0x61: {  	_ =	shalt  }
0x62: {  	_ =	shalt  }
0x63: {  	_ =	shalt  }
0x64: {  	_ =	shalt  }
0x65: {  	_ =	shalt  }
0x66: {  	_ =	shalt  }
0x67: {  	_ =	shalt  }
0x68: {  	_ =	shalt  }
0x69: {  	_ =	shalt  }
0x6a: {  	_ =	shalt  }
0x6b: {  	_ =	shalt  }
0x6c: {  	_ =	shalt  }
0x6d: {  	_ =	shalt  }
0x6e: {  	_ =	shalt  }
0x6f: {  	_ =	shalt  }
0x70: {  	_ =	shalt  }
0x71: {  	_ =	shalt  }
0x72: {  	_ =	shalt  }
0x73: {  	_ =	shalt  }
0x74: {  	_ =	shalt  }
0x75: {  	_ =	shalt  }
0x76: {  	_ =	shalt  }
0x77: {  	_ =	shalt  }
0x78: {  	_ =	shalt  }
0x79: {  	_ =	shalt  }
0x7a: {  	_ =	shalt  }
0x7b: {  	_ =	shalt  }
0x7c: {  	_ =	shalt  }
0x7d: {  	_ =	shalt  }
0x7e: {  	_ =	shalt  }
0x7f: {  	_ =	shalt  }
0x80: {  	_ =	shalt  }
0x81: {  	_ =	shalt  }
0x82: {  	_ =	shalt  }
0x83: {  	_ =	shalt  }
0x84: {  	_ =	shalt  }
0x85: {  	_ =	shalt  }
0x86: {  	_ =	shalt  }
0x87: {  	_ =	shalt  }
.Lfunc_end0:
.L_simem_size_0:
called_computation.2_lowered:
.L_overlay_start_0:
0x88: {  	s2 =	sld [smem:$0x3FD9]  }
0x89: {  	s3 =	sld [smem:$0x3FFE];
	_ =	sdelay $0x1  }
0x8a: {  	s1 =	srdreg.scid  }
0x8b: {  	s0 =	sand.u32 $0x1, s1  }
0x8c: {  	s16 =	sshll.u32 s0, $0xA;
	s2 =	sadd.s32 s3, s2  }
0x8d: {  	s2 =	sadd.s32 s2, s16  }
0x8e: {  	[smem:$0x3FC0] =	sst s2  }
0x8f: {  	_ = 	snop  }
0x90: {  	(tm) =	ssettm $0x1  }
0x91: {  	s17 =	sld [smem:$0x3FFB];
	_ =	sdelay $0x3  }
0x92: {  	_ =	strace s17  }
0x93: {  	s2 =	sld [smem:$0x3FFC];
	_ =	sdelay $0x3  }
0x94: {  	_ =	strace s2  }
0x95: {  	s2 =	sld [smem:$0x3FFD];
	_ =	sdelay $0x3  }
0x96: {  	_ =	strace s2  }
0x97: {  	_ =	strace $0x8FFFFFFF  }
0x98: {  	s18 =	sld [smem:$0x3FDB];
	_ =	sdelay $0x1  }
0x99: {  	s19 =	simm.s32 $_scs_section_size  }
0x9a: {  	s4 =	simm.s32 $_size__tile_overlayer_lowered;
	s5 =	simm.s32 $_tile_overlayer_lowered  }
0x9b: {  	s22 =	simm.s32 $0x1BFF;
	s21 =	sshll.u32 s5, $0x1;
	s2 =	sadd.s32 s19, s18  }
0x9c: {  	s6 =	simm.s32 $0x0;
	s20 =	sshll.u32 s4, $0x1;
	s4 =	sadd.s32 s21, s2  }
0x9d: {  	[timem:s6], [sflag:s22] =	dma.local [hbm:s4], s20  }
0x9e: {  	_ =	swait.ge [sflag:s22], s20  }
0x9f: {  	s3 =	ssub.s32 $0x0, s20;
	[sflag:s22] =	ssyncset.done $0x0  }
0xa0: {  	[sflag:s22] =	ssyncadd.s32 s3;
	_ =	sdelay $0x1  }
0xa1: {  	s23 =	simm.s32 $0x1B8B  }
0xa2: {  	_ =	swait.ge [sflag:s23], $0x1  }
0xa3: {  	[sflag:s23] =	ssyncset.done $0x0  }
0xa4: {  	s25 =	simm.s32 $0x1B8E;
	s24 =	sld [smem:$0x3FFE];
	[sflag:s23] =	ssyncadd.s32 $0xFFFFFFFF  }
0xa5: {  	s26 =	simm.s32 $execute0_lowered;
	[smem:$0x3FD2] =	sst s25  }
0xa6: {  	s4 =	sshll.u32 s26, $0x1;
	_ =	strace $0x8000004C;
	[dreg:$0x1] =	wrdreg $0xFFFFFFFF  }
0xa7: {  	s28 =	simm.s32 $_size_execute0_lowered;
	s2 =	sadd.s32 s2, s4;
	[dreg:$0x0] =	wrdreg $0x0  }
0xa8: {  	s4 =	sshll.u32 s28, $0x1;
	[dreg:$0x2] =	wrdreg s2  }
0xa9: {  	[dreg:$0x3] =	wrdreg s4  }
0xaa: {  	[dreg:$0x4] =	wrdreg $0xC0  }
0xab: {  	_ =	task [dreg:s6], $0x5FFFF  }
0xac: {  	[dreg:$0x1] =	wrdreg $0xFFFFFFFF  }
0xad: {  	[dreg:$0x0] =	wrdreg $0x60  }
0xae: {  	[dreg:$0x2] =	wrdreg s24  }
0xaf: {  	[dreg:$0x3] =	wrdreg $0x108000  }
0xb0: {  	[dreg:$0x4] =	wrdreg $0x9  }
0xb1: {  	_ =	task.clear_ibuf [dreg:s6], $0x5FFFF;
	_ =	strace $0x9000004C  }
0xb2: {  	s29 =	simm.s32 $0x9;
	_ =	strace $0x8000004E  }
0xb3: {  	_ =	swait.ge [sflag:s29], $0x1  }
0xb4: {  	[sflag:s29] =	ssyncadd.s32 $0xFFFFFFFF  }
0xb5: {  	_ =	strace $0x9000004E  }
0xb6: {  	_ =	sfence  }
0xb7: {  	s30 =	sld [smem:$0x0];
	_ =	sdelay $0x2  }
0xb8: {  	s31 =	sshll.u32 s1, $0xD;
	s1 =	sshrl.u32 s1, $0x2  }
0xb9: {  	s3 =	sand.u32 $0x4000, s31;
	s1 =	sadd.s32 s1, s30  }
0xba: {  	s0 =	sor.u32 s3, s0;
	s1 =	sshll.u32 s1, $0x11  }
0xbb: {  	s0 =	sor.u32 s1, s0  }
0xbc: {  	s0 =	sadd.s32 $0x8F2B, s0  }
0xbd: {  	[sflag:s0] =	ssyncadd.remote.s32 $0x1  }
0xbe: {  	_ =	sfence.sel $0xFFFF  }
0xbf: {  	[dreg:$0x0] =	wrdreg $0xFFFFFFFF;
	(pc) =	sbr.abs _section_cstart, $3  }
0xc0: {  	[dreg:$0x1] =	wrdreg $0xFFFFFFFF  }
0xc1: {  	_ =	task.clear_ibuf [dreg:s6], $0x2FFFF;
	_ =	strace $0x9FFFFFFF  }
0xc2: {  	(tm) =	ssettm $0x7FFFFFFF  }
0xc3: {  	_ =	shalt  }
tec
execute0_lowered:
.L_overlay_start_1:
0x0: {  	(tag) =	ssettag $0x1  }
0x1: {  	s0 =	rddreg [dreg:$0x0]  }
0x2: {  	s2 =	rddreg [dreg:$0x1];
	s10 =	stileid.u32  }
0x3: {  	s1 =	srdreg.scid;
	s5 =	simm.s32 $0x0;
	s3 =	smul.u32 $0x18, s10  }
0x4: {  	s28 =	simm.s32 $0x4;
	s29 =	simm.s32 $0x5;
	s4 =	smul.u32 $0x88, s10  }
0x5: {  	s30 =	simm.s32 $0x6;
	s31 =	simm.s32 $0x7;
	s21 =	smul.u32 $0x14000, s10  }
0x6: {  	s1 =	sand.u32 $0x1, s1;
	[smem:$0x7FF] =	sst s5;
	s10 =	smul.u32 $0x5000, s10  }
0x7: {  	p0 =	seq.s32 s1, $0x0;
	_ =	strace $0x8000004D;
	s8 =	ssub.s32 $0x2, s1  }
0x8: {  	s7 =	smul.u32 $0xA000, s1;
	s3 =	sadd.s32 $0x880, s3;
	s9 =	sshrl.u32 s8, $0x1  }
0x9: {  	s22 =	sshrl.u32 s21, $0x2;
	s26 =	sshrl.u32 s10, $0x3;
	s13 =	sadd.s32 $0x2000, s10  }
0xa: {  	s15 =	sadd.s32 $0x3000, s10;
	s3 =	smov.u32 @p0 s4;
	s4 =	sadd.s32 $0xBC00, s0  }
0xb: {  	s18 =	sadd.s32 s22, s2;
	s14 =	sshrl.u32 s13, $0x3;
	s19 =	sshrl.u32 s15, $0x3  }
0xc: {  	p0 =	sne.s32 s1, $0x0;
	s20 =	smin.u32 s3, $0x978;
	s16 =	sshll.u32 s3, $0x7  }
0xd: {  	[dreg:$0x5] =	wrdreg s18;
	s6 =	sshll.u32 s20, $0x4;
	s17 =	sshll.u32 s20, $0x7  }
0xe: {  	s5 =	sshll.u32 s20, $0x9;
	s6 =	sadd.s32 s6, s0;
	s0 =	sadd.s32 s7, s0  }
0xf: {  	s7 =	ssub.s32 s8, s9;
	s9 =	ssub.s32 s3, s20;
	s8 =	sadd.s32 $0x1000, s10  }
0x10: {  	s3 =	sshll.u32 s3, $0x9;
	s16 =	ssub.s32 s16, s17;
	s17 =	sadd.s32 $0x4000, s10  }
0x11: {  	s11 =	sadd.s32 $0x15C00, s6;
	s6 =	sadd.s32 $0x1C00, s6;
	[dreg:$0x8] =	wrdreg s16  }
0x12: {  	s23 =	sshll.u32 s9, $0x9;
	s0 =	sadd.s32 $0x6FC00, s0;
	[dreg:$0x3] =	wrdreg s11  }
0x13: {  	s12 =	sshrl.u32 s8, $0x3;
	[dreg:$0x4] =	wrdreg s6;
	s24 =	sshra.s32 s23, $0x2  }
0x14: {  	s3 =	ssub.s32 s3, s5;
	s11 =	sadd.s32 s26, s0;
	[dreg:$0x6] =	wrdreg s24  }
0x15: {  	s20 =	sshrl.u32 s17, $0x3;
	s21 =	sadd.s32 s12, s0;
	[dreg:$0x9] =	wrdreg s11  }
0x16: {  	s6 =	sshll.u32 s9, $0x7;
	s22 =	sadd.s32 s14, s0;
	[dreg:$0xa] =	wrdreg s21  }
0x17: {  	s5 =	sadd.s32 s19, s0;
	s0 =	sadd.s32 s20, s0;
	[dreg:$0xb] =	wrdreg s22  }
0x18: {  	s12 =	sadd.s32 s15, s2;
	s14 =	sadd.s32 $0xF, s9;
	[dreg:$0xc] =	wrdreg s5  }
0x19: {  	s20 =	sadd.s32 $0x1000, s18;
	s25 =	sor.u32 $0x80, s6;
	[dreg:$0xd] =	wrdreg s0  }
0x1a: {  	s23 =	sor.u32 $0x100, s6;
	s24 =	sor.u32 $0x180, s6;
	[dreg:$0x15] =	wrdreg s14  }
0x1b: {  	s26 =	sor.u32 $0x280, s6;
	s1 =	sor.u32 $0x300, s6;
	[dreg:$0x1b] =	wrdreg s20  }
0x1c: {  	s5 =	sor.u32 $0x380, s6;
	s11 =	sadd.s32 s13, s2;
	[dreg:$0x7] =	wrdreg s25  }
0x1d: {  	s13 =	sadd.s32 s17, s2;
	s17 =	sshrl.u32 s12, $0x3;
	[dreg:$0xe] =	wrdreg s23  }
0x1e: {  	s21 =	sadd.s32 $0x2000, s18;
	s22 =	sadd.s32 $0x3000, s18;
	[dreg:$0xf] =	wrdreg s24  }
0x1f: {  	s12 =	simm.s32 $0x80;
	s14 =	simm.s32 $0xC800;
	[dreg:$0x11] =	wrdreg s26  }
0x20: {  	s20 =	simm.s32 $0x1;
	s25 =	sor.u32 $0x200, s6;
	[dreg:$0x12] =	wrdreg s1  }
0x21: {  	[dreg:$0x13] =	wrdreg s5;
	s6 =	smax.u32 s7, $0x1;
	s7 =	sadd.s32 s10, s2  }
0x22: {  	s10 =	sadd.s32 s8, s2;
	s23 =	sshra.s32 s3, $0x2;
	[dreg:$0x19] =	wrdreg s17  }
0x23: {  	s24 =	sadd.s32 $0x18, s9;
	s16 =	sshrl.u32 s11, $0x3;
	[dreg:$0x1c] =	wrdreg s21  }
0x24: {  	s19 =	sshrl.u32 s13, $0x3;
	[dreg:$0x1d] =	wrdreg s22;
	s26 =	sadd.s32 $0x4000, s18  }
0x25: {  	s13 =	simm.s32 $0xA800;
	s11 =	simm.s32 $0xB800;
	s17 =	simm.s32 $0xE800  }
0x26: {  	s18 =	simm.s32 $0xF800;
	s21 =	simm.s32 $0x2;
	[dreg:$0x10] =	wrdreg s25  }
0x27: {  	s22 =	simm.s32 $0x3;
	s1 =	simm.s32 $0x8;
	[dreg:$0x14] =	wrdreg s6  }
.Ltmp0:
0x28: {  	s25 =	sadd.s32 $0x88, s9;
	[dreg:$0x18] =	wrdreg s16;
	(pc) =	sbr.rel .LBB2_1-.Ltmp0, $4  }
0x29: {  	s0 =	sshrl.u32 s7, $0x3;
	s15 =	sshrl.u32 s10, $0x3;
	[dreg:$0x1a] =	wrdreg s19  }
0x2a: {  	[dreg:$0x1e] =	wrdreg s26;
	s8 =	sadd.s32 $0x4400, s23;
	s9 =	simm.s32 $0x9  }
0x2b: {  	s6 =	simm.s32 $0x8800;
	s10 =	simm.s32 $0x9800;
	[dreg:$0x16] =	wrdreg s0  }
0x2c: {  	v0 =	vimm.f32 $0.0e+00;
	s7 =	simm.s32 $0x0;
	[dreg:$0x17] =	wrdreg s15;
	s15 =	simm.s32 $0xD800  }
.LBB2_9:
0x2d: {  	[sflag:s9] =	ssyncadd.s32 $0xFFFFF000;
	s0 =	sadd.s32 @!p2 $0x780, s0;
	s7 =	rddreg [dreg:$0x1f]  }
0x2e: {  	[tilespmem:s10], [sflag:$0x8] =	stream.indirect.gather @!p2 [hbm4b:s4+s26], $0x20, s0, s26, $0xb8;
	[tilespmem:$0x15800] =	vst v63  }
.LBB2_10:
0x2f: {  	s0 =	stileid.u32;
	[bflag:$0x0] =	sbarrier.arrive $0xFFFF  }
0x30: {  	s0 =	sshll.u32 s0, $0x6;
	s3 =	rddreg [dreg:$0x9]  }
0x31: {  	s5 =	rddreg [dreg:$0x16];
	s0 =	sor.u32 $0x1C09, s0  }
0x32: {  	[hbm:s3], [sflag:s0] =	dma.local [spmem:s5], $0x200  }
0x33: {  	_ =	swait.ge [sflag:s9], $0x200  }
0x34: {  	[sflag:s9] =	ssyncset.done $0x0;
	s11 =	rddreg [dreg:$0xa]  }
0x35: {  	s13 =	rddreg [dreg:$0x17];
	[sflag:s9] =	ssyncadd.s32 $0xFFFFFE00  }
0x36: {  	[hbm:s11], [sflag:s0] =	dma.local [spmem:s13], $0x200  }
0x37: {  	_ =	swait.ge [sflag:s9], $0x200  }
0x38: {  	[sflag:s9] =	ssyncset.done $0x0;
	s14 =	rddreg [dreg:$0xb]  }
0x39: {  	s15 =	rddreg [dreg:$0x18];
	[sflag:s9] =	ssyncadd.s32 $0xFFFFFE00  }
0x3a: {  	[hbm:s14], [sflag:s0] =	dma.local [spmem:s15], $0x200  }
0x3b: {  	_ =	swait.ge [sflag:s9], $0x200  }
0x3c: {  	[sflag:s9] =	ssyncset.done $0x0;
	s16 =	rddreg [dreg:$0xc]  }
0x3d: {  	s17 =	rddreg [dreg:$0x19];
	[sflag:s9] =	ssyncadd.s32 $0xFFFFFE00  }
0x3e: {  	[hbm:s16], [sflag:s0] =	dma.local [spmem:s17], $0x200  }
0x3f: {  	_ =	swait.ge [sflag:s9], $0x200  }
0x40: {  	[sflag:s9] =	ssyncset.done $0x0;
	s18 =	rddreg [dreg:$0xd]  }
0x41: {  	s19 =	rddreg [dreg:$0x1a];
	[sflag:s9] =	ssyncadd.s32 $0xFFFFFE00  }
0x42: {  	[hbm:s18], [sflag:s0] =	dma.local [spmem:s19], $0x200  }
0x43: {  	_ =	swait.ge [sflag:s9], $0x200  }
0x44: {  	s7 =	sadd.s32 $0x1, s7;
	s26 =	rddreg [dreg:$0x14]  }
0x45: {  	p1 =	sne.s32 s7, s26  }
.Ltmp1:
0x46: {  	_ = 	snop;
	(pc) =	sbr.rel @!p1 .LBB2_11-.Ltmp1, $4  }
0x47: {  	s10 =	simm.s32 $0x9800  }
0x48: {  	s6 =	simm.s32 $0x8800;
	s13 =	simm.s32 $0xA800;
	s11 =	simm.s32 $0xB800  }
0x49: {  	s14 =	simm.s32 $0xC800;
	s15 =	simm.s32 $0xD800;
	[sflag:s9] =	ssyncset.done $0x0  }
0x4a: {  	s17 =	simm.s32 $0xE800;
	s18 =	simm.s32 $0xF800;
	[sflag:s9] =	ssyncadd.s32 $0xFFFFFE00  }
.LBB2_1:
0x4b: {  	[dreg:$0x1f] =	wrdreg s7  }
0x4c: {  	s0 =	simm.s32 $0x0;
	s3 =	rddreg [dreg:$0x3]  }
0x4d: {  	[tilespmem:s0], [sflag:$0x9] =	stream.linear.gather [hbm4b:s3+s0], $0x4400, $0x38;
	[tilespmem:$0x15800] =	vst v63  }
0x4e: {  	_ =	swait.ge [sflag:s9], $0x4400  }
0x4f: {  	[sflag:s9] =	ssyncset.done $0x0  }
0x50: {  	s5 =	simm.s32 $0x4400;
	s26 =	rddreg [dreg:$0x4];
	[sflag:s9] =	ssyncadd.s32 $0xFFFFBC00  }
0x51: {  	[tilespmem:s5], [sflag:$0x9] =	stream.linear.gather [hbm4b:s26+s0], $0x4400, $0x38;
	[tilespmem:$0x15800] =	vst v63  }
0x52: {  	_ =	swait.ge [sflag:s9], $0x4400  }
0x53: {  	[sflag:s9] =	ssyncset.done $0x0  }
0x54: {  	s3 =	simm.s32 $0x0;
	s0 =	simm.s32 $0x80;
	[sflag:s9] =	ssyncadd.s32 $0xFFFFBC00  }
.LBB2_2:
0x55: {  	p1 =	sne.s32 s0, $0x3F80;
	[tilespmem:s3+$0x8800] =	vst v0;
	s5 =	smov.u32 s0;
	s0 =	sadd.s32 $0x80, s0  }
.Ltmp2:
0x56: {  	[tilespmem:s3+$0x8810] =	vst v0;
	(pc) =	sbr.rel @p1 .LBB2_2-.Ltmp2, $2  }
0x57: {  	_ =	sdelay $0x2  }
0x58: {  	s3 =	sshra.s32 s5, $0x2  }
0x59: {  	[tilespmem:s3+$0x8800] =	vst v0  }
0x5a: {  	[tilespmem:s3+$0x8810] =	vst v0;
	s0 =	rddreg [dreg:$0x5]  }
0x5b: {  	[spmem:s0] =	stream.linear.scatter [tilespmem:s6], [sflag:$0x9], $0x1000, $0x38;
	[tilespmem:$0x15800] =	vst v63  }
0x5c: {  	_ =	swait.ge [sflag:s9], $0x1000  }
0x5d: {  	[sflag:s9] =	ssyncset.done $0x0  }
0x5e: {  	s3 =	rddreg [dreg:$0x1b];
	[sflag:s9] =	ssyncadd.s32 $0xFFFFF000  }
0x5f: {  	[spmem:s3] =	stream.linear.scatter [tilespmem:s6], [sflag:$0x9], $0x1000, $0x38;
	[tilespmem:$0x15800] =	vst v63  }
0x60: {  	_ =	swait.ge [sflag:s9], $0x1000  }
0x61: {  	[sflag:s9] =	ssyncset.done $0x0  }
0x62: {  	s5 =	rddreg [dreg:$0x1c];
	[sflag:s9] =	ssyncadd.s32 $0xFFFFF000  }
0x63: {  	[spmem:s5] =	stream.linear.scatter [tilespmem:s6], [sflag:$0x9], $0x1000, $0x38;
	[tilespmem:$0x15800] =	vst v63  }
0x64: {  	_ =	swait.ge [sflag:s9], $0x1000  }
0x65: {  	[sflag:s9] =	ssyncset.done $0x0  }
0x66: {  	s7 =	rddreg [dreg:$0x1d];
	[sflag:s9] =	ssyncadd.s32 $0xFFFFF000  }
0x67: {  	[spmem:s7] =	stream.linear.scatter [tilespmem:s6], [sflag:$0x9], $0x1000, $0x38;
	[tilespmem:$0x15800] =	vst v63  }
0x68: {  	_ =	swait.ge [sflag:s9], $0x1000  }
0x69: {  	[sflag:s9] =	ssyncset.done $0x0  }
0x6a: {  	s16 =	rddreg [dreg:$0x1e];
	[sflag:s9] =	ssyncadd.s32 $0xFFFFF000  }
0x6b: {  	[spmem:s16] =	stream.linear.scatter [tilespmem:s6], [sflag:$0x9], $0x1000, $0x38;
	[tilespmem:$0x15800] =	vst v63  }
0x6c: {  	_ =	swait.ge [sflag:s9], $0x1000  }
0x6d: {  	[sflag:s9] =	ssyncset.done $0x0  }
0x6e: {  	[sflag:s9] =	ssyncadd.s32 $0xFFFFF000  }
0x6f: {  	[bflag:$0x0] =	sbarrier.arrive $0xFFFF  }
0x70: {  	s19 =	rddreg [dreg:$0x6]  }
0x71: {  	[tilespmem:s6], [sflag:$0x1] =	stream.indirect.gather [hbm4b:s4+s12], $0x20, s19, s12, $0xb8;
	[tilespmem:$0x15800] =	vst v63  }
0x72: {  	s26 =	rddreg [dreg:$0x7]  }
0x73: {  	[tilespmem:s10], [sflag:$0x2] =	stream.indirect.gather [hbm4b:s4+s12], $0x20, s26, s12, $0xb8;
	[tilespmem:$0x15800] =	vst v63  }
0x74: {  	s3 =	rddreg [dreg:$0xe]  }
0x75: {  	[tilespmem:s13], [sflag:$0x3] =	stream.indirect.gather [hbm4b:s4+s12], $0x20, s3, s12, $0xb8;
	[tilespmem:$0x15800] =	vst v63  }
0x76: {  	s5 =	rddreg [dreg:$0xf]  }
0x77: {  	[tilespmem:s11], [sflag:$0x4] =	stream.indirect.gather [hbm4b:s4+s12], $0x20, s5, s12, $0xb8;
	[tilespmem:$0x15800] =	vst v63  }
0x78: {  	s7 =	rddreg [dreg:$0x10]  }
0x79: {  	[tilespmem:s14], [sflag:$0x5] =	stream.indirect.gather [hbm4b:s4+s12], $0x20, s7, s12, $0xb8;
	[tilespmem:$0x15800] =	vst v63  }
0x7a: {  	s16 =	rddreg [dreg:$0x11]  }
0x7b: {  	[tilespmem:s15], [sflag:$0x6] =	stream.indirect.gather [hbm4b:s4+s12], $0x20, s16, s12, $0xb8;
	[tilespmem:$0x15800] =	vst v63  }
.Ltmp3:
0x7c: {  	_ = 	snop;
	(pc) =	sbr.rel @p0 .LBB2_7-.Ltmp3, $4  }
0x7d: {  	s19 =	rddreg [dreg:$0x12]  }
0x7e: {  	[tilespmem:s17], [sflag:$0x7] =	stream.indirect.gather [hbm4b:s4+s12], $0x20, s19, s12, $0xb8;
	[tilespmem:$0x15800] =	vst v63  }
0x7f: {  	s26 =	rddreg [dreg:$0x13]  }
0x80: {  	[tilespmem:s18], [sflag:$0x8] =	stream.indirect.gather [hbm4b:s4+s12], $0x20, s26, s12, $0xb8;
	[tilespmem:$0x15800] =	vst v63  }
0x81: {  	_ =	swait.ge [sflag:s20], $0x1000  }
0x82: {  	[sflag:s20] =	ssyncset.done $0x0;
	s7 =	rddreg [dreg:$0x15]  }
0x83: {  	s0 =	sadd.s32 $0x0, s8;
	s3 =	sadd.s32 $0xFFFFFFF9, s7;
	[sflag:s20] =	ssyncadd.s32 $0xFFFFF000  }
0x84: {  	[spmem:s2] =	stream.indirect.scatter.add.f32 [tilespmem:s6], [sflag:$0x9], $0x20, s0, s12, $0xb8;
	[tilespmem:$0x15800] =	vst v63  }
0x85: {  	p1 =	sge.u32 s3, s25;
	_ =	swait.ge [sflag:s9], $0x1000  }
0x86: {  	s0 =	simm.s32 @!p1 $0x8800;
	s3 =	sadd.s32 @!p1 $0x0, s23;
	[sflag:s9] =	ssyncset.done $0x0  }
0x87: {  	s5 =	simm.s32 @!p1 $0x80;
	s3 =	sadd.s32 @!p1 $0x400, s3;
	[sflag:s9] =	ssyncadd.s32 $0xFFFFF000  }
0x88: {  	[tilespmem:s0], [sflag:$0x1] =	stream.indirect.gather @!p1 [hbm4b:s4+s5], $0x20, s3, s5, $0xb8;
	[tilespmem:$0x15800] =	vst v63  }
0x89: {  	_ =	swait.ge [sflag:s21], $0x1000  }
0x8a: {  	s6 =	rddreg [dreg:$0x8]  }
0x8b: {  	s16 =	sadd.s32 $0xFFFFFFFA, s7;
	[sflag:s21] =	ssyncset.done $0x0;
	s5 =	sor.u32 $0x80, s6  }
0x8c: {  	p1 =	sge.u32 s16, s25;
	[sflag:s21] =	ssyncadd.s32 $0xFFFFF000;
	s0 =	sadd.s32 $0x4400, s5  }
0x8d: {  	[spmem:s2] =	stream.indirect.scatter.add.f32 [tilespmem:s10], [sflag:$0x9], $0x20, s0, s12, $0xb8;
	[tilespmem:$0x15800] =	vst v63  }
0x8e: {  	s3 =	sadd.s32 @!p1 $0x0, s23;
	_ =	swait.ge [sflag:s9], $0x1000  }
0x8f: {  	s3 =	sadd.s32 @!p1 $0x480, s3;
	[sflag:s9] =	ssyncset.done $0x0  }
0x90: {  	s5 =	simm.s32 @!p1 $0x80;
	s0 =	simm.s32 @!p1 $0x9800;
	[sflag:s9] =	ssyncadd.s32 $0xFFFFF000  }
0x91: {  	[tilespmem:s0], [sflag:$0x2] =	stream.indirect.gather @!p1 [hbm4b:s4+s5], $0x20, s3, s5, $0xb8;
	[tilespmem:$0x15800] =	vst v63  }
0x92: {  	_ =	swait.ge [sflag:s22], $0x1000  }
0x93: {  	s19 =	sor.u32 $0x100, s6;
	[sflag:s22] =	ssyncset.done $0x0  }
0x94: {  	s26 =	sadd.s32 $0xFFFFFFFB, s7;
	s0 =	sadd.s32 $0x4400, s19;
	[sflag:s22] =	ssyncadd.s32 $0xFFFFF000  }
0x95: {  	[spmem:s2] =	stream.indirect.scatter.add.f32 [tilespmem:s13], [sflag:$0x9], $0x20, s0, s12, $0xb8;
	[tilespmem:$0x15800] =	vst v63  }
0x96: {  	p1 =	sge.u32 s26, s25;
	_ =	swait.ge [sflag:s9], $0x1000  }
0x97: {  	s3 =	sadd.s32 @!p1 $0x0, s23;
	s5 =	simm.s32 @!p1 $0x80;
	[sflag:s9] =	ssyncset.done $0x0  }
0x98: {  	s3 =	sadd.s32 @!p1 $0x500, s3;
	s0 =	simm.s32 @!p1 $0xA800;
	[sflag:s9] =	ssyncadd.s32 $0xFFFFF000  }
0x99: {  	[tilespmem:s0], [sflag:$0x3] =	stream.indirect.gather @!p1 [hbm4b:s4+s5], $0x20, s3, s5, $0xb8;
	[tilespmem:$0x15800] =	vst v63  }
0x9a: {  	_ =	swait.ge [sflag:s28], $0x1000  }
0x9b: {  	s3 =	sor.u32 $0x180, s6;
	[sflag:s28] =	ssyncset.done $0x0  }
0x9c: {  	s5 =	sadd.s32 $0xFFFFFFFC, s7;
	s0 =	sadd.s32 $0x4400, s3;
	[sflag:s28] =	ssyncadd.s32 $0xFFFFF000  }
0x9d: {  	[spmem:s2] =	stream.indirect.scatter.add.f32 [tilespmem:s11], [sflag:$0x9], $0x20, s0, s12, $0xb8;
	[tilespmem:$0x15800] =	vst v63  }
0x9e: {  	p1 =	sge.u32 s5, s25;
	_ =	swait.ge [sflag:s9], $0x1000  }
0x9f: {  	s3 =	sadd.s32 @!p1 $0x0, s23;
	s5 =	simm.s32 @!p1 $0x80;
	[sflag:s9] =	ssyncset.done $0x0  }
0xa0: {  	s3 =	sadd.s32 @!p1 $0x580, s3;
	s0 =	simm.s32 @!p1 $0xB800;
	[sflag:s9] =	ssyncadd.s32 $0xFFFFF000  }
0xa1: {  	[tilespmem:s0], [sflag:$0x4] =	stream.indirect.gather @!p1 [hbm4b:s4+s5], $0x20, s3, s5, $0xb8;
	[tilespmem:$0x15800] =	vst v63  }
0xa2: {  	_ =	swait.ge [sflag:s29], $0x1000  }
0xa3: {  	s10 =	sor.u32 $0x200, s6;
	[sflag:s29] =	ssyncset.done $0x0  }
0xa4: {  	s11 =	sadd.s32 $0xFFFFFFFD, s7;
	s0 =	sadd.s32 $0x4400, s10;
	[sflag:s29] =	ssyncadd.s32 $0xFFFFF000  }
0xa5: {  	[spmem:s2] =	stream.indirect.scatter.add.f32 [tilespmem:s14], [sflag:$0x9], $0x20, s0, s12, $0xb8;
	[tilespmem:$0x15800] =	vst v63  }
0xa6: {  	p1 =	sge.u32 s11, s25;
	_ =	swait.ge [sflag:s9], $0x1000  }
0xa7: {  	s3 =	sadd.s32 @!p1 $0x0, s23;
	s5 =	simm.s32 @!p1 $0x80;
	[sflag:s9] =	ssyncset.done $0x0  }
0xa8: {  	s3 =	sadd.s32 @!p1 $0x600, s3;
	s0 =	simm.s32 @!p1 $0xC800;
	[sflag:s9] =	ssyncadd.s32 $0xFFFFF000  }
0xa9: {  	[tilespmem:s0], [sflag:$0x5] =	stream.indirect.gather @!p1 [hbm4b:s4+s5], $0x20, s3, s5, $0xb8;
	[tilespmem:$0x15800] =	vst v63  }
0xaa: {  	_ =	swait.ge [sflag:s30], $0x1000  }
0xab: {  	p2 =	sge.u32 s7, s25;
	s13 =	sor.u32 $0x280, s6;
	[sflag:s30] =	ssyncset.done $0x0  }
0xac: {  	s14 =	sadd.s32 $0xFFFFFFFE, s7;
	s0 =	sadd.s32 $0x4400, s13;
	[sflag:s30] =	ssyncadd.s32 $0xFFFFF000  }
0xad: {  	[spmem:s2] =	stream.indirect.scatter.add.f32 [tilespmem:s15], [sflag:$0x9], $0x20, s0, s12, $0xb8;
	[tilespmem:$0x15800] =	vst v63  }
0xae: {  	s16 =	sor.u32 $0x300, s6;
	p1 =	sge.u32 s14, s25;
	_ =	swait.ge [sflag:s9], $0x1000  }
0xaf: {  	s3 =	sadd.s32 @!p1 $0x0, s23;
	s5 =	simm.s32 @!p1 $0x80;
	[sflag:s9] =	ssyncset.done $0x0  }
0xb0: {  	s3 =	sadd.s32 @!p1 $0x680, s3;
	s0 =	simm.s32 @!p1 $0xD800;
	[sflag:s9] =	ssyncadd.s32 $0xFFFFF000  }
0xb1: {  	[tilespmem:s0], [sflag:$0x6] =	stream.indirect.gather @!p1 [hbm4b:s4+s5], $0x20, s3, s5, $0xb8;
	[tilespmem:$0x15800] =	vst v63  }
0xb2: {  	s19 =	sadd.s32 $0xFFFFFFFF, s7;
	s26 =	sor.u32 $0x380, s6;
	_ =	swait.ge [sflag:s31], $0x1000  }
0xb3: {  	s6 =	sadd.s32 $0x400, s6;
	s11 =	simm.s32 $0xB800;
	[sflag:s31] =	ssyncset.done $0x0  }
0xb4: {  	s10 =	simm.s32 @!p2 $0xF800;
	s0 =	sadd.s32 $0x4400, s16;
	[sflag:s31] =	ssyncadd.s32 $0xFFFFF000  }
0xb5: {  	[spmem:s2] =	stream.indirect.scatter.add.f32 [tilespmem:s17], [sflag:$0x9], $0x20, s0, s12, $0xb8;
	[tilespmem:$0x15800] =	vst v63  }
0xb6: {  	s14 =	simm.s32 $0x9800;
	p1 =	sge.u32 s19, s25;
	_ =	swait.ge [sflag:s9], $0x1000  }
0xb7: {  	s3 =	sadd.s32 @!p1 $0x0, s23;
	s5 =	simm.s32 @!p1 $0x80;
	[sflag:s9] =	ssyncset.done $0x0  }
0xb8: {  	s3 =	sadd.s32 @!p1 $0x700, s3;
	s0 =	simm.s32 @!p1 $0xE800;
	[sflag:s9] =	ssyncadd.s32 $0xFFFFF000  }
0xb9: {  	[tilespmem:s0], [sflag:$0x7] =	stream.indirect.gather @!p1 [hbm4b:s4+s5], $0x20, s3, s5, $0xb8;
	[tilespmem:$0x15800] =	vst v63  }
0xba: {  	s15 =	simm.s32 $0xA800;
	s19 =	simm.s32 $0xE800;
	_ =	swait.ge [sflag:s1], $0x1000  }
0xbb: {  	s16 =	simm.s32 $0xF800;
	s17 =	simm.s32 $0xC800;
	[sflag:s1] =	ssyncset.done $0x0  }
0xbc: {  	s3 =	simm.s32 $0x1000;
	s0 =	sadd.s32 $0x4400, s26;
	[sflag:s1] =	ssyncadd.s32 $0xFFFFF000  }
0xbd: {  	[spmem:s2] =	stream.indirect.scatter.add.f32 [tilespmem:s18], [sflag:$0x9], $0x20, s0, s12, $0xb8;
	[tilespmem:$0x15800] =	vst v63  }
0xbe: {  	s5 =	sadd.s32 $0x8, s7;
	s26 =	simm.s32 @!p2 $0x80;
	_ =	swait.ge [sflag:s9], $0x1000  }
0xbf: {  	s0 =	sadd.s32 @!p2 $0x0, s23;
	s18 =	simm.s32 $0xD800;
	[sflag:s9] =	ssyncset.done $0x0  }
.LBB2_5:
0xc0: {  	[sflag:s9] =	ssyncadd.s32 $0xFFFFF000;
	s13 =	sadd.s32 @!p2 $0x780, s0  }
0xc1: {  	s7 =	smov.u32 s3;
	s3 =	sadd.s32 $0x1000, s3;
	s0 =	smov.u32 s5  }
0xc2: {  	[tilespmem:s10], [sflag:$0x8] =	stream.indirect.gather @!p2 [hbm4b:s4+s26], $0x20, s13, s26, $0xb8;
	[tilespmem:$0x15800] =	vst v63  }
0xc3: {  	s10 =	sshra.s32 s7, $0x2;
	p1 =	seq.s32 s3, $0x11000;
	_ =	swait.ge [sflag:s20], $0x1000  }
0xc4: {  	s13 =	sadd.s32 $0xFFFFFFF9, s5;
	s10 =	sadd.s32 s10, s8;
	[sflag:s20] =	ssyncset.done $0x0  }
0xc5: {  	p2 =	sge.u32 s13, s25;
	s13 =	simm.s32 $0x8800;
	[sflag:s20] =	ssyncadd.s32 $0xFFFFF000  }
0xc6: {  	[spmem:s2] =	stream.indirect.scatter.add.f32 [tilespmem:s13], [sflag:$0x9], $0x20, s10, s12, $0xb8;
	[tilespmem:$0x15800] =	vst v63  }
0xc7: {  	s10 =	sshra.s32 @!p2 s7, $0x2;
	s13 =	simm.s32 @!p2 $0x8800;
	_ =	swait.ge [sflag:s9], $0x1000  }
0xc8: {  	s26 =	simm.s32 @!p2 $0x80;
	s10 =	sadd.s32 @!p2 s10, s23;
	[sflag:s9] =	ssyncset.done $0x0  }
0xc9: {  	s10 =	sadd.s32 @!p2 $0x400, s10;
	[sflag:s9] =	ssyncadd.s32 $0xFFFFF000  }
0xca: {  	[tilespmem:s13], [sflag:$0x1] =	stream.indirect.gather @!p2 [hbm4b:s4+s26], $0x20, s10, s26, $0xb8;
	[tilespmem:$0x15800] =	vst v63  }
0xcb: {  	s10 =	sor.u32 $0x80, s6;
	_ =	swait.ge [sflag:s21], $0x1000  }
0xcc: {  	s13 =	sadd.s32 $0xFFFFFFFA, s5;
	s10 =	sadd.s32 $0x4400, s10;
	[sflag:s21] =	ssyncset.done $0x0  }
0xcd: {  	p2 =	sge.u32 s13, s25;
	[sflag:s21] =	ssyncadd.s32 $0xFFFFF000  }
0xce: {  	[spmem:s2] =	stream.indirect.scatter.add.f32 [tilespmem:s14], [sflag:$0x9], $0x20, s10, s12, $0xb8;
	[tilespmem:$0x15800] =	vst v63  }
0xcf: {  	s13 =	simm.s32 @!p2 $0x9800;
	s10 =	sshra.s32 @!p2 s7, $0x2;
	_ =	swait.ge [sflag:s9], $0x1000  }
0xd0: {  	s26 =	simm.s32 @!p2 $0x80;
	s10 =	sadd.s32 @!p2 s10, s23;
	[sflag:s9] =	ssyncset.done $0x0  }
0xd1: {  	s10 =	sadd.s32 @!p2 $0x480, s10;
	[sflag:s9] =	ssyncadd.s32 $0xFFFFF000  }
0xd2: {  	[tilespmem:s13], [sflag:$0x2] =	stream.indirect.gather @!p2 [hbm4b:s4+s26], $0x20, s10, s26, $0xb8;
	[tilespmem:$0x15800] =	vst v63  }
0xd3: {  	s10 =	sor.u32 $0x100, s6;
	_ =	swait.ge [sflag:s22], $0x1000  }
0xd4: {  	s13 =	sadd.s32 $0xFFFFFFFB, s5;
	s10 =	sadd.s32 $0x4400, s10;
	[sflag:s22] =	ssyncset.done $0x0  }
0xd5: {  	p2 =	sge.u32 s13, s25;
	[sflag:s22] =	ssyncadd.s32 $0xFFFFF000  }
0xd6: {  	[spmem:s2] =	stream.indirect.scatter.add.f32 [tilespmem:s15], [sflag:$0x9], $0x20, s10, s12, $0xb8;
	[tilespmem:$0x15800] =	vst v63  }
0xd7: {  	s13 =	simm.s32 @!p2 $0xA800;
	s10 =	sshra.s32 @!p2 s7, $0x2;
	_ =	swait.ge [sflag:s9], $0x1000  }
0xd8: {  	s26 =	simm.s32 @!p2 $0x80;
	s10 =	sadd.s32 @!p2 s10, s23;
	[sflag:s9] =	ssyncset.done $0x0  }
0xd9: {  	s10 =	sadd.s32 @!p2 $0x500, s10;
	[sflag:s9] =	ssyncadd.s32 $0xFFFFF000  }
0xda: {  	[tilespmem:s13], [sflag:$0x3] =	stream.indirect.gather @!p2 [hbm4b:s4+s26], $0x20, s10, s26, $0xb8;
	[tilespmem:$0x15800] =	vst v63  }
0xdb: {  	s10 =	sor.u32 $0x180, s6;
	_ =	swait.ge [sflag:s28], $0x1000  }
0xdc: {  	s13 =	sadd.s32 $0xFFFFFFFC, s5;
	s10 =	sadd.s32 $0x4400, s10;
	[sflag:s28] =	ssyncset.done $0x0  }
0xdd: {  	p2 =	sge.u32 s13, s25;
	[sflag:s28] =	ssyncadd.s32 $0xFFFFF000  }
0xde: {  	[spmem:s2] =	stream.indirect.scatter.add.f32 [tilespmem:s11], [sflag:$0x9], $0x20, s10, s12, $0xb8;
	[tilespmem:$0x15800] =	vst v63  }
0xdf: {  	s13 =	simm.s32 @!p2 $0xB800;
	s10 =	sshra.s32 @!p2 s7, $0x2;
	_ =	swait.ge [sflag:s9], $0x1000  }
0xe0: {  	s26 =	simm.s32 @!p2 $0x80;
	s10 =	sadd.s32 @!p2 s10, s23;
	[sflag:s9] =	ssyncset.done $0x0  }
0xe1: {  	s10 =	sadd.s32 @!p2 $0x580, s10;
	[sflag:s9] =	ssyncadd.s32 $0xFFFFF000  }
0xe2: {  	[tilespmem:s13], [sflag:$0x4] =	stream.indirect.gather @!p2 [hbm4b:s4+s26], $0x20, s10, s26, $0xb8;
	[tilespmem:$0x15800] =	vst v63  }
0xe3: {  	s10 =	sor.u32 $0x200, s6;
	_ =	swait.ge [sflag:s29], $0x1000  }
0xe4: {  	s13 =	sadd.s32 $0xFFFFFFFD, s5;
	s10 =	sadd.s32 $0x4400, s10;
	[sflag:s29] =	ssyncset.done $0x0  }
0xe5: {  	p2 =	sge.u32 s13, s25;
	[sflag:s29] =	ssyncadd.s32 $0xFFFFF000  }
0xe6: {  	[spmem:s2] =	stream.indirect.scatter.add.f32 [tilespmem:s17], [sflag:$0x9], $0x20, s10, s12, $0xb8;
	[tilespmem:$0x15800] =	vst v63  }
0xe7: {  	s13 =	simm.s32 @!p2 $0xC800;
	s10 =	sshra.s32 @!p2 s7, $0x2;
	_ =	swait.ge [sflag:s9], $0x1000  }
0xe8: {  	s26 =	simm.s32 @!p2 $0x80;
	s10 =	sadd.s32 @!p2 s10, s23;
	[sflag:s9] =	ssyncset.done $0x0  }
0xe9: {  	s10 =	sadd.s32 @!p2 $0x600, s10;
	[sflag:s9] =	ssyncadd.s32 $0xFFFFF000  }
0xea: {  	[tilespmem:s13], [sflag:$0x5] =	stream.indirect.gather @!p2 [hbm4b:s4+s26], $0x20, s10, s26, $0xb8;
	[tilespmem:$0x15800] =	vst v63  }
0xeb: {  	s10 =	sor.u32 $0x280, s6;
	_ =	swait.ge [sflag:s30], $0x1000  }
0xec: {  	s13 =	sadd.s32 $0xFFFFFFFE, s5;
	s10 =	sadd.s32 $0x4400, s10;
	[sflag:s30] =	ssyncset.done $0x0  }
0xed: {  	p2 =	sge.u32 s13, s25;
	[sflag:s30] =	ssyncadd.s32 $0xFFFFF000  }
0xee: {  	[spmem:s2] =	stream.indirect.scatter.add.f32 [tilespmem:s18], [sflag:$0x9], $0x20, s10, s12, $0xb8;
	[tilespmem:$0x15800] =	vst v63  }
0xef: {  	s13 =	simm.s32 @!p2 $0xD800;
	s10 =	sshra.s32 @!p2 s7, $0x2;
	_ =	swait.ge [sflag:s9], $0x1000  }
0xf0: {  	s26 =	simm.s32 @!p2 $0x80;
	s10 =	sadd.s32 @!p2 s10, s23;
	[sflag:s9] =	ssyncset.done $0x0  }
0xf1: {  	s10 =	sadd.s32 @!p2 $0x680, s10;
	[sflag:s9] =	ssyncadd.s32 $0xFFFFF000  }
0xf2: {  	[tilespmem:s13], [sflag:$0x6] =	stream.indirect.gather @!p2 [hbm4b:s4+s26], $0x20, s10, s26, $0xb8;
	[tilespmem:$0x15800] =	vst v63  }
0xf3: {  	s10 =	sor.u32 $0x300, s6;
	_ =	swait.ge [sflag:s31], $0x1000  }
0xf4: {  	s13 =	sadd.s32 $0xFFFFFFFF, s5;
	s10 =	sadd.s32 $0x4400, s10;
	[sflag:s31] =	ssyncset.done $0x0  }
0xf5: {  	p2 =	sge.u32 s13, s25;
	[sflag:s31] =	ssyncadd.s32 $0xFFFFF000  }
0xf6: {  	[spmem:s2] =	stream.indirect.scatter.add.f32 [tilespmem:s19], [sflag:$0x9], $0x20, s10, s12, $0xb8;
	[tilespmem:$0x15800] =	vst v63  }
0xf7: {  	s13 =	simm.s32 @!p2 $0xE800;
	s10 =	sshra.s32 @!p2 s7, $0x2;
	_ =	swait.ge [sflag:s9], $0x1000  }
0xf8: {  	s26 =	simm.s32 @!p2 $0x80;
	s10 =	sadd.s32 @!p2 s10, s23;
	[sflag:s9] =	ssyncset.done $0x0  }
0xf9: {  	s10 =	sadd.s32 @!p2 $0x700, s10;
	[sflag:s9] =	ssyncadd.s32 $0xFFFFF000  }
0xfa: {  	[tilespmem:s13], [sflag:$0x7] =	stream.indirect.gather @!p2 [hbm4b:s4+s26], $0x20, s10, s26, $0xb8;
	[tilespmem:$0x15800] =	vst v63  }
0xfb: {  	s5 =	sadd.s32 $0x8, s5;
	s10 =	sor.u32 $0x380, s6;
	_ =	swait.ge [sflag:s1], $0x1000  }
.Ltmp4:
0xfc: {  	s10 =	sadd.s32 $0x4400, s10;
	[sflag:s1] =	ssyncset.done $0x0;
	(pc) =	sbr.rel @!p1 .LBB2_5-.Ltmp4, $4  }
0xfd: {  	p2 =	sge.u32 s0, s25;
	s6 =	sadd.s32 $0x400, s6;
	[sflag:s1] =	ssyncadd.s32 $0xFFFFF000  }
0xfe: {  	[spmem:s2] =	stream.indirect.scatter.add.f32 [tilespmem:s16], [sflag:$0x9], $0x20, s10, s12, $0xb8;
	[tilespmem:$0x15800] =	vst v63  }
0xff: {  	s0 =	sshra.s32 @!p2 s7, $0x2;
	s10 =	simm.s32 @!p2 $0xF800;
	_ =	swait.ge [sflag:s9], $0x1000  }
0x100: {  	s26 =	simm.s32 @!p2 $0x80;
	s0 =	sadd.s32 @!p2 s0, s23;
	[sflag:s9] =	ssyncset.done $0x0  }
.Ltmp5:
0x101: {  	(pc) =	sbr.rel .LBB2_10-.Ltmp5, $3  }
0x102: {  	_ =	sdelay $0x1  }
0x103: {  	[sflag:s9] =	ssyncadd.s32 $0xFFFFF000;
	s0 =	sadd.s32 @!p2 $0x780, s0;
	s7 =	rddreg [dreg:$0x1f]  }
0x104: {  	[tilespmem:s10], [sflag:$0x8] =	stream.indirect.gather @!p2 [hbm4b:s4+s26], $0x20, s0, s26, $0xb8;
	[tilespmem:$0x15800] =	vst v63  }
.LBB2_7:
0x105: {  	_ =	swait.ge [sflag:s20], $0x1000  }
0x106: {  	[sflag:s20] =	ssyncset.done $0x0;
	s7 =	rddreg [dreg:$0x15]  }
0x107: {  	s0 =	sadd.s32 $0x0, s8;
	s3 =	sadd.s32 $0xFFFFFFF9, s7;
	[sflag:s20] =	ssyncadd.s32 $0xFFFFF000  }
0x108: {  	[spmem:s2] =	stream.indirect.scatter.add.f32 [tilespmem:s6], [sflag:$0x9], $0x20, s0, s12, $0xb8;
	[tilespmem:$0x15800] =	vst v63  }
0x109: {  	p1 =	sge.u32 s3, s24;
	_ =	swait.ge [sflag:s9], $0x1000  }
0x10a: {  	s0 =	simm.s32 @!p1 $0x8800;
	s3 =	sadd.s32 @!p1 $0x0, s23;
	[sflag:s9] =	ssyncset.done $0x0  }
0x10b: {  	s5 =	simm.s32 @!p1 $0x80;
	s3 =	sadd.s32 @!p1 $0x400, s3;
	[sflag:s9] =	ssyncadd.s32 $0xFFFFF000  }
0x10c: {  	[tilespmem:s0], [sflag:$0x1] =	stream.indirect.gather @!p1 [hbm4b:s4+s5], $0x20, s3, s5, $0xb8;
	[tilespmem:$0x15800] =	vst v63  }
0x10d: {  	_ =	swait.ge [sflag:s21], $0x1000  }
0x10e: {  	s6 =	rddreg [dreg:$0x8]  }
0x10f: {  	s16 =	sadd.s32 $0xFFFFFFFA, s7;
	[sflag:s21] =	ssyncset.done $0x0;
	s5 =	sor.u32 $0x80, s6  }
0x110: {  	p1 =	sge.u32 s16, s24;
	[sflag:s21] =	ssyncadd.s32 $0xFFFFF000;
	s0 =	sadd.s32 $0x4400, s5  }
0x111: {  	[spmem:s2] =	stream.indirect.scatter.add.f32 [tilespmem:s10], [sflag:$0x9], $0x20, s0, s12, $0xb8;
	[tilespmem:$0x15800] =	vst v63  }
0x112: {  	s3 =	sadd.s32 @!p1 $0x0, s23;
	_ =	swait.ge [sflag:s9], $0x1000  }
0x113: {  	s3 =	sadd.s32 @!p1 $0x480, s3;
	[sflag:s9] =	ssyncset.done $0x0  }
0x114: {  	s5 =	simm.s32 @!p1 $0x80;
	s0 =	simm.s32 @!p1 $0x9800;
	[sflag:s9] =	ssyncadd.s32 $0xFFFFF000  }
0x115: {  	[tilespmem:s0], [sflag:$0x2] =	stream.indirect.gather @!p1 [hbm4b:s4+s5], $0x20, s3, s5, $0xb8;
	[tilespmem:$0x15800] =	vst v63  }
0x116: {  	_ =	swait.ge [sflag:s22], $0x1000  }
0x117: {  	s19 =	sor.u32 $0x100, s6;
	[sflag:s22] =	ssyncset.done $0x0  }
0x118: {  	s26 =	sadd.s32 $0xFFFFFFFB, s7;
	s0 =	sadd.s32 $0x4400, s19;
	[sflag:s22] =	ssyncadd.s32 $0xFFFFF000  }
0x119: {  	[spmem:s2] =	stream.indirect.scatter.add.f32 [tilespmem:s13], [sflag:$0x9], $0x20, s0, s12, $0xb8;
	[tilespmem:$0x15800] =	vst v63  }
0x11a: {  	p1 =	sge.u32 s26, s24;
	_ =	swait.ge [sflag:s9], $0x1000  }
0x11b: {  	s3 =	sadd.s32 @!p1 $0x0, s23;
	s5 =	simm.s32 @!p1 $0x80;
	[sflag:s9] =	ssyncset.done $0x0  }
0x11c: {  	s3 =	sadd.s32 @!p1 $0x500, s3;
	s0 =	simm.s32 @!p1 $0xA800;
	[sflag:s9] =	ssyncadd.s32 $0xFFFFF000  }
0x11d: {  	[tilespmem:s0], [sflag:$0x3] =	stream.indirect.gather @!p1 [hbm4b:s4+s5], $0x20, s3, s5, $0xb8;
	[tilespmem:$0x15800] =	vst v63  }
0x11e: {  	_ =	swait.ge [sflag:s28], $0x1000  }
0x11f: {  	s3 =	sor.u32 $0x180, s6;
	[sflag:s28] =	ssyncset.done $0x0  }
0x120: {  	s5 =	sadd.s32 $0xFFFFFFFC, s7;
	s0 =	sadd.s32 $0x4400, s3;
	[sflag:s28] =	ssyncadd.s32 $0xFFFFF000  }
0x121: {  	[spmem:s2] =	stream.indirect.scatter.add.f32 [tilespmem:s11], [sflag:$0x9], $0x20, s0, s12, $0xb8;
	[tilespmem:$0x15800] =	vst v63  }
0x122: {  	p1 =	sge.u32 s5, s24;
	_ =	swait.ge [sflag:s9], $0x1000  }
0x123: {  	s3 =	sadd.s32 @!p1 $0x0, s23;
	s5 =	simm.s32 @!p1 $0x80;
	[sflag:s9] =	ssyncset.done $0x0  }
0x124: {  	s3 =	sadd.s32 @!p1 $0x580, s3;
	s0 =	simm.s32 @!p1 $0xB800;
	[sflag:s9] =	ssyncadd.s32 $0xFFFFF000  }
0x125: {  	[tilespmem:s0], [sflag:$0x4] =	stream.indirect.gather @!p1 [hbm4b:s4+s5], $0x20, s3, s5, $0xb8;
	[tilespmem:$0x15800] =	vst v63  }
0x126: {  	_ =	swait.ge [sflag:s29], $0x1000  }
0x127: {  	s10 =	sor.u32 $0x200, s6;
	[sflag:s29] =	ssyncset.done $0x0  }
0x128: {  	s11 =	sadd.s32 $0xFFFFFFFD, s7;
	s0 =	sadd.s32 $0x4400, s10;
	[sflag:s29] =	ssyncadd.s32 $0xFFFFF000  }
0x129: {  	[spmem:s2] =	stream.indirect.scatter.add.f32 [tilespmem:s14], [sflag:$0x9], $0x20, s0, s12, $0xb8;
	[tilespmem:$0x15800] =	vst v63  }
0x12a: {  	p1 =	sge.u32 s11, s24;
	_ =	swait.ge [sflag:s9], $0x1000  }
0x12b: {  	s3 =	sadd.s32 @!p1 $0x0, s23;
	s5 =	simm.s32 @!p1 $0x80;
	[sflag:s9] =	ssyncset.done $0x0  }
0x12c: {  	s3 =	sadd.s32 @!p1 $0x600, s3;
	s0 =	simm.s32 @!p1 $0xC800;
	[sflag:s9] =	ssyncadd.s32 $0xFFFFF000  }
0x12d: {  	[tilespmem:s0], [sflag:$0x5] =	stream.indirect.gather @!p1 [hbm4b:s4+s5], $0x20, s3, s5, $0xb8;
	[tilespmem:$0x15800] =	vst v63  }
0x12e: {  	_ =	swait.ge [sflag:s30], $0x1000  }
0x12f: {  	p2 =	sge.u32 s7, s24;
	s13 =	sor.u32 $0x280, s6;
	[sflag:s30] =	ssyncset.done $0x0  }
0x130: {  	s14 =	sadd.s32 $0xFFFFFFFE, s7;
	s0 =	sadd.s32 $0x4400, s13;
	[sflag:s30] =	ssyncadd.s32 $0xFFFFF000  }
0x131: {  	[spmem:s2] =	stream.indirect.scatter.add.f32 [tilespmem:s15], [sflag:$0x9], $0x20, s0, s12, $0xb8;
	[tilespmem:$0x15800] =	vst v63  }
0x132: {  	s16 =	sor.u32 $0x300, s6;
	p1 =	sge.u32 s14, s24;
	_ =	swait.ge [sflag:s9], $0x1000  }
0x133: {  	s3 =	sadd.s32 @!p1 $0x0, s23;
	s5 =	simm.s32 @!p1 $0x80;
	[sflag:s9] =	ssyncset.done $0x0  }
0x134: {  	s3 =	sadd.s32 @!p1 $0x680, s3;
	s0 =	simm.s32 @!p1 $0xD800;
	[sflag:s9] =	ssyncadd.s32 $0xFFFFF000  }
0x135: {  	[tilespmem:s0], [sflag:$0x6] =	stream.indirect.gather @!p1 [hbm4b:s4+s5], $0x20, s3, s5, $0xb8;
	[tilespmem:$0x15800] =	vst v63  }
0x136: {  	s19 =	sadd.s32 $0xFFFFFFFF, s7;
	s26 =	sor.u32 $0x380, s6;
	_ =	swait.ge [sflag:s31], $0x1000  }
0x137: {  	s6 =	sadd.s32 $0x400, s6;
	s11 =	simm.s32 $0xB800;
	[sflag:s31] =	ssyncset.done $0x0  }
0x138: {  	s10 =	simm.s32 @!p2 $0xF800;
	s0 =	sadd.s32 $0x4400, s16;
	[sflag:s31] =	ssyncadd.s32 $0xFFFFF000  }
0x139: {  	[spmem:s2] =	stream.indirect.scatter.add.f32 [tilespmem:s17], [sflag:$0x9], $0x20, s0, s12, $0xb8;
	[tilespmem:$0x15800] =	vst v63  }
0x13a: {  	s14 =	simm.s32 $0x9800;
	p1 =	sge.u32 s19, s24;
	_ =	swait.ge [sflag:s9], $0x1000  }
0x13b: {  	s3 =	sadd.s32 @!p1 $0x0, s23;
	s5 =	simm.s32 @!p1 $0x80;
	[sflag:s9] =	ssyncset.done $0x0  }
0x13c: {  	s3 =	sadd.s32 @!p1 $0x700, s3;
	s0 =	simm.s32 @!p1 $0xE800;
	[sflag:s9] =	ssyncadd.s32 $0xFFFFF000  }
0x13d: {  	[tilespmem:s0], [sflag:$0x7] =	stream.indirect.gather @!p1 [hbm4b:s4+s5], $0x20, s3, s5, $0xb8;
	[tilespmem:$0x15800] =	vst v63  }
0x13e: {  	s15 =	simm.s32 $0xA800;
	s19 =	simm.s32 $0xE800;
	_ =	swait.ge [sflag:s1], $0x1000  }
0x13f: {  	s16 =	simm.s32 $0xF800;
	s17 =	simm.s32 $0xC800;
	[sflag:s1] =	ssyncset.done $0x0  }
0x140: {  	s3 =	simm.s32 $0x1000;
	s0 =	sadd.s32 $0x4400, s26;
	[sflag:s1] =	ssyncadd.s32 $0xFFFFF000  }
0x141: {  	[spmem:s2] =	stream.indirect.scatter.add.f32 [tilespmem:s18], [sflag:$0x9], $0x20, s0, s12, $0xb8;
	[tilespmem:$0x15800] =	vst v63  }
0x142: {  	s5 =	sadd.s32 $0x8, s7;
	s26 =	simm.s32 @!p2 $0x80;
	_ =	swait.ge [sflag:s9], $0x1000  }
0x143: {  	s0 =	sadd.s32 @!p2 $0x0, s23;
	s18 =	simm.s32 $0xD800;
	[sflag:s9] =	ssyncset.done $0x0  }
.LBB2_8:
0x144: {  	[sflag:s9] =	ssyncadd.s32 $0xFFFFF000;
	s13 =	sadd.s32 @!p2 $0x780, s0  }
0x145: {  	s7 =	smov.u32 s3;
	s3 =	sadd.s32 $0x1000, s3;
	s0 =	smov.u32 s5  }
0x146: {  	[tilespmem:s10], [sflag:$0x8] =	stream.indirect.gather @!p2 [hbm4b:s4+s26], $0x20, s13, s26, $0xb8;
	[tilespmem:$0x15800] =	vst v63  }
0x147: {  	s10 =	sshra.s32 s7, $0x2;
	p1 =	sne.s32 s3, $0x3000;
	_ =	swait.ge [sflag:s20], $0x1000  }
0x148: {  	s13 =	sadd.s32 $0xFFFFFFF9, s5;
	s10 =	sadd.s32 s10, s8;
	[sflag:s20] =	ssyncset.done $0x0  }
0x149: {  	p2 =	sge.u32 s13, s24;
	s13 =	simm.s32 $0x8800;
	[sflag:s20] =	ssyncadd.s32 $0xFFFFF000  }
0x14a: {  	[spmem:s2] =	stream.indirect.scatter.add.f32 [tilespmem:s13], [sflag:$0x9], $0x20, s10, s12, $0xb8;
	[tilespmem:$0x15800] =	vst v63  }
0x14b: {  	s10 =	sshra.s32 @!p2 s7, $0x2;
	s13 =	simm.s32 @!p2 $0x8800;
	_ =	swait.ge [sflag:s9], $0x1000  }
0x14c: {  	s26 =	simm.s32 @!p2 $0x80;
	s10 =	sadd.s32 @!p2 s10, s23;
	[sflag:s9] =	ssyncset.done $0x0  }
0x14d: {  	s10 =	sadd.s32 @!p2 $0x400, s10;
	[sflag:s9] =	ssyncadd.s32 $0xFFFFF000  }
0x14e: {  	[tilespmem:s13], [sflag:$0x1] =	stream.indirect.gather @!p2 [hbm4b:s4+s26], $0x20, s10, s26, $0xb8;
	[tilespmem:$0x15800] =	vst v63  }
0x14f: {  	s10 =	sor.u32 $0x80, s6;
	_ =	swait.ge [sflag:s21], $0x1000  }
0x150: {  	s13 =	sadd.s32 $0xFFFFFFFA, s5;
	s10 =	sadd.s32 $0x4400, s10;
	[sflag:s21] =	ssyncset.done $0x0  }
0x151: {  	p2 =	sge.u32 s13, s24;
	[sflag:s21] =	ssyncadd.s32 $0xFFFFF000  }
0x152: {  	[spmem:s2] =	stream.indirect.scatter.add.f32 [tilespmem:s14], [sflag:$0x9], $0x20, s10, s12, $0xb8;
	[tilespmem:$0x15800] =	vst v63  }
0x153: {  	s13 =	simm.s32 @!p2 $0x9800;
	s10 =	sshra.s32 @!p2 s7, $0x2;
	_ =	swait.ge [sflag:s9], $0x1000  }
0x154: {  	s26 =	simm.s32 @!p2 $0x80;
	s10 =	sadd.s32 @!p2 s10, s23;
	[sflag:s9] =	ssyncset.done $0x0  }
0x155: {  	s10 =	sadd.s32 @!p2 $0x480, s10;
	[sflag:s9] =	ssyncadd.s32 $0xFFFFF000  }
0x156: {  	[tilespmem:s13], [sflag:$0x2] =	stream.indirect.gather @!p2 [hbm4b:s4+s26], $0x20, s10, s26, $0xb8;
	[tilespmem:$0x15800] =	vst v63  }
0x157: {  	s10 =	sor.u32 $0x100, s6;
	_ =	swait.ge [sflag:s22], $0x1000  }
0x158: {  	s13 =	sadd.s32 $0xFFFFFFFB, s5;
	s10 =	sadd.s32 $0x4400, s10;
	[sflag:s22] =	ssyncset.done $0x0  }
0x159: {  	p2 =	sge.u32 s13, s24;
	[sflag:s22] =	ssyncadd.s32 $0xFFFFF000  }
0x15a: {  	[spmem:s2] =	stream.indirect.scatter.add.f32 [tilespmem:s15], [sflag:$0x9], $0x20, s10, s12, $0xb8;
	[tilespmem:$0x15800] =	vst v63  }
0x15b: {  	s13 =	simm.s32 @!p2 $0xA800;
	s10 =	sshra.s32 @!p2 s7, $0x2;
	_ =	swait.ge [sflag:s9], $0x1000  }
0x15c: {  	s26 =	simm.s32 @!p2 $0x80;
	s10 =	sadd.s32 @!p2 s10, s23;
	[sflag:s9] =	ssyncset.done $0x0  }
0x15d: {  	s10 =	sadd.s32 @!p2 $0x500, s10;
	[sflag:s9] =	ssyncadd.s32 $0xFFFFF000  }
0x15e: {  	[tilespmem:s13], [sflag:$0x3] =	stream.indirect.gather @!p2 [hbm4b:s4+s26], $0x20, s10, s26, $0xb8;
	[tilespmem:$0x15800] =	vst v63  }
0x15f: {  	s10 =	sor.u32 $0x180, s6;
	_ =	swait.ge [sflag:s28], $0x1000  }
0x160: {  	s13 =	sadd.s32 $0xFFFFFFFC, s5;
	s10 =	sadd.s32 $0x4400, s10;
	[sflag:s28] =	ssyncset.done $0x0  }
0x161: {  	p2 =	sge.u32 s13, s24;
	[sflag:s28] =	ssyncadd.s32 $0xFFFFF000  }
0x162: {  	[spmem:s2] =	stream.indirect.scatter.add.f32 [tilespmem:s11], [sflag:$0x9], $0x20, s10, s12, $0xb8;
	[tilespmem:$0x15800] =	vst v63  }
0x163: {  	s13 =	simm.s32 @!p2 $0xB800;
	s10 =	sshra.s32 @!p2 s7, $0x2;
	_ =	swait.ge [sflag:s9], $0x1000  }
0x164: {  	s26 =	simm.s32 @!p2 $0x80;
	s10 =	sadd.s32 @!p2 s10, s23;
	[sflag:s9] =	ssyncset.done $0x0  }
0x165: {  	s10 =	sadd.s32 @!p2 $0x580, s10;
	[sflag:s9] =	ssyncadd.s32 $0xFFFFF000  }
0x166: {  	[tilespmem:s13], [sflag:$0x4] =	stream.indirect.gather @!p2 [hbm4b:s4+s26], $0x20, s10, s26, $0xb8;
	[tilespmem:$0x15800] =	vst v63  }
0x167: {  	s10 =	sor.u32 $0x200, s6;
	_ =	swait.ge [sflag:s29], $0x1000  }
0x168: {  	s13 =	sadd.s32 $0xFFFFFFFD, s5;
	s10 =	sadd.s32 $0x4400, s10;
	[sflag:s29] =	ssyncset.done $0x0  }
0x169: {  	p2 =	sge.u32 s13, s24;
	[sflag:s29] =	ssyncadd.s32 $0xFFFFF000  }
0x16a: {  	[spmem:s2] =	stream.indirect.scatter.add.f32 [tilespmem:s17], [sflag:$0x9], $0x20, s10, s12, $0xb8;
	[tilespmem:$0x15800] =	vst v63  }
0x16b: {  	s13 =	simm.s32 @!p2 $0xC800;
	s10 =	sshra.s32 @!p2 s7, $0x2;
	_ =	swait.ge [sflag:s9], $0x1000  }
0x16c: {  	s26 =	simm.s32 @!p2 $0x80;
	s10 =	sadd.s32 @!p2 s10, s23;
	[sflag:s9] =	ssyncset.done $0x0  }
0x16d: {  	s10 =	sadd.s32 @!p2 $0x600, s10;
	[sflag:s9] =	ssyncadd.s32 $0xFFFFF000  }
0x16e: {  	[tilespmem:s13], [sflag:$0x5] =	stream.indirect.gather @!p2 [hbm4b:s4+s26], $0x20, s10, s26, $0xb8;
	[tilespmem:$0x15800] =	vst v63  }
0x16f: {  	s10 =	sor.u32 $0x280, s6;
	_ =	swait.ge [sflag:s30], $0x1000  }
0x170: {  	s13 =	sadd.s32 $0xFFFFFFFE, s5;
	s10 =	sadd.s32 $0x4400, s10;
	[sflag:s30] =	ssyncset.done $0x0  }
0x171: {  	p2 =	sge.u32 s13, s24;
	[sflag:s30] =	ssyncadd.s32 $0xFFFFF000  }
0x172: {  	[spmem:s2] =	stream.indirect.scatter.add.f32 [tilespmem:s18], [sflag:$0x9], $0x20, s10, s12, $0xb8;
	[tilespmem:$0x15800] =	vst v63  }
0x173: {  	s13 =	simm.s32 @!p2 $0xD800;
	s10 =	sshra.s32 @!p2 s7, $0x2;
	_ =	swait.ge [sflag:s9], $0x1000  }
0x174: {  	s26 =	simm.s32 @!p2 $0x80;
	s10 =	sadd.s32 @!p2 s10, s23;
	[sflag:s9] =	ssyncset.done $0x0  }
0x175: {  	s10 =	sadd.s32 @!p2 $0x680, s10;
	[sflag:s9] =	ssyncadd.s32 $0xFFFFF000  }
0x176: {  	[tilespmem:s13], [sflag:$0x6] =	stream.indirect.gather @!p2 [hbm4b:s4+s26], $0x20, s10, s26, $0xb8;
	[tilespmem:$0x15800] =	vst v63  }
0x177: {  	s10 =	sor.u32 $0x300, s6;
	_ =	swait.ge [sflag:s31], $0x1000  }
0x178: {  	s13 =	sadd.s32 $0xFFFFFFFF, s5;
	s10 =	sadd.s32 $0x4400, s10;
	[sflag:s31] =	ssyncset.done $0x0  }
0x179: {  	p2 =	sge.u32 s13, s24;
	[sflag:s31] =	ssyncadd.s32 $0xFFFFF000  }
0x17a: {  	[spmem:s2] =	stream.indirect.scatter.add.f32 [tilespmem:s19], [sflag:$0x9], $0x20, s10, s12, $0xb8;
	[tilespmem:$0x15800] =	vst v63  }
0x17b: {  	s13 =	simm.s32 @!p2 $0xE800;
	s10 =	sshra.s32 @!p2 s7, $0x2;
	_ =	swait.ge [sflag:s9], $0x1000  }
0x17c: {  	s26 =	simm.s32 @!p2 $0x80;
	s10 =	sadd.s32 @!p2 s10, s23;
	[sflag:s9] =	ssyncset.done $0x0  }
0x17d: {  	s10 =	sadd.s32 @!p2 $0x700, s10;
	[sflag:s9] =	ssyncadd.s32 $0xFFFFF000  }
0x17e: {  	[tilespmem:s13], [sflag:$0x7] =	stream.indirect.gather @!p2 [hbm4b:s4+s26], $0x20, s10, s26, $0xb8;
	[tilespmem:$0x15800] =	vst v63  }
0x17f: {  	s5 =	sadd.s32 $0x8, s5;
	s10 =	sor.u32 $0x380, s6;
	_ =	swait.ge [sflag:s1], $0x1000  }
.Ltmp6:
0x180: {  	s10 =	sadd.s32 $0x4400, s10;
	[sflag:s1] =	ssyncset.done $0x0;
	(pc) =	sbr.rel @p1 .LBB2_8-.Ltmp6, $4  }
0x181: {  	p2 =	sge.u32 s0, s24;
	s6 =	sadd.s32 $0x400, s6;
	[sflag:s1] =	ssyncadd.s32 $0xFFFFF000  }
0x182: {  	[spmem:s2] =	stream.indirect.scatter.add.f32 [tilespmem:s16], [sflag:$0x9], $0x20, s10, s12, $0xb8;
	[tilespmem:$0x15800] =	vst v63  }
0x183: {  	s0 =	sshra.s32 @!p2 s7, $0x2;
	s10 =	simm.s32 @!p2 $0xF800;
	_ =	swait.ge [sflag:s9], $0x1000  }
0x184: {  	s26 =	simm.s32 @!p2 $0x80;
	s0 =	sadd.s32 @!p2 s0, s23;
	[sflag:s9] =	ssyncset.done $0x0  }
.Ltmp7:
0x185: {  	_ = 	snop;
	(pc) =	sbr.rel .LBB2_9-.Ltmp7, $1  }
0x186: {  	_ =	sdelay $0x3  }
.LBB2_11:
0x187: {  	_ =	sfence.sel $0x180000  }
0x188: {  	[bflag:$0x0] =	sbarrier.arrive $0xFFFF  }
0x189: {  	_ =	strace $0x9000004D  }
0x18a: {  	s0 =	stileid.u32;
	[bflag:$0x2] =	sbarrier.arrive $0xFFFF  }
0x18b: {  	p0 =	sne.s32 s0, $0x0;
	s0 =	rddreg [dreg:$0x2]  }
0x18c: {  	s0 =	sadd.s32 @!p0 $0x100000, s0  }
0x18d: {  	[sflag:s0] =	ssyncadd.tile.s32 @!p0 $0x1;
	_ =	shalt  }
.Lfunc_end2:
_tile_overlayer_lowered:
.L_overlay_start_2:
0x18e: {  	(tag) =	ssettag $0x2  }
0x18f: {  	s0 =	rddreg [dreg:$0x0];
	s2 =	stileid.u32  }
0x190: {  	s1 =	rddreg [dreg:$0x1];
	p0 =	sne.s32 s2, $0x0  }
0x191: {  	s3 =	rddreg [dreg:$0x2];
	[bflag:$0x3] =	sbarrier.arrive $0xFFFF;
	s2 =	simm.s32 @!p0 $0x1C09  }
0x192: {  	[timem:s3], [sflag:s2] =	dma.local @!p0 [hbm:s0], s1  }
0x193: {  	s0 =	simm.s32 @!p0 $0x9  }
0x194: {  	_ =	swait.ge @!p0 [sflag:s0], s1  }
0x195: {  	s1 =	ssub.s32 @!p0 $0x0, s1;
	[sflag:s0] =	ssyncset.done @!p0 $0x0  }
0x196: {  	[sflag:s0] =	ssyncadd.s32 @!p0 s1  }
0x197: {  	[bflag:$0x3] =	sbarrier.arrive $0xFFFF  }
0x198: {  	_ =	shalt  }

// kernel: kernel.19.cloned.1.call-start
scs
__scs_entry_jumppad:
0x0: {  	(pc) =	sbr.rel $0x88, $3  }
0x1: {  	(tag) =	ssettag $0x0;
	lr =	simm.s32 $0x1  }
0x2: {  	[smem:$0x3F99] =	sst lr;
	_ =	strace $0xD0000000  }
0x3: {  	_ = 	snop  }
0x4: {  	_ = 	snop  }
0x5: {  	_ = 	snop  }
0x6: {  	_ = 	snop  }
0x7: {  	_ = 	snop  }
__scs_overlays_trampoline_lowered:
0x8: {  	[smem:$0x3FA8] =	sst s0  }
0x9: {  	[smem:$0x3FA9] =	sst s1  }
0xa: {  	[smem:$0x3FAA] =	sst s2  }
0xb: {  	[smem:$0x3FAB] =	sst s3  }
0xc: {  	[smem:$0x3FAC] =	sst s4  }
0xd: {  	[smem:$0x3FAD] =	sst s5  }
0xe: {  	[smem:$0x3FAE] =	sst s6  }
0xf: {  	[smem:$0x3FAF] =	sst s7  }
0x10: {  	[smem:$0x3FB0] =	sst s8  }
0x11: {  	[smem:$0x3FB1] =	sst s9;
	s0 =	simm.s32 @!p0 $0x0  }
0x12: {  	s1 =	sld [smem:$0x3F97];
	s0 =	simm.s32 @p0 $0x1  }
0x13: {  	[smem:$0x3FB2] =	sst s0;
	s0 =	simm.s32 @!p1 $0x0  }
0x14: {  	s2 =	sld [smem:$0x3F96];
	s0 =	simm.s32 @p1 $0x1  }
0x15: {  	[smem:$0x3FB3] =	sst s0;
	s0 =	simm.s32 @!p2 $0x0  }
0x16: {  	s3 =	sld [smem:$0x3FDB];
	s0 =	simm.s32 @p2 $0x1  }
0x17: {  	s4 =	simm.s32 $0x1BF5;
	[smem:$0x3FB5] =	sst s0  }
0x18: {  	s0 =	sld [smem:$0x3F98];
	_ =	swait.ge [sflag:s4], $0x0  }
0x19: {  	s7 =	sld [smem:$0x3F99]  }
0x1a: {  	s8 =	sadd.s32 $0xFFFFE003, lr  }
0x1b: {  	s9 =	sadd.s32 $0xFFFFFEF7, lr;
	s5 =	simm.s32 $0xFFFFFFFF;
	p2 =	slt.u32 s8, $0xFFFFF086  }
0x1c: {  	p1 =	slt.u32 s9, $0xF7A;
	s5 =	simm.s32 @!p2 $0x0  }
0x1d: {  	s5 =	simm.s32 @p1 $0x1;
	p0 =	seq.s32 s7, s2  }
0x1e: {  	s7 =	smul.u32 @!p0 $0xF7A, s2;
	p2 =	seq.s32 @!p0 s5, $0x0  }
0x1f: {  	s9 =	smul.u32 $0xF7A, s1;
	s8 =	simm.s32 @!p0 $0x1BF5;
	p2 =	por !p2, p0  }
0x20: {  	[sflag:s8] =	ssyncset.s32 @!p0 $0xFFFFF086;
	s6 =	sadd.s32 @!p0 s3, s7;
	s7 =	simm.s32 @!p0 $0x108  }
0x21: {  	s3 =	sadd.s32 s3, s9;
	s6 =	sadd.s32 @!p0 $0x88, s6;
	s7 =	simm.s32 @p2 $0x1082  }
0x22: {  	[simem:s7], [sflag:s8] =	dma.local @!p0 [hbm:s6], $0xF7A  }
0x23: {  	s9 =	sor.u32 $0xD0000000, s2;
	s6 =	simm.s32 $0x108;
	_ =	swait.ge @!p0 [sflag:s8], $0x0  }
0x24: {  	s3 =	sadd.s32 $0x88, s3;
	s6 =	simm.s32 @!p1 $0x1082;
	[sflag:s4] =	ssyncset.s32 $0xFFFFF086  }
0x25: {  	[simem:s6], [sflag:s4] =	dma.local [hbm:s3], $0xF7A  }
0x26: {  	[smem:$0x3F99] =	sst s1;
	(tag) =	ssettag s2;
	_ =	strace s9  }
0x27: {  	s1 =	sld [smem:$0x3FA9]  }
0x28: {  	s2 =	sld [smem:$0x3FAA]  }
0x29: {  	s4 =	sld [smem:$0x3FAC]  }
0x2a: {  	p0 =	seq.s32 s5, $0x0;
	s5 =	sld [smem:$0x3FAD]  }
0x2b: {  	s6 =	sld [smem:$0x3FAE]  }
0x2c: {  	s7 =	sld [smem:$0x3FAF]  }
0x2d: {  	s3 =	simm.s32 $0x108;
	s8 =	sld [smem:$0x3FB0]  }
0x2e: {  	s3 =	simm.s32 @!p0 $0x1082;
	s9 =	sld [smem:$0x3FB1]  }
0x2f: {  	lr =	sadd.s32 s0, s3;
	s0 =	sld [smem:$0x3FA8]  }
0x30: {  	s3 =	sld [smem:$0x3FAB]  }
0x31: {  	[smem:$0x3FB4] =	sst s10  }
0x32: {  	s10 =	sld [smem:$0x3FB2];
	_ =	sdelay $0x3  }
0x33: {  	p0 =	seq.s32 s10, $0x1;
	s10 =	sld [smem:$0x3FB4];
	_ =	sdelay $0x3  }
0x34: {  	[smem:$0x3FB4] =	sst s10  }
0x35: {  	s10 =	sld [smem:$0x3FB3];
	_ =	sdelay $0x3  }
0x36: {  	p1 =	seq.s32 s10, $0x1;
	s10 =	sld [smem:$0x3FB4];
	_ =	sdelay $0x3  }
0x37: {  	[smem:$0x3FB4] =	sst s10  }
0x38: {  	s10 =	sld [smem:$0x3FB5]  }
0x39: {  	_ = 	snop;
	(pc) =	sbr.ind lr, $3  }
0x3a: {  	_ = 	snop  }
0x3b: {  	_ = 	snop  }
0x3c: {  	p2 =	seq.s32 s10, $0x1;
	s10 =	sld [smem:$0x3FB4]  }
0x3d: {  	_ =	shalt  }
0x3e: {  	_ =	shalt  }
0x3f: {  	_ =	shalt  }
0x40: {  	_ =	shalt  }
0x41: {  	_ =	shalt  }
0x42: {  	_ =	shalt  }
0x43: {  	_ =	shalt  }
0x44: {  	_ =	shalt  }
0x45: {  	_ =	shalt  }
0x46: {  	_ =	shalt  }
0x47: {  	_ =	shalt  }
0x48: {  	_ =	shalt  }
0x49: {  	_ =	shalt  }
0x4a: {  	_ =	shalt  }
0x4b: {  	_ =	shalt  }
0x4c: {  	_ =	shalt  }
0x4d: {  	_ =	shalt  }
0x4e: {  	_ =	shalt  }
0x4f: {  	_ =	shalt  }
0x50: {  	_ =	shalt  }
0x51: {  	_ =	shalt  }
0x52: {  	_ =	shalt  }
0x53: {  	_ =	shalt  }
0x54: {  	_ =	shalt  }
0x55: {  	_ =	shalt  }
0x56: {  	_ =	shalt  }
0x57: {  	_ =	shalt  }
0x58: {  	_ =	shalt  }
0x59: {  	_ =	shalt  }
0x5a: {  	_ =	shalt  }
0x5b: {  	_ =	shalt  }
0x5c: {  	_ =	shalt  }
0x5d: {  	_ =	shalt  }
0x5e: {  	_ =	shalt  }
0x5f: {  	_ =	shalt  }
0x60: {  	_ =	shalt  }
0x61: {  	_ =	shalt  }
0x62: {  	_ =	shalt  }
0x63: {  	_ =	shalt  }
0x64: {  	_ =	shalt  }
0x65: {  	_ =	shalt  }
0x66: {  	_ =	shalt  }
0x67: {  	_ =	shalt  }
0x68: {  	_ =	shalt  }
0x69: {  	_ =	shalt  }
0x6a: {  	_ =	shalt  }
0x6b: {  	_ =	shalt  }
0x6c: {  	_ =	shalt  }
0x6d: {  	_ =	shalt  }
0x6e: {  	_ =	shalt  }
0x6f: {  	_ =	shalt  }
0x70: {  	_ =	shalt  }
0x71: {  	_ =	shalt  }
0x72: {  	_ =	shalt  }
0x73: {  	_ =	shalt  }
0x74: {  	_ =	shalt  }
0x75: {  	_ =	shalt  }
0x76: {  	_ =	shalt  }
0x77: {  	_ =	shalt  }
0x78: {  	_ =	shalt  }
0x79: {  	_ =	shalt  }
0x7a: {  	_ =	shalt  }
0x7b: {  	_ =	shalt  }
0x7c: {  	_ =	shalt  }
0x7d: {  	_ =	shalt  }
0x7e: {  	_ =	shalt  }
0x7f: {  	_ =	shalt  }
0x80: {  	_ =	shalt  }
0x81: {  	_ =	shalt  }
0x82: {  	_ =	shalt  }
0x83: {  	_ =	shalt  }
0x84: {  	_ =	shalt  }
0x85: {  	_ =	shalt  }
0x86: {  	_ =	shalt  }
0x87: {  	_ =	shalt  }
.Lfunc_end0:
.L_simem_size_0:
called_computation.3_lowered:
.L_overlay_start_0:
0x88: {  	s2 =	sld [smem:$0x3FD9]  }
0x89: {  	s3 =	sld [smem:$0x3FFE];
	_ =	sdelay $0x1  }
0x8a: {  	s1 =	srdreg.scid  }
0x8b: {  	s0 =	sand.u32 $0x1, s1  }
0x8c: {  	s16 =	sshll.u32 s0, $0xA;
	s2 =	sadd.s32 s3, s2  }
0x8d: {  	s2 =	sadd.s32 s2, s16  }
0x8e: {  	[smem:$0x3FC0] =	sst s2  }
0x8f: {  	_ = 	snop  }
0x90: {  	(tm) =	ssettm $0x1  }
0x91: {  	s17 =	sld [smem:$0x3FFB];
	_ =	sdelay $0x3  }
0x92: {  	_ =	strace s17  }
0x93: {  	s2 =	sld [smem:$0x3FFC];
	_ =	sdelay $0x3  }
0x94: {  	_ =	strace s2  }
0x95: {  	s2 =	sld [smem:$0x3FFD];
	_ =	sdelay $0x3  }
0x96: {  	_ =	strace s2  }
0x97: {  	_ =	strace $0x8FFFFFFF  }
0x98: {  	s18 =	sld [smem:$0x3FDB];
	_ =	sdelay $0x1  }
0x99: {  	s19 =	simm.s32 $_scs_section_size  }
0x9a: {  	s4 =	simm.s32 $_size__tile_overlayer_lowered;
	s5 =	simm.s32 $_tile_overlayer_lowered  }
0x9b: {  	s22 =	simm.s32 $0x1BFF;
	s21 =	sshll.u32 s5, $0x1;
	s2 =	sadd.s32 s19, s18  }
0x9c: {  	s6 =	simm.s32 $0x0;
	s20 =	sshll.u32 s4, $0x1;
	s4 =	sadd.s32 s21, s2  }
0x9d: {  	[timem:s6], [sflag:s22] =	dma.local [hbm:s4], s20  }
0x9e: {  	_ =	swait.ge [sflag:s22], s20  }
0x9f: {  	s3 =	ssub.s32 $0x0, s20;
	[sflag:s22] =	ssyncset.done $0x0  }
0xa0: {  	[sflag:s22] =	ssyncadd.s32 s3;
	_ =	sdelay $0x1  }
0xa1: {  	s23 =	simm.s32 $0x1B8B  }
0xa2: {  	_ =	swait.ge [sflag:s23], $0x1  }
0xa3: {  	[sflag:s23] =	ssyncset.done $0x0  }
0xa4: {  	s25 =	simm.s32 $0x1B8E;
	s24 =	sld [smem:$0x3FFE];
	[sflag:s23] =	ssyncadd.s32 $0xFFFFFFFF  }
0xa5: {  	s26 =	simm.s32 $execute0_lowered;
	[smem:$0x3FD2] =	sst s25  }
0xa6: {  	s4 =	sshll.u32 s26, $0x1;
	_ =	strace $0x8000004F;
	[dreg:$0x1] =	wrdreg $0xFFFFFFFF  }
0xa7: {  	s28 =	simm.s32 $_size_execute0_lowered;
	s2 =	sadd.s32 s2, s4;
	[dreg:$0x0] =	wrdreg $0x0  }
0xa8: {  	s4 =	sshll.u32 s28, $0x1;
	[dreg:$0x2] =	wrdreg s2  }
0xa9: {  	[dreg:$0x3] =	wrdreg s4  }
0xaa: {  	[dreg:$0x4] =	wrdreg $0xC0  }
0xab: {  	_ =	task [dreg:s6], $0x5FFFF  }
0xac: {  	[dreg:$0x1] =	wrdreg $0xFFFFFFFF  }
0xad: {  	[dreg:$0x0] =	wrdreg $0x60  }
0xae: {  	[dreg:$0x2] =	wrdreg s24  }
0xaf: {  	[dreg:$0x3] =	wrdreg $0xC0000  }
0xb0: {  	[dreg:$0x4] =	wrdreg $0x9  }
0xb1: {  	_ =	task.clear_ibuf [dreg:s6], $0x5FFFF;
	_ =	strace $0x9000004F  }
0xb2: {  	s29 =	simm.s32 $0x9;
	_ =	strace $0x80000051  }
0xb3: {  	_ =	swait.ge [sflag:s29], $0x1  }
0xb4: {  	[sflag:s29] =	ssyncadd.s32 $0xFFFFFFFF  }
0xb5: {  	_ =	strace $0x90000051  }
0xb6: {  	_ =	sfence  }
0xb7: {  	s30 =	sld [smem:$0x0];
	_ =	sdelay $0x2  }
0xb8: {  	s31 =	sshll.u32 s1, $0xD;
	s1 =	sshrl.u32 s1, $0x2  }
0xb9: {  	s3 =	sand.u32 $0x4000, s31;
	s1 =	sadd.s32 s1, s30  }
0xba: {  	s0 =	sor.u32 s3, s0;
	s1 =	sshll.u32 s1, $0x11  }
0xbb: {  	s0 =	sor.u32 s1, s0  }
0xbc: {  	s0 =	sadd.s32 $0x8F2B, s0  }
0xbd: {  	[sflag:s0] =	ssyncadd.remote.s32 $0x1  }
0xbe: {  	_ =	sfence.sel $0xFFFF  }
0xbf: {  	[dreg:$0x0] =	wrdreg $0xFFFFFFFF;
	(pc) =	sbr.abs _section_cstart, $3  }
0xc0: {  	[dreg:$0x1] =	wrdreg $0xFFFFFFFF  }
0xc1: {  	_ =	task.clear_ibuf [dreg:s6], $0x2FFFF;
	_ =	strace $0x9FFFFFFF  }
0xc2: {  	(tm) =	ssettm $0x7FFFFFFF  }
0xc3: {  	_ =	shalt  }
tec
execute0_lowered:
.L_overlay_start_1:
0x0: {  	(tag) =	ssettag $0x1  }
0x1: {  	s0 =	rddreg [dreg:$0x0]  }
0x2: {  	s2 =	rddreg [dreg:$0x1];
	s1 =	srdreg.scid  }
0x3: {  	s10 =	stileid.u32;
	s5 =	simm.s32 $0x0;
	s28 =	simm.s32 $0x4  }
0x4: {  	s29 =	simm.s32 $0x5;
	s30 =	simm.s32 $0x6;
	s31 =	simm.s32 $0x7  }
0x5: {  	s1 =	sand.u32 $0x1, s1;
	s3 =	sshll.u32 s10, $0x5;
	s21 =	smul.u32 $0xA000, s10  }
0x6: {  	s4 =	sshll.u32 s10, $0x7;
	[smem:$0x7FF] =	sst s5;
	s10 =	smul.u32 $0x2800, s10  }
0x7: {  	p0 =	seq.s32 s1, $0x0;
	s3 =	sor.u32 $0x800, s3;
	_ =	strace $0x80000050  }
0x8: {  	s7 =	smul.u32 $0x5000, s1;
	s8 =	ssub.s32 $0x2, s1;
	s3 =	smov.u32 @p0 s4  }
0x9: {  	s4 =	sadd.s32 $0xBC00, s0;
	s9 =	sshrl.u32 s8, $0x1;
	s22 =	sshrl.u32 s21, $0x2  }
0xa: {  	s26 =	sshrl.u32 s10, $0x3;
	s13 =	sadd.s32 $0x1000, s10;
	s15 =	sadd.s32 $0x1800, s10  }
0xb: {  	p0 =	sne.s32 s1, $0x0;
	s20 =	smin.u32 s3, $0x980;
	s18 =	sadd.s32 s22, s2  }
0xc: {  	s14 =	sshrl.u32 s13, $0x3;
	s16 =	sshll.u32 s3, $0x7;
	s19 =	sshrl.u32 s15, $0x3  }
0xd: {  	s6 =	sshll.u32 s20, $0x4;
	s17 =	sshll.u32 s20, $0x7;
	s5 =	sshll.u32 s20, $0x9  }
0xe: {  	[dreg:$0x5] =	wrdreg s18;
	s6 =	sadd.s32 s6, s0;
	s0 =	sadd.s32 s7, s0  }
0xf: {  	s7 =	ssub.s32 s8, s9;
	s9 =	ssub.s32 s3, s20;
	s8 =	sadd.s32 $0x800, s10  }
0x10: {  	s3 =	sshll.u32 s3, $0x9;
	s16 =	ssub.s32 s16, s17;
	s17 =	sadd.s32 $0x2000, s10  }
0x11: {  	s11 =	sadd.s32 $0x15C00, s6;
	s6 =	sadd.s32 $0x1C00, s6;
	[dreg:$0x8] =	wrdreg s16  }
0x12: {  	s23 =	sshll.u32 s9, $0x9;
	s0 =	sadd.s32 $0x6FC00, s0;
	[dreg:$0x3] =	wrdreg s11  }
0x13: {  	s12 =	sshrl.u32 s8, $0x3;
	[dreg:$0x4] =	wrdreg s6;
	s24 =	sshra.s32 s23, $0x2  }
0x14: {  	s3 =	ssub.s32 s3, s5;
	s11 =	sadd.s32 s26, s0;
	[dreg:$0x6] =	wrdreg s24  }
0x15: {  	s20 =	sshrl.u32 s17, $0x3;
	s21 =	sadd.s32 s12, s0;
	[dreg:$0x9] =	wrdreg s11  }
0x16: {  	s6 =	sshll.u32 s9, $0x7;
	s22 =	sadd.s32 s14, s0;
	[dreg:$0xa] =	wrdreg s21  }
0x17: {  	s5 =	sadd.s32 s19, s0;
	s0 =	sadd.s32 s20, s0;
	[dreg:$0xb] =	wrdreg s22  }
0x18: {  	s12 =	sadd.s32 s15, s2;
	s14 =	sor.u32 $0xF, s9;
	[dreg:$0xc] =	wrdreg s5  }
0x19: {  	s20 =	sadd.s32 $0x800, s18;
	s25 =	sor.u32 $0x80, s6;
	[dreg:$0xd] =	wrdreg s0  }
0x1a: {  	s23 =	sor.u32 $0x100, s6;
	s24 =	sor.u32 $0x180, s6;
	[dreg:$0x15] =	wrdreg s14  }
0x1b: {  	s26 =	sor.u32 $0x280, s6;
	s1 =	sor.u32 $0x300, s6;
	[dreg:$0x1b] =	wrdreg s20  }
0x1c: {  	s5 =	sor.u32 $0x380, s6;
	s11 =	sadd.s32 s13, s2;
	[dreg:$0x7] =	wrdreg s25  }
0x1d: {  	s13 =	sadd.s32 s17, s2;
	s17 =	sshrl.u32 s12, $0x3;
	[dreg:$0xe] =	wrdreg s23  }
0x1e: {  	s21 =	sadd.s32 $0x1000, s18;
	s22 =	sadd.s32 $0x1800, s18;
	[dreg:$0xf] =	wrdreg s24  }
0x1f: {  	s12 =	simm.s32 $0x80;
	s14 =	simm.s32 $0xA000;
	[dreg:$0x11] =	wrdreg s26  }
0x20: {  	s20 =	simm.s32 $0x1;
	s25 =	sor.u32 $0x200, s6;
	[dreg:$0x12] =	wrdreg s1  }
0x21: {  	[dreg:$0x13] =	wrdreg s5;
	s6 =	smax.u32 s7, $0x1;
	s7 =	sadd.s32 s10, s2  }
0x22: {  	s10 =	sadd.s32 s8, s2;
	s23 =	sshra.s32 s3, $0x2;
	[dreg:$0x19] =	wrdreg s17  }
0x23: {  	s24 =	sadd.s32 $0x20, s9;
	s16 =	sshrl.u32 s11, $0x3;
	[dreg:$0x1c] =	wrdreg s21  }
0x24: {  	s19 =	sshrl.u32 s13, $0x3;
	[dreg:$0x1d] =	wrdreg s22;
	s26 =	sadd.s32 $0x2000, s18  }
0x25: {  	s13 =	simm.s32 $0x9000;
	s11 =	simm.s32 $0x9800;
	[dreg:$0x10] =	wrdreg s25  }
0x26: {  	s17 =	simm.s32 $0xB000;
	s18 =	simm.s32 $0xB800;
	[dreg:$0x14] =	wrdreg s6  }
0x27: {  	s21 =	simm.s32 $0x2;
	s22 =	simm.s32 $0x3;
	[dreg:$0x18] =	wrdreg s16  }
.Ltmp0:
0x28: {  	s25 =	sadd.s32 $0x80, s9;
	[dreg:$0x1a] =	wrdreg s19;
	(pc) =	sbr.rel .LBB2_1-.Ltmp0, $4  }
0x29: {  	s0 =	sshrl.u32 s7, $0x3;
	s15 =	sshrl.u32 s10, $0x3;
	[dreg:$0x1e] =	wrdreg s26  }
0x2a: {  	s8 =	sadd.s32 $0x4000, s23;
	s9 =	simm.s32 $0x9;
	s6 =	simm.s32 $0x8000  }
0x2b: {  	s10 =	simm.s32 $0x8800;
	s7 =	simm.s32 $0x0;
	[dreg:$0x16] =	wrdreg s0  }
0x2c: {  	v0 =	vimm.f32 $0.0e+00;
	[dreg:$0x17] =	wrdreg s15;
	s15 =	simm.s32 $0xA800;
	s0 =	simm.s32 $0x8  }
.LBB2_9:
0x2d: {  	[sflag:s9] =	ssyncadd.s32 $0xFFFFF800;
	s1 =	sadd.s32 @!p2 $0x780, s1;
	s7 =	rddreg [dreg:$0x1f]  }
0x2e: {  	[tilespmem:s10], [sflag:$0x8] =	stream.indirect.gather @!p2 [hbm4b:s4+s26], $0x10, s1, s26, $0xb8;
	[tilespmem:$0xE800] =	vst v63  }
.LBB2_10:
0x2f: {  	s1 =	stileid.u32;
	[bflag:$0x0] =	sbarrier.arrive $0xFFFF  }
0x30: {  	s1 =	sshll.u32 s1, $0x6;
	s3 =	rddreg [dreg:$0x9]  }
0x31: {  	s5 =	rddreg [dreg:$0x16];
	s1 =	sor.u32 $0x1C09, s1  }
0x32: {  	[hbm:s3], [sflag:s1] =	dma.local [spmem:s5], $0x100  }
0x33: {  	_ =	swait.ge [sflag:s9], $0x100  }
0x34: {  	[sflag:s9] =	ssyncset.done $0x0;
	s11 =	rddreg [dreg:$0xa]  }
0x35: {  	s13 =	rddreg [dreg:$0x17];
	[sflag:s9] =	ssyncadd.s32 $0xFFFFFF00  }
0x36: {  	[hbm:s11], [sflag:s1] =	dma.local [spmem:s13], $0x100  }
0x37: {  	_ =	swait.ge [sflag:s9], $0x100  }
0x38: {  	[sflag:s9] =	ssyncset.done $0x0;
	s14 =	rddreg [dreg:$0xb]  }
0x39: {  	s15 =	rddreg [dreg:$0x18];
	[sflag:s9] =	ssyncadd.s32 $0xFFFFFF00  }
0x3a: {  	[hbm:s14], [sflag:s1] =	dma.local [spmem:s15], $0x100  }
0x3b: {  	_ =	swait.ge [sflag:s9], $0x100  }
0x3c: {  	[sflag:s9] =	ssyncset.done $0x0;
	s16 =	rddreg [dreg:$0xc]  }
0x3d: {  	s17 =	rddreg [dreg:$0x19];
	[sflag:s9] =	ssyncadd.s32 $0xFFFFFF00  }
0x3e: {  	[hbm:s16], [sflag:s1] =	dma.local [spmem:s17], $0x100  }
0x3f: {  	_ =	swait.ge [sflag:s9], $0x100  }
0x40: {  	[sflag:s9] =	ssyncset.done $0x0;
	s18 =	rddreg [dreg:$0xd]  }
0x41: {  	s19 =	rddreg [dreg:$0x1a];
	[sflag:s9] =	ssyncadd.s32 $0xFFFFFF00  }
0x42: {  	[hbm:s18], [sflag:s1] =	dma.local [spmem:s19], $0x100  }
0x43: {  	_ =	swait.ge [sflag:s9], $0x100  }
0x44: {  	s7 =	sadd.s32 $0x1, s7;
	s26 =	rddreg [dreg:$0x14]  }
0x45: {  	p1 =	sne.s32 s7, s26  }
.Ltmp1:
0x46: {  	_ = 	snop;
	(pc) =	sbr.rel @!p1 .LBB2_11-.Ltmp1, $4  }
0x47: {  	s10 =	simm.s32 $0x8800  }
0x48: {  	s6 =	simm.s32 $0x8000;
	s13 =	simm.s32 $0x9000;
	s11 =	simm.s32 $0x9800  }
0x49: {  	s14 =	simm.s32 $0xA000;
	s15 =	simm.s32 $0xA800;
	[sflag:s9] =	ssyncset.done $0x0  }
0x4a: {  	s17 =	simm.s32 $0xB000;
	s18 =	simm.s32 $0xB800;
	[sflag:s9] =	ssyncadd.s32 $0xFFFFFF00  }
.LBB2_1:
0x4b: {  	[dreg:$0x1f] =	wrdreg s7  }
0x4c: {  	s1 =	simm.s32 $0x0;
	s3 =	rddreg [dreg:$0x3]  }
0x4d: {  	[tilespmem:s1], [sflag:$0x9] =	stream.linear.gather [hbm4b:s3+s1], $0x4000, $0x38;
	[tilespmem:$0xE800] =	vst v63  }
0x4e: {  	_ =	swait.ge [sflag:s9], $0x4000  }
0x4f: {  	[sflag:s9] =	ssyncset.done $0x0  }
0x50: {  	s5 =	simm.s32 $0x4000;
	s26 =	rddreg [dreg:$0x4];
	[sflag:s9] =	ssyncadd.s32 $0xFFFFC000  }
0x51: {  	[tilespmem:s5], [sflag:$0x9] =	stream.linear.gather [hbm4b:s26+s1], $0x4000, $0x38;
	[tilespmem:$0xE800] =	vst v63  }
0x52: {  	_ =	swait.ge [sflag:s9], $0x4000  }
0x53: {  	[sflag:s9] =	ssyncset.done $0x0  }
0x54: {  	s3 =	simm.s32 $0x0;
	s1 =	simm.s32 $0x40;
	[sflag:s9] =	ssyncadd.s32 $0xFFFFC000  }
.LBB2_2:
0x55: {  	p1 =	sne.s32 s1, $0x1FC0;
	[tilespmem:s3+$0x8000] =	vst v0;
	s3 =	smov.u32 s1;
	s1 =	sadd.s32 $0x40, s1  }
.Ltmp2:
0x56: {  	(pc) =	sbr.rel @p1 .LBB2_2-.Ltmp2, $2  }
0x57: {  	_ =	sdelay $0x2  }
0x58: {  	s3 =	sshra.s32 s3, $0x2  }
0x59: {  	[tilespmem:s3+$0x8000] =	vst v0;
	s1 =	rddreg [dreg:$0x5]  }
0x5a: {  	[spmem:s1] =	stream.linear.scatter [tilespmem:s6], [sflag:$0x9], $0x800, $0x38;
	[tilespmem:$0xE800] =	vst v63  }
0x5b: {  	_ =	swait.ge [sflag:s9], $0x800  }
0x5c: {  	[sflag:s9] =	ssyncset.done $0x0  }
0x5d: {  	s3 =	rddreg [dreg:$0x1b];
	[sflag:s9] =	ssyncadd.s32 $0xFFFFF800  }
0x5e: {  	[spmem:s3] =	stream.linear.scatter [tilespmem:s6], [sflag:$0x9], $0x800, $0x38;
	[tilespmem:$0xE800] =	vst v63  }
0x5f: {  	_ =	swait.ge [sflag:s9], $0x800  }
0x60: {  	[sflag:s9] =	ssyncset.done $0x0  }
0x61: {  	s5 =	rddreg [dreg:$0x1c];
	[sflag:s9] =	ssyncadd.s32 $0xFFFFF800  }
0x62: {  	[spmem:s5] =	stream.linear.scatter [tilespmem:s6], [sflag:$0x9], $0x800, $0x38;
	[tilespmem:$0xE800] =	vst v63  }
0x63: {  	_ =	swait.ge [sflag:s9], $0x800  }
0x64: {  	[sflag:s9] =	ssyncset.done $0x0  }
0x65: {  	s7 =	rddreg [dreg:$0x1d];
	[sflag:s9] =	ssyncadd.s32 $0xFFFFF800  }
0x66: {  	[spmem:s7] =	stream.linear.scatter [tilespmem:s6], [sflag:$0x9], $0x800, $0x38;
	[tilespmem:$0xE800] =	vst v63  }
0x67: {  	_ =	swait.ge [sflag:s9], $0x800  }
0x68: {  	[sflag:s9] =	ssyncset.done $0x0  }
0x69: {  	s16 =	rddreg [dreg:$0x1e];
	[sflag:s9] =	ssyncadd.s32 $0xFFFFF800  }
0x6a: {  	[spmem:s16] =	stream.linear.scatter [tilespmem:s6], [sflag:$0x9], $0x800, $0x38;
	[tilespmem:$0xE800] =	vst v63  }
0x6b: {  	_ =	swait.ge [sflag:s9], $0x800  }
0x6c: {  	[sflag:s9] =	ssyncset.done $0x0  }
0x6d: {  	[sflag:s9] =	ssyncadd.s32 $0xFFFFF800  }
0x6e: {  	[bflag:$0x0] =	sbarrier.arrive $0xFFFF  }
0x6f: {  	s19 =	rddreg [dreg:$0x6]  }
0x70: {  	[tilespmem:s6], [sflag:$0x1] =	stream.indirect.gather [hbm4b:s4+s12], $0x10, s19, s12, $0xb8;
	[tilespmem:$0xE800] =	vst v63  }
0x71: {  	s26 =	rddreg [dreg:$0x7]  }
0x72: {  	[tilespmem:s10], [sflag:$0x2] =	stream.indirect.gather [hbm4b:s4+s12], $0x10, s26, s12, $0xb8;
	[tilespmem:$0xE800] =	vst v63  }
0x73: {  	s3 =	rddreg [dreg:$0xe]  }
0x74: {  	[tilespmem:s13], [sflag:$0x3] =	stream.indirect.gather [hbm4b:s4+s12], $0x10, s3, s12, $0xb8;
	[tilespmem:$0xE800] =	vst v63  }
0x75: {  	s5 =	rddreg [dreg:$0xf]  }
0x76: {  	[tilespmem:s11], [sflag:$0x4] =	stream.indirect.gather [hbm4b:s4+s12], $0x10, s5, s12, $0xb8;
	[tilespmem:$0xE800] =	vst v63  }
0x77: {  	s7 =	rddreg [dreg:$0x10]  }
0x78: {  	[tilespmem:s14], [sflag:$0x5] =	stream.indirect.gather [hbm4b:s4+s12], $0x10, s7, s12, $0xb8;
	[tilespmem:$0xE800] =	vst v63  }
0x79: {  	s16 =	rddreg [dreg:$0x11]  }
0x7a: {  	[tilespmem:s15], [sflag:$0x6] =	stream.indirect.gather [hbm4b:s4+s12], $0x10, s16, s12, $0xb8;
	[tilespmem:$0xE800] =	vst v63  }
.Ltmp3:
0x7b: {  	_ = 	snop;
	(pc) =	sbr.rel @p0 .LBB2_7-.Ltmp3, $4  }
0x7c: {  	s19 =	rddreg [dreg:$0x12]  }
0x7d: {  	[tilespmem:s17], [sflag:$0x7] =	stream.indirect.gather [hbm4b:s4+s12], $0x10, s19, s12, $0xb8;
	[tilespmem:$0xE800] =	vst v63  }
0x7e: {  	s26 =	rddreg [dreg:$0x13]  }
0x7f: {  	[tilespmem:s18], [sflag:$0x8] =	stream.indirect.gather [hbm4b:s4+s12], $0x10, s26, s12, $0xb8;
	[tilespmem:$0xE800] =	vst v63  }
0x80: {  	_ =	swait.ge [sflag:s20], $0x800  }
0x81: {  	[sflag:s20] =	ssyncset.done $0x0;
	s7 =	rddreg [dreg:$0x15]  }
0x82: {  	s1 =	sadd.s32 $0x0, s8;
	s3 =	sadd.s32 $0xFFFFFFF9, s7;
	[sflag:s20] =	ssyncadd.s32 $0xFFFFF800  }
0x83: {  	[spmem:s2] =	stream.indirect.scatter.add.f32 [tilespmem:s6], [sflag:$0x9], $0x10, s1, s12, $0xb8;
	[tilespmem:$0xE800] =	vst v63  }
0x84: {  	p1 =	sge.u32 s3, s25;
	_ =	swait.ge [sflag:s9], $0x800  }
0x85: {  	s1 =	simm.s32 @!p1 $0x8000;
	s3 =	sadd.s32 @!p1 $0x0, s23;
	[sflag:s9] =	ssyncset.done $0x0  }
0x86: {  	s5 =	simm.s32 @!p1 $0x80;
	s3 =	sadd.s32 @!p1 $0x400, s3;
	[sflag:s9] =	ssyncadd.s32 $0xFFFFF800  }
0x87: {  	[tilespmem:s1], [sflag:$0x1] =	stream.indirect.gather @!p1 [hbm4b:s4+s5], $0x10, s3, s5, $0xb8;
	[tilespmem:$0xE800] =	vst v63  }
0x88: {  	_ =	swait.ge [sflag:s21], $0x800  }
0x89: {  	s6 =	rddreg [dreg:$0x8]  }
0x8a: {  	s16 =	sadd.s32 $0xFFFFFFFA, s7;
	[sflag:s21] =	ssyncset.done $0x0;
	s5 =	sor.u32 $0x80, s6  }
0x8b: {  	p1 =	sge.u32 s16, s25;
	[sflag:s21] =	ssyncadd.s32 $0xFFFFF800;
	s1 =	sadd.s32 $0x4000, s5  }
0x8c: {  	[spmem:s2] =	stream.indirect.scatter.add.f32 [tilespmem:s10], [sflag:$0x9], $0x10, s1, s12, $0xb8;
	[tilespmem:$0xE800] =	vst v63  }
0x8d: {  	s3 =	sadd.s32 @!p1 $0x0, s23;
	_ =	swait.ge [sflag:s9], $0x800  }
0x8e: {  	s3 =	sadd.s32 @!p1 $0x480, s3;
	[sflag:s9] =	ssyncset.done $0x0  }
0x8f: {  	s5 =	simm.s32 @!p1 $0x80;
	s1 =	simm.s32 @!p1 $0x8800;
	[sflag:s9] =	ssyncadd.s32 $0xFFFFF800  }
0x90: {  	[tilespmem:s1], [sflag:$0x2] =	stream.indirect.gather @!p1 [hbm4b:s4+s5], $0x10, s3, s5, $0xb8;
	[tilespmem:$0xE800] =	vst v63  }
0x91: {  	_ =	swait.ge [sflag:s22], $0x800  }
0x92: {  	s19 =	sor.u32 $0x100, s6;
	[sflag:s22] =	ssyncset.done $0x0  }
0x93: {  	s26 =	sadd.s32 $0xFFFFFFFB, s7;
	s1 =	sadd.s32 $0x4000, s19;
	[sflag:s22] =	ssyncadd.s32 $0xFFFFF800  }
0x94: {  	[spmem:s2] =	stream.indirect.scatter.add.f32 [tilespmem:s13], [sflag:$0x9], $0x10, s1, s12, $0xb8;
	[tilespmem:$0xE800] =	vst v63  }
0x95: {  	p1 =	sge.u32 s26, s25;
	_ =	swait.ge [sflag:s9], $0x800  }
0x96: {  	s3 =	sadd.s32 @!p1 $0x0, s23;
	s5 =	simm.s32 @!p1 $0x80;
	[sflag:s9] =	ssyncset.done $0x0  }
0x97: {  	s3 =	sadd.s32 @!p1 $0x500, s3;
	s1 =	simm.s32 @!p1 $0x9000;
	[sflag:s9] =	ssyncadd.s32 $0xFFFFF800  }
0x98: {  	[tilespmem:s1], [sflag:$0x3] =	stream.indirect.gather @!p1 [hbm4b:s4+s5], $0x10, s3, s5, $0xb8;
	[tilespmem:$0xE800] =	vst v63  }
0x99: {  	_ =	swait.ge [sflag:s28], $0x800  }
0x9a: {  	s3 =	sor.u32 $0x180, s6;
	[sflag:s28] =	ssyncset.done $0x0  }
0x9b: {  	s5 =	sadd.s32 $0xFFFFFFFC, s7;
	s1 =	sadd.s32 $0x4000, s3;
	[sflag:s28] =	ssyncadd.s32 $0xFFFFF800  }
0x9c: {  	[spmem:s2] =	stream.indirect.scatter.add.f32 [tilespmem:s11], [sflag:$0x9], $0x10, s1, s12, $0xb8;
	[tilespmem:$0xE800] =	vst v63  }
0x9d: {  	p1 =	sge.u32 s5, s25;
	_ =	swait.ge [sflag:s9], $0x800  }
0x9e: {  	s3 =	sadd.s32 @!p1 $0x0, s23;
	s5 =	simm.s32 @!p1 $0x80;
	[sflag:s9] =	ssyncset.done $0x0  }
0x9f: {  	s3 =	sadd.s32 @!p1 $0x580, s3;
	s1 =	simm.s32 @!p1 $0x9800;
	[sflag:s9] =	ssyncadd.s32 $0xFFFFF800  }
0xa0: {  	[tilespmem:s1], [sflag:$0x4] =	stream.indirect.gather @!p1 [hbm4b:s4+s5], $0x10, s3, s5, $0xb8;
	[tilespmem:$0xE800] =	vst v63  }
0xa1: {  	_ =	swait.ge [sflag:s29], $0x800  }
0xa2: {  	s10 =	sor.u32 $0x200, s6;
	[sflag:s29] =	ssyncset.done $0x0  }
0xa3: {  	s11 =	sadd.s32 $0xFFFFFFFD, s7;
	s1 =	sadd.s32 $0x4000, s10;
	[sflag:s29] =	ssyncadd.s32 $0xFFFFF800  }
0xa4: {  	[spmem:s2] =	stream.indirect.scatter.add.f32 [tilespmem:s14], [sflag:$0x9], $0x10, s1, s12, $0xb8;
	[tilespmem:$0xE800] =	vst v63  }
0xa5: {  	p1 =	sge.u32 s11, s25;
	_ =	swait.ge [sflag:s9], $0x800  }
0xa6: {  	s3 =	sadd.s32 @!p1 $0x0, s23;
	s5 =	simm.s32 @!p1 $0x80;
	[sflag:s9] =	ssyncset.done $0x0  }
0xa7: {  	s3 =	sadd.s32 @!p1 $0x600, s3;
	s1 =	simm.s32 @!p1 $0xA000;
	[sflag:s9] =	ssyncadd.s32 $0xFFFFF800  }
0xa8: {  	[tilespmem:s1], [sflag:$0x5] =	stream.indirect.gather @!p1 [hbm4b:s4+s5], $0x10, s3, s5, $0xb8;
	[tilespmem:$0xE800] =	vst v63  }
0xa9: {  	_ =	swait.ge [sflag:s30], $0x800  }
0xaa: {  	p2 =	sge.u32 s7, s25;
	s13 =	sor.u32 $0x280, s6;
	[sflag:s30] =	ssyncset.done $0x0  }
0xab: {  	s14 =	sadd.s32 $0xFFFFFFFE, s7;
	s1 =	sadd.s32 $0x4000, s13;
	[sflag:s30] =	ssyncadd.s32 $0xFFFFF800  }
0xac: {  	[spmem:s2] =	stream.indirect.scatter.add.f32 [tilespmem:s15], [sflag:$0x9], $0x10, s1, s12, $0xb8;
	[tilespmem:$0xE800] =	vst v63  }
0xad: {  	s16 =	sor.u32 $0x300, s6;
	p1 =	sge.u32 s14, s25;
	_ =	swait.ge [sflag:s9], $0x800  }
0xae: {  	s3 =	sadd.s32 @!p1 $0x0, s23;
	s5 =	simm.s32 @!p1 $0x80;
	[sflag:s9] =	ssyncset.done $0x0  }
0xaf: {  	s3 =	sadd.s32 @!p1 $0x680, s3;
	s1 =	simm.s32 @!p1 $0xA800;
	[sflag:s9] =	ssyncadd.s32 $0xFFFFF800  }
0xb0: {  	[tilespmem:s1], [sflag:$0x6] =	stream.indirect.gather @!p1 [hbm4b:s4+s5], $0x10, s3, s5, $0xb8;
	[tilespmem:$0xE800] =	vst v63  }
0xb1: {  	s19 =	sadd.s32 $0xFFFFFFFF, s7;
	s26 =	sor.u32 $0x380, s6;
	_ =	swait.ge [sflag:s31], $0x800  }
0xb2: {  	s6 =	sadd.s32 $0x400, s6;
	s11 =	simm.s32 $0x9800;
	[sflag:s31] =	ssyncset.done $0x0  }
0xb3: {  	s10 =	simm.s32 @!p2 $0xB800;
	s1 =	sadd.s32 $0x4000, s16;
	[sflag:s31] =	ssyncadd.s32 $0xFFFFF800  }
0xb4: {  	[spmem:s2] =	stream.indirect.scatter.add.f32 [tilespmem:s17], [sflag:$0x9], $0x10, s1, s12, $0xb8;
	[tilespmem:$0xE800] =	vst v63  }
0xb5: {  	s14 =	simm.s32 $0x8800;
	p1 =	sge.u32 s19, s25;
	_ =	swait.ge [sflag:s9], $0x800  }
0xb6: {  	s3 =	sadd.s32 @!p1 $0x0, s23;
	s5 =	simm.s32 @!p1 $0x80;
	[sflag:s9] =	ssyncset.done $0x0  }
0xb7: {  	s3 =	sadd.s32 @!p1 $0x700, s3;
	s1 =	simm.s32 @!p1 $0xB000;
	[sflag:s9] =	ssyncadd.s32 $0xFFFFF800  }
0xb8: {  	[tilespmem:s1], [sflag:$0x7] =	stream.indirect.gather @!p1 [hbm4b:s4+s5], $0x10, s3, s5, $0xb8;
	[tilespmem:$0xE800] =	vst v63  }
0xb9: {  	s15 =	simm.s32 $0x9000;
	s19 =	simm.s32 $0xB000;
	_ =	swait.ge [sflag:s0], $0x800  }
0xba: {  	s16 =	simm.s32 $0xB800;
	s17 =	simm.s32 $0xA000;
	[sflag:s0] =	ssyncset.done $0x0  }
0xbb: {  	s3 =	simm.s32 $0x1000;
	s1 =	sadd.s32 $0x4000, s26;
	[sflag:s0] =	ssyncadd.s32 $0xFFFFF800  }
0xbc: {  	[spmem:s2] =	stream.indirect.scatter.add.f32 [tilespmem:s18], [sflag:$0x9], $0x10, s1, s12, $0xb8;
	[tilespmem:$0xE800] =	vst v63  }
0xbd: {  	s5 =	sadd.s32 $0x8, s7;
	s26 =	simm.s32 @!p2 $0x80;
	_ =	swait.ge [sflag:s9], $0x800  }
0xbe: {  	s1 =	sadd.s32 @!p2 $0x0, s23;
	s18 =	simm.s32 $0xA800;
	[sflag:s9] =	ssyncset.done $0x0  }
.LBB2_5:
0xbf: {  	[sflag:s9] =	ssyncadd.s32 $0xFFFFF800;
	s13 =	sadd.s32 @!p2 $0x780, s1  }
0xc0: {  	s7 =	smov.u32 s3;
	s3 =	sadd.s32 $0x1000, s3;
	s1 =	smov.u32 s5  }
0xc1: {  	[tilespmem:s10], [sflag:$0x8] =	stream.indirect.gather @!p2 [hbm4b:s4+s26], $0x10, s13, s26, $0xb8;
	[tilespmem:$0xE800] =	vst v63  }
0xc2: {  	s10 =	sshra.s32 s7, $0x2;
	p1 =	seq.s32 s3, $0x10000;
	_ =	swait.ge [sflag:s20], $0x800  }
0xc3: {  	s13 =	sadd.s32 $0xFFFFFFF9, s5;
	s10 =	sadd.s32 s10, s8;
	[sflag:s20] =	ssyncset.done $0x0  }
0xc4: {  	p2 =	sge.u32 s13, s25;
	s13 =	simm.s32 $0x8000;
	[sflag:s20] =	ssyncadd.s32 $0xFFFFF800  }
0xc5: {  	[spmem:s2] =	stream.indirect.scatter.add.f32 [tilespmem:s13], [sflag:$0x9], $0x10, s10, s12, $0xb8;
	[tilespmem:$0xE800] =	vst v63  }
0xc6: {  	s10 =	sshra.s32 @!p2 s7, $0x2;
	s13 =	simm.s32 @!p2 $0x8000;
	_ =	swait.ge [sflag:s9], $0x800  }
0xc7: {  	s26 =	simm.s32 @!p2 $0x80;
	s10 =	sadd.s32 @!p2 s10, s23;
	[sflag:s9] =	ssyncset.done $0x0  }
0xc8: {  	s10 =	sadd.s32 @!p2 $0x400, s10;
	[sflag:s9] =	ssyncadd.s32 $0xFFFFF800  }
0xc9: {  	[tilespmem:s13], [sflag:$0x1] =	stream.indirect.gather @!p2 [hbm4b:s4+s26], $0x10, s10, s26, $0xb8;
	[tilespmem:$0xE800] =	vst v63  }
0xca: {  	s10 =	sor.u32 $0x80, s6;
	_ =	swait.ge [sflag:s21], $0x800  }
0xcb: {  	s13 =	sadd.s32 $0xFFFFFFFA, s5;
	s10 =	sadd.s32 $0x4000, s10;
	[sflag:s21] =	ssyncset.done $0x0  }
0xcc: {  	p2 =	sge.u32 s13, s25;
	[sflag:s21] =	ssyncadd.s32 $0xFFFFF800  }
0xcd: {  	[spmem:s2] =	stream.indirect.scatter.add.f32 [tilespmem:s14], [sflag:$0x9], $0x10, s10, s12, $0xb8;
	[tilespmem:$0xE800] =	vst v63  }
0xce: {  	s13 =	simm.s32 @!p2 $0x8800;
	s10 =	sshra.s32 @!p2 s7, $0x2;
	_ =	swait.ge [sflag:s9], $0x800  }
0xcf: {  	s26 =	simm.s32 @!p2 $0x80;
	s10 =	sadd.s32 @!p2 s10, s23;
	[sflag:s9] =	ssyncset.done $0x0  }
0xd0: {  	s10 =	sadd.s32 @!p2 $0x480, s10;
	[sflag:s9] =	ssyncadd.s32 $0xFFFFF800  }
0xd1: {  	[tilespmem:s13], [sflag:$0x2] =	stream.indirect.gather @!p2 [hbm4b:s4+s26], $0x10, s10, s26, $0xb8;
	[tilespmem:$0xE800] =	vst v63  }
0xd2: {  	s10 =	sor.u32 $0x100, s6;
	_ =	swait.ge [sflag:s22], $0x800  }
0xd3: {  	s13 =	sadd.s32 $0xFFFFFFFB, s5;
	s10 =	sadd.s32 $0x4000, s10;
	[sflag:s22] =	ssyncset.done $0x0  }
0xd4: {  	p2 =	sge.u32 s13, s25;
	[sflag:s22] =	ssyncadd.s32 $0xFFFFF800  }
0xd5: {  	[spmem:s2] =	stream.indirect.scatter.add.f32 [tilespmem:s15], [sflag:$0x9], $0x10, s10, s12, $0xb8;
	[tilespmem:$0xE800] =	vst v63  }
0xd6: {  	s13 =	simm.s32 @!p2 $0x9000;
	s10 =	sshra.s32 @!p2 s7, $0x2;
	_ =	swait.ge [sflag:s9], $0x800  }
0xd7: {  	s26 =	simm.s32 @!p2 $0x80;
	s10 =	sadd.s32 @!p2 s10, s23;
	[sflag:s9] =	ssyncset.done $0x0  }
0xd8: {  	s10 =	sadd.s32 @!p2 $0x500, s10;
	[sflag:s9] =	ssyncadd.s32 $0xFFFFF800  }
0xd9: {  	[tilespmem:s13], [sflag:$0x3] =	stream.indirect.gather @!p2 [hbm4b:s4+s26], $0x10, s10, s26, $0xb8;
	[tilespmem:$0xE800] =	vst v63  }
0xda: {  	s10 =	sor.u32 $0x180, s6;
	_ =	swait.ge [sflag:s28], $0x800  }
0xdb: {  	s13 =	sadd.s32 $0xFFFFFFFC, s5;
	s10 =	sadd.s32 $0x4000, s10;
	[sflag:s28] =	ssyncset.done $0x0  }
0xdc: {  	p2 =	sge.u32 s13, s25;
	[sflag:s28] =	ssyncadd.s32 $0xFFFFF800  }
0xdd: {  	[spmem:s2] =	stream.indirect.scatter.add.f32 [tilespmem:s11], [sflag:$0x9], $0x10, s10, s12, $0xb8;
	[tilespmem:$0xE800] =	vst v63  }
0xde: {  	s13 =	simm.s32 @!p2 $0x9800;
	s10 =	sshra.s32 @!p2 s7, $0x2;
	_ =	swait.ge [sflag:s9], $0x800  }
0xdf: {  	s26 =	simm.s32 @!p2 $0x80;
	s10 =	sadd.s32 @!p2 s10, s23;
	[sflag:s9] =	ssyncset.done $0x0  }
0xe0: {  	s10 =	sadd.s32 @!p2 $0x580, s10;
	[sflag:s9] =	ssyncadd.s32 $0xFFFFF800  }
0xe1: {  	[tilespmem:s13], [sflag:$0x4] =	stream.indirect.gather @!p2 [hbm4b:s4+s26], $0x10, s10, s26, $0xb8;
	[tilespmem:$0xE800] =	vst v63  }
0xe2: {  	s10 =	sor.u32 $0x200, s6;
	_ =	swait.ge [sflag:s29], $0x800  }
0xe3: {  	s13 =	sadd.s32 $0xFFFFFFFD, s5;
	s10 =	sadd.s32 $0x4000, s10;
	[sflag:s29] =	ssyncset.done $0x0  }
0xe4: {  	p2 =	sge.u32 s13, s25;
	[sflag:s29] =	ssyncadd.s32 $0xFFFFF800  }
0xe5: {  	[spmem:s2] =	stream.indirect.scatter.add.f32 [tilespmem:s17], [sflag:$0x9], $0x10, s10, s12, $0xb8;
	[tilespmem:$0xE800] =	vst v63  }
0xe6: {  	s13 =	simm.s32 @!p2 $0xA000;
	s10 =	sshra.s32 @!p2 s7, $0x2;
	_ =	swait.ge [sflag:s9], $0x800  }
0xe7: {  	s26 =	simm.s32 @!p2 $0x80;
	s10 =	sadd.s32 @!p2 s10, s23;
	[sflag:s9] =	ssyncset.done $0x0  }
0xe8: {  	s10 =	sadd.s32 @!p2 $0x600, s10;
	[sflag:s9] =	ssyncadd.s32 $0xFFFFF800  }
0xe9: {  	[tilespmem:s13], [sflag:$0x5] =	stream.indirect.gather @!p2 [hbm4b:s4+s26], $0x10, s10, s26, $0xb8;
	[tilespmem:$0xE800] =	vst v63  }
0xea: {  	s10 =	sor.u32 $0x280, s6;
	_ =	swait.ge [sflag:s30], $0x800  }
0xeb: {  	s13 =	sadd.s32 $0xFFFFFFFE, s5;
	s10 =	sadd.s32 $0x4000, s10;
	[sflag:s30] =	ssyncset.done $0x0  }
0xec: {  	p2 =	sge.u32 s13, s25;
	[sflag:s30] =	ssyncadd.s32 $0xFFFFF800  }
0xed: {  	[spmem:s2] =	stream.indirect.scatter.add.f32 [tilespmem:s18], [sflag:$0x9], $0x10, s10, s12, $0xb8;
	[tilespmem:$0xE800] =	vst v63  }
0xee: {  	s13 =	simm.s32 @!p2 $0xA800;
	s10 =	sshra.s32 @!p2 s7, $0x2;
	_ =	swait.ge [sflag:s9], $0x800  }
0xef: {  	s26 =	simm.s32 @!p2 $0x80;
	s10 =	sadd.s32 @!p2 s10, s23;
	[sflag:s9] =	ssyncset.done $0x0  }
0xf0: {  	s10 =	sadd.s32 @!p2 $0x680, s10;
	[sflag:s9] =	ssyncadd.s32 $0xFFFFF800  }
0xf1: {  	[tilespmem:s13], [sflag:$0x6] =	stream.indirect.gather @!p2 [hbm4b:s4+s26], $0x10, s10, s26, $0xb8;
	[tilespmem:$0xE800] =	vst v63  }
0xf2: {  	s10 =	sor.u32 $0x300, s6;
	_ =	swait.ge [sflag:s31], $0x800  }
0xf3: {  	s13 =	sadd.s32 $0xFFFFFFFF, s5;
	s10 =	sadd.s32 $0x4000, s10;
	[sflag:s31] =	ssyncset.done $0x0  }
0xf4: {  	p2 =	sge.u32 s13, s25;
	[sflag:s31] =	ssyncadd.s32 $0xFFFFF800  }
0xf5: {  	[spmem:s2] =	stream.indirect.scatter.add.f32 [tilespmem:s19], [sflag:$0x9], $0x10, s10, s12, $0xb8;
	[tilespmem:$0xE800] =	vst v63  }
0xf6: {  	s13 =	simm.s32 @!p2 $0xB000;
	s10 =	sshra.s32 @!p2 s7, $0x2;
	_ =	swait.ge [sflag:s9], $0x800  }
0xf7: {  	s26 =	simm.s32 @!p2 $0x80;
	s10 =	sadd.s32 @!p2 s10, s23;
	[sflag:s9] =	ssyncset.done $0x0  }
0xf8: {  	s10 =	sadd.s32 @!p2 $0x700, s10;
	[sflag:s9] =	ssyncadd.s32 $0xFFFFF800  }
0xf9: {  	[tilespmem:s13], [sflag:$0x7] =	stream.indirect.gather @!p2 [hbm4b:s4+s26], $0x10, s10, s26, $0xb8;
	[tilespmem:$0xE800] =	vst v63  }
0xfa: {  	s5 =	sadd.s32 $0x8, s5;
	s10 =	sor.u32 $0x380, s6;
	_ =	swait.ge [sflag:s0], $0x800  }
.Ltmp4:
0xfb: {  	s10 =	sadd.s32 $0x4000, s10;
	[sflag:s0] =	ssyncset.done $0x0;
	(pc) =	sbr.rel @!p1 .LBB2_5-.Ltmp4, $4  }
0xfc: {  	p2 =	sge.u32 s1, s25;
	s6 =	sadd.s32 $0x400, s6;
	[sflag:s0] =	ssyncadd.s32 $0xFFFFF800  }
0xfd: {  	[spmem:s2] =	stream.indirect.scatter.add.f32 [tilespmem:s16], [sflag:$0x9], $0x10, s10, s12, $0xb8;
	[tilespmem:$0xE800] =	vst v63  }
0xfe: {  	s1 =	sshra.s32 @!p2 s7, $0x2;
	s10 =	simm.s32 @!p2 $0xB800;
	_ =	swait.ge [sflag:s9], $0x800  }
0xff: {  	s26 =	simm.s32 @!p2 $0x80;
	s1 =	sadd.s32 @!p2 s1, s23;
	[sflag:s9] =	ssyncset.done $0x0  }
.Ltmp5:
0x100: {  	(pc) =	sbr.rel .LBB2_10-.Ltmp5, $3  }
0x101: {  	_ =	sdelay $0x1  }
0x102: {  	[sflag:s9] =	ssyncadd.s32 $0xFFFFF800;
	s1 =	sadd.s32 @!p2 $0x780, s1;
	s7 =	rddreg [dreg:$0x1f]  }
0x103: {  	[tilespmem:s10], [sflag:$0x8] =	stream.indirect.gather @!p2 [hbm4b:s4+s26], $0x10, s1, s26, $0xb8;
	[tilespmem:$0xE800] =	vst v63  }
.LBB2_7:
0x104: {  	_ =	swait.ge [sflag:s20], $0x800  }
0x105: {  	[sflag:s20] =	ssyncset.done $0x0;
	s7 =	rddreg [dreg:$0x15]  }
0x106: {  	s1 =	sadd.s32 $0x0, s8;
	s3 =	sadd.s32 $0xFFFFFFF9, s7;
	[sflag:s20] =	ssyncadd.s32 $0xFFFFF800  }
0x107: {  	[spmem:s2] =	stream.indirect.scatter.add.f32 [tilespmem:s6], [sflag:$0x9], $0x10, s1, s12, $0xb8;
	[tilespmem:$0xE800] =	vst v63  }
0x108: {  	p1 =	sge.u32 s3, s24;
	_ =	swait.ge [sflag:s9], $0x800  }
0x109: {  	s1 =	simm.s32 @!p1 $0x8000;
	s3 =	sadd.s32 @!p1 $0x0, s23;
	[sflag:s9] =	ssyncset.done $0x0  }
0x10a: {  	s5 =	simm.s32 @!p1 $0x80;
	s3 =	sadd.s32 @!p1 $0x400, s3;
	[sflag:s9] =	ssyncadd.s32 $0xFFFFF800  }
0x10b: {  	[tilespmem:s1], [sflag:$0x1] =	stream.indirect.gather @!p1 [hbm4b:s4+s5], $0x10, s3, s5, $0xb8;
	[tilespmem:$0xE800] =	vst v63  }
0x10c: {  	_ =	swait.ge [sflag:s21], $0x800  }
0x10d: {  	s6 =	rddreg [dreg:$0x8]  }
0x10e: {  	s16 =	sadd.s32 $0xFFFFFFFA, s7;
	[sflag:s21] =	ssyncset.done $0x0;
	s5 =	sor.u32 $0x80, s6  }
0x10f: {  	p1 =	sge.u32 s16, s24;
	[sflag:s21] =	ssyncadd.s32 $0xFFFFF800;
	s1 =	sadd.s32 $0x4000, s5  }
0x110: {  	[spmem:s2] =	stream.indirect.scatter.add.f32 [tilespmem:s10], [sflag:$0x9], $0x10, s1, s12, $0xb8;
	[tilespmem:$0xE800] =	vst v63  }
0x111: {  	s3 =	sadd.s32 @!p1 $0x0, s23;
	_ =	swait.ge [sflag:s9], $0x800  }
0x112: {  	s3 =	sadd.s32 @!p1 $0x480, s3;
	[sflag:s9] =	ssyncset.done $0x0  }
0x113: {  	s5 =	simm.s32 @!p1 $0x80;
	s1 =	simm.s32 @!p1 $0x8800;
	[sflag:s9] =	ssyncadd.s32 $0xFFFFF800  }
0x114: {  	[tilespmem:s1], [sflag:$0x2] =	stream.indirect.gather @!p1 [hbm4b:s4+s5], $0x10, s3, s5, $0xb8;
	[tilespmem:$0xE800] =	vst v63  }
0x115: {  	_ =	swait.ge [sflag:s22], $0x800  }
0x116: {  	s19 =	sor.u32 $0x100, s6;
	[sflag:s22] =	ssyncset.done $0x0  }
0x117: {  	s26 =	sadd.s32 $0xFFFFFFFB, s7;
	s1 =	sadd.s32 $0x4000, s19;
	[sflag:s22] =	ssyncadd.s32 $0xFFFFF800  }
0x118: {  	[spmem:s2] =	stream.indirect.scatter.add.f32 [tilespmem:s13], [sflag:$0x9], $0x10, s1, s12, $0xb8;
	[tilespmem:$0xE800] =	vst v63  }
0x119: {  	p1 =	sge.u32 s26, s24;
	_ =	swait.ge [sflag:s9], $0x800  }
0x11a: {  	s3 =	sadd.s32 @!p1 $0x0, s23;
	s5 =	simm.s32 @!p1 $0x80;
	[sflag:s9] =	ssyncset.done $0x0  }
0x11b: {  	s3 =	sadd.s32 @!p1 $0x500, s3;
	s1 =	simm.s32 @!p1 $0x9000;
	[sflag:s9] =	ssyncadd.s32 $0xFFFFF800  }
0x11c: {  	[tilespmem:s1], [sflag:$0x3] =	stream.indirect.gather @!p1 [hbm4b:s4+s5], $0x10, s3, s5, $0xb8;
	[tilespmem:$0xE800] =	vst v63  }
0x11d: {  	_ =	swait.ge [sflag:s28], $0x800  }
0x11e: {  	s3 =	sor.u32 $0x180, s6;
	[sflag:s28] =	ssyncset.done $0x0  }
0x11f: {  	s5 =	sadd.s32 $0xFFFFFFFC, s7;
	s1 =	sadd.s32 $0x4000, s3;
	[sflag:s28] =	ssyncadd.s32 $0xFFFFF800  }
0x120: {  	[spmem:s2] =	stream.indirect.scatter.add.f32 [tilespmem:s11], [sflag:$0x9], $0x10, s1, s12, $0xb8;
	[tilespmem:$0xE800] =	vst v63  }
0x121: {  	p1 =	sge.u32 s5, s24;
	_ =	swait.ge [sflag:s9], $0x800  }
0x122: {  	s3 =	sadd.s32 @!p1 $0x0, s23;
	s5 =	simm.s32 @!p1 $0x80;
	[sflag:s9] =	ssyncset.done $0x0  }
0x123: {  	s3 =	sadd.s32 @!p1 $0x580, s3;
	s1 =	simm.s32 @!p1 $0x9800;
	[sflag:s9] =	ssyncadd.s32 $0xFFFFF800  }
0x124: {  	[tilespmem:s1], [sflag:$0x4] =	stream.indirect.gather @!p1 [hbm4b:s4+s5], $0x10, s3, s5, $0xb8;
	[tilespmem:$0xE800] =	vst v63  }
0x125: {  	_ =	swait.ge [sflag:s29], $0x800  }
0x126: {  	s10 =	sor.u32 $0x200, s6;
	[sflag:s29] =	ssyncset.done $0x0  }
0x127: {  	s11 =	sadd.s32 $0xFFFFFFFD, s7;
	s1 =	sadd.s32 $0x4000, s10;
	[sflag:s29] =	ssyncadd.s32 $0xFFFFF800  }
0x128: {  	[spmem:s2] =	stream.indirect.scatter.add.f32 [tilespmem:s14], [sflag:$0x9], $0x10, s1, s12, $0xb8;
	[tilespmem:$0xE800] =	vst v63  }
0x129: {  	p1 =	sge.u32 s11, s24;
	_ =	swait.ge [sflag:s9], $0x800  }
0x12a: {  	s3 =	sadd.s32 @!p1 $0x0, s23;
	s5 =	simm.s32 @!p1 $0x80;
	[sflag:s9] =	ssyncset.done $0x0  }
0x12b: {  	s3 =	sadd.s32 @!p1 $0x600, s3;
	s1 =	simm.s32 @!p1 $0xA000;
	[sflag:s9] =	ssyncadd.s32 $0xFFFFF800  }
0x12c: {  	[tilespmem:s1], [sflag:$0x5] =	stream.indirect.gather @!p1 [hbm4b:s4+s5], $0x10, s3, s5, $0xb8;
	[tilespmem:$0xE800] =	vst v63  }
0x12d: {  	_ =	swait.ge [sflag:s30], $0x800  }
0x12e: {  	p2 =	sge.u32 s7, s24;
	s13 =	sor.u32 $0x280, s6;
	[sflag:s30] =	ssyncset.done $0x0  }
0x12f: {  	s14 =	sadd.s32 $0xFFFFFFFE, s7;
	s1 =	sadd.s32 $0x4000, s13;
	[sflag:s30] =	ssyncadd.s32 $0xFFFFF800  }
0x130: {  	[spmem:s2] =	stream.indirect.scatter.add.f32 [tilespmem:s15], [sflag:$0x9], $0x10, s1, s12, $0xb8;
	[tilespmem:$0xE800] =	vst v63  }
0x131: {  	s16 =	sor.u32 $0x300, s6;
	p1 =	sge.u32 s14, s24;
	_ =	swait.ge [sflag:s9], $0x800  }
0x132: {  	s3 =	sadd.s32 @!p1 $0x0, s23;
	s5 =	simm.s32 @!p1 $0x80;
	[sflag:s9] =	ssyncset.done $0x0  }
0x133: {  	s3 =	sadd.s32 @!p1 $0x680, s3;
	s1 =	simm.s32 @!p1 $0xA800;
	[sflag:s9] =	ssyncadd.s32 $0xFFFFF800  }
0x134: {  	[tilespmem:s1], [sflag:$0x6] =	stream.indirect.gather @!p1 [hbm4b:s4+s5], $0x10, s3, s5, $0xb8;
	[tilespmem:$0xE800] =	vst v63  }
0x135: {  	s19 =	sadd.s32 $0xFFFFFFFF, s7;
	s26 =	sor.u32 $0x380, s6;
	_ =	swait.ge [sflag:s31], $0x800  }
0x136: {  	s6 =	sadd.s32 $0x400, s6;
	s11 =	simm.s32 $0x9800;
	[sflag:s31] =	ssyncset.done $0x0  }
0x137: {  	s10 =	simm.s32 @!p2 $0xB800;
	s1 =	sadd.s32 $0x4000, s16;
	[sflag:s31] =	ssyncadd.s32 $0xFFFFF800  }
0x138: {  	[spmem:s2] =	stream.indirect.scatter.add.f32 [tilespmem:s17], [sflag:$0x9], $0x10, s1, s12, $0xb8;
	[tilespmem:$0xE800] =	vst v63  }
0x139: {  	s14 =	simm.s32 $0x8800;
	p1 =	sge.u32 s19, s24;
	_ =	swait.ge [sflag:s9], $0x800  }
0x13a: {  	s3 =	sadd.s32 @!p1 $0x0, s23;
	s5 =	simm.s32 @!p1 $0x80;
	[sflag:s9] =	ssyncset.done $0x0  }
0x13b: {  	s3 =	sadd.s32 @!p1 $0x700, s3;
	s1 =	simm.s32 @!p1 $0xB000;
	[sflag:s9] =	ssyncadd.s32 $0xFFFFF800  }
0x13c: {  	[tilespmem:s1], [sflag:$0x7] =	stream.indirect.gather @!p1 [hbm4b:s4+s5], $0x10, s3, s5, $0xb8;
	[tilespmem:$0xE800] =	vst v63  }
0x13d: {  	s15 =	simm.s32 $0x9000;
	s19 =	simm.s32 $0xB000;
	_ =	swait.ge [sflag:s0], $0x800  }
0x13e: {  	s16 =	simm.s32 $0xB800;
	s17 =	simm.s32 $0xA000;
	[sflag:s0] =	ssyncset.done $0x0  }
0x13f: {  	s3 =	simm.s32 $0x1000;
	s1 =	sadd.s32 $0x4000, s26;
	[sflag:s0] =	ssyncadd.s32 $0xFFFFF800  }
0x140: {  	[spmem:s2] =	stream.indirect.scatter.add.f32 [tilespmem:s18], [sflag:$0x9], $0x10, s1, s12, $0xb8;
	[tilespmem:$0xE800] =	vst v63  }
0x141: {  	s5 =	sadd.s32 $0x8, s7;
	s26 =	simm.s32 @!p2 $0x80;
	_ =	swait.ge [sflag:s9], $0x800  }
0x142: {  	s1 =	sadd.s32 @!p2 $0x0, s23;
	s18 =	simm.s32 $0xA800;
	[sflag:s9] =	ssyncset.done $0x0  }
.LBB2_8:
0x143: {  	[sflag:s9] =	ssyncadd.s32 $0xFFFFF800;
	s13 =	sadd.s32 @!p2 $0x780, s1  }
0x144: {  	s7 =	smov.u32 s3;
	s3 =	sadd.s32 $0x1000, s3;
	s1 =	smov.u32 s5  }
0x145: {  	[tilespmem:s10], [sflag:$0x8] =	stream.indirect.gather @!p2 [hbm4b:s4+s26], $0x10, s13, s26, $0xb8;
	[tilespmem:$0xE800] =	vst v63  }
0x146: {  	s10 =	sshra.s32 s7, $0x2;
	p1 =	sne.s32 s3, $0x4000;
	_ =	swait.ge [sflag:s20], $0x800  }
0x147: {  	s13 =	sadd.s32 $0xFFFFFFF9, s5;
	s10 =	sadd.s32 s10, s8;
	[sflag:s20] =	ssyncset.done $0x0  }
0x148: {  	p2 =	sge.u32 s13, s24;
	s13 =	simm.s32 $0x8000;
	[sflag:s20] =	ssyncadd.s32 $0xFFFFF800  }
0x149: {  	[spmem:s2] =	stream.indirect.scatter.add.f32 [tilespmem:s13], [sflag:$0x9], $0x10, s10, s12, $0xb8;
	[tilespmem:$0xE800] =	vst v63  }
0x14a: {  	s10 =	sshra.s32 @!p2 s7, $0x2;
	s13 =	simm.s32 @!p2 $0x8000;
	_ =	swait.ge [sflag:s9], $0x800  }
0x14b: {  	s26 =	simm.s32 @!p2 $0x80;
	s10 =	sadd.s32 @!p2 s10, s23;
	[sflag:s9] =	ssyncset.done $0x0  }
0x14c: {  	s10 =	sadd.s32 @!p2 $0x400, s10;
	[sflag:s9] =	ssyncadd.s32 $0xFFFFF800  }
0x14d: {  	[tilespmem:s13], [sflag:$0x1] =	stream.indirect.gather @!p2 [hbm4b:s4+s26], $0x10, s10, s26, $0xb8;
	[tilespmem:$0xE800] =	vst v63  }
0x14e: {  	s10 =	sor.u32 $0x80, s6;
	_ =	swait.ge [sflag:s21], $0x800  }
0x14f: {  	s13 =	sadd.s32 $0xFFFFFFFA, s5;
	s10 =	sadd.s32 $0x4000, s10;
	[sflag:s21] =	ssyncset.done $0x0  }
0x150: {  	p2 =	sge.u32 s13, s24;
	[sflag:s21] =	ssyncadd.s32 $0xFFFFF800  }
0x151: {  	[spmem:s2] =	stream.indirect.scatter.add.f32 [tilespmem:s14], [sflag:$0x9], $0x10, s10, s12, $0xb8;
	[tilespmem:$0xE800] =	vst v63  }
0x152: {  	s13 =	simm.s32 @!p2 $0x8800;
	s10 =	sshra.s32 @!p2 s7, $0x2;
	_ =	swait.ge [sflag:s9], $0x800  }
0x153: {  	s26 =	simm.s32 @!p2 $0x80;
	s10 =	sadd.s32 @!p2 s10, s23;
	[sflag:s9] =	ssyncset.done $0x0  }
0x154: {  	s10 =	sadd.s32 @!p2 $0x480, s10;
	[sflag:s9] =	ssyncadd.s32 $0xFFFFF800  }
0x155: {  	[tilespmem:s13], [sflag:$0x2] =	stream.indirect.gather @!p2 [hbm4b:s4+s26], $0x10, s10, s26, $0xb8;
	[tilespmem:$0xE800] =	vst v63  }
0x156: {  	s10 =	sor.u32 $0x100, s6;
	_ =	swait.ge [sflag:s22], $0x800  }
0x157: {  	s13 =	sadd.s32 $0xFFFFFFFB, s5;
	s10 =	sadd.s32 $0x4000, s10;
	[sflag:s22] =	ssyncset.done $0x0  }
0x158: {  	p2 =	sge.u32 s13, s24;
	[sflag:s22] =	ssyncadd.s32 $0xFFFFF800  }
0x159: {  	[spmem:s2] =	stream.indirect.scatter.add.f32 [tilespmem:s15], [sflag:$0x9], $0x10, s10, s12, $0xb8;
	[tilespmem:$0xE800] =	vst v63  }
0x15a: {  	s13 =	simm.s32 @!p2 $0x9000;
	s10 =	sshra.s32 @!p2 s7, $0x2;
	_ =	swait.ge [sflag:s9], $0x800  }
0x15b: {  	s26 =	simm.s32 @!p2 $0x80;
	s10 =	sadd.s32 @!p2 s10, s23;
	[sflag:s9] =	ssyncset.done $0x0  }
0x15c: {  	s10 =	sadd.s32 @!p2 $0x500, s10;
	[sflag:s9] =	ssyncadd.s32 $0xFFFFF800  }
0x15d: {  	[tilespmem:s13], [sflag:$0x3] =	stream.indirect.gather @!p2 [hbm4b:s4+s26], $0x10, s10, s26, $0xb8;
	[tilespmem:$0xE800] =	vst v63  }
0x15e: {  	s10 =	sor.u32 $0x180, s6;
	_ =	swait.ge [sflag:s28], $0x800  }
0x15f: {  	s13 =	sadd.s32 $0xFFFFFFFC, s5;
	s10 =	sadd.s32 $0x4000, s10;
	[sflag:s28] =	ssyncset.done $0x0  }
0x160: {  	p2 =	sge.u32 s13, s24;
	[sflag:s28] =	ssyncadd.s32 $0xFFFFF800  }
0x161: {  	[spmem:s2] =	stream.indirect.scatter.add.f32 [tilespmem:s11], [sflag:$0x9], $0x10, s10, s12, $0xb8;
	[tilespmem:$0xE800] =	vst v63  }
0x162: {  	s13 =	simm.s32 @!p2 $0x9800;
	s10 =	sshra.s32 @!p2 s7, $0x2;
	_ =	swait.ge [sflag:s9], $0x800  }
0x163: {  	s26 =	simm.s32 @!p2 $0x80;
	s10 =	sadd.s32 @!p2 s10, s23;
	[sflag:s9] =	ssyncset.done $0x0  }
0x164: {  	s10 =	sadd.s32 @!p2 $0x580, s10;
	[sflag:s9] =	ssyncadd.s32 $0xFFFFF800  }
0x165: {  	[tilespmem:s13], [sflag:$0x4] =	stream.indirect.gather @!p2 [hbm4b:s4+s26], $0x10, s10, s26, $0xb8;
	[tilespmem:$0xE800] =	vst v63  }
0x166: {  	s10 =	sor.u32 $0x200, s6;
	_ =	swait.ge [sflag:s29], $0x800  }
0x167: {  	s13 =	sadd.s32 $0xFFFFFFFD, s5;
	s10 =	sadd.s32 $0x4000, s10;
	[sflag:s29] =	ssyncset.done $0x0  }
0x168: {  	p2 =	sge.u32 s13, s24;
	[sflag:s29] =	ssyncadd.s32 $0xFFFFF800  }
0x169: {  	[spmem:s2] =	stream.indirect.scatter.add.f32 [tilespmem:s17], [sflag:$0x9], $0x10, s10, s12, $0xb8;
	[tilespmem:$0xE800] =	vst v63  }
0x16a: {  	s13 =	simm.s32 @!p2 $0xA000;
	s10 =	sshra.s32 @!p2 s7, $0x2;
	_ =	swait.ge [sflag:s9], $0x800  }
0x16b: {  	s26 =	simm.s32 @!p2 $0x80;
	s10 =	sadd.s32 @!p2 s10, s23;
	[sflag:s9] =	ssyncset.done $0x0  }
0x16c: {  	s10 =	sadd.s32 @!p2 $0x600, s10;
	[sflag:s9] =	ssyncadd.s32 $0xFFFFF800  }
0x16d: {  	[tilespmem:s13], [sflag:$0x5] =	stream.indirect.gather @!p2 [hbm4b:s4+s26], $0x10, s10, s26, $0xb8;
	[tilespmem:$0xE800] =	vst v63  }
0x16e: {  	s10 =	sor.u32 $0x280, s6;
	_ =	swait.ge [sflag:s30], $0x800  }
0x16f: {  	s13 =	sadd.s32 $0xFFFFFFFE, s5;
	s10 =	sadd.s32 $0x4000, s10;
	[sflag:s30] =	ssyncset.done $0x0  }
0x170: {  	p2 =	sge.u32 s13, s24;
	[sflag:s30] =	ssyncadd.s32 $0xFFFFF800  }
0x171: {  	[spmem:s2] =	stream.indirect.scatter.add.f32 [tilespmem:s18], [sflag:$0x9], $0x10, s10, s12, $0xb8;
	[tilespmem:$0xE800] =	vst v63  }
0x172: {  	s13 =	simm.s32 @!p2 $0xA800;
	s10 =	sshra.s32 @!p2 s7, $0x2;
	_ =	swait.ge [sflag:s9], $0x800  }
0x173: {  	s26 =	simm.s32 @!p2 $0x80;
	s10 =	sadd.s32 @!p2 s10, s23;
	[sflag:s9] =	ssyncset.done $0x0  }
0x174: {  	s10 =	sadd.s32 @!p2 $0x680, s10;
	[sflag:s9] =	ssyncadd.s32 $0xFFFFF800  }
0x175: {  	[tilespmem:s13], [sflag:$0x6] =	stream.indirect.gather @!p2 [hbm4b:s4+s26], $0x10, s10, s26, $0xb8;
	[tilespmem:$0xE800] =	vst v63  }
0x176: {  	s10 =	sor.u32 $0x300, s6;
	_ =	swait.ge [sflag:s31], $0x800  }
0x177: {  	s13 =	sadd.s32 $0xFFFFFFFF, s5;
	s10 =	sadd.s32 $0x4000, s10;
	[sflag:s31] =	ssyncset.done $0x0  }
0x178: {  	p2 =	sge.u32 s13, s24;
	[sflag:s31] =	ssyncadd.s32 $0xFFFFF800  }
0x179: {  	[spmem:s2] =	stream.indirect.scatter.add.f32 [tilespmem:s19], [sflag:$0x9], $0x10, s10, s12, $0xb8;
	[tilespmem:$0xE800] =	vst v63  }
0x17a: {  	s13 =	simm.s32 @!p2 $0xB000;
	s10 =	sshra.s32 @!p2 s7, $0x2;
	_ =	swait.ge [sflag:s9], $0x800  }
0x17b: {  	s26 =	simm.s32 @!p2 $0x80;
	s10 =	sadd.s32 @!p2 s10, s23;
	[sflag:s9] =	ssyncset.done $0x0  }
0x17c: {  	s10 =	sadd.s32 @!p2 $0x700, s10;
	[sflag:s9] =	ssyncadd.s32 $0xFFFFF800  }
0x17d: {  	[tilespmem:s13], [sflag:$0x7] =	stream.indirect.gather @!p2 [hbm4b:s4+s26], $0x10, s10, s26, $0xb8;
	[tilespmem:$0xE800] =	vst v63  }
0x17e: {  	s5 =	sadd.s32 $0x8, s5;
	s10 =	sor.u32 $0x380, s6;
	_ =	swait.ge [sflag:s0], $0x800  }
.Ltmp6:
0x17f: {  	s10 =	sadd.s32 $0x4000, s10;
	[sflag:s0] =	ssyncset.done $0x0;
	(pc) =	sbr.rel @p1 .LBB2_8-.Ltmp6, $4  }
0x180: {  	p2 =	sge.u32 s1, s24;
	s6 =	sadd.s32 $0x400, s6;
	[sflag:s0] =	ssyncadd.s32 $0xFFFFF800  }
0x181: {  	[spmem:s2] =	stream.indirect.scatter.add.f32 [tilespmem:s16], [sflag:$0x9], $0x10, s10, s12, $0xb8;
	[tilespmem:$0xE800] =	vst v63  }
0x182: {  	s1 =	sshra.s32 @!p2 s7, $0x2;
	s10 =	simm.s32 @!p2 $0xB800;
	_ =	swait.ge [sflag:s9], $0x800  }
0x183: {  	s26 =	simm.s32 @!p2 $0x80;
	s1 =	sadd.s32 @!p2 s1, s23;
	[sflag:s9] =	ssyncset.done $0x0  }
.Ltmp7:
0x184: {  	_ = 	snop;
	(pc) =	sbr.rel .LBB2_9-.Ltmp7, $1  }
0x185: {  	_ =	sdelay $0x3  }
.LBB2_11:
0x186: {  	_ =	sfence.sel $0x180000  }
0x187: {  	[bflag:$0x0] =	sbarrier.arrive $0xFFFF  }
0x188: {  	_ =	strace $0x90000050  }
0x189: {  	s0 =	stileid.u32;
	[bflag:$0x2] =	sbarrier.arrive $0xFFFF  }
0x18a: {  	p0 =	sne.s32 s0, $0x0;
	s0 =	rddreg [dreg:$0x2]  }
0x18b: {  	s0 =	sadd.s32 @!p0 $0x100000, s0  }
0x18c: {  	[sflag:s0] =	ssyncadd.tile.s32 @!p0 $0x1;
	_ =	shalt  }
.Lfunc_end2:
_tile_overlayer_lowered:
.L_overlay_start_2:
0x18d: {  	(tag) =	ssettag $0x2  }
0x18e: {  	s0 =	rddreg [dreg:$0x0];
	s2 =	stileid.u32  }
0x18f: {  	s1 =	rddreg [dreg:$0x1];
	p0 =	sne.s32 s2, $0x0  }
0x190: {  	s3 =	rddreg [dreg:$0x2];
	[bflag:$0x3] =	sbarrier.arrive $0xFFFF;
	s2 =	simm.s32 @!p0 $0x1C09  }
0x191: {  	[timem:s3], [sflag:s2] =	dma.local @!p0 [hbm:s0], s1  }
0x192: {  	s0 =	simm.s32 @!p0 $0x9  }
0x193: {  	_ =	swait.ge @!p0 [sflag:s0], s1  }
0x194: {  	s1 =	ssub.s32 @!p0 $0x0, s1;
	[sflag:s0] =	ssyncset.done @!p0 $0x0  }
0x195: {  	[sflag:s0] =	ssyncadd.s32 @!p0 s1  }
0x196: {  	[bflag:$0x3] =	sbarrier.arrive $0xFFFF  }
0x197: {  	_ =	shalt  }

</sc_bundles>
